<compile_context>
chip_gen: v7x
topology: tpu7x:2x2x1
jax: 0.10.2.dev20260603
libtpu: 0.0.44.dev20260713+nightly
codegen_flags: <defaults>
</compile_context>

<pallas_src>
import functools

import jax
import jax.numpy as jnp
from jax import lax
from jax.experimental import pallas as pl
from jax.experimental.pallas import tpu as pltpu
from jax.experimental.pallas import tpu_sc as plsc

_DIM = 64
_LANES = 16
_NC = 2
_NS = 16
_NW = _NC * _NS
_BLK = 128
_SUB = 8
_NBUF = 2
_EB = 8192


def _split_point(n_entries):
    return (n_entries // 2 // _EB) * _EB


@functools.lru_cache(maxsize=None)
def _tc_repack(n_entries, dim):
    split = _split_point(n_entries)
    n_rows = n_entries - split
    hi_block = split // _EB

    def body(xa_ref, xb_ref, eye_ref, y_ref):
        def tr(x):
            return lax.dot_general(
                x, eye_ref[...],
                dimension_numbers=(((0,), (0,)), ((), ())),
                preferred_element_type=jnp.float32)

        y_ref[:, 0:dim] = tr(xa_ref[...])
        y_ref[:, dim:2 * dim] = tr(xb_ref[...])

    call = pl.pallas_call(
        body,
        grid=(pl.cdiv(n_rows, _EB),),
        in_specs=[pl.BlockSpec((dim, _EB), lambda i: (0, i)),
                  pl.BlockSpec((dim, _EB), lambda i: (0, i + hi_block)),
                  pl.BlockSpec((dim, dim), lambda i: (0, 0))],
        out_specs=pl.BlockSpec((_EB, 2 * dim), lambda i: (i, 0)),
        out_shape=jax.ShapeDtypeStruct((n_rows, 2 * dim), jnp.float32),
    )

    def run(table_t):
        return call(table_t, table_t, jnp.eye(dim, dtype=jnp.float32))

    return run


@functools.lru_cache(maxsize=None)
def _build(n_k, n_b, split):
    blocks_per_k = n_b // _BLK
    n_blocks = n_k * blocks_per_k
    blocks_per_w = n_blocks // _NW
    sg = _DIM // _SUB
    mesh = plsc.VectorSubcoreMesh(core_axis_name="c", subcore_axis_name="s",
                                  num_cores=_NC, num_subcores=_NS)

    @functools.partial(
        pl.kernel,
        out_type=jax.ShapeDtypeStruct((n_k, sg, blocks_per_k, _SUB, _BLK),
                                      jnp.float32),
        mesh=mesh,
        scratch_types=[
            *[pltpu.VMEM((blocks_per_w, _BLK), jnp.int32) for _ in range(2)],
            *[pltpu.VMEM((_BLK, _DIM), jnp.float32) for _ in range(_NBUF)],
            *[pltpu.VMEM((sg, _SUB, _BLK), jnp.float32)
              for _ in range(2 * _NBUF)],
            *[pltpu.SemaphoreType.DMA for _ in range(2 * _NBUF)],
        ],
        compiler_params=pltpu.CompilerParams(
            use_tc_tiling_on_sc=False, needs_layout_passes=False),
    )
    def body(slots_hbm, idx_hbm, table_hbm, out_hbm,
             idx_all, row_all,
             rows0, rows1, slots0, slots1, outv0, outv1,
             gs0, gs1, os0, os1):
        rows_v = [rows0, rows1]
        slots_v = [slots0, slots1]
        out_v = [outv0, outv1]
        gsem = [gs0, gs1]
        osem = [os0, os1]
        wid = lax.axis_index("s") * _NC + lax.axis_index("c")
        base = wid * blocks_per_w
        iota16 = lax.iota(jnp.int32, _LANES)

        def coords(t):
            beta = base + t
            return beta // blocks_per_k, beta % blocks_per_k

        def gather_copy(t, b):
            return pltpu.make_async_copy(
                table_hbm.at[row_all.at[t]], rows_v[b], gsem[b])

        def slots_copy(t, b):
            k, lg = coords(t)
            return pltpu.make_async_copy(
                slots_hbm.at[k, :, lg, :, :], slots_v[b], gsem[b])

        def store_copy(t, b):
            k, lg = coords(t)
            return pltpu.make_async_copy(
                out_v[b], out_hbm.at[k, :, lg, :, :], osem[b])

        def prep(t, b):
            gather_copy(t, b).start()
            slots_copy(t, b).start()

        pltpu.sync_copy(idx_hbm.at[wid], idx_all)

        def xform(t, carry):
            for v in range(_BLK // _LANES):
                sl = pl.ds(v * _LANES, _LANES)
                e = idx_all[t, sl]
                hi = e >= split
                row_all[t, sl] = jnp.where(
                    hi, ((e - split) << 1) + 1, e << 1)
            return carry

        lax.fori_loop(0, blocks_per_w, xform, 0)

        for b in range(_NBUF):
            prep(b, b)

        def outer(g, carry):
            for b in range(_NBUF):
                t = g * _NBUF + b
                gather_copy(t, b).wait()
                slots_copy(t, b).wait()

                @pl.when(t >= _NBUF)
                def _():
                    store_copy(t - _NBUF, b).wait()

                for bb in range(_BLK // _LANES):
                    b_ids = iota16 + (bb * _LANES)

                    @pl.loop(0, _DIM, unroll=8)
                    def _(d, b_ids=b_ids, b=b):
                        dv = (iota16 + d) & (_DIM - 1)
                        g_ = lax.shift_right_logical(dv, 3)
                        s_ = dv & (_SUB - 1)
                        colv = plsc.load_gather(rows_v[b], [b_ids, dv])
                        slotv = plsc.load_gather(slots_v[b], [g_, s_, b_ids])
                        plsc.store_scatter(
                            out_v[b], [g_, s_, b_ids], colv * slotv)

                store_copy(t, b).start()

                @pl.when(t + _NBUF < blocks_per_w)
                def _():
                    prep(t + _NBUF, b)
            return carry

        lax.fori_loop(0, blocks_per_w // _NBUF, outer, 0)
        for b in range(_NBUF):
            store_copy(blocks_per_w - _NBUF + b, b).wait()

    return body


def kernel(slots, indices, scale_values):
    b, k, d = slots.shape
    n_entries = scale_values.shape[0]
    sg = d // _SUB
    lg = b // _BLK
    slots_t = jnp.transpose(slots, (1, 2, 0))
    slots5 = jnp.transpose(
        slots_t.reshape(k, sg, _SUB, lg, _BLK), (0, 1, 3, 2, 4))
    idx_t = jnp.transpose(indices.astype(jnp.int32))
    idx_w = idx_t.reshape(_NW, (k * b // _BLK) // _NW, _BLK)
    table_p = _tc_repack(n_entries, d)(jnp.transpose(scale_values))
    table_flat = table_p.reshape(-1, d)
    out5 = _build(k, b, _split_point(n_entries))(slots5, idx_w, table_flat)
    out_t = jnp.transpose(out5, (0, 1, 3, 2, 4)).reshape(k, d, b)
    return jnp.transpose(out_t, (2, 0, 1))

# --- scband reference (transcript-rebuilt; emitter-appended) ---
"""Pipeline reference for scband-ada-scaling-58076547776865 (READ-ONLY COPY).

The authoritative reference and input builder live on the scoring server;
editing this copy changes nothing except your own understanding.
"""

import jax, jax.numpy as jnp
import numpy as np

DIM = 64
NUM_ENTRIES = 1000000
BATCH = 4096
K = 50

def setup_inputs(seed: int = 0) -> dict:
    key = jax.random.key(seed)
    k1, k2, k3 = jax.random.split(key, 3)
    slots = jax.random.normal(k1, (BATCH, K, DIM), dtype=jnp.float32)
    indices = jax.random.randint(k2, (BATCH, K), 0, NUM_ENTRIES, dtype=jnp.int64)
    # Learned parameter: scale_values [num_entries, dim]. (Module inits to zeros;
    # we use small random values so the computation is non-degenerate.)
    scale_values = jax.random.normal(k3, (NUM_ENTRIES, DIM), dtype=jnp.float32) * 0.02
    return {"slots": slots, "indices": indices, "scale_values": scale_values}

def reference(slots, indices, scale_values):
    # scale = self.scale_values[indices, :]  -> gather rows: [B, K, D]
    scale = jnp.take(scale_values, indices, axis=0)
    # reduction=False, slots is 3D so no rearrange needed
    out_slots = scale * slots
    return out_slots

if __name__ == "__main__":
    import jax
    _d = setup_inputs()
    print(jax.jit(kernel)(*tuple(_d.values())))

</pallas_src>

<mosaic_0001>
#map = affine_map<(d0, d1) -> (0, 0, 0, 0, 0)>
#map1 = affine_map<(d0, d1) -> (0, 0, 0)>
#map2 = affine_map<(d0, d1) -> (0, 0)>
module attributes {stable_mosaic.version = 14 : i64} {
  func.func @body(%arg0: i32, %arg1: i32, %arg2: memref<50x8x32x8x128xf32, #tpu.memory_space<hbm>>, %arg3: memref<32x50x128xi32, #tpu.memory_space<hbm>>, %arg4: memref<1000576x64xf32, #tpu.memory_space<hbm>>, %arg5: memref<50x8x32x8x128xf32, #tpu.memory_space<hbm>>, %arg6: memref<50x128xi32, #tpu.memory_space<vmem>>, %arg7: memref<50x128xi32, #tpu.memory_space<vmem>>, %arg8: memref<128x64xf32, #tpu.memory_space<vmem>>, %arg9: memref<128x64xf32, #tpu.memory_space<vmem>>, %arg10: memref<8x8x128xf32, #tpu.memory_space<vmem>>, %arg11: memref<8x8x128xf32, #tpu.memory_space<vmem>>, %arg12: memref<8x8x128xf32, #tpu.memory_space<vmem>>, %arg13: memref<8x8x128xf32, #tpu.memory_space<vmem>>, %arg14: memref<!tpu.dma_semaphore, #tpu.memory_space<semaphore_mem>>, %arg15: memref<!tpu.dma_semaphore, #tpu.memory_space<semaphore_mem>>, %arg16: memref<!tpu.dma_semaphore, #tpu.memory_space<semaphore_mem>>, %arg17: memref<!tpu.dma_semaphore, #tpu.memory_space<semaphore_mem>>) attributes {dimension_semantics = [#tpu.dimension_semantics<core_parallel>, #tpu.dimension_semantics<subcore_parallel>], iteration_bounds = array<i64: 2, 16>, scalar_prefetch = 0 : i64, scratch_operands = 12 : i64, tpu.core_type = #tpu.core_type<sc_vector_subcore>, window_params = [{transform_indices = #map}, {transform_indices = #map1}, {transform_indices = #map2}, {transform_indices = #map}]} {
    %mul3A = arith.constant 2 : i32
    %mul3A_0 = arith.muli %arg1, %mul3A : i32
    %add3A = arith.addi %mul3A_0, %arg0 : i32
    %mul3A_1 = arith.constant 50 : i32
    %mul3A_2 = arith.muli %add3A, %mul3A_1 : i32
    %iota3A = tpu.iota {dimensions = array<i32: 0>} : vector<16xi32>
    "tpu.region"() ({
      %run_scoped3A = tpu.sem_alloc : memref<!tpu.dma_semaphore, #tpu.memory_space<semaphore_mem>>
      %dma_start3A_224 = arith.constant 0 : i32
      %dma_start3A_225 = arith.constant 0 : i32
      %dma_start3A_226 = tpu.memref_slice %arg3[%add3A, %dma_start3A_224, %dma_start3A_225] : memref<32x50x128xi32, #tpu.memory_space<hbm>> -> memref<1x50x128xi32, #tpu.memory_space<hbm>>
      %dma_start3A_227 = tpu.memref_squeeze %dma_start3A_226 : memref<1x50x128xi32, #tpu.memory_space<hbm>> -> memref<50x128xi32, #tpu.memory_space<hbm>>
      %dma_start3A_228 = arith.constant 0 : i32
      %dma_start3A_229 = arith.constant 0 : i32
      %dma_start3A_230 = tpu.memref_slice %arg3[%add3A, %dma_start3A_228, %dma_start3A_229] : memref<32x50x128xi32, #tpu.memory_space<hbm>> -> memref<1x50x128xi32, #tpu.memory_space<hbm>>
      %dma_start3A_231 = tpu.memref_squeeze %dma_start3A_230 : memref<1x50x128xi32, #tpu.memory_space<hbm>> -> memref<50x128xi32, #tpu.memory_space<hbm>>
      tpu.enqueue_dma source(%dma_start3A_231 : memref<50x128xi32, #tpu.memory_space<hbm>>) target(%arg6 : memref<50x128xi32, #tpu.memory_space<vmem>>) target_semaphore(%run_scoped3A : memref<!tpu.dma_semaphore, #tpu.memory_space<semaphore_mem>>)
      %dma_wait3A_232 = arith.constant 0 : i32
      %dma_wait3A_233 = arith.constant 0 : i32
      %dma_wait3A_234 = tpu.memref_slice %arg3[%add3A, %dma_wait3A_232, %dma_wait3A_233] : memref<32x50x128xi32, #tpu.memory_space<hbm>> -> memref<1x50x128xi32, #tpu.memory_space<hbm>>
      %dma_wait3A_235 = tpu.memref_squeeze %dma_wait3A_234 : memref<1x50x128xi32, #tpu.memory_space<hbm>> -> memref<50x128xi32, #tpu.memory_space<hbm>>
      %dma_wait3A_236 = arith.constant 0 : i32
      %dma_wait3A_237 = arith.constant 0 : i32
      %dma_wait3A_238 = tpu.memref_slice %arg3[%add3A, %dma_wait3A_236, %dma_wait3A_237] : memref<32x50x128xi32, #tpu.memory_space<hbm>> -> memref<1x50x128xi32, #tpu.memory_space<hbm>>
      %dma_wait3A_239 = tpu.memref_squeeze %dma_wait3A_238 : memref<1x50x128xi32, #tpu.memory_space<hbm>> -> memref<50x128xi32, #tpu.memory_space<hbm>>
      tpu.wait_dma2 semaphore(%run_scoped3A : memref<!tpu.dma_semaphore, #tpu.memory_space<semaphore_mem>>) src(%dma_wait3A_239 : memref<50x128xi32, #tpu.memory_space<hbm>>) dst(%arg6 : memref<50x128xi32, #tpu.memory_space<vmem>>)
      tpu.yield
    }) : () -> ()
    %scan3A = arith.constant 0 : i32
    %scan3A_3 = arith.constant 0 : i32
    %scan3A_4 = arith.constant 50 : i32
    %scan3A_5 = arith.addi %scan3A_3, %scan3A_4 : i32
    %scan3A_6 = arith.constant 1 : i32
    scf.for %scan3A_224 = %scan3A_3 to %scan3A_5 step %scan3A_6  : i32 {
      %get3A = arith.index_cast %scan3A_224 : i32 to index
      %get3A_225 = arith.constant 0 : index
      %get3A_226 = tpu.vector_load %arg6[%get3A, %get3A_225] {strides = array<i32>} : memref<50x128xi32, #tpu.memory_space<vmem>>, vector<16xi32>,
      %ge3A = arith.constant 499712 : i32
      %ge3A_227 = vector.broadcast %ge3A : i32 to vector<16xi32>
      %ge3A_228 = arith.cmpi sge, %get3A_226, %ge3A_227 : vector<16xi32>
      %sub3A_229 = arith.constant 499712 : i32
      %sub3A_230 = vector.broadcast %sub3A_229 : i32 to vector<16xi32>
      %sub3A_231 = arith.subi %get3A_226, %sub3A_230 : vector<16xi32>
      %shift_left3A = arith.constant 1 : i32
      %shift_left3A_232 = vector.broadcast %shift_left3A : i32 to vector<16xi32>
      %shift_left3A_233 = arith.shli %sub3A_231, %shift_left3A_232 : vector<16xi32>
      %add3A_234 = arith.constant 1 : i32
      %add3A_235 = vector.broadcast %add3A_234 : i32 to vector<16xi32>
      %add3A_236 = arith.addi %shift_left3A_233, %add3A_235 : vector<16xi32>
      %shift_left3A_237 = arith.constant 1 : i32
      %shift_left3A_238 = vector.broadcast %shift_left3A_237 : i32 to vector<16xi32>
      %shift_left3A_239 = arith.shli %get3A_226, %shift_left3A_238 : vector<16xi32>
      %select_n3A_240 = arith.select %ge3A_228, %add3A_236, %shift_left3A_239 : vector<16xi1>, vector<16xi32>
      %swap3A = arith.index_cast %scan3A_224 : i32 to index
      %swap3A_241 = arith.constant 0 : index
      %swap3A_242 = tpu.vector_load %arg7[%swap3A, %swap3A_241] {strides = array<i32>} : memref<50x128xi32, #tpu.memory_space<vmem>>, vector<16xi32>,
      tpu.vector_store %arg7[%swap3A, %swap3A_241], %select_n3A_240 {strides = array<i32>} : memref<50x128xi32, #tpu.memory_space<vmem>>, vector<16xi32>,
      %get3A_243 = arith.index_cast %scan3A_224 : i32 to index
      %get3A_244 = arith.constant 16 : index
      %get3A_245 = tpu.vector_load %arg6[%get3A_243, %get3A_244] {strides = array<i32>} : memref<50x128xi32, #tpu.memory_space<vmem>>, vector<16xi32>,
      %ge3A_246 = arith.constant 499712 : i32
      %ge3A_247 = vector.broadcast %ge3A_246 : i32 to vector<16xi32>
      %ge3A_248 = arith.cmpi sge, %get3A_245, %ge3A_247 : vector<16xi32>
      %sub3A_249 = arith.constant 499712 : i32
      %sub3A_250 = vector.broadcast %sub3A_249 : i32 to vector<16xi32>
      %sub3A_251 = arith.subi %get3A_245, %sub3A_250 : vector<16xi32>
      %shift_left3A_252 = arith.constant 1 : i32
      %shift_left3A_253 = vector.broadcast %shift_left3A_252 : i32 to vector<16xi32>
      %shift_left3A_254 = arith.shli %sub3A_251, %shift_left3A_253 : vector<16xi32>
      %add3A_255 = arith.constant 1 : i32
      %add3A_256 = vector.broadcast %add3A_255 : i32 to vector<16xi32>
      %add3A_257 = arith.addi %shift_left3A_254, %add3A_256 : vector<16xi32>
      %shift_left3A_258 = arith.constant 1 : i32
      %shift_left3A_259 = vector.broadcast %shift_left3A_258 : i32 to vector<16xi32>
      %shift_left3A_260 = arith.shli %get3A_245, %shift_left3A_259 : vector<16xi32>
      %select_n3A_261 = arith.select %ge3A_248, %add3A_257, %shift_left3A_260 : vector<16xi1>, vector<16xi32>
      %swap3A_262 = arith.index_cast %scan3A_224 : i32 to index
      %swap3A_263 = arith.constant 16 : index
      %swap3A_264 = tpu.vector_load %arg7[%swap3A_262, %swap3A_263] {strides = array<i32>} : memref<50x128xi32, #tpu.memory_space<vmem>>, vector<16xi32>,
      tpu.vector_store %arg7[%swap3A_262, %swap3A_263], %select_n3A_261 {strides = array<i32>} : memref<50x128xi32, #tpu.memory_space<vmem>>, vector<16xi32>,
      %get3A_265 = arith.index_cast %scan3A_224 : i32 to index
      %get3A_266 = arith.constant 32 : index
      %get3A_267 = tpu.vector_load %arg6[%get3A_265, %get3A_266] {strides = array<i32>} : memref<50x128xi32, #tpu.memory_space<vmem>>, vector<16xi32>,
      %ge3A_268 = arith.constant 499712 : i32
      %ge3A_269 = vector.broadcast %ge3A_268 : i32 to vector<16xi32>
      %ge3A_270 = arith.cmpi sge, %get3A_267, %ge3A_269 : vector<16xi32>
      %sub3A_271 = arith.constant 499712 : i32
      %sub3A_272 = vector.broadcast %sub3A_271 : i32 to vector<16xi32>
      %sub3A_273 = arith.subi %get3A_267, %sub3A_272 : vector<16xi32>
      %shift_left3A_274 = arith.constant 1 : i32
      %shift_left3A_275 = vector.broadcast %shift_left3A_274 : i32 to vector<16xi32>
      %shift_left3A_276 = arith.shli %sub3A_273, %shift_left3A_275 : vector<16xi32>
      %add3A_277 = arith.constant 1 : i32
      %add3A_278 = vector.broadcast %add3A_277 : i32 to vector<16xi32>
      %add3A_279 = arith.addi %shift_left3A_276, %add3A_278 : vector<16xi32>
      %shift_left3A_280 = arith.constant 1 : i32
      %shift_left3A_281 = vector.broadcast %shift_left3A_280 : i32 to vector<16xi32>
      %shift_left3A_282 = arith.shli %get3A_267, %shift_left3A_281 : vector<16xi32>
      %select_n3A_283 = arith.select %ge3A_270, %add3A_279, %shift_left3A_282 : vector<16xi1>, vector<16xi32>
      %swap3A_284 = arith.index_cast %scan3A_224 : i32 to index
      %swap3A_285 = arith.constant 32 : index
      %swap3A_286 = tpu.vector_load %arg7[%swap3A_284, %swap3A_285] {strides = array<i32>} : memref<50x128xi32, #tpu.memory_space<vmem>>, vector<16xi32>,
      tpu.vector_store %arg7[%swap3A_284, %swap3A_285], %select_n3A_283 {strides = array<i32>} : memref<50x128xi32, #tpu.memory_space<vmem>>, vector<16xi32>,
      %get3A_287 = arith.index_cast %scan3A_224 : i32 to index
      %get3A_288 = arith.constant 48 : index
      %get3A_289 = tpu.vector_load %arg6[%get3A_287, %get3A_288] {strides = array<i32>} : memref<50x128xi32, #tpu.memory_space<vmem>>, vector<16xi32>,
      %ge3A_290 = arith.constant 499712 : i32
      %ge3A_291 = vector.broadcast %ge3A_290 : i32 to vector<16xi32>
      %ge3A_292 = arith.cmpi sge, %get3A_289, %ge3A_291 : vector<16xi32>
      %sub3A_293 = arith.constant 499712 : i32
      %sub3A_294 = vector.broadcast %sub3A_293 : i32 to vector<16xi32>
      %sub3A_295 = arith.subi %get3A_289, %sub3A_294 : vector<16xi32>
      %shift_left3A_296 = arith.constant 1 : i32
      %shift_left3A_297 = vector.broadcast %shift_left3A_296 : i32 to vector<16xi32>
      %shift_left3A_298 = arith.shli %sub3A_295, %shift_left3A_297 : vector<16xi32>
      %add3A_299 = arith.constant 1 : i32
      %add3A_300 = vector.broadcast %add3A_299 : i32 to vector<16xi32>
      %add3A_301 = arith.addi %shift_left3A_298, %add3A_300 : vector<16xi32>
      %shift_left3A_302 = arith.constant 1 : i32
      %shift_left3A_303 = vector.broadcast %shift_left3A_302 : i32 to vector<16xi32>
      %shift_left3A_304 = arith.shli %get3A_289, %shift_left3A_303 : vector<16xi32>
      %select_n3A_305 = arith.select %ge3A_292, %add3A_301, %shift_left3A_304 : vector<16xi1>, vector<16xi32>
      %swap3A_306 = arith.index_cast %scan3A_224 : i32 to index
      %swap3A_307 = arith.constant 48 : index
      %swap3A_308 = tpu.vector_load %arg7[%swap3A_306, %swap3A_307] {strides = array<i32>} : memref<50x128xi32, #tpu.memory_space<vmem>>, vector<16xi32>,
      tpu.vector_store %arg7[%swap3A_306, %swap3A_307], %select_n3A_305 {strides = array<i32>} : memref<50x128xi32, #tpu.memory_space<vmem>>, vector<16xi32>,
      %get3A_309 = arith.index_cast %scan3A_224 : i32 to index
      %get3A_310 = arith.constant 64 : index
      %get3A_311 = tpu.vector_load %arg6[%get3A_309, %get3A_310] {strides = array<i32>} : memref<50x128xi32, #tpu.memory_space<vmem>>, vector<16xi32>,
      %ge3A_312 = arith.constant 499712 : i32
      %ge3A_313 = vector.broadcast %ge3A_312 : i32 to vector<16xi32>
      %ge3A_314 = arith.cmpi sge, %get3A_311, %ge3A_313 : vector<16xi32>
      %sub3A_315 = arith.constant 499712 : i32
      %sub3A_316 = vector.broadcast %sub3A_315 : i32 to vector<16xi32>
      %sub3A_317 = arith.subi %get3A_311, %sub3A_316 : vector<16xi32>
      %shift_left3A_318 = arith.constant 1 : i32
      %shift_left3A_319 = vector.broadcast %shift_left3A_318 : i32 to vector<16xi32>
      %shift_left3A_320 = arith.shli %sub3A_317, %shift_left3A_319 : vector<16xi32>
      %add3A_321 = arith.constant 1 : i32
      %add3A_322 = vector.broadcast %add3A_321 : i32 to vector<16xi32>
      %add3A_323 = arith.addi %shift_left3A_320, %add3A_322 : vector<16xi32>
      %shift_left3A_324 = arith.constant 1 : i32
      %shift_left3A_325 = vector.broadcast %shift_left3A_324 : i32 to vector<16xi32>
      %shift_left3A_326 = arith.shli %get3A_311, %shift_left3A_325 : vector<16xi32>
      %select_n3A_327 = arith.select %ge3A_314, %add3A_323, %shift_left3A_326 : vector<16xi1>, vector<16xi32>
      %swap3A_328 = arith.index_cast %scan3A_224 : i32 to index
      %swap3A_329 = arith.constant 64 : index
      %swap3A_330 = tpu.vector_load %arg7[%swap3A_328, %swap3A_329] {strides = array<i32>} : memref<50x128xi32, #tpu.memory_space<vmem>>, vector<16xi32>,
      tpu.vector_store %arg7[%swap3A_328, %swap3A_329], %select_n3A_327 {strides = array<i32>} : memref<50x128xi32, #tpu.memory_space<vmem>>, vector<16xi32>,
      %get3A_331 = arith.index_cast %scan3A_224 : i32 to index
      %get3A_332 = arith.constant 80 : index
      %get3A_333 = tpu.vector_load %arg6[%get3A_331, %get3A_332] {strides = array<i32>} : memref<50x128xi32, #tpu.memory_space<vmem>>, vector<16xi32>,
      %ge3A_334 = arith.constant 499712 : i32
      %ge3A_335 = vector.broadcast %ge3A_334 : i32 to vector<16xi32>
      %ge3A_336 = arith.cmpi sge, %get3A_333, %ge3A_335 : vector<16xi32>
      %sub3A_337 = arith.constant 499712 : i32
      %sub3A_338 = vector.broadcast %sub3A_337 : i32 to vector<16xi32>
      %sub3A_339 = arith.subi %get3A_333, %sub3A_338 : vector<16xi32>
      %shift_left3A_340 = arith.constant 1 : i32
      %shift_left3A_341 = vector.broadcast %shift_left3A_340 : i32 to vector<16xi32>
      %shift_left3A_342 = arith.shli %sub3A_339, %shift_left3A_341 : vector<16xi32>
      %add3A_343 = arith.constant 1 : i32
      %add3A_344 = vector.broadcast %add3A_343 : i32 to vector<16xi32>
      %add3A_345 = arith.addi %shift_left3A_342, %add3A_344 : vector<16xi32>
      %shift_left3A_346 = arith.constant 1 : i32
      %shift_left3A_347 = vector.broadcast %shift_left3A_346 : i32 to vector<16xi32>
      %shift_left3A_348 = arith.shli %get3A_333, %shift_left3A_347 : vector<16xi32>
      %select_n3A_349 = arith.select %ge3A_336, %add3A_345, %shift_left3A_348 : vector<16xi1>, vector<16xi32>
      %swap3A_350 = arith.index_cast %scan3A_224 : i32 to index
      %swap3A_351 = arith.constant 80 : index
      %swap3A_352 = tpu.vector_load %arg7[%swap3A_350, %swap3A_351] {strides = array<i32>} : memref<50x128xi32, #tpu.memory_space<vmem>>, vector<16xi32>,
      tpu.vector_store %arg7[%swap3A_350, %swap3A_351], %select_n3A_349 {strides = array<i32>} : memref<50x128xi32, #tpu.memory_space<vmem>>, vector<16xi32>,
      %get3A_353 = arith.index_cast %scan3A_224 : i32 to index
      %get3A_354 = arith.constant 96 : index
      %get3A_355 = tpu.vector_load %arg6[%get3A_353, %get3A_354] {strides = array<i32>} : memref<50x128xi32, #tpu.memory_space<vmem>>, vector<16xi32>,
      %ge3A_356 = arith.constant 499712 : i32
      %ge3A_357 = vector.broadcast %ge3A_356 : i32 to vector<16xi32>
      %ge3A_358 = arith.cmpi sge, %get3A_355, %ge3A_357 : vector<16xi32>
      %sub3A_359 = arith.constant 499712 : i32
      %sub3A_360 = vector.broadcast %sub3A_359 : i32 to vector<16xi32>
      %sub3A_361 = arith.subi %get3A_355, %sub3A_360 : vector<16xi32>
      %shift_left3A_362 = arith.constant 1 : i32
      %shift_left3A_363 = vector.broadcast %shift_left3A_362 : i32 to vector<16xi32>
      %shift_left3A_364 = arith.shli %sub3A_361, %shift_left3A_363 : vector<16xi32>
      %add3A_365 = arith.constant 1 : i32
      %add3A_366 = vector.broadcast %add3A_365 : i32 to vector<16xi32>
      %add3A_367 = arith.addi %shift_left3A_364, %add3A_366 : vector<16xi32>
      %shift_left3A_368 = arith.constant 1 : i32
      %shift_left3A_369 = vector.broadcast %shift_left3A_368 : i32 to vector<16xi32>
      %shift_left3A_370 = arith.shli %get3A_355, %shift_left3A_369 : vector<16xi32>
      %select_n3A_371 = arith.select %ge3A_358, %add3A_367, %shift_left3A_370 : vector<16xi1>, vector<16xi32>
      %swap3A_372 = arith.index_cast %scan3A_224 : i32 to index
      %swap3A_373 = arith.constant 96 : index
      %swap3A_374 = tpu.vector_load %arg7[%swap3A_372, %swap3A_373] {strides = array<i32>} : memref<50x128xi32, #tpu.memory_space<vmem>>, vector<16xi32>,
      tpu.vector_store %arg7[%swap3A_372, %swap3A_373], %select_n3A_371 {strides = array<i32>} : memref<50x128xi32, #tpu.memory_space<vmem>>, vector<16xi32>,
      %get3A_375 = arith.index_cast %scan3A_224 : i32 to index
      %get3A_376 = arith.constant 112 : index
      %get3A_377 = tpu.vector_load %arg6[%get3A_375, %get3A_376] {strides = array<i32>} : memref<50x128xi32, #tpu.memory_space<vmem>>, vector<16xi32>,
      %ge3A_378 = arith.constant 499712 : i32
      %ge3A_379 = vector.broadcast %ge3A_378 : i32 to vector<16xi32>
      %ge3A_380 = arith.cmpi sge, %get3A_377, %ge3A_379 : vector<16xi32>
      %sub3A_381 = arith.constant 499712 : i32
      %sub3A_382 = vector.broadcast %sub3A_381 : i32 to vector<16xi32>
      %sub3A_383 = arith.subi %get3A_377, %sub3A_382 : vector<16xi32>
      %shift_left3A_384 = arith.constant 1 : i32
      %shift_left3A_385 = vector.broadcast %shift_left3A_384 : i32 to vector<16xi32>
      %shift_left3A_386 = arith.shli %sub3A_383, %shift_left3A_385 : vector<16xi32>
      %add3A_387 = arith.constant 1 : i32
      %add3A_388 = vector.broadcast %add3A_387 : i32 to vector<16xi32>
      %add3A_389 = arith.addi %shift_left3A_386, %add3A_388 : vector<16xi32>
      %shift_left3A_390 = arith.constant 1 : i32
      %shift_left3A_391 = vector.broadcast %shift_left3A_390 : i32 to vector<16xi32>
      %shift_left3A_392 = arith.shli %get3A_377, %shift_left3A_391 : vector<16xi32>
      %select_n3A_393 = arith.select %ge3A_380, %add3A_389, %shift_left3A_392 : vector<16xi1>, vector<16xi32>
      %swap3A_394 = arith.index_cast %scan3A_224 : i32 to index
      %swap3A_395 = arith.constant 112 : index
      %swap3A_396 = tpu.vector_load %arg7[%swap3A_394, %swap3A_395] {strides = array<i32>} : memref<50x128xi32, #tpu.memory_space<vmem>>, vector<16xi32>,
      tpu.vector_store %arg7[%swap3A_394, %swap3A_395], %select_n3A_393 {strides = array<i32>} : memref<50x128xi32, #tpu.memory_space<vmem>>, vector<16xi32>,
    }
    %scan3A_7 = arith.constant 50 : i32
    %dma_start3A = arith.constant 0 : i32
    %dma_start3A_8 = arith.constant 0 : i32
    %dma_start3A_9 = tpu.memref_slice %arg7[%dma_start3A, %dma_start3A_8] : memref<50x128xi32, #tpu.memory_space<vmem>> -> memref<1x128xi32, #tpu.memory_space<vmem>>
    %dma_start3A_10 = tpu.memref_squeeze %dma_start3A_9 : memref<1x128xi32, #tpu.memory_space<vmem>> -> memref<128xi32, #tpu.memory_space<vmem>>
    %dma_start3A_11 = arith.constant 0 : i32
    %dma_start3A_12 = arith.constant 0 : i32
    %dma_start3A_13 = tpu.memref_slice %arg4[%dma_start3A_11, %dma_start3A_12] : memref<1000576x64xf32, #tpu.memory_space<hbm>> -> memref<1000576x64xf32, #tpu.memory_space<hbm>>
    tpu.enqueue_indirect_dma source(%dma_start3A_13 : memref<1000576x64xf32, #tpu.memory_space<hbm>>) target(%arg8 : memref<128x64xf32, #tpu.memory_space<vmem>>) offsets(%dma_start3A_10 : memref<128xi32, #tpu.memory_space<vmem>>) semaphore(%arg14 : memref<!tpu.dma_semaphore, #tpu.memory_space<semaphore_mem>>)
    %add3A_14 = arith.constant 0 : i32
    %add3A_15 = arith.addi %mul3A_2, %add3A_14 : i32
    %jit3A = arith.constant 32 : i32
    %div3A = arith.divsi %add3A_15, %jit3A : i32
    %sign3A = arith.constant 0 : i32
    %sign3A_16 = arith.cmpi sgt, %add3A_15, %sign3A : i32
    %sign3A_17 = arith.extui %sign3A_16 : i1 to i32
    %sign3A_18 = arith.constant 0 : i32
    %sign3A_19 = arith.cmpi slt, %add3A_15, %sign3A_18 : i32
    %sign3A_20 = arith.extui %sign3A_19 : i1 to i32
    %sign3A_21 = arith.subi %sign3A_17, %sign3A_20 : i32
    %sign3A_22 = arith.constant 0 : i32
    %sign3A_23 = arith.cmpi sgt, %jit3A, %sign3A_22 : i32
    %sign3A_24 = arith.extui %sign3A_23 : i1 to i32
    %sign3A_25 = arith.constant 0 : i32
    %sign3A_26 = arith.cmpi slt, %jit3A, %sign3A_25 : i32
    %sign3A_27 = arith.extui %sign3A_26 : i1 to i32
    %sign3A_28 = arith.subi %sign3A_24, %sign3A_27 : i32
    %ne3A = arith.cmpi ne, %sign3A_21, %sign3A_28 : i32
    %rem3A = arith.remsi %add3A_15, %jit3A : i32
    %ne3A_29 = arith.constant 0 : i32
    %ne3A_30 = arith.cmpi ne, %rem3A, %ne3A_29 : i32
    %and3A = arith.andi %ne3A, %ne3A_30 : i1
    %sub3A = arith.constant 1 : i32
    %sub3A_31 = arith.subi %div3A, %sub3A : i32
    %select_n3A = arith.select %and3A, %sub3A_31, %div3A : i32
    %jit3A_32 = arith.constant 32 : i32
    %eq3A = arith.constant 0 : i32
    %eq3A_33 = arith.cmpi eq, %jit3A_32, %eq3A : i32
    %jit3A_34 = arith.constant 1 : i32
    %select_n3A_35 = arith.select %eq3A_33, %jit3A_34, %jit3A_32 : i32
    %rem3A_36 = arith.remsi %add3A_15, %select_n3A_35 : i32
    %ne3A_37 = arith.constant 0 : i32
    %ne3A_38 = arith.cmpi ne, %rem3A_36, %ne3A_37 : i32
    %lt3A = arith.constant 0 : i32
    %lt3A_39 = arith.cmpi slt, %rem3A_36, %lt3A : i32
    %lt3A_40 = arith.constant 0 : i32
    %lt3A_41 = arith.cmpi slt, %select_n3A_35, %lt3A_40 : i32
    %ne3A_42 = arith.xori %lt3A_39, %lt3A_41 : i1
    %and3A_43 = arith.andi %ne3A_42, %ne3A_38 : i1
    %add3A_44 = arith.addi %rem3A_36, %select_n3A_35 : i32
    %select_n3A_45 = arith.select %and3A_43, %add3A_44, %rem3A_36 : i32
    %dma_start3A_46 = arith.constant 0 : i32
    %dma_start3A_47 = arith.constant 0 : i32
    %dma_start3A_48 = arith.constant 0 : i32
    %dma_start3A_49 = tpu.memref_slice %arg2[%select_n3A, %dma_start3A_46, %select_n3A_45, %dma_start3A_47, %dma_start3A_48] : memref<50x8x32x8x128xf32, #tpu.memory_space<hbm>> -> memref<1x8x1x8x128xf32, #tpu.memory_space<hbm>>
    %dma_start3A_50 = tpu.memref_squeeze %dma_start3A_49 : memref<1x8x1x8x128xf32, #tpu.memory_space<hbm>> -> memref<8x8x128xf32, #tpu.memory_space<hbm>>
    %dma_start3A_51 = arith.constant 0 : i32
    %dma_start3A_52 = arith.constant 0 : i32
    %dma_start3A_53 = arith.constant 0 : i32
    %dma_start3A_54 = tpu.memref_slice %arg2[%select_n3A, %dma_start3A_51, %select_n3A_45, %dma_start3A_52, %dma_start3A_53] : memref<50x8x32x8x128xf32, #tpu.memory_space<hbm>> -> memref<1x8x1x8x128xf32, #tpu.memory_space<hbm>>
    %dma_start3A_55 = tpu.memref_squeeze %dma_start3A_54 : memref<1x8x1x8x128xf32, #tpu.memory_space<hbm>> -> memref<8x8x128xf32, #tpu.memory_space<hbm>>
    tpu.enqueue_dma source(%dma_start3A_55 : memref<8x8x128xf32, #tpu.memory_space<hbm>>) target(%arg10 : memref<8x8x128xf32, #tpu.memory_space<vmem>>) target_semaphore(%arg14 : memref<!tpu.dma_semaphore, #tpu.memory_space<semaphore_mem>>)
    %dma_start3A_56 = arith.constant 1 : i32
    %dma_start3A_57 = arith.constant 0 : i32
    %dma_start3A_58 = tpu.memref_slice %arg7[%dma_start3A_56, %dma_start3A_57] : memref<50x128xi32, #tpu.memory_space<vmem>> -> memref<1x128xi32, #tpu.memory_space<vmem>>
    %dma_start3A_59 = tpu.memref_squeeze %dma_start3A_58 : memref<1x128xi32, #tpu.memory_space<vmem>> -> memref<128xi32, #tpu.memory_space<vmem>>
    %dma_start3A_60 = arith.constant 0 : i32
    %dma_start3A_61 = arith.constant 0 : i32
    %dma_start3A_62 = tpu.memref_slice %arg4[%dma_start3A_60, %dma_start3A_61] : memref<1000576x64xf32, #tpu.memory_space<hbm>> -> memref<1000576x64xf32, #tpu.memory_space<hbm>>
    tpu.enqueue_indirect_dma source(%dma_start3A_62 : memref<1000576x64xf32, #tpu.memory_space<hbm>>) target(%arg9 : memref<128x64xf32, #tpu.memory_space<vmem>>) offsets(%dma_start3A_59 : memref<128xi32, #tpu.memory_space<vmem>>) semaphore(%arg15 : memref<!tpu.dma_semaphore, #tpu.memory_space<semaphore_mem>>)
    %add3A_63 = arith.constant 1 : i32
    %add3A_64 = arith.addi %mul3A_2, %add3A_63 : i32
    %jit3A_65 = arith.constant 32 : i32
    %div3A_66 = arith.divsi %add3A_64, %jit3A_65 : i32
    %sign3A_67 = arith.constant 0 : i32
    %sign3A_68 = arith.cmpi sgt, %add3A_64, %sign3A_67 : i32
    %sign3A_69 = arith.extui %sign3A_68 : i1 to i32
    %sign3A_70 = arith.constant 0 : i32
    %sign3A_71 = arith.cmpi slt, %add3A_64, %sign3A_70 : i32
    %sign3A_72 = arith.extui %sign3A_71 : i1 to i32
    %sign3A_73 = arith.subi %sign3A_69, %sign3A_72 : i32
    %sign3A_74 = arith.constant 0 : i32
    %sign3A_75 = arith.cmpi sgt, %jit3A_65, %sign3A_74 : i32
    %sign3A_76 = arith.extui %sign3A_75 : i1 to i32
    %sign3A_77 = arith.constant 0 : i32
    %sign3A_78 = arith.cmpi slt, %jit3A_65, %sign3A_77 : i32
    %sign3A_79 = arith.extui %sign3A_78 : i1 to i32
    %sign3A_80 = arith.subi %sign3A_76, %sign3A_79 : i32
    %ne3A_81 = arith.cmpi ne, %sign3A_73, %sign3A_80 : i32
    %rem3A_82 = arith.remsi %add3A_64, %jit3A_65 : i32
    %ne3A_83 = arith.constant 0 : i32
    %ne3A_84 = arith.cmpi ne, %rem3A_82, %ne3A_83 : i32
    %and3A_85 = arith.andi %ne3A_81, %ne3A_84 : i1
    %sub3A_86 = arith.constant 1 : i32
    %sub3A_87 = arith.subi %div3A_66, %sub3A_86 : i32
    %select_n3A_88 = arith.select %and3A_85, %sub3A_87, %div3A_66 : i32
    %jit3A_89 = arith.constant 32 : i32
    %eq3A_90 = arith.constant 0 : i32
    %eq3A_91 = arith.cmpi eq, %jit3A_89, %eq3A_90 : i32
    %jit3A_92 = arith.constant 1 : i32
    %select_n3A_93 = arith.select %eq3A_91, %jit3A_92, %jit3A_89 : i32
    %rem3A_94 = arith.remsi %add3A_64, %select_n3A_93 : i32
    %ne3A_95 = arith.constant 0 : i32
    %ne3A_96 = arith.cmpi ne, %rem3A_94, %ne3A_95 : i32
    %lt3A_97 = arith.constant 0 : i32
    %lt3A_98 = arith.cmpi slt, %rem3A_94, %lt3A_97 : i32
    %lt3A_99 = arith.constant 0 : i32
    %lt3A_100 = arith.cmpi slt, %select_n3A_93, %lt3A_99 : i32
    %ne3A_101 = arith.xori %lt3A_98, %lt3A_100 : i1
    %and3A_102 = arith.andi %ne3A_101, %ne3A_96 : i1
    %add3A_103 = arith.addi %rem3A_94, %select_n3A_93 : i32
    %select_n3A_104 = arith.select %and3A_102, %add3A_103, %rem3A_94 : i32
    %dma_start3A_105 = arith.constant 0 : i32
    %dma_start3A_106 = arith.constant 0 : i32
    %dma_start3A_107 = arith.constant 0 : i32
    %dma_start3A_108 = tpu.memref_slice %arg2[%select_n3A_88, %dma_start3A_105, %select_n3A_104, %dma_start3A_106, %dma_start3A_107] : memref<50x8x32x8x128xf32, #tpu.memory_space<hbm>> -> memref<1x8x1x8x128xf32, #tpu.memory_space<hbm>>
    %dma_start3A_109 = tpu.memref_squeeze %dma_start3A_108 : memref<1x8x1x8x128xf32, #tpu.memory_space<hbm>> -> memref<8x8x128xf32, #tpu.memory_space<hbm>>
    %dma_start3A_110 = arith.constant 0 : i32
    %dma_start3A_111 = arith.constant 0 : i32
    %dma_start3A_112 = arith.constant 0 : i32
    %dma_start3A_113 = tpu.memref_slice %arg2[%select_n3A_88, %dma_start3A_110, %select_n3A_104, %dma_start3A_111, %dma_start3A_112] : memref<50x8x32x8x128xf32, #tpu.memory_space<hbm>> -> memref<1x8x1x8x128xf32, #tpu.memory_space<hbm>>
    %dma_start3A_114 = tpu.memref_squeeze %dma_start3A_113 : memref<1x8x1x8x128xf32, #tpu.memory_space<hbm>> -> memref<8x8x128xf32, #tpu.memory_space<hbm>>
    tpu.enqueue_dma source(%dma_start3A_114 : memref<8x8x128xf32, #tpu.memory_space<hbm>>) target(%arg11 : memref<8x8x128xf32, #tpu.memory_space<vmem>>) target_semaphore(%arg15 : memref<!tpu.dma_semaphore, #tpu.memory_space<semaphore_mem>>)
    %scan3A_115 = arith.constant 0 : i32
    %scan3A_116 = arith.constant 0 : i32
    %scan3A_117 = arith.constant 25 : i32
    %scan3A_118 = arith.addi %scan3A_116, %scan3A_117 : i32
    %scan3A_119 = arith.constant 1 : i32
    scf.for %scan3A_224 = %scan3A_116 to %scan3A_118 step %scan3A_119  : i32 {
      %mul3A_225 = arith.constant 2 : i32
      %mul3A_226 = arith.muli %scan3A_224, %mul3A_225 : i32
      %add3A_227 = arith.constant 0 : i32
      %add3A_228 = arith.addi %mul3A_226, %add3A_227 : i32
      %dma_wait3A_229 = arith.constant 0 : i32
      %dma_wait3A_230 = tpu.memref_slice %arg7[%add3A_228, %dma_wait3A_229] : memref<50x128xi32, #tpu.memory_space<vmem>> -> memref<1x128xi32, #tpu.memory_space<vmem>>
      %dma_wait3A_231 = tpu.memref_squeeze %dma_wait3A_230 : memref<1x128xi32, #tpu.memory_space<vmem>> -> memref<128xi32, #tpu.memory_space<vmem>>
      %dma_wait3A_232 = arith.constant 0 : i32
      %dma_wait3A_233 = arith.constant 0 : i32
      %dma_wait3A_234 = tpu.memref_slice %arg4[%dma_wait3A_232, %dma_wait3A_233] : memref<1000576x64xf32, #tpu.memory_space<hbm>> -> memref<1000576x64xf32, #tpu.memory_space<hbm>>
      tpu.wait_indirect_dma semaphore(%arg14 : memref<!tpu.dma_semaphore, #tpu.memory_space<semaphore_mem>>) src(%dma_wait3A_234 : memref<1000576x64xf32, #tpu.memory_space<hbm>>) dst(%arg8 : memref<128x64xf32, #tpu.memory_space<vmem>>)
      %add3A_235 = arith.addi %mul3A_2, %add3A_228 : i32
      %jit3A_236 = arith.constant 32 : i32
      %div3A_237 = arith.divsi %add3A_235, %jit3A_236 : i32
      %sign3A_238 = arith.constant 0 : i32
      %sign3A_239 = arith.cmpi sgt, %add3A_235, %sign3A_238 : i32
      %sign3A_240 = arith.extui %sign3A_239 : i1 to i32
      %sign3A_241 = arith.constant 0 : i32
      %sign3A_242 = arith.cmpi slt, %add3A_235, %sign3A_241 : i32
      %sign3A_243 = arith.extui %sign3A_242 : i1 to i32
      %sign3A_244 = arith.subi %sign3A_240, %sign3A_243 : i32
      %sign3A_245 = arith.constant 0 : i32
      %sign3A_246 = arith.cmpi sgt, %jit3A_236, %sign3A_245 : i32
      %sign3A_247 = arith.extui %sign3A_246 : i1 to i32
      %sign3A_248 = arith.constant 0 : i32
      %sign3A_249 = arith.cmpi slt, %jit3A_236, %sign3A_248 : i32
      %sign3A_250 = arith.extui %sign3A_249 : i1 to i32
      %sign3A_251 = arith.subi %sign3A_247, %sign3A_250 : i32
      %ne3A_252 = arith.cmpi ne, %sign3A_244, %sign3A_251 : i32
      %rem3A_253 = arith.remsi %add3A_235, %jit3A_236 : i32
      %ne3A_254 = arith.constant 0 : i32
      %ne3A_255 = arith.cmpi ne, %rem3A_253, %ne3A_254 : i32
      %and3A_256 = arith.andi %ne3A_252, %ne3A_255 : i1
      %sub3A_257 = arith.constant 1 : i32
      %sub3A_258 = arith.subi %div3A_237, %sub3A_257 : i32
      %select_n3A_259 = arith.select %and3A_256, %sub3A_258, %div3A_237 : i32
      %jit3A_260 = arith.constant 32 : i32
      %eq3A_261 = arith.constant 0 : i32
      %eq3A_262 = arith.cmpi eq, %jit3A_260, %eq3A_261 : i32
      %jit3A_263 = arith.constant 1 : i32
      %select_n3A_264 = arith.select %eq3A_262, %jit3A_263, %jit3A_260 : i32
      %rem3A_265 = arith.remsi %add3A_235, %select_n3A_264 : i32
      %ne3A_266 = arith.constant 0 : i32
      %ne3A_267 = arith.cmpi ne, %rem3A_265, %ne3A_266 : i32
      %lt3A_268 = arith.constant 0 : i32
      %lt3A_269 = arith.cmpi slt, %rem3A_265, %lt3A_268 : i32
      %lt3A_270 = arith.constant 0 : i32
      %lt3A_271 = arith.cmpi slt, %select_n3A_264, %lt3A_270 : i32
      %ne3A_272 = arith.xori %lt3A_269, %lt3A_271 : i1
      %and3A_273 = arith.andi %ne3A_272, %ne3A_267 : i1
      %add3A_274 = arith.addi %rem3A_265, %select_n3A_264 : i32
      %select_n3A_275 = arith.select %and3A_273, %add3A_274, %rem3A_265 : i32
      %dma_wait3A_276 = arith.constant 0 : i32
      %dma_wait3A_277 = arith.constant 0 : i32
      %dma_wait3A_278 = arith.constant 0 : i32
      %dma_wait3A_279 = tpu.memref_slice %arg2[%select_n3A_259, %dma_wait3A_276, %select_n3A_275, %dma_wait3A_277, %dma_wait3A_278] : memref<50x8x32x8x128xf32, #tpu.memory_space<hbm>> -> memref<1x8x1x8x128xf32, #tpu.memory_space<hbm>>
      %dma_wait3A_280 = tpu.memref_squeeze %dma_wait3A_279 : memref<1x8x1x8x128xf32, #tpu.memory_space<hbm>> -> memref<8x8x128xf32, #tpu.memory_space<hbm>>
      %dma_wait3A_281 = arith.constant 0 : i32
      %dma_wait3A_282 = arith.constant 0 : i32
      %dma_wait3A_283 = arith.constant 0 : i32
      %dma_wait3A_284 = tpu.memref_slice %arg2[%select_n3A_259, %dma_wait3A_281, %select_n3A_275, %dma_wait3A_282, %dma_wait3A_283] : memref<50x8x32x8x128xf32, #tpu.memory_space<hbm>> -> memref<1x8x1x8x128xf32, #tpu.memory_space<hbm>>
      %dma_wait3A_285 = tpu.memref_squeeze %dma_wait3A_284 : memref<1x8x1x8x128xf32, #tpu.memory_space<hbm>> -> memref<8x8x128xf32, #tpu.memory_space<hbm>>
      tpu.wait_dma2 semaphore(%arg14 : memref<!tpu.dma_semaphore, #tpu.memory_space<semaphore_mem>>) src(%dma_wait3A_285 : memref<8x8x128xf32, #tpu.memory_space<hbm>>) dst(%arg10 : memref<8x8x128xf32, #tpu.memory_space<vmem>>)
      %ge3A = arith.constant 2 : i32
      %ge3A_286 = arith.cmpi sge, %add3A_228, %ge3A : i32
      %convert_element_type3A = arith.extui %ge3A_286 : i1 to i32
      %cond3A = arith.constant 0 : i32
      %cond3A_287 = arith.cmpi ne, %convert_element_type3A, %cond3A : i32
      scf.if %cond3A_287 {
        %sub3A_598 = arith.constant 2 : i32
        %sub3A_599 = arith.subi %add3A_228, %sub3A_598 : i32
        %add3A_600 = arith.addi %mul3A_2, %sub3A_599 : i32
        %jit3A_601 = arith.constant 32 : i32
        %div3A_602 = arith.divsi %add3A_600, %jit3A_601 : i32
        %sign3A_603 = arith.constant 0 : i32
        %sign3A_604 = arith.cmpi sgt, %add3A_600, %sign3A_603 : i32
        %sign3A_605 = arith.extui %sign3A_604 : i1 to i32
        %sign3A_606 = arith.constant 0 : i32
        %sign3A_607 = arith.cmpi slt, %add3A_600, %sign3A_606 : i32
        %sign3A_608 = arith.extui %sign3A_607 : i1 to i32
        %sign3A_609 = arith.subi %sign3A_605, %sign3A_608 : i32
        %sign3A_610 = arith.constant 0 : i32
        %sign3A_611 = arith.cmpi sgt, %jit3A_601, %sign3A_610 : i32
        %sign3A_612 = arith.extui %sign3A_611 : i1 to i32
        %sign3A_613 = arith.constant 0 : i32
        %sign3A_614 = arith.cmpi slt, %jit3A_601, %sign3A_613 : i32
        %sign3A_615 = arith.extui %sign3A_614 : i1 to i32
        %sign3A_616 = arith.subi %sign3A_612, %sign3A_615 : i32
        %ne3A_617 = arith.cmpi ne, %sign3A_609, %sign3A_616 : i32
        %rem3A_618 = arith.remsi %add3A_600, %jit3A_601 : i32
        %ne3A_619 = arith.constant 0 : i32
        %ne3A_620 = arith.cmpi ne, %rem3A_618, %ne3A_619 : i32
        %and3A_621 = arith.andi %ne3A_617, %ne3A_620 : i1
        %sub3A_622 = arith.constant 1 : i32
        %sub3A_623 = arith.subi %div3A_602, %sub3A_622 : i32
        %select_n3A_624 = arith.select %and3A_621, %sub3A_623, %div3A_602 : i32
        %jit3A_625 = arith.constant 32 : i32
        %eq3A_626 = arith.constant 0 : i32
        %eq3A_627 = arith.cmpi eq, %jit3A_625, %eq3A_626 : i32
        %jit3A_628 = arith.constant 1 : i32
        %select_n3A_629 = arith.select %eq3A_627, %jit3A_628, %jit3A_625 : i32
        %rem3A_630 = arith.remsi %add3A_600, %select_n3A_629 : i32
        %ne3A_631 = arith.constant 0 : i32
        %ne3A_632 = arith.cmpi ne, %rem3A_630, %ne3A_631 : i32
        %lt3A_633 = arith.constant 0 : i32
        %lt3A_634 = arith.cmpi slt, %rem3A_630, %lt3A_633 : i32
        %lt3A_635 = arith.constant 0 : i32
        %lt3A_636 = arith.cmpi slt, %select_n3A_629, %lt3A_635 : i32
        %ne3A_637 = arith.xori %lt3A_634, %lt3A_636 : i1
        %and3A_638 = arith.andi %ne3A_637, %ne3A_632 : i1
        %add3A_639 = arith.addi %rem3A_630, %select_n3A_629 : i32
        %select_n3A_640 = arith.select %and3A_638, %add3A_639, %rem3A_630 : i32
        %dma_wait3A_641 = arith.constant 0 : i32
        %dma_wait3A_642 = arith.constant 0 : i32
        %dma_wait3A_643 = arith.constant 0 : i32
        %dma_wait3A_644 = tpu.memref_slice %arg5[%select_n3A_624, %dma_wait3A_641, %select_n3A_640, %dma_wait3A_642, %dma_wait3A_643] : memref<50x8x32x8x128xf32, #tpu.memory_space<hbm>> -> memref<1x8x1x8x128xf32, #tpu.memory_space<hbm>>
        %dma_wait3A_645 = tpu.memref_squeeze %dma_wait3A_644 : memref<1x8x1x8x128xf32, #tpu.memory_space<hbm>> -> memref<8x8x128xf32, #tpu.memory_space<hbm>>
        %dma_wait3A_646 = arith.constant 0 : i32
        %dma_wait3A_647 = arith.constant 0 : i32
        %dma_wait3A_648 = arith.constant 0 : i32
        %dma_wait3A_649 = tpu.memref_slice %arg5[%select_n3A_624, %dma_wait3A_646, %select_n3A_640, %dma_wait3A_647, %dma_wait3A_648] : memref<50x8x32x8x128xf32, #tpu.memory_space<hbm>> -> memref<1x8x1x8x128xf32, #tpu.memory_space<hbm>>
        %dma_wait3A_650 = tpu.memref_squeeze %dma_wait3A_649 : memref<1x8x1x8x128xf32, #tpu.memory_space<hbm>> -> memref<8x8x128xf32, #tpu.memory_space<hbm>>
        tpu.wait_dma2 semaphore(%arg16 : memref<!tpu.dma_semaphore, #tpu.memory_space<semaphore_mem>>) src(%arg12 : memref<8x8x128xf32, #tpu.memory_space<vmem>>) dst(%dma_wait3A_650 : memref<8x8x128xf32, #tpu.memory_space<hbm>>)
      } else {
      }
      %add3A_288 = arith.constant 0 : i32
      %add3A_289 = vector.broadcast %add3A_288 : i32 to vector<16xi32>
      %add3A_290 = arith.addi %iota3A, %add3A_289 : vector<16xi32>
      %scan3A_291 = arith.constant 0 : i32
      %scan3A_292 = arith.constant 64 : i32
      %scan3A_293 = arith.addi %scan3A_291, %scan3A_292 : i32
      %scan3A_294 = arith.constant 8 : i32
      scf.for %scan3A_598 = %scan3A_291 to %scan3A_293 step %scan3A_294  : i32 {
        %mul3A_599 = arith.constant 1 : i32
        %mul3A_600 = arith.muli %scan3A_598, %mul3A_599 : i32
        %add3A_601 = arith.constant 0 : i32
        %add3A_602 = arith.addi %add3A_601, %mul3A_600 : i32
        %add3A_603 = vector.broadcast %add3A_602 : i32 to vector<16xi32>
        %add3A_604 = arith.addi %iota3A, %add3A_603 : vector<16xi32>
        %and3A_605 = arith.constant 63 : i32
        %and3A_606 = vector.broadcast %and3A_605 : i32 to vector<16xi32>
        %and3A_607 = arith.andi %add3A_604, %and3A_606 : vector<16xi32>
        %shift_right_logical3A = arith.constant 3 : i32
        %shift_right_logical3A_608 = vector.broadcast %shift_right_logical3A : i32 to vector<16xi32>
        %shift_right_logical3A_609 = arith.shrui %and3A_607, %shift_right_logical3A_608 : vector<16xi32>
        %and3A_610 = arith.constant 7 : i32
        %and3A_611 = vector.broadcast %and3A_610 : i32 to vector<16xi32>
        %and3A_612 = arith.andi %and3A_607, %and3A_611 : vector<16xi32>
        %gather3A = tpu.vector_load_idx %arg8[%add3A_290, %and3A_607] : memref<128x64xf32, #tpu.memory_space<vmem>>[vector<16xi32>, vector<16xi32>], vector<16xf32>,
        %gather3A_613 = tpu.vector_load_idx %arg10[%shift_right_logical3A_609, %and3A_612, %add3A_290] : memref<8x8x128xf32, #tpu.memory_space<vmem>>[vector<16xi32>, vector<16xi32>, vector<16xi32>], vector<16xf32>,
        %mul3A_614 = arith.mulf %gather3A, %gather3A_613 : vector<16xf32>
        tpu.vector_store_idx %arg12[%shift_right_logical3A_609, %and3A_612, %add3A_290], %mul3A_614 : memref<8x8x128xf32, #tpu.memory_space<vmem>>[vector<16xi32>, vector<16xi32>, vector<16xi32>], vector<16xf32>,
        %scan3A_615 = arith.constant 1 : i32
        %scan3A_616 = arith.addi %scan3A_598, %scan3A_615 : i32
        %mul3A_617 = arith.constant 1 : i32
        %mul3A_618 = arith.muli %scan3A_616, %mul3A_617 : i32
        %add3A_619 = arith.constant 0 : i32
        %add3A_620 = arith.addi %add3A_619, %mul3A_618 : i32
        %add3A_621 = vector.broadcast %add3A_620 : i32 to vector<16xi32>
        %add3A_622 = arith.addi %iota3A, %add3A_621 : vector<16xi32>
        %and3A_623 = arith.constant 63 : i32
        %and3A_624 = vector.broadcast %and3A_623 : i32 to vector<16xi32>
        %and3A_625 = arith.andi %add3A_622, %and3A_624 : vector<16xi32>
        %shift_right_logical3A_626 = arith.constant 3 : i32
        %shift_right_logical3A_627 = vector.broadcast %shift_right_logical3A_626 : i32 to vector<16xi32>
        %shift_right_logical3A_628 = arith.shrui %and3A_625, %shift_right_logical3A_627 : vector<16xi32>
        %and3A_629 = arith.constant 7 : i32
        %and3A_630 = vector.broadcast %and3A_629 : i32 to vector<16xi32>
        %and3A_631 = arith.andi %and3A_625, %and3A_630 : vector<16xi32>
        %gather3A_632 = tpu.vector_load_idx %arg8[%add3A_290, %and3A_625] : memref<128x64xf32, #tpu.memory_space<vmem>>[vector<16xi32>, vector<16xi32>], vector<16xf32>,
        %gather3A_633 = tpu.vector_load_idx %arg10[%shift_right_logical3A_628, %and3A_631, %add3A_290] : memref<8x8x128xf32, #tpu.memory_space<vmem>>[vector<16xi32>, vector<16xi32>, vector<16xi32>], vector<16xf32>,
        %mul3A_634 = arith.mulf %gather3A_632, %gather3A_633 : vector<16xf32>
        tpu.vector_store_idx %arg12[%shift_right_logical3A_628, %and3A_631, %add3A_290], %mul3A_634 : memref<8x8x128xf32, #tpu.memory_space<vmem>>[vector<16xi32>, vector<16xi32>, vector<16xi32>], vector<16xf32>,
        %scan3A_635 = arith.constant 2 : i32
        %scan3A_636 = arith.addi %scan3A_598, %scan3A_635 : i32
        %mul3A_637 = arith.constant 1 : i32
        %mul3A_638 = arith.muli %scan3A_636, %mul3A_637 : i32
        %add3A_639 = arith.constant 0 : i32
        %add3A_640 = arith.addi %add3A_639, %mul3A_638 : i32
        %add3A_641 = vector.broadcast %add3A_640 : i32 to vector<16xi32>
        %add3A_642 = arith.addi %iota3A, %add3A_641 : vector<16xi32>
        %and3A_643 = arith.constant 63 : i32
        %and3A_644 = vector.broadcast %and3A_643 : i32 to vector<16xi32>
        %and3A_645 = arith.andi %add3A_642, %and3A_644 : vector<16xi32>
        %shift_right_logical3A_646 = arith.constant 3 : i32
        %shift_right_logical3A_647 = vector.broadcast %shift_right_logical3A_646 : i32 to vector<16xi32>
        %shift_right_logical3A_648 = arith.shrui %and3A_645, %shift_right_logical3A_647 : vector<16xi32>
        %and3A_649 = arith.constant 7 : i32
        %and3A_650 = vector.broadcast %and3A_649 : i32 to vector<16xi32>
        %and3A_651 = arith.andi %and3A_645, %and3A_650 : vector<16xi32>
        %gather3A_652 = tpu.vector_load_idx %arg8[%add3A_290, %and3A_645] : memref<128x64xf32, #tpu.memory_space<vmem>>[vector<16xi32>, vector<16xi32>], vector<16xf32>,
        %gather3A_653 = tpu.vector_load_idx %arg10[%shift_right_logical3A_648, %and3A_651, %add3A_290] : memref<8x8x128xf32, #tpu.memory_space<vmem>>[vector<16xi32>, vector<16xi32>, vector<16xi32>], vector<16xf32>,
        %mul3A_654 = arith.mulf %gather3A_652, %gather3A_653 : vector<16xf32>
        tpu.vector_store_idx %arg12[%shift_right_logical3A_648, %and3A_651, %add3A_290], %mul3A_654 : memref<8x8x128xf32, #tpu.memory_space<vmem>>[vector<16xi32>, vector<16xi32>, vector<16xi32>], vector<16xf32>,
        %scan3A_655 = arith.constant 3 : i32
        %scan3A_656 = arith.addi %scan3A_598, %scan3A_655 : i32
        %mul3A_657 = arith.constant 1 : i32
        %mul3A_658 = arith.muli %scan3A_656, %mul3A_657 : i32
        %add3A_659 = arith.constant 0 : i32
        %add3A_660 = arith.addi %add3A_659, %mul3A_658 : i32
        %add3A_661 = vector.broadcast %add3A_660 : i32 to vector<16xi32>
        %add3A_662 = arith.addi %iota3A, %add3A_661 : vector<16xi32>
        %and3A_663 = arith.constant 63 : i32
        %and3A_664 = vector.broadcast %and3A_663 : i32 to vector<16xi32>
        %and3A_665 = arith.andi %add3A_662, %and3A_664 : vector<16xi32>
        %shift_right_logical3A_666 = arith.constant 3 : i32
        %shift_right_logical3A_667 = vector.broadcast %shift_right_logical3A_666 : i32 to vector<16xi32>
        %shift_right_logical3A_668 = arith.shrui %and3A_665, %shift_right_logical3A_667 : vector<16xi32>
        %and3A_669 = arith.constant 7 : i32
        %and3A_670 = vector.broadcast %and3A_669 : i32 to vector<16xi32>
        %and3A_671 = arith.andi %and3A_665, %and3A_670 : vector<16xi32>
        %gather3A_672 = tpu.vector_load_idx %arg8[%add3A_290, %and3A_665] : memref<128x64xf32, #tpu.memory_space<vmem>>[vector<16xi32>, vector<16xi32>], vector<16xf32>,
        %gather3A_673 = tpu.vector_load_idx %arg10[%shift_right_logical3A_668, %and3A_671, %add3A_290] : memref<8x8x128xf32, #tpu.memory_space<vmem>>[vector<16xi32>, vector<16xi32>, vector<16xi32>], vector<16xf32>,
        %mul3A_674 = arith.mulf %gather3A_672, %gather3A_673 : vector<16xf32>
        tpu.vector_store_idx %arg12[%shift_right_logical3A_668, %and3A_671, %add3A_290], %mul3A_674 : memref<8x8x128xf32, #tpu.memory_space<vmem>>[vector<16xi32>, vector<16xi32>, vector<16xi32>], vector<16xf32>,
        %scan3A_675 = arith.constant 4 : i32
        %scan3A_676 = arith.addi %scan3A_598, %scan3A_675 : i32
        %mul3A_677 = arith.constant 1 : i32
        %mul3A_678 = arith.muli %scan3A_676, %mul3A_677 : i32
        %add3A_679 = arith.constant 0 : i32
        %add3A_680 = arith.addi %add3A_679, %mul3A_678 : i32
        %add3A_681 = vector.broadcast %add3A_680 : i32 to vector<16xi32>
        %add3A_682 = arith.addi %iota3A, %add3A_681 : vector<16xi32>
        %and3A_683 = arith.constant 63 : i32
        %and3A_684 = vector.broadcast %and3A_683 : i32 to vector<16xi32>
        %and3A_685 = arith.andi %add3A_682, %and3A_684 : vector<16xi32>
        %shift_right_logical3A_686 = arith.constant 3 : i32
        %shift_right_logical3A_687 = vector.broadcast %shift_right_logical3A_686 : i32 to vector<16xi32>
        %shift_right_logical3A_688 = arith.shrui %and3A_685, %shift_right_logical3A_687 : vector<16xi32>
        %and3A_689 = arith.constant 7 : i32
        %and3A_690 = vector.broadcast %and3A_689 : i32 to vector<16xi32>
        %and3A_691 = arith.andi %and3A_685, %and3A_690 : vector<16xi32>
        %gather3A_692 = tpu.vector_load_idx %arg8[%add3A_290, %and3A_685] : memref<128x64xf32, #tpu.memory_space<vmem>>[vector<16xi32>, vector<16xi32>], vector<16xf32>,
        %gather3A_693 = tpu.vector_load_idx %arg10[%shift_right_logical3A_688, %and3A_691, %add3A_290] : memref<8x8x128xf32, #tpu.memory_space<vmem>>[vector<16xi32>, vector<16xi32>, vector<16xi32>], vector<16xf32>,
        %mul3A_694 = arith.mulf %gather3A_692, %gather3A_693 : vector<16xf32>
        tpu.vector_store_idx %arg12[%shift_right_logical3A_688, %and3A_691, %add3A_290], %mul3A_694 : memref<8x8x128xf32, #tpu.memory_space<vmem>>[vector<16xi32>, vector<16xi32>, vector<16xi32>], vector<16xf32>,
        %scan3A_695 = arith.constant 5 : i32
        %scan3A_696 = arith.addi %scan3A_598, %scan3A_695 : i32
        %mul3A_697 = arith.constant 1 : i32
        %mul3A_698 = arith.muli %scan3A_696, %mul3A_697 : i32
        %add3A_699 = arith.constant 0 : i32
        %add3A_700 = arith.addi %add3A_699, %mul3A_698 : i32
        %add3A_701 = vector.broadcast %add3A_700 : i32 to vector<16xi32>
        %add3A_702 = arith.addi %iota3A, %add3A_701 : vector<16xi32>
        %and3A_703 = arith.constant 63 : i32
        %and3A_704 = vector.broadcast %and3A_703 : i32 to vector<16xi32>
        %and3A_705 = arith.andi %add3A_702, %and3A_704 : vector<16xi32>
        %shift_right_logical3A_706 = arith.constant 3 : i32
        %shift_right_logical3A_707 = vector.broadcast %shift_right_logical3A_706 : i32 to vector<16xi32>
        %shift_right_logical3A_708 = arith.shrui %and3A_705, %shift_right_logical3A_707 : vector<16xi32>
        %and3A_709 = arith.constant 7 : i32
        %and3A_710 = vector.broadcast %and3A_709 : i32 to vector<16xi32>
        %and3A_711 = arith.andi %and3A_705, %and3A_710 : vector<16xi32>
        %gather3A_712 = tpu.vector_load_idx %arg8[%add3A_290, %and3A_705] : memref<128x64xf32, #tpu.memory_space<vmem>>[vector<16xi32>, vector<16xi32>], vector<16xf32>,
        %gather3A_713 = tpu.vector_load_idx %arg10[%shift_right_logical3A_708, %and3A_711, %add3A_290] : memref<8x8x128xf32, #tpu.memory_space<vmem>>[vector<16xi32>, vector<16xi32>, vector<16xi32>], vector<16xf32>,
        %mul3A_714 = arith.mulf %gather3A_712, %gather3A_713 : vector<16xf32>
        tpu.vector_store_idx %arg12[%shift_right_logical3A_708, %and3A_711, %add3A_290], %mul3A_714 : memref<8x8x128xf32, #tpu.memory_space<vmem>>[vector<16xi32>, vector<16xi32>, vector<16xi32>], vector<16xf32>,
        %scan3A_715 = arith.constant 6 : i32
        %scan3A_716 = arith.addi %scan3A_598, %scan3A_715 : i32
        %mul3A_717 = arith.constant 1 : i32
        %mul3A_718 = arith.muli %scan3A_716, %mul3A_717 : i32
        %add3A_719 = arith.constant 0 : i32
        %add3A_720 = arith.addi %add3A_719, %mul3A_718 : i32
        %add3A_721 = vector.broadcast %add3A_720 : i32 to vector<16xi32>
        %add3A_722 = arith.addi %iota3A, %add3A_721 : vector<16xi32>
        %and3A_723 = arith.constant 63 : i32
        %and3A_724 = vector.broadcast %and3A_723 : i32 to vector<16xi32>
        %and3A_725 = arith.andi %add3A_722, %and3A_724 : vector<16xi32>
        %shift_right_logical3A_726 = arith.constant 3 : i32
        %shift_right_logical3A_727 = vector.broadcast %shift_right_logical3A_726 : i32 to vector<16xi32>
        %shift_right_logical3A_728 = arith.shrui %and3A_725, %shift_right_logical3A_727 : vector<16xi32>
        %and3A_729 = arith.constant 7 : i32
        %and3A_730 = vector.broadcast %and3A_729 : i32 to vector<16xi32>
        %and3A_731 = arith.andi %and3A_725, %and3A_730 : vector<16xi32>
        %gather3A_732 = tpu.vector_load_idx %arg8[%add3A_290, %and3A_725] : memref<128x64xf32, #tpu.memory_space<vmem>>[vector<16xi32>, vector<16xi32>], vector<16xf32>,
        %gather3A_733 = tpu.vector_load_idx %arg10[%shift_right_logical3A_728, %and3A_731, %add3A_290] : memref<8x8x128xf32, #tpu.memory_space<vmem>>[vector<16xi32>, vector<16xi32>, vector<16xi32>], vector<16xf32>,
        %mul3A_734 = arith.mulf %gather3A_732, %gather3A_733 : vector<16xf32>
        tpu.vector_store_idx %arg12[%shift_right_logical3A_728, %and3A_731, %add3A_290], %mul3A_734 : memref<8x8x128xf32, #tpu.memory_space<vmem>>[vector<16xi32>, vector<16xi32>, vector<16xi32>], vector<16xf32>,
        %scan3A_735 = arith.constant 7 : i32
        %scan3A_736 = arith.addi %scan3A_598, %scan3A_735 : i32
        %mul3A_737 = arith.constant 1 : i32
        %mul3A_738 = arith.muli %scan3A_736, %mul3A_737 : i32
        %add3A_739 = arith.constant 0 : i32
        %add3A_740 = arith.addi %add3A_739, %mul3A_738 : i32
        %add3A_741 = vector.broadcast %add3A_740 : i32 to vector<16xi32>
        %add3A_742 = arith.addi %iota3A, %add3A_741 : vector<16xi32>
        %and3A_743 = arith.constant 63 : i32
        %and3A_744 = vector.broadcast %and3A_743 : i32 to vector<16xi32>
        %and3A_745 = arith.andi %add3A_742, %and3A_744 : vector<16xi32>
        %shift_right_logical3A_746 = arith.constant 3 : i32
        %shift_right_logical3A_747 = vector.broadcast %shift_right_logical3A_746 : i32 to vector<16xi32>
        %shift_right_logical3A_748 = arith.shrui %and3A_745, %shift_right_logical3A_747 : vector<16xi32>
        %and3A_749 = arith.constant 7 : i32
        %and3A_750 = vector.broadcast %and3A_749 : i32 to vector<16xi32>
        %and3A_751 = arith.andi %and3A_745, %and3A_750 : vector<16xi32>
        %gather3A_752 = tpu.vector_load_idx %arg8[%add3A_290, %and3A_745] : memref<128x64xf32, #tpu.memory_space<vmem>>[vector<16xi32>, vector<16xi32>], vector<16xf32>,
        %gather3A_753 = tpu.vector_load_idx %arg10[%shift_right_logical3A_748, %and3A_751, %add3A_290] : memref<8x8x128xf32, #tpu.memory_space<vmem>>[vector<16xi32>, vector<16xi32>, vector<16xi32>], vector<16xf32>,
        %mul3A_754 = arith.mulf %gather3A_752, %gather3A_753 : vector<16xf32>
        tpu.vector_store_idx %arg12[%shift_right_logical3A_748, %and3A_751, %add3A_290], %mul3A_754 : memref<8x8x128xf32, #tpu.memory_space<vmem>>[vector<16xi32>, vector<16xi32>, vector<16xi32>], vector<16xf32>,
      }
      %scan3A_295 = arith.constant 64 : i32
      %add3A_296 = arith.constant 16 : i32
      %add3A_297 = vector.broadcast %add3A_296 : i32 to vector<16xi32>
      %add3A_298 = arith.addi %iota3A, %add3A_297 : vector<16xi32>
      %scan3A_299 = arith.constant 0 : i32
      %scan3A_300 = arith.constant 64 : i32
      %scan3A_301 = arith.addi %scan3A_299, %scan3A_300 : i32
      %scan3A_302 = arith.constant 8 : i32
      scf.for %scan3A_598 = %scan3A_299 to %scan3A_301 step %scan3A_302  : i32 {
        %mul3A_599 = arith.constant 1 : i32
        %mul3A_600 = arith.muli %scan3A_598, %mul3A_599 : i32
        %add3A_601 = arith.constant 0 : i32
        %add3A_602 = arith.addi %add3A_601, %mul3A_600 : i32
        %add3A_603 = vector.broadcast %add3A_602 : i32 to vector<16xi32>
        %add3A_604 = arith.addi %iota3A, %add3A_603 : vector<16xi32>
        %and3A_605 = arith.constant 63 : i32
        %and3A_606 = vector.broadcast %and3A_605 : i32 to vector<16xi32>
        %and3A_607 = arith.andi %add3A_604, %and3A_606 : vector<16xi32>
        %shift_right_logical3A = arith.constant 3 : i32
        %shift_right_logical3A_608 = vector.broadcast %shift_right_logical3A : i32 to vector<16xi32>
        %shift_right_logical3A_609 = arith.shrui %and3A_607, %shift_right_logical3A_608 : vector<16xi32>
        %and3A_610 = arith.constant 7 : i32
        %and3A_611 = vector.broadcast %and3A_610 : i32 to vector<16xi32>
        %and3A_612 = arith.andi %and3A_607, %and3A_611 : vector<16xi32>
        %gather3A = tpu.vector_load_idx %arg8[%add3A_298, %and3A_607] : memref<128x64xf32, #tpu.memory_space<vmem>>[vector<16xi32>, vector<16xi32>], vector<16xf32>,
        %gather3A_613 = tpu.vector_load_idx %arg10[%shift_right_logical3A_609, %and3A_612, %add3A_298] : memref<8x8x128xf32, #tpu.memory_space<vmem>>[vector<16xi32>, vector<16xi32>, vector<16xi32>], vector<16xf32>,
        %mul3A_614 = arith.mulf %gather3A, %gather3A_613 : vector<16xf32>
        tpu.vector_store_idx %arg12[%shift_right_logical3A_609, %and3A_612, %add3A_298], %mul3A_614 : memref<8x8x128xf32, #tpu.memory_space<vmem>>[vector<16xi32>, vector<16xi32>, vector<16xi32>], vector<16xf32>,
        %scan3A_615 = arith.constant 1 : i32
        %scan3A_616 = arith.addi %scan3A_598, %scan3A_615 : i32
        %mul3A_617 = arith.constant 1 : i32
        %mul3A_618 = arith.muli %scan3A_616, %mul3A_617 : i32
        %add3A_619 = arith.constant 0 : i32
        %add3A_620 = arith.addi %add3A_619, %mul3A_618 : i32
        %add3A_621 = vector.broadcast %add3A_620 : i32 to vector<16xi32>
        %add3A_622 = arith.addi %iota3A, %add3A_621 : vector<16xi32>
        %and3A_623 = arith.constant 63 : i32
        %and3A_624 = vector.broadcast %and3A_623 : i32 to vector<16xi32>
        %and3A_625 = arith.andi %add3A_622, %and3A_624 : vector<16xi32>
        %shift_right_logical3A_626 = arith.constant 3 : i32
        %shift_right_logical3A_627 = vector.broadcast %shift_right_logical3A_626 : i32 to vector<16xi32>
        %shift_right_logical3A_628 = arith.shrui %and3A_625, %shift_right_logical3A_627 : vector<16xi32>
        %and3A_629 = arith.constant 7 : i32
        %and3A_630 = vector.broadcast %and3A_629 : i32 to vector<16xi32>
        %and3A_631 = arith.andi %and3A_625, %and3A_630 : vector<16xi32>
        %gather3A_632 = tpu.vector_load_idx %arg8[%add3A_298, %and3A_625] : memref<128x64xf32, #tpu.memory_space<vmem>>[vector<16xi32>, vector<16xi32>], vector<16xf32>,
        %gather3A_633 = tpu.vector_load_idx %arg10[%shift_right_logical3A_628, %and3A_631, %add3A_298] : memref<8x8x128xf32, #tpu.memory_space<vmem>>[vector<16xi32>, vector<16xi32>, vector<16xi32>], vector<16xf32>,
        %mul3A_634 = arith.mulf %gather3A_632, %gather3A_633 : vector<16xf32>
        tpu.vector_store_idx %arg12[%shift_right_logical3A_628, %and3A_631, %add3A_298], %mul3A_634 : memref<8x8x128xf32, #tpu.memory_space<vmem>>[vector<16xi32>, vector<16xi32>, vector<16xi32>], vector<16xf32>,
        %scan3A_635 = arith.constant 2 : i32
        %scan3A_636 = arith.addi %scan3A_598, %scan3A_635 : i32
        %mul3A_637 = arith.constant 1 : i32
        %mul3A_638 = arith.muli %scan3A_636, %mul3A_637 : i32
        %add3A_639 = arith.constant 0 : i32
        %add3A_640 = arith.addi %add3A_639, %mul3A_638 : i32
        %add3A_641 = vector.broadcast %add3A_640 : i32 to vector<16xi32>
        %add3A_642 = arith.addi %iota3A, %add3A_641 : vector<16xi32>
        %and3A_643 = arith.constant 63 : i32
        %and3A_644 = vector.broadcast %and3A_643 : i32 to vector<16xi32>
        %and3A_645 = arith.andi %add3A_642, %and3A_644 : vector<16xi32>
        %shift_right_logical3A_646 = arith.constant 3 : i32
        %shift_right_logical3A_647 = vector.broadcast %shift_right_logical3A_646 : i32 to vector<16xi32>
        %shift_right_logical3A_648 = arith.shrui %and3A_645, %shift_right_logical3A_647 : vector<16xi32>
        %and3A_649 = arith.constant 7 : i32
        %and3A_650 = vector.broadcast %and3A_649 : i32 to vector<16xi32>
        %and3A_651 = arith.andi %and3A_645, %and3A_650 : vector<16xi32>
        %gather3A_652 = tpu.vector_load_idx %arg8[%add3A_298, %and3A_645] : memref<128x64xf32, #tpu.memory_space<vmem>>[vector<16xi32>, vector<16xi32>], vector<16xf32>,
        %gather3A_653 = tpu.vector_load_idx %arg10[%shift_right_logical3A_648, %and3A_651, %add3A_298] : memref<8x8x128xf32, #tpu.memory_space<vmem>>[vector<16xi32>, vector<16xi32>, vector<16xi32>], vector<16xf32>,
        %mul3A_654 = arith.mulf %gather3A_652, %gather3A_653 : vector<16xf32>
        tpu.vector_store_idx %arg12[%shift_right_logical3A_648, %and3A_651, %add3A_298], %mul3A_654 : memref<8x8x128xf32, #tpu.memory_space<vmem>>[vector<16xi32>, vector<16xi32>, vector<16xi32>], vector<16xf32>,
        %scan3A_655 = arith.constant 3 : i32
        %scan3A_656 = arith.addi %scan3A_598, %scan3A_655 : i32
        %mul3A_657 = arith.constant 1 : i32
        %mul3A_658 = arith.muli %scan3A_656, %mul3A_657 : i32
        %add3A_659 = arith.constant 0 : i32
        %add3A_660 = arith.addi %add3A_659, %mul3A_658 : i32
        %add3A_661 = vector.broadcast %add3A_660 : i32 to vector<16xi32>
        %add3A_662 = arith.addi %iota3A, %add3A_661 : vector<16xi32>
        %and3A_663 = arith.constant 63 : i32
        %and3A_664 = vector.broadcast %and3A_663 : i32 to vector<16xi32>
        %and3A_665 = arith.andi %add3A_662, %and3A_664 : vector<16xi32>
        %shift_right_logical3A_666 = arith.constant 3 : i32
        %shift_right_logical3A_667 = vector.broadcast %shift_right_logical3A_666 : i32 to vector<16xi32>
        %shift_right_logical3A_668 = arith.shrui %and3A_665, %shift_right_logical3A_667 : vector<16xi32>
        %and3A_669 = arith.constant 7 : i32
        %and3A_670 = vector.broadcast %and3A_669 : i32 to vector<16xi32>
        %and3A_671 = arith.andi %and3A_665, %and3A_670 : vector<16xi32>
        %gather3A_672 = tpu.vector_load_idx %arg8[%add3A_298, %and3A_665] : memref<128x64xf32, #tpu.memory_space<vmem>>[vector<16xi32>, vector<16xi32>], vector<16xf32>,
        %gather3A_673 = tpu.vector_load_idx %arg10[%shift_right_logical3A_668, %and3A_671, %add3A_298] : memref<8x8x128xf32, #tpu.memory_space<vmem>>[vector<16xi32>, vector<16xi32>, vector<16xi32>], vector<16xf32>,
        %mul3A_674 = arith.mulf %gather3A_672, %gather3A_673 : vector<16xf32>
        tpu.vector_store_idx %arg12[%shift_right_logical3A_668, %and3A_671, %add3A_298], %mul3A_674 : memref<8x8x128xf32, #tpu.memory_space<vmem>>[vector<16xi32>, vector<16xi32>, vector<16xi32>], vector<16xf32>,
        %scan3A_675 = arith.constant 4 : i32
        %scan3A_676 = arith.addi %scan3A_598, %scan3A_675 : i32
        %mul3A_677 = arith.constant 1 : i32
        %mul3A_678 = arith.muli %scan3A_676, %mul3A_677 : i32
        %add3A_679 = arith.constant 0 : i32
        %add3A_680 = arith.addi %add3A_679, %mul3A_678 : i32
        %add3A_681 = vector.broadcast %add3A_680 : i32 to vector<16xi32>
        %add3A_682 = arith.addi %iota3A, %add3A_681 : vector<16xi32>
        %and3A_683 = arith.constant 63 : i32
        %and3A_684 = vector.broadcast %and3A_683 : i32 to vector<16xi32>
        %and3A_685 = arith.andi %add3A_682, %and3A_684 : vector<16xi32>
        %shift_right_logical3A_686 = arith.constant 3 : i32
        %shift_right_logical3A_687 = vector.broadcast %shift_right_logical3A_686 : i32 to vector<16xi32>
        %shift_right_logical3A_688 = arith.shrui %and3A_685, %shift_right_logical3A_687 : vector<16xi32>
        %and3A_689 = arith.constant 7 : i32
        %and3A_690 = vector.broadcast %and3A_689 : i32 to vector<16xi32>
        %and3A_691 = arith.andi %and3A_685, %and3A_690 : vector<16xi32>
        %gather3A_692 = tpu.vector_load_idx %arg8[%add3A_298, %and3A_685] : memref<128x64xf32, #tpu.memory_space<vmem>>[vector<16xi32>, vector<16xi32>], vector<16xf32>,
        %gather3A_693 = tpu.vector_load_idx %arg10[%shift_right_logical3A_688, %and3A_691, %add3A_298] : memref<8x8x128xf32, #tpu.memory_space<vmem>>[vector<16xi32>, vector<16xi32>, vector<16xi32>], vector<16xf32>,
        %mul3A_694 = arith.mulf %gather3A_692, %gather3A_693 : vector<16xf32>
        tpu.vector_store_idx %arg12[%shift_right_logical3A_688, %and3A_691, %add3A_298], %mul3A_694 : memref<8x8x128xf32, #tpu.memory_space<vmem>>[vector<16xi32>, vector<16xi32>, vector<16xi32>], vector<16xf32>,
        %scan3A_695 = arith.constant 5 : i32
        %scan3A_696 = arith.addi %scan3A_598, %scan3A_695 : i32
        %mul3A_697 = arith.constant 1 : i32
        %mul3A_698 = arith.muli %scan3A_696, %mul3A_697 : i32
        %add3A_699 = arith.constant 0 : i32
        %add3A_700 = arith.addi %add3A_699, %mul3A_698 : i32
        %add3A_701 = vector.broadcast %add3A_700 : i32 to vector<16xi32>
        %add3A_702 = arith.addi %iota3A, %add3A_701 : vector<16xi32>
        %and3A_703 = arith.constant 63 : i32
        %and3A_704 = vector.broadcast %and3A_703 : i32 to vector<16xi32>
        %and3A_705 = arith.andi %add3A_702, %and3A_704 : vector<16xi32>
        %shift_right_logical3A_706 = arith.constant 3 : i32
        %shift_right_logical3A_707 = vector.broadcast %shift_right_logical3A_706 : i32 to vector<16xi32>
        %shift_right_logical3A_708 = arith.shrui %and3A_705, %shift_right_logical3A_707 : vector<16xi32>
        %and3A_709 = arith.constant 7 : i32
        %and3A_710 = vector.broadcast %and3A_709 : i32 to vector<16xi32>
        %and3A_711 = arith.andi %and3A_705, %and3A_710 : vector<16xi32>
        %gather3A_712 = tpu.vector_load_idx %arg8[%add3A_298, %and3A_705] : memref<128x64xf32, #tpu.memory_space<vmem>>[vector<16xi32>, vector<16xi32>], vector<16xf32>,
        %gather3A_713 = tpu.vector_load_idx %arg10[%shift_right_logical3A_708, %and3A_711, %add3A_298] : memref<8x8x128xf32, #tpu.memory_space<vmem>>[vector<16xi32>, vector<16xi32>, vector<16xi32>], vector<16xf32>,
        %mul3A_714 = arith.mulf %gather3A_712, %gather3A_713 : vector<16xf32>
        tpu.vector_store_idx %arg12[%shift_right_logical3A_708, %and3A_711, %add3A_298], %mul3A_714 : memref<8x8x128xf32, #tpu.memory_space<vmem>>[vector<16xi32>, vector<16xi32>, vector<16xi32>], vector<16xf32>,
        %scan3A_715 = arith.constant 6 : i32
        %scan3A_716 = arith.addi %scan3A_598, %scan3A_715 : i32
        %mul3A_717 = arith.constant 1 : i32
        %mul3A_718 = arith.muli %scan3A_716, %mul3A_717 : i32
        %add3A_719 = arith.constant 0 : i32
        %add3A_720 = arith.addi %add3A_719, %mul3A_718 : i32
        %add3A_721 = vector.broadcast %add3A_720 : i32 to vector<16xi32>
        %add3A_722 = arith.addi %iota3A, %add3A_721 : vector<16xi32>
        %and3A_723 = arith.constant 63 : i32
        %and3A_724 = vector.broadcast %and3A_723 : i32 to vector<16xi32>
        %and3A_725 = arith.andi %add3A_722, %and3A_724 : vector<16xi32>
        %shift_right_logical3A_726 = arith.constant 3 : i32
        %shift_right_logical3A_727 = vector.broadcast %shift_right_logical3A_726 : i32 to vector<16xi32>
        %shift_right_logical3A_728 = arith.shrui %and3A_725, %shift_right_logical3A_727 : vector<16xi32>
        %and3A_729 = arith.constant 7 : i32
        %and3A_730 = vector.broadcast %and3A_729 : i32 to vector<16xi32>
        %and3A_731 = arith.andi %and3A_725, %and3A_730 : vector<16xi32>
        %gather3A_732 = tpu.vector_load_idx %arg8[%add3A_298, %and3A_725] : memref<128x64xf32, #tpu.memory_space<vmem>>[vector<16xi32>, vector<16xi32>], vector<16xf32>,
        %gather3A_733 = tpu.vector_load_idx %arg10[%shift_right_logical3A_728, %and3A_731, %add3A_298] : memref<8x8x128xf32, #tpu.memory_space<vmem>>[vector<16xi32>, vector<16xi32>, vector<16xi32>], vector<16xf32>,
        %mul3A_734 = arith.mulf %gather3A_732, %gather3A_733 : vector<16xf32>
        tpu.vector_store_idx %arg12[%shift_right_logical3A_728, %and3A_731, %add3A_298], %mul3A_734 : memref<8x8x128xf32, #tpu.memory_space<vmem>>[vector<16xi32>, vector<16xi32>, vector<16xi32>], vector<16xf32>,
        %scan3A_735 = arith.constant 7 : i32
        %scan3A_736 = arith.addi %scan3A_598, %scan3A_735 : i32
        %mul3A_737 = arith.constant 1 : i32
        %mul3A_738 = arith.muli %scan3A_736, %mul3A_737 : i32
        %add3A_739 = arith.constant 0 : i32
        %add3A_740 = arith.addi %add3A_739, %mul3A_738 : i32
        %add3A_741 = vector.broadcast %add3A_740 : i32 to vector<16xi32>
        %add3A_742 = arith.addi %iota3A, %add3A_741 : vector<16xi32>
        %and3A_743 = arith.constant 63 : i32
        %and3A_744 = vector.broadcast %and3A_743 : i32 to vector<16xi32>
        %and3A_745 = arith.andi %add3A_742, %and3A_744 : vector<16xi32>
        %shift_right_logical3A_746 = arith.constant 3 : i32
        %shift_right_logical3A_747 = vector.broadcast %shift_right_logical3A_746 : i32 to vector<16xi32>
        %shift_right_logical3A_748 = arith.shrui %and3A_745, %shift_right_logical3A_747 : vector<16xi32>
        %and3A_749 = arith.constant 7 : i32
        %and3A_750 = vector.broadcast %and3A_749 : i32 to vector<16xi32>
        %and3A_751 = arith.andi %and3A_745, %and3A_750 : vector<16xi32>
        %gather3A_752 = tpu.vector_load_idx %arg8[%add3A_298, %and3A_745] : memref<128x64xf32, #tpu.memory_space<vmem>>[vector<16xi32>, vector<16xi32>], vector<16xf32>,
        %gather3A_753 = tpu.vector_load_idx %arg10[%shift_right_logical3A_748, %and3A_751, %add3A_298] : memref<8x8x128xf32, #tpu.memory_space<vmem>>[vector<16xi32>, vector<16xi32>, vector<16xi32>], vector<16xf32>,
        %mul3A_754 = arith.mulf %gather3A_752, %gather3A_753 : vector<16xf32>
        tpu.vector_store_idx %arg12[%shift_right_logical3A_748, %and3A_751, %add3A_298], %mul3A_754 : memref<8x8x128xf32, #tpu.memory_space<vmem>>[vector<16xi32>, vector<16xi32>, vector<16xi32>], vector<16xf32>,
      }
      %scan3A_303 = arith.constant 64 : i32
      %add3A_304 = arith.constant 32 : i32
      %add3A_305 = vector.broadcast %add3A_304 : i32 to vector<16xi32>
      %add3A_306 = arith.addi %iota3A, %add3A_305 : vector<16xi32>
      %scan3A_307 = arith.constant 0 : i32
      %scan3A_308 = arith.constant 64 : i32
      %scan3A_309 = arith.addi %scan3A_307, %scan3A_308 : i32
      %scan3A_310 = arith.constant 8 : i32
      scf.for %scan3A_598 = %scan3A_307 to %scan3A_309 step %scan3A_310  : i32 {
        %mul3A_599 = arith.constant 1 : i32
        %mul3A_600 = arith.muli %scan3A_598, %mul3A_599 : i32
        %add3A_601 = arith.constant 0 : i32
        %add3A_602 = arith.addi %add3A_601, %mul3A_600 : i32
        %add3A_603 = vector.broadcast %add3A_602 : i32 to vector<16xi32>
        %add3A_604 = arith.addi %iota3A, %add3A_603 : vector<16xi32>
        %and3A_605 = arith.constant 63 : i32
        %and3A_606 = vector.broadcast %and3A_605 : i32 to vector<16xi32>
        %and3A_607 = arith.andi %add3A_604, %and3A_606 : vector<16xi32>
        %shift_right_logical3A = arith.constant 3 : i32
        %shift_right_logical3A_608 = vector.broadcast %shift_right_logical3A : i32 to vector<16xi32>
        %shift_right_logical3A_609 = arith.shrui %and3A_607, %shift_right_logical3A_608 : vector<16xi32>
        %and3A_610 = arith.constant 7 : i32
        %and3A_611 = vector.broadcast %and3A_610 : i32 to vector<16xi32>
        %and3A_612 = arith.andi %and3A_607, %and3A_611 : vector<16xi32>
        %gather3A = tpu.vector_load_idx %arg8[%add3A_306, %and3A_607] : memref<128x64xf32, #tpu.memory_space<vmem>>[vector<16xi32>, vector<16xi32>], vector<16xf32>,
        %gather3A_613 = tpu.vector_load_idx %arg10[%shift_right_logical3A_609, %and3A_612, %add3A_306] : memref<8x8x128xf32, #tpu.memory_space<vmem>>[vector<16xi32>, vector<16xi32>, vector<16xi32>], vector<16xf32>,
        %mul3A_614 = arith.mulf %gather3A, %gather3A_613 : vector<16xf32>
        tpu.vector_store_idx %arg12[%shift_right_logical3A_609, %and3A_612, %add3A_306], %mul3A_614 : memref<8x8x128xf32, #tpu.memory_space<vmem>>[vector<16xi32>, vector<16xi32>, vector<16xi32>], vector<16xf32>,
        %scan3A_615 = arith.constant 1 : i32
        %scan3A_616 = arith.addi %scan3A_598, %scan3A_615 : i32
        %mul3A_617 = arith.constant 1 : i32
        %mul3A_618 = arith.muli %scan3A_616, %mul3A_617 : i32
        %add3A_619 = arith.constant 0 : i32
        %add3A_620 = arith.addi %add3A_619, %mul3A_618 : i32
        %add3A_621 = vector.broadcast %add3A_620 : i32 to vector<16xi32>
        %add3A_622 = arith.addi %iota3A, %add3A_621 : vector<16xi32>
        %and3A_623 = arith.constant 63 : i32
        %and3A_624 = vector.broadcast %and3A_623 : i32 to vector<16xi32>
        %and3A_625 = arith.andi %add3A_622, %and3A_624 : vector<16xi32>
        %shift_right_logical3A_626 = arith.constant 3 : i32
        %shift_right_logical3A_627 = vector.broadcast %shift_right_logical3A_626 : i32 to vector<16xi32>
        %shift_right_logical3A_628 = arith.shrui %and3A_625, %shift_right_logical3A_627 : vector<16xi32>
        %and3A_629 = arith.constant 7 : i32
        %and3A_630 = vector.broadcast %and3A_629 : i32 to vector<16xi32>
        %and3A_631 = arith.andi %and3A_625, %and3A_630 : vector<16xi32>
        %gather3A_632 = tpu.vector_load_idx %arg8[%add3A_306, %and3A_625] : memref<128x64xf32, #tpu.memory_space<vmem>>[vector<16xi32>, vector<16xi32>], vector<16xf32>,
        %gather3A_633 = tpu.vector_load_idx %arg10[%shift_right_logical3A_628, %and3A_631, %add3A_306] : memref<8x8x128xf32, #tpu.memory_space<vmem>>[vector<16xi32>, vector<16xi32>, vector<16xi32>], vector<16xf32>,
        %mul3A_634 = arith.mulf %gather3A_632, %gather3A_633 : vector<16xf32>
        tpu.vector_store_idx %arg12[%shift_right_logical3A_628, %and3A_631, %add3A_306], %mul3A_634 : memref<8x8x128xf32, #tpu.memory_space<vmem>>[vector<16xi32>, vector<16xi32>, vector<16xi32>], vector<16xf32>,
        %scan3A_635 = arith.constant 2 : i32
        %scan3A_636 = arith.addi %scan3A_598, %scan3A_635 : i32
        %mul3A_637 = arith.constant 1 : i32
        %mul3A_638 = arith.muli %scan3A_636, %mul3A_637 : i32
        %add3A_639 = arith.constant 0 : i32
        %add3A_640 = arith.addi %add3A_639, %mul3A_638 : i32
        %add3A_641 = vector.broadcast %add3A_640 : i32 to vector<16xi32>
        %add3A_642 = arith.addi %iota3A, %add3A_641 : vector<16xi32>
        %and3A_643 = arith.constant 63 : i32
        %and3A_644 = vector.broadcast %and3A_643 : i32 to vector<16xi32>
        %and3A_645 = arith.andi %add3A_642, %and3A_644 : vector<16xi32>
        %shift_right_logical3A_646 = arith.constant 3 : i32
        %shift_right_logical3A_647 = vector.broadcast %shift_right_logical3A_646 : i32 to vector<16xi32>
        %shift_right_logical3A_648 = arith.shrui %and3A_645, %shift_right_logical3A_647 : vector<16xi32>
        %and3A_649 = arith.constant 7 : i32
        %and3A_650 = vector.broadcast %and3A_649 : i32 to vector<16xi32>
        %and3A_651 = arith.andi %and3A_645, %and3A_650 : vector<16xi32>
        %gather3A_652 = tpu.vector_load_idx %arg8[%add3A_306, %and3A_645] : memref<128x64xf32, #tpu.memory_space<vmem>>[vector<16xi32>, vector<16xi32>], vector<16xf32>,
        %gather3A_653 = tpu.vector_load_idx %arg10[%shift_right_logical3A_648, %and3A_651, %add3A_306] : memref<8x8x128xf32, #tpu.memory_space<vmem>>[vector<16xi32>, vector<16xi32>, vector<16xi32>], vector<16xf32>,
        %mul3A_654 = arith.mulf %gather3A_652, %gather3A_653 : vector<16xf32>
        tpu.vector_store_idx %arg12[%shift_right_logical3A_648, %and3A_651, %add3A_306], %mul3A_654 : memref<8x8x128xf32, #tpu.memory_space<vmem>>[vector<16xi32>, vector<16xi32>, vector<16xi32>], vector<16xf32>,
        %scan3A_655 = arith.constant 3 : i32
        %scan3A_656 = arith.addi %scan3A_598, %scan3A_655 : i32
        %mul3A_657 = arith.constant 1 : i32
        %mul3A_658 = arith.muli %scan3A_656, %mul3A_657 : i32
        %add3A_659 = arith.constant 0 : i32
        %add3A_660 = arith.addi %add3A_659, %mul3A_658 : i32
        %add3A_661 = vector.broadcast %add3A_660 : i32 to vector<16xi32>
        %add3A_662 = arith.addi %iota3A, %add3A_661 : vector<16xi32>
        %and3A_663 = arith.constant 63 : i32
        %and3A_664 = vector.broadcast %and3A_663 : i32 to vector<16xi32>
        %and3A_665 = arith.andi %add3A_662, %and3A_664 : vector<16xi32>
        %shift_right_logical3A_666 = arith.constant 3 : i32
        %shift_right_logical3A_667 = vector.broadcast %shift_right_logical3A_666 : i32 to vector<16xi32>
        %shift_right_logical3A_668 = arith.shrui %and3A_665, %shift_right_logical3A_667 : vector<16xi32>
        %and3A_669 = arith.constant 7 : i32
        %and3A_670 = vector.broadcast %and3A_669 : i32 to vector<16xi32>
        %and3A_671 = arith.andi %and3A_665, %and3A_670 : vector<16xi32>
        %gather3A_672 = tpu.vector_load_idx %arg8[%add3A_306, %and3A_665] : memref<128x64xf32, #tpu.memory_space<vmem>>[vector<16xi32>, vector<16xi32>], vector<16xf32>,
        %gather3A_673 = tpu.vector_load_idx %arg10[%shift_right_logical3A_668, %and3A_671, %add3A_306] : memref<8x8x128xf32, #tpu.memory_space<vmem>>[vector<16xi32>, vector<16xi32>, vector<16xi32>], vector<16xf32>,
        %mul3A_674 = arith.mulf %gather3A_672, %gather3A_673 : vector<16xf32>
        tpu.vector_store_idx %arg12[%shift_right_logical3A_668, %and3A_671, %add3A_306], %mul3A_674 : memref<8x8x128xf32, #tpu.memory_space<vmem>>[vector<16xi32>, vector<16xi32>, vector<16xi32>], vector<16xf32>,
        %scan3A_675 = arith.constant 4 : i32
        %scan3A_676 = arith.addi %scan3A_598, %scan3A_675 : i32
        %mul3A_677 = arith.constant 1 : i32
        %mul3A_678 = arith.muli %scan3A_676, %mul3A_677 : i32
        %add3A_679 = arith.constant 0 : i32
        %add3A_680 = arith.addi %add3A_679, %mul3A_678 : i32
        %add3A_681 = vector.broadcast %add3A_680 : i32 to vector<16xi32>
        %add3A_682 = arith.addi %iota3A, %add3A_681 : vector<16xi32>
        %and3A_683 = arith.constant 63 : i32
        %and3A_684 = vector.broadcast %and3A_683 : i32 to vector<16xi32>
        %and3A_685 = arith.andi %add3A_682, %and3A_684 : vector<16xi32>
        %shift_right_logical3A_686 = arith.constant 3 : i32
        %shift_right_logical3A_687 = vector.broadcast %shift_right_logical3A_686 : i32 to vector<16xi32>
        %shift_right_logical3A_688 = arith.shrui %and3A_685, %shift_right_logical3A_687 : vector<16xi32>
        %and3A_689 = arith.constant 7 : i32
        %and3A_690 = vector.broadcast %and3A_689 : i32 to vector<16xi32>
        %and3A_691 = arith.andi %and3A_685, %and3A_690 : vector<16xi32>
        %gather3A_692 = tpu.vector_load_idx %arg8[%add3A_306, %and3A_685] : memref<128x64xf32, #tpu.memory_space<vmem>>[vector<16xi32>, vector<16xi32>], vector<16xf32>,
        %gather3A_693 = tpu.vector_load_idx %arg10[%shift_right_logical3A_688, %and3A_691, %add3A_306] : memref<8x8x128xf32, #tpu.memory_space<vmem>>[vector<16xi32>, vector<16xi32>, vector<16xi32>], vector<16xf32>,
        %mul3A_694 = arith.mulf %gather3A_692, %gather3A_693 : vector<16xf32>
        tpu.vector_store_idx %arg12[%shift_right_logical3A_688, %and3A_691, %add3A_306], %mul3A_694 : memref<8x8x128xf32, #tpu.memory_space<vmem>>[vector<16xi32>, vector<16xi32>, vector<16xi32>], vector<16xf32>,
        %scan3A_695 = arith.constant 5 : i32
        %scan3A_696 = arith.addi %scan3A_598, %scan3A_695 : i32
        %mul3A_697 = arith.constant 1 : i32
        %mul3A_698 = arith.muli %scan3A_696, %mul3A_697 : i32
        %add3A_699 = arith.constant 0 : i32
        %add3A_700 = arith.addi %add3A_699, %mul3A_698 : i32
        %add3A_701 = vector.broadcast %add3A_700 : i32 to vector<16xi32>
        %add3A_702 = arith.addi %iota3A, %add3A_701 : vector<16xi32>
        %and3A_703 = arith.constant 63 : i32
        %and3A_704 = vector.broadcast %and3A_703 : i32 to vector<16xi32>
        %and3A_705 = arith.andi %add3A_702, %and3A_704 : vector<16xi32>
        %shift_right_logical3A_706 = arith.constant 3 : i32
        %shift_right_logical3A_707 = vector.broadcast %shift_right_logical3A_706 : i32 to vector<16xi32>
        %shift_right_logical3A_708 = arith.shrui %and3A_705, %shift_right_logical3A_707 : vector<16xi32>
        %and3A_709 = arith.constant 7 : i32
        %and3A_710 = vector.broadcast %and3A_709 : i32 to vector<16xi32>
        %and3A_711 = arith.andi %and3A_705, %and3A_710 : vector<16xi32>
        %gather3A_712 = tpu.vector_load_idx %arg8[%add3A_306, %and3A_705] : memref<128x64xf32, #tpu.memory_space<vmem>>[vector<16xi32>, vector<16xi32>], vector<16xf32>,
        %gather3A_713 = tpu.vector_load_idx %arg10[%shift_right_logical3A_708, %and3A_711, %add3A_306] : memref<8x8x128xf32, #tpu.memory_space<vmem>>[vector<16xi32>, vector<16xi32>, vector<16xi32>], vector<16xf32>,
        %mul3A_714 = arith.mulf %gather3A_712, %gather3A_713 : vector<16xf32>
        tpu.vector_store_idx %arg12[%shift_right_logical3A_708, %and3A_711, %add3A_306], %mul3A_714 : memref<8x8x128xf32, #tpu.memory_space<vmem>>[vector<16xi32>, vector<16xi32>, vector<16xi32>], vector<16xf32>,
        %scan3A_715 = arith.constant 6 : i32
        %scan3A_716 = arith.addi %scan3A_598, %scan3A_715 : i32
        %mul3A_717 = arith.constant 1 : i32
        %mul3A_718 = arith.muli %scan3A_716, %mul3A_717 : i32
        %add3A_719 = arith.constant 0 : i32
        %add3A_720 = arith.addi %add3A_719, %mul3A_718 : i32
        %add3A_721 = vector.broadcast %add3A_720 : i32 to vector<16xi32>
        %add3A_722 = arith.addi %iota3A, %add3A_721 : vector<16xi32>
        %and3A_723 = arith.constant 63 : i32
        %and3A_724 = vector.broadcast %and3A_723 : i32 to vector<16xi32>
        %and3A_725 = arith.andi %add3A_722, %and3A_724 : vector<16xi32>
        %shift_right_logical3A_726 = arith.constant 3 : i32
        %shift_right_logical3A_727 = vector.broadcast %shift_right_logical3A_726 : i32 to vector<16xi32>
        %shift_right_logical3A_728 = arith.shrui %and3A_725, %shift_right_logical3A_727 : vector<16xi32>
        %and3A_729 = arith.constant 7 : i32
        %and3A_730 = vector.broadcast %and3A_729 : i32 to vector<16xi32>
        %and3A_731 = arith.andi %and3A_725, %and3A_730 : vector<16xi32>
        %gather3A_732 = tpu.vector_load_idx %arg8[%add3A_306, %and3A_725] : memref<128x64xf32, #tpu.memory_space<vmem>>[vector<16xi32>, vector<16xi32>], vector<16xf32>,
        %gather3A_733 = tpu.vector_load_idx %arg10[%shift_right_logical3A_728, %and3A_731, %add3A_306] : memref<8x8x128xf32, #tpu.memory_space<vmem>>[vector<16xi32>, vector<16xi32>, vector<16xi32>], vector<16xf32>,
        %mul3A_734 = arith.mulf %gather3A_732, %gather3A_733 : vector<16xf32>
        tpu.vector_store_idx %arg12[%shift_right_logical3A_728, %and3A_731, %add3A_306], %mul3A_734 : memref<8x8x128xf32, #tpu.memory_space<vmem>>[vector<16xi32>, vector<16xi32>, vector<16xi32>], vector<16xf32>,
        %scan3A_735 = arith.constant 7 : i32
        %scan3A_736 = arith.addi %scan3A_598, %scan3A_735 : i32
        %mul3A_737 = arith.constant 1 : i32
        %mul3A_738 = arith.muli %scan3A_736, %mul3A_737 : i32
        %add3A_739 = arith.constant 0 : i32
        %add3A_740 = arith.addi %add3A_739, %mul3A_738 : i32
        %add3A_741 = vector.broadcast %add3A_740 : i32 to vector<16xi32>
        %add3A_742 = arith.addi %iota3A, %add3A_741 : vector<16xi32>
        %and3A_743 = arith.constant 63 : i32
        %and3A_744 = vector.broadcast %and3A_743 : i32 to vector<16xi32>
        %and3A_745 = arith.andi %add3A_742, %and3A_744 : vector<16xi32>
        %shift_right_logical3A_746 = arith.constant 3 : i32
        %shift_right_logical3A_747 = vector.broadcast %shift_right_logical3A_746 : i32 to vector<16xi32>
        %shift_right_logical3A_748 = arith.shrui %and3A_745, %shift_right_logical3A_747 : vector<16xi32>
        %and3A_749 = arith.constant 7 : i32
        %and3A_750 = vector.broadcast %and3A_749 : i32 to vector<16xi32>
        %and3A_751 = arith.andi %and3A_745, %and3A_750 : vector<16xi32>
        %gather3A_752 = tpu.vector_load_idx %arg8[%add3A_306, %and3A_745] : memref<128x64xf32, #tpu.memory_space<vmem>>[vector<16xi32>, vector<16xi32>], vector<16xf32>,
        %gather3A_753 = tpu.vector_load_idx %arg10[%shift_right_logical3A_748, %and3A_751, %add3A_306] : memref<8x8x128xf32, #tpu.memory_space<vmem>>[vector<16xi32>, vector<16xi32>, vector<16xi32>], vector<16xf32>,
        %mul3A_754 = arith.mulf %gather3A_752, %gather3A_753 : vector<16xf32>
        tpu.vector_store_idx %arg12[%shift_right_logical3A_748, %and3A_751, %add3A_306], %mul3A_754 : memref<8x8x128xf32, #tpu.memory_space<vmem>>[vector<16xi32>, vector<16xi32>, vector<16xi32>], vector<16xf32>,
      }
      %scan3A_311 = arith.constant 64 : i32
      %add3A_312 = arith.constant 48 : i32
      %add3A_313 = vector.broadcast %add3A_312 : i32 to vector<16xi32>
      %add3A_314 = arith.addi %iota3A, %add3A_313 : vector<16xi32>
      %scan3A_315 = arith.constant 0 : i32
      %scan3A_316 = arith.constant 64 : i32
      %scan3A_317 = arith.addi %scan3A_315, %scan3A_316 : i32
      %scan3A_318 = arith.constant 8 : i32
      scf.for %scan3A_598 = %scan3A_315 to %scan3A_317 step %scan3A_318  : i32 {
        %mul3A_599 = arith.constant 1 : i32
        %mul3A_600 = arith.muli %scan3A_598, %mul3A_599 : i32
        %add3A_601 = arith.constant 0 : i32
        %add3A_602 = arith.addi %add3A_601, %mul3A_600 : i32
        %add3A_603 = vector.broadcast %add3A_602 : i32 to vector<16xi32>
        %add3A_604 = arith.addi %iota3A, %add3A_603 : vector<16xi32>
        %and3A_605 = arith.constant 63 : i32
        %and3A_606 = vector.broadcast %and3A_605 : i32 to vector<16xi32>
        %and3A_607 = arith.andi %add3A_604, %and3A_606 : vector<16xi32>
        %shift_right_logical3A = arith.constant 3 : i32
        %shift_right_logical3A_608 = vector.broadcast %shift_right_logical3A : i32 to vector<16xi32>
        %shift_right_logical3A_609 = arith.shrui %and3A_607, %shift_right_logical3A_608 : vector<16xi32>
        %and3A_610 = arith.constant 7 : i32
        %and3A_611 = vector.broadcast %and3A_610 : i32 to vector<16xi32>
        %and3A_612 = arith.andi %and3A_607, %and3A_611 : vector<16xi32>
        %gather3A = tpu.vector_load_idx %arg8[%add3A_314, %and3A_607] : memref<128x64xf32, #tpu.memory_space<vmem>>[vector<16xi32>, vector<16xi32>], vector<16xf32>,
        %gather3A_613 = tpu.vector_load_idx %arg10[%shift_right_logical3A_609, %and3A_612, %add3A_314] : memref<8x8x128xf32, #tpu.memory_space<vmem>>[vector<16xi32>, vector<16xi32>, vector<16xi32>], vector<16xf32>,
        %mul3A_614 = arith.mulf %gather3A, %gather3A_613 : vector<16xf32>
        tpu.vector_store_idx %arg12[%shift_right_logical3A_609, %and3A_612, %add3A_314], %mul3A_614 : memref<8x8x128xf32, #tpu.memory_space<vmem>>[vector<16xi32>, vector<16xi32>, vector<16xi32>], vector<16xf32>,
        %scan3A_615 = arith.constant 1 : i32
        %scan3A_616 = arith.addi %scan3A_598, %scan3A_615 : i32
        %mul3A_617 = arith.constant 1 : i32
        %mul3A_618 = arith.muli %scan3A_616, %mul3A_617 : i32
        %add3A_619 = arith.constant 0 : i32
        %add3A_620 = arith.addi %add3A_619, %mul3A_618 : i32
        %add3A_621 = vector.broadcast %add3A_620 : i32 to vector<16xi32>
        %add3A_622 = arith.addi %iota3A, %add3A_621 : vector<16xi32>
        %and3A_623 = arith.constant 63 : i32
        %and3A_624 = vector.broadcast %and3A_623 : i32 to vector<16xi32>
        %and3A_625 = arith.andi %add3A_622, %and3A_624 : vector<16xi32>
        %shift_right_logical3A_626 = arith.constant 3 : i32
        %shift_right_logical3A_627 = vector.broadcast %shift_right_logical3A_626 : i32 to vector<16xi32>
        %shift_right_logical3A_628 = arith.shrui %and3A_625, %shift_right_logical3A_627 : vector<16xi32>
        %and3A_629 = arith.constant 7 : i32
        %and3A_630 = vector.broadcast %and3A_629 : i32 to vector<16xi32>
        %and3A_631 = arith.andi %and3A_625, %and3A_630 : vector<16xi32>
        %gather3A_632 = tpu.vector_load_idx %arg8[%add3A_314, %and3A_625] : memref<128x64xf32, #tpu.memory_space<vmem>>[vector<16xi32>, vector<16xi32>], vector<16xf32>,
        %gather3A_633 = tpu.vector_load_idx %arg10[%shift_right_logical3A_628, %and3A_631, %add3A_314] : memref<8x8x128xf32, #tpu.memory_space<vmem>>[vector<16xi32>, vector<16xi32>, vector<16xi32>], vector<16xf32>,
        %mul3A_634 = arith.mulf %gather3A_632, %gather3A_633 : vector<16xf32>
        tpu.vector_store_idx %arg12[%shift_right_logical3A_628, %and3A_631, %add3A_314], %mul3A_634 : memref<8x8x128xf32, #tpu.memory_space<vmem>>[vector<16xi32>, vector<16xi32>, vector<16xi32>], vector<16xf32>,
        %scan3A_635 = arith.constant 2 : i32
        %scan3A_636 = arith.addi %scan3A_598, %scan3A_635 : i32
        %mul3A_637 = arith.constant 1 : i32
        %mul3A_638 = arith.muli %scan3A_636, %mul3A_637 : i32
        %add3A_639 = arith.constant 0 : i32
        %add3A_640 = arith.addi %add3A_639, %mul3A_638 : i32
        %add3A_641 = vector.broadcast %add3A_640 : i32 to vector<16xi32>
        %add3A_642 = arith.addi %iota3A, %add3A_641 : vector<16xi32>
        %and3A_643 = arith.constant 63 : i32
        %and3A_644 = vector.broadcast %and3A_643 : i32 to vector<16xi32>
        %and3A_645 = arith.andi %add3A_642, %and3A_644 : vector<16xi32>
        %shift_right_logical3A_646 = arith.constant 3 : i32
        %shift_right_logical3A_647 = vector.broadcast %shift_right_logical3A_646 : i32 to vector<16xi32>
        %shift_right_logical3A_648 = arith.shrui %and3A_645, %shift_right_logical3A_647 : vector<16xi32>
        %and3A_649 = arith.constant 7 : i32
        %and3A_650 = vector.broadcast %and3A_649 : i32 to vector<16xi32>
        %and3A_651 = arith.andi %and3A_645, %and3A_650 : vector<16xi32>
        %gather3A_652 = tpu.vector_load_idx %arg8[%add3A_314, %and3A_645] : memref<128x64xf32, #tpu.memory_space<vmem>>[vector<16xi32>, vector<16xi32>], vector<16xf32>,
        %gather3A_653 = tpu.vector_load_idx %arg10[%shift_right_logical3A_648, %and3A_651, %add3A_314] : memref<8x8x128xf32, #tpu.memory_space<vmem>>[vector<16xi32>, vector<16xi32>, vector<16xi32>], vector<16xf32>,
        %mul3A_654 = arith.mulf %gather3A_652, %gather3A_653 : vector<16xf32>
        tpu.vector_store_idx %arg12[%shift_right_logical3A_648, %and3A_651, %add3A_314], %mul3A_654 : memref<8x8x128xf32, #tpu.memory_space<vmem>>[vector<16xi32>, vector<16xi32>, vector<16xi32>], vector<16xf32>,
        %scan3A_655 = arith.constant 3 : i32
        %scan3A_656 = arith.addi %scan3A_598, %scan3A_655 : i32
        %mul3A_657 = arith.constant 1 : i32
        %mul3A_658 = arith.muli %scan3A_656, %mul3A_657 : i32
        %add3A_659 = arith.constant 0 : i32
        %add3A_660 = arith.addi %add3A_659, %mul3A_658 : i32
        %add3A_661 = vector.broadcast %add3A_660 : i32 to vector<16xi32>
        %add3A_662 = arith.addi %iota3A, %add3A_661 : vector<16xi32>
        %and3A_663 = arith.constant 63 : i32
        %and3A_664 = vector.broadcast %and3A_663 : i32 to vector<16xi32>
        %and3A_665 = arith.andi %add3A_662, %and3A_664 : vector<16xi32>
        %shift_right_logical3A_666 = arith.constant 3 : i32
        %shift_right_logical3A_667 = vector.broadcast %shift_right_logical3A_666 : i32 to vector<16xi32>
        %shift_right_logical3A_668 = arith.shrui %and3A_665, %shift_right_logical3A_667 : vector<16xi32>
        %and3A_669 = arith.constant 7 : i32
        %and3A_670 = vector.broadcast %and3A_669 : i32 to vector<16xi32>
        %and3A_671 = arith.andi %and3A_665, %and3A_670 : vector<16xi32>
        %gather3A_672 = tpu.vector_load_idx %arg8[%add3A_314, %and3A_665] : memref<128x64xf32, #tpu.memory_space<vmem>>[vector<16xi32>, vector<16xi32>], vector<16xf32>,
        %gather3A_673 = tpu.vector_load_idx %arg10[%shift_right_logical3A_668, %and3A_671, %add3A_314] : memref<8x8x128xf32, #tpu.memory_space<vmem>>[vector<16xi32>, vector<16xi32>, vector<16xi32>], vector<16xf32>,
        %mul3A_674 = arith.mulf %gather3A_672, %gather3A_673 : vector<16xf32>
        tpu.vector_store_idx %arg12[%shift_right_logical3A_668, %and3A_671, %add3A_314], %mul3A_674 : memref<8x8x128xf32, #tpu.memory_space<vmem>>[vector<16xi32>, vector<16xi32>, vector<16xi32>], vector<16xf32>,
        %scan3A_675 = arith.constant 4 : i32
        %scan3A_676 = arith.addi %scan3A_598, %scan3A_675 : i32
        %mul3A_677 = arith.constant 1 : i32
        %mul3A_678 = arith.muli %scan3A_676, %mul3A_677 : i32
        %add3A_679 = arith.constant 0 : i32
        %add3A_680 = arith.addi %add3A_679, %mul3A_678 : i32
        %add3A_681 = vector.broadcast %add3A_680 : i32 to vector<16xi32>
        %add3A_682 = arith.addi %iota3A, %add3A_681 : vector<16xi32>
        %and3A_683 = arith.constant 63 : i32
        %and3A_684 = vector.broadcast %and3A_683 : i32 to vector<16xi32>
        %and3A_685 = arith.andi %add3A_682, %and3A_684 : vector<16xi32>
        %shift_right_logical3A_686 = arith.constant 3 : i32
        %shift_right_logical3A_687 = vector.broadcast %shift_right_logical3A_686 : i32 to vector<16xi32>
        %shift_right_logical3A_688 = arith.shrui %and3A_685, %shift_right_logical3A_687 : vector<16xi32>
        %and3A_689 = arith.constant 7 : i32
        %and3A_690 = vector.broadcast %and3A_689 : i32 to vector<16xi32>
        %and3A_691 = arith.andi %and3A_685, %and3A_690 : vector<16xi32>
        %gather3A_692 = tpu.vector_load_idx %arg8[%add3A_314, %and3A_685] : memref<128x64xf32, #tpu.memory_space<vmem>>[vector<16xi32>, vector<16xi32>], vector<16xf32>,
        %gather3A_693 = tpu.vector_load_idx %arg10[%shift_right_logical3A_688, %and3A_691, %add3A_314] : memref<8x8x128xf32, #tpu.memory_space<vmem>>[vector<16xi32>, vector<16xi32>, vector<16xi32>], vector<16xf32>,
        %mul3A_694 = arith.mulf %gather3A_692, %gather3A_693 : vector<16xf32>
        tpu.vector_store_idx %arg12[%shift_right_logical3A_688, %and3A_691, %add3A_314], %mul3A_694 : memref<8x8x128xf32, #tpu.memory_space<vmem>>[vector<16xi32>, vector<16xi32>, vector<16xi32>], vector<16xf32>,
        %scan3A_695 = arith.constant 5 : i32
        %scan3A_696 = arith.addi %scan3A_598, %scan3A_695 : i32
        %mul3A_697 = arith.constant 1 : i32
        %mul3A_698 = arith.muli %scan3A_696, %mul3A_697 : i32
        %add3A_699 = arith.constant 0 : i32
        %add3A_700 = arith.addi %add3A_699, %mul3A_698 : i32
        %add3A_701 = vector.broadcast %add3A_700 : i32 to vector<16xi32>
        %add3A_702 = arith.addi %iota3A, %add3A_701 : vector<16xi32>
        %and3A_703 = arith.constant 63 : i32
        %and3A_704 = vector.broadcast %and3A_703 : i32 to vector<16xi32>
        %and3A_705 = arith.andi %add3A_702, %and3A_704 : vector<16xi32>
        %shift_right_logical3A_706 = arith.constant 3 : i32
        %shift_right_logical3A_707 = vector.broadcast %shift_right_logical3A_706 : i32 to vector<16xi32>
        %shift_right_logical3A_708 = arith.shrui %and3A_705, %shift_right_logical3A_707 : vector<16xi32>
        %and3A_709 = arith.constant 7 : i32
        %and3A_710 = vector.broadcast %and3A_709 : i32 to vector<16xi32>
        %and3A_711 = arith.andi %and3A_705, %and3A_710 : vector<16xi32>
        %gather3A_712 = tpu.vector_load_idx %arg8[%add3A_314, %and3A_705] : memref<128x64xf32, #tpu.memory_space<vmem>>[vector<16xi32>, vector<16xi32>], vector<16xf32>,
        %gather3A_713 = tpu.vector_load_idx %arg10[%shift_right_logical3A_708, %and3A_711, %add3A_314] : memref<8x8x128xf32, #tpu.memory_space<vmem>>[vector<16xi32>, vector<16xi32>, vector<16xi32>], vector<16xf32>,
        %mul3A_714 = arith.mulf %gather3A_712, %gather3A_713 : vector<16xf32>
        tpu.vector_store_idx %arg12[%shift_right_logical3A_708, %and3A_711, %add3A_314], %mul3A_714 : memref<8x8x128xf32, #tpu.memory_space<vmem>>[vector<16xi32>, vector<16xi32>, vector<16xi32>], vector<16xf32>,
        %scan3A_715 = arith.constant 6 : i32
        %scan3A_716 = arith.addi %scan3A_598, %scan3A_715 : i32
        %mul3A_717 = arith.constant 1 : i32
        %mul3A_718 = arith.muli %scan3A_716, %mul3A_717 : i32
        %add3A_719 = arith.constant 0 : i32
        %add3A_720 = arith.addi %add3A_719, %mul3A_718 : i32
        %add3A_721 = vector.broadcast %add3A_720 : i32 to vector<16xi32>
        %add3A_722 = arith.addi %iota3A, %add3A_721 : vector<16xi32>
        %and3A_723 = arith.constant 63 : i32
        %and3A_724 = vector.broadcast %and3A_723 : i32 to vector<16xi32>
        %and3A_725 = arith.andi %add3A_722, %and3A_724 : vector<16xi32>
        %shift_right_logical3A_726 = arith.constant 3 : i32
        %shift_right_logical3A_727 = vector.broadcast %shift_right_logical3A_726 : i32 to vector<16xi32>
        %shift_right_logical3A_728 = arith.shrui %and3A_725, %shift_right_logical3A_727 : vector<16xi32>
        %and3A_729 = arith.constant 7 : i32
        %and3A_730 = vector.broadcast %and3A_729 : i32 to vector<16xi32>
        %and3A_731 = arith.andi %and3A_725, %and3A_730 : vector<16xi32>
        %gather3A_732 = tpu.vector_load_idx %arg8[%add3A_314, %and3A_725] : memref<128x64xf32, #tpu.memory_space<vmem>>[vector<16xi32>, vector<16xi32>], vector<16xf32>,
        %gather3A_733 = tpu.vector_load_idx %arg10[%shift_right_logical3A_728, %and3A_731, %add3A_314] : memref<8x8x128xf32, #tpu.memory_space<vmem>>[vector<16xi32>, vector<16xi32>, vector<16xi32>], vector<16xf32>,
        %mul3A_734 = arith.mulf %gather3A_732, %gather3A_733 : vector<16xf32>
        tpu.vector_store_idx %arg12[%shift_right_logical3A_728, %and3A_731, %add3A_314], %mul3A_734 : memref<8x8x128xf32, #tpu.memory_space<vmem>>[vector<16xi32>, vector<16xi32>, vector<16xi32>], vector<16xf32>,
        %scan3A_735 = arith.constant 7 : i32
        %scan3A_736 = arith.addi %scan3A_598, %scan3A_735 : i32
        %mul3A_737 = arith.constant 1 : i32
        %mul3A_738 = arith.muli %scan3A_736, %mul3A_737 : i32
        %add3A_739 = arith.constant 0 : i32
        %add3A_740 = arith.addi %add3A_739, %mul3A_738 : i32
        %add3A_741 = vector.broadcast %add3A_740 : i32 to vector<16xi32>
        %add3A_742 = arith.addi %iota3A, %add3A_741 : vector<16xi32>
        %and3A_743 = arith.constant 63 : i32
        %and3A_744 = vector.broadcast %and3A_743 : i32 to vector<16xi32>
        %and3A_745 = arith.andi %add3A_742, %and3A_744 : vector<16xi32>
        %shift_right_logical3A_746 = arith.constant 3 : i32
        %shift_right_logical3A_747 = vector.broadcast %shift_right_logical3A_746 : i32 to vector<16xi32>
        %shift_right_logical3A_748 = arith.shrui %and3A_745, %shift_right_logical3A_747 : vector<16xi32>
        %and3A_749 = arith.constant 7 : i32
        %and3A_750 = vector.broadcast %and3A_749 : i32 to vector<16xi32>
        %and3A_751 = arith.andi %and3A_745, %and3A_750 : vector<16xi32>
        %gather3A_752 = tpu.vector_load_idx %arg8[%add3A_314, %and3A_745] : memref<128x64xf32, #tpu.memory_space<vmem>>[vector<16xi32>, vector<16xi32>], vector<16xf32>,
        %gather3A_753 = tpu.vector_load_idx %arg10[%shift_right_logical3A_748, %and3A_751, %add3A_314] : memref<8x8x128xf32, #tpu.memory_space<vmem>>[vector<16xi32>, vector<16xi32>, vector<16xi32>], vector<16xf32>,
        %mul3A_754 = arith.mulf %gather3A_752, %gather3A_753 : vector<16xf32>
        tpu.vector_store_idx %arg12[%shift_right_logical3A_748, %and3A_751, %add3A_314], %mul3A_754 : memref<8x8x128xf32, #tpu.memory_space<vmem>>[vector<16xi32>, vector<16xi32>, vector<16xi32>], vector<16xf32>,
      }
      %scan3A_319 = arith.constant 64 : i32
      %add3A_320 = arith.constant 64 : i32
      %add3A_321 = vector.broadcast %add3A_320 : i32 to vector<16xi32>
      %add3A_322 = arith.addi %iota3A, %add3A_321 : vector<16xi32>
      %scan3A_323 = arith.constant 0 : i32
      %scan3A_324 = arith.constant 64 : i32
      %scan3A_325 = arith.addi %scan3A_323, %scan3A_324 : i32
      %scan3A_326 = arith.constant 8 : i32
      scf.for %scan3A_598 = %scan3A_323 to %scan3A_325 step %scan3A_326  : i32 {
        %mul3A_599 = arith.constant 1 : i32
        %mul3A_600 = arith.muli %scan3A_598, %mul3A_599 : i32
        %add3A_601 = arith.constant 0 : i32
        %add3A_602 = arith.addi %add3A_601, %mul3A_600 : i32
        %add3A_603 = vector.broadcast %add3A_602 : i32 to vector<16xi32>
        %add3A_604 = arith.addi %iota3A, %add3A_603 : vector<16xi32>
        %and3A_605 = arith.constant 63 : i32
        %and3A_606 = vector.broadcast %and3A_605 : i32 to vector<16xi32>
        %and3A_607 = arith.andi %add3A_604, %and3A_606 : vector<16xi32>
        %shift_right_logical3A = arith.constant 3 : i32
        %shift_right_logical3A_608 = vector.broadcast %shift_right_logical3A : i32 to vector<16xi32>
        %shift_right_logical3A_609 = arith.shrui %and3A_607, %shift_right_logical3A_608 : vector<16xi32>
        %and3A_610 = arith.constant 7 : i32
        %and3A_611 = vector.broadcast %and3A_610 : i32 to vector<16xi32>
        %and3A_612 = arith.andi %and3A_607, %and3A_611 : vector<16xi32>
        %gather3A = tpu.vector_load_idx %arg8[%add3A_322, %and3A_607] : memref<128x64xf32, #tpu.memory_space<vmem>>[vector<16xi32>, vector<16xi32>], vector<16xf32>,
        %gather3A_613 = tpu.vector_load_idx %arg10[%shift_right_logical3A_609, %and3A_612, %add3A_322] : memref<8x8x128xf32, #tpu.memory_space<vmem>>[vector<16xi32>, vector<16xi32>, vector<16xi32>], vector<16xf32>,
        %mul3A_614 = arith.mulf %gather3A, %gather3A_613 : vector<16xf32>
        tpu.vector_store_idx %arg12[%shift_right_logical3A_609, %and3A_612, %add3A_322], %mul3A_614 : memref<8x8x128xf32, #tpu.memory_space<vmem>>[vector<16xi32>, vector<16xi32>, vector<16xi32>], vector<16xf32>,
        %scan3A_615 = arith.constant 1 : i32
        %scan3A_616 = arith.addi %scan3A_598, %scan3A_615 : i32
        %mul3A_617 = arith.constant 1 : i32
        %mul3A_618 = arith.muli %scan3A_616, %mul3A_617 : i32
        %add3A_619 = arith.constant 0 : i32
        %add3A_620 = arith.addi %add3A_619, %mul3A_618 : i32
        %add3A_621 = vector.broadcast %add3A_620 : i32 to vector<16xi32>
        %add3A_622 = arith.addi %iota3A, %add3A_621 : vector<16xi32>
        %and3A_623 = arith.constant 63 : i32
        %and3A_624 = vector.broadcast %and3A_623 : i32 to vector<16xi32>
        %and3A_625 = arith.andi %add3A_622, %and3A_624 : vector<16xi32>
        %shift_right_logical3A_626 = arith.constant 3 : i32
        %shift_right_logical3A_627 = vector.broadcast %shift_right_logical3A_626 : i32 to vector<16xi32>
        %shift_right_logical3A_628 = arith.shrui %and3A_625, %shift_right_logical3A_627 : vector<16xi32>
        %and3A_629 = arith.constant 7 : i32
        %and3A_630 = vector.broadcast %and3A_629 : i32 to vector<16xi32>
        %and3A_631 = arith.andi %and3A_625, %and3A_630 : vector<16xi32>
        %gather3A_632 = tpu.vector_load_idx %arg8[%add3A_322, %and3A_625] : memref<128x64xf32, #tpu.memory_space<vmem>>[vector<16xi32>, vector<16xi32>], vector<16xf32>,
        %gather3A_633 = tpu.vector_load_idx %arg10[%shift_right_logical3A_628, %and3A_631, %add3A_322] : memref<8x8x128xf32, #tpu.memory_space<vmem>>[vector<16xi32>, vector<16xi32>, vector<16xi32>], vector<16xf32>,
        %mul3A_634 = arith.mulf %gather3A_632, %gather3A_633 : vector<16xf32>
        tpu.vector_store_idx %arg12[%shift_right_logical3A_628, %and3A_631, %add3A_322], %mul3A_634 : memref<8x8x128xf32, #tpu.memory_space<vmem>>[vector<16xi32>, vector<16xi32>, vector<16xi32>], vector<16xf32>,
        %scan3A_635 = arith.constant 2 : i32
        %scan3A_636 = arith.addi %scan3A_598, %scan3A_635 : i32
        %mul3A_637 = arith.constant 1 : i32
        %mul3A_638 = arith.muli %scan3A_636, %mul3A_637 : i32
        %add3A_639 = arith.constant 0 : i32
        %add3A_640 = arith.addi %add3A_639, %mul3A_638 : i32
        %add3A_641 = vector.broadcast %add3A_640 : i32 to vector<16xi32>
        %add3A_642 = arith.addi %iota3A, %add3A_641 : vector<16xi32>
        %and3A_643 = arith.constant 63 : i32
        %and3A_644 = vector.broadcast %and3A_643 : i32 to vector<16xi32>
        %and3A_645 = arith.andi %add3A_642, %and3A_644 : vector<16xi32>
        %shift_right_logical3A_646 = arith.constant 3 : i32
        %shift_right_logical3A_647 = vector.broadcast %shift_right_logical3A_646 : i32 to vector<16xi32>
        %shift_right_logical3A_648 = arith.shrui %and3A_645, %shift_right_logical3A_647 : vector<16xi32>
        %and3A_649 = arith.constant 7 : i32
        %and3A_650 = vector.broadcast %and3A_649 : i32 to vector<16xi32>
        %and3A_651 = arith.andi %and3A_645, %and3A_650 : vector<16xi32>
        %gather3A_652 = tpu.vector_load_idx %arg8[%add3A_322, %and3A_645] : memref<128x64xf32, #tpu.memory_space<vmem>>[vector<16xi32>, vector<16xi32>], vector<16xf32>,
        %gather3A_653 = tpu.vector_load_idx %arg10[%shift_right_logical3A_648, %and3A_651, %add3A_322] : memref<8x8x128xf32, #tpu.memory_space<vmem>>[vector<16xi32>, vector<16xi32>, vector<16xi32>], vector<16xf32>,
        %mul3A_654 = arith.mulf %gather3A_652, %gather3A_653 : vector<16xf32>
        tpu.vector_store_idx %arg12[%shift_right_logical3A_648, %and3A_651, %add3A_322], %mul3A_654 : memref<8x8x128xf32, #tpu.memory_space<vmem>>[vector<16xi32>, vector<16xi32>, vector<16xi32>], vector<16xf32>,
        %scan3A_655 = arith.constant 3 : i32
        %scan3A_656 = arith.addi %scan3A_598, %scan3A_655 : i32
        %mul3A_657 = arith.constant 1 : i32
        %mul3A_658 = arith.muli %scan3A_656, %mul3A_657 : i32
        %add3A_659 = arith.constant 0 : i32
        %add3A_660 = arith.addi %add3A_659, %mul3A_658 : i32
        %add3A_661 = vector.broadcast %add3A_660 : i32 to vector<16xi32>
        %add3A_662 = arith.addi %iota3A, %add3A_661 : vector<16xi32>
        %and3A_663 = arith.constant 63 : i32
        %and3A_664 = vector.broadcast %and3A_663 : i32 to vector<16xi32>
        %and3A_665 = arith.andi %add3A_662, %and3A_664 : vector<16xi32>
        %shift_right_logical3A_666 = arith.constant 3 : i32
        %shift_right_logical3A_667 = vector.broadcast %shift_right_logical3A_666 : i32 to vector<16xi32>
        %shift_right_logical3A_668 = arith.shrui %and3A_665, %shift_right_logical3A_667 : vector<16xi32>
        %and3A_669 = arith.constant 7 : i32
        %and3A_670 = vector.broadcast %and3A_669 : i32 to vector<16xi32>
        %and3A_671 = arith.andi %and3A_665, %and3A_670 : vector<16xi32>
        %gather3A_672 = tpu.vector_load_idx %arg8[%add3A_322, %and3A_665] : memref<128x64xf32, #tpu.memory_space<vmem>>[vector<16xi32>, vector<16xi32>], vector<16xf32>,
        %gather3A_673 = tpu.vector_load_idx %arg10[%shift_right_logical3A_668, %and3A_671, %add3A_322] : memref<8x8x128xf32, #tpu.memory_space<vmem>>[vector<16xi32>, vector<16xi32>, vector<16xi32>], vector<16xf32>,
        %mul3A_674 = arith.mulf %gather3A_672, %gather3A_673 : vector<16xf32>
        tpu.vector_store_idx %arg12[%shift_right_logical3A_668, %and3A_671, %add3A_322], %mul3A_674 : memref<8x8x128xf32, #tpu.memory_space<vmem>>[vector<16xi32>, vector<16xi32>, vector<16xi32>], vector<16xf32>,
        %scan3A_675 = arith.constant 4 : i32
        %scan3A_676 = arith.addi %scan3A_598, %scan3A_675 : i32
        %mul3A_677 = arith.constant 1 : i32
        %mul3A_678 = arith.muli %scan3A_676, %mul3A_677 : i32
        %add3A_679 = arith.constant 0 : i32
        %add3A_680 = arith.addi %add3A_679, %mul3A_678 : i32
        %add3A_681 = vector.broadcast %add3A_680 : i32 to vector<16xi32>
        %add3A_682 = arith.addi %iota3A, %add3A_681 : vector<16xi32>
        %and3A_683 = arith.constant 63 : i32
        %and3A_684 = vector.broadcast %and3A_683 : i32 to vector<16xi32>
        %and3A_685 = arith.andi %add3A_682, %and3A_684 : vector<16xi32>
        %shift_right_logical3A_686 = arith.constant 3 : i32
        %shift_right_logical3A_687 = vector.broadcast %shift_right_logical3A_686 : i32 to vector<16xi32>
        %shift_right_logical3A_688 = arith.shrui %and3A_685, %shift_right_logical3A_687 : vector<16xi32>
        %and3A_689 = arith.constant 7 : i32
        %and3A_690 = vector.broadcast %and3A_689 : i32 to vector<16xi32>
        %and3A_691 = arith.andi %and3A_685, %and3A_690 : vector<16xi32>
        %gather3A_692 = tpu.vector_load_idx %arg8[%add3A_322, %and3A_685] : memref<128x64xf32, #tpu.memory_space<vmem>>[vector<16xi32>, vector<16xi32>], vector<16xf32>,
        %gather3A_693 = tpu.vector_load_idx %arg10[%shift_right_logical3A_688, %and3A_691, %add3A_322] : memref<8x8x128xf32, #tpu.memory_space<vmem>>[vector<16xi32>, vector<16xi32>, vector<16xi32>], vector<16xf32>,
        %mul3A_694 = arith.mulf %gather3A_692, %gather3A_693 : vector<16xf32>
        tpu.vector_store_idx %arg12[%shift_right_logical3A_688, %and3A_691, %add3A_322], %mul3A_694 : memref<8x8x128xf32, #tpu.memory_space<vmem>>[vector<16xi32>, vector<16xi32>, vector<16xi32>], vector<16xf32>,
        %scan3A_695 = arith.constant 5 : i32
        %scan3A_696 = arith.addi %scan3A_598, %scan3A_695 : i32
        %mul3A_697 = arith.constant 1 : i32
        %mul3A_698 = arith.muli %scan3A_696, %mul3A_697 : i32
        %add3A_699 = arith.constant 0 : i32
        %add3A_700 = arith.addi %add3A_699, %mul3A_698 : i32
        %add3A_701 = vector.broadcast %add3A_700 : i32 to vector<16xi32>
        %add3A_702 = arith.addi %iota3A, %add3A_701 : vector<16xi32>
        %and3A_703 = arith.constant 63 : i32
        %and3A_704 = vector.broadcast %and3A_703 : i32 to vector<16xi32>
        %and3A_705 = arith.andi %add3A_702, %and3A_704 : vector<16xi32>
        %shift_right_logical3A_706 = arith.constant 3 : i32
        %shift_right_logical3A_707 = vector.broadcast %shift_right_logical3A_706 : i32 to vector<16xi32>
        %shift_right_logical3A_708 = arith.shrui %and3A_705, %shift_right_logical3A_707 : vector<16xi32>
        %and3A_709 = arith.constant 7 : i32
        %and3A_710 = vector.broadcast %and3A_709 : i32 to vector<16xi32>
        %and3A_711 = arith.andi %and3A_705, %and3A_710 : vector<16xi32>
        %gather3A_712 = tpu.vector_load_idx %arg8[%add3A_322, %and3A_705] : memref<128x64xf32, #tpu.memory_space<vmem>>[vector<16xi32>, vector<16xi32>], vector<16xf32>,
        %gather3A_713 = tpu.vector_load_idx %arg10[%shift_right_logical3A_708, %and3A_711, %add3A_322] : memref<8x8x128xf32, #tpu.memory_space<vmem>>[vector<16xi32>, vector<16xi32>, vector<16xi32>], vector<16xf32>,
        %mul3A_714 = arith.mulf %gather3A_712, %gather3A_713 : vector<16xf32>
        tpu.vector_store_idx %arg12[%shift_right_logical3A_708, %and3A_711, %add3A_322], %mul3A_714 : memref<8x8x128xf32, #tpu.memory_space<vmem>>[vector<16xi32>, vector<16xi32>, vector<16xi32>], vector<16xf32>,
        %scan3A_715 = arith.constant 6 : i32
        %scan3A_716 = arith.addi %scan3A_598, %scan3A_715 : i32
        %mul3A_717 = arith.constant 1 : i32
        %mul3A_718 = arith.muli %scan3A_716, %mul3A_717 : i32
        %add3A_719 = arith.constant 0 : i32
        %add3A_720 = arith.addi %add3A_719, %mul3A_718 : i32
        %add3A_721 = vector.broadcast %add3A_720 : i32 to vector<16xi32>
        %add3A_722 = arith.addi %iota3A, %add3A_721 : vector<16xi32>
        %and3A_723 = arith.constant 63 : i32
        %and3A_724 = vector.broadcast %and3A_723 : i32 to vector<16xi32>
        %and3A_725 = arith.andi %add3A_722, %and3A_724 : vector<16xi32>
        %shift_right_logical3A_726 = arith.constant 3 : i32
        %shift_right_logical3A_727 = vector.broadcast %shift_right_logical3A_726 : i32 to vector<16xi32>
        %shift_right_logical3A_728 = arith.shrui %and3A_725, %shift_right_logical3A_727 : vector<16xi32>
        %and3A_729 = arith.constant 7 : i32
        %and3A_730 = vector.broadcast %and3A_729 : i32 to vector<16xi32>
        %and3A_731 = arith.andi %and3A_725, %and3A_730 : vector<16xi32>
        %gather3A_732 = tpu.vector_load_idx %arg8[%add3A_322, %and3A_725] : memref<128x64xf32, #tpu.memory_space<vmem>>[vector<16xi32>, vector<16xi32>], vector<16xf32>,
        %gather3A_733 = tpu.vector_load_idx %arg10[%shift_right_logical3A_728, %and3A_731, %add3A_322] : memref<8x8x128xf32, #tpu.memory_space<vmem>>[vector<16xi32>, vector<16xi32>, vector<16xi32>], vector<16xf32>,
        %mul3A_734 = arith.mulf %gather3A_732, %gather3A_733 : vector<16xf32>
        tpu.vector_store_idx %arg12[%shift_right_logical3A_728, %and3A_731, %add3A_322], %mul3A_734 : memref<8x8x128xf32, #tpu.memory_space<vmem>>[vector<16xi32>, vector<16xi32>, vector<16xi32>], vector<16xf32>,
        %scan3A_735 = arith.constant 7 : i32
        %scan3A_736 = arith.addi %scan3A_598, %scan3A_735 : i32
        %mul3A_737 = arith.constant 1 : i32
        %mul3A_738 = arith.muli %scan3A_736, %mul3A_737 : i32
        %add3A_739 = arith.constant 0 : i32
        %add3A_740 = arith.addi %add3A_739, %mul3A_738 : i32
        %add3A_741 = vector.broadcast %add3A_740 : i32 to vector<16xi32>
        %add3A_742 = arith.addi %iota3A, %add3A_741 : vector<16xi32>
        %and3A_743 = arith.constant 63 : i32
        %and3A_744 = vector.broadcast %and3A_743 : i32 to vector<16xi32>
        %and3A_745 = arith.andi %add3A_742, %and3A_744 : vector<16xi32>
        %shift_right_logical3A_746 = arith.constant 3 : i32
        %shift_right_logical3A_747 = vector.broadcast %shift_right_logical3A_746 : i32 to vector<16xi32>
        %shift_right_logical3A_748 = arith.shrui %and3A_745, %shift_right_logical3A_747 : vector<16xi32>
        %and3A_749 = arith.constant 7 : i32
        %and3A_750 = vector.broadcast %and3A_749 : i32 to vector<16xi32>
        %and3A_751 = arith.andi %and3A_745, %and3A_750 : vector<16xi32>
        %gather3A_752 = tpu.vector_load_idx %arg8[%add3A_322, %and3A_745] : memref<128x64xf32, #tpu.memory_space<vmem>>[vector<16xi32>, vector<16xi32>], vector<16xf32>,
        %gather3A_753 = tpu.vector_load_idx %arg10[%shift_right_logical3A_748, %and3A_751, %add3A_322] : memref<8x8x128xf32, #tpu.memory_space<vmem>>[vector<16xi32>, vector<16xi32>, vector<16xi32>], vector<16xf32>,
        %mul3A_754 = arith.mulf %gather3A_752, %gather3A_753 : vector<16xf32>
        tpu.vector_store_idx %arg12[%shift_right_logical3A_748, %and3A_751, %add3A_322], %mul3A_754 : memref<8x8x128xf32, #tpu.memory_space<vmem>>[vector<16xi32>, vector<16xi32>, vector<16xi32>], vector<16xf32>,
      }
      %scan3A_327 = arith.constant 64 : i32
      %add3A_328 = arith.constant 80 : i32
      %add3A_329 = vector.broadcast %add3A_328 : i32 to vector<16xi32>
      %add3A_330 = arith.addi %iota3A, %add3A_329 : vector<16xi32>
      %scan3A_331 = arith.constant 0 : i32
      %scan3A_332 = arith.constant 64 : i32
      %scan3A_333 = arith.addi %scan3A_331, %scan3A_332 : i32
      %scan3A_334 = arith.constant 8 : i32
      scf.for %scan3A_598 = %scan3A_331 to %scan3A_333 step %scan3A_334  : i32 {
        %mul3A_599 = arith.constant 1 : i32
        %mul3A_600 = arith.muli %scan3A_598, %mul3A_599 : i32
        %add3A_601 = arith.constant 0 : i32
        %add3A_602 = arith.addi %add3A_601, %mul3A_600 : i32
        %add3A_603 = vector.broadcast %add3A_602 : i32 to vector<16xi32>
        %add3A_604 = arith.addi %iota3A, %add3A_603 : vector<16xi32>
        %and3A_605 = arith.constant 63 : i32
        %and3A_606 = vector.broadcast %and3A_605 : i32 to vector<16xi32>
        %and3A_607 = arith.andi %add3A_604, %and3A_606 : vector<16xi32>
        %shift_right_logical3A = arith.constant 3 : i32
        %shift_right_logical3A_608 = vector.broadcast %shift_right_logical3A : i32 to vector<16xi32>
        %shift_right_logical3A_609 = arith.shrui %and3A_607, %shift_right_logical3A_608 : vector<16xi32>
        %and3A_610 = arith.constant 7 : i32
        %and3A_611 = vector.broadcast %and3A_610 : i32 to vector<16xi32>
        %and3A_612 = arith.andi %and3A_607, %and3A_611 : vector<16xi32>
        %gather3A = tpu.vector_load_idx %arg8[%add3A_330, %and3A_607] : memref<128x64xf32, #tpu.memory_space<vmem>>[vector<16xi32>, vector<16xi32>], vector<16xf32>,
        %gather3A_613 = tpu.vector_load_idx %arg10[%shift_right_logical3A_609, %and3A_612, %add3A_330] : memref<8x8x128xf32, #tpu.memory_space<vmem>>[vector<16xi32>, vector<16xi32>, vector<16xi32>], vector<16xf32>,
        %mul3A_614 = arith.mulf %gather3A, %gather3A_613 : vector<16xf32>
        tpu.vector_store_idx %arg12[%shift_right_logical3A_609, %and3A_612, %add3A_330], %mul3A_614 : memref<8x8x128xf32, #tpu.memory_space<vmem>>[vector<16xi32>, vector<16xi32>, vector<16xi32>], vector<16xf32>,
        %scan3A_615 = arith.constant 1 : i32
        %scan3A_616 = arith.addi %scan3A_598, %scan3A_615 : i32
        %mul3A_617 = arith.constant 1 : i32
        %mul3A_618 = arith.muli %scan3A_616, %mul3A_617 : i32
        %add3A_619 = arith.constant 0 : i32
        %add3A_620 = arith.addi %add3A_619, %mul3A_618 : i32
        %add3A_621 = vector.broadcast %add3A_620 : i32 to vector<16xi32>
        %add3A_622 = arith.addi %iota3A, %add3A_621 : vector<16xi32>
        %and3A_623 = arith.constant 63 : i32
        %and3A_624 = vector.broadcast %and3A_623 : i32 to vector<16xi32>
        %and3A_625 = arith.andi %add3A_622, %and3A_624 : vector<16xi32>
        %shift_right_logical3A_626 = arith.constant 3 : i32
        %shift_right_logical3A_627 = vector.broadcast %shift_right_logical3A_626 : i32 to vector<16xi32>
        %shift_right_logical3A_628 = arith.shrui %and3A_625, %shift_right_logical3A_627 : vector<16xi32>
        %and3A_629 = arith.constant 7 : i32
        %and3A_630 = vector.broadcast %and3A_629 : i32 to vector<16xi32>
        %and3A_631 = arith.andi %and3A_625, %and3A_630 : vector<16xi32>
        %gather3A_632 = tpu.vector_load_idx %arg8[%add3A_330, %and3A_625] : memref<128x64xf32, #tpu.memory_space<vmem>>[vector<16xi32>, vector<16xi32>], vector<16xf32>,
        %gather3A_633 = tpu.vector_load_idx %arg10[%shift_right_logical3A_628, %and3A_631, %add3A_330] : memref<8x8x128xf32, #tpu.memory_space<vmem>>[vector<16xi32>, vector<16xi32>, vector<16xi32>], vector<16xf32>,
        %mul3A_634 = arith.mulf %gather3A_632, %gather3A_633 : vector<16xf32>
        tpu.vector_store_idx %arg12[%shift_right_logical3A_628, %and3A_631, %add3A_330], %mul3A_634 : memref<8x8x128xf32, #tpu.memory_space<vmem>>[vector<16xi32>, vector<16xi32>, vector<16xi32>], vector<16xf32>,
        %scan3A_635 = arith.constant 2 : i32
        %scan3A_636 = arith.addi %scan3A_598, %scan3A_635 : i32
        %mul3A_637 = arith.constant 1 : i32
        %mul3A_638 = arith.muli %scan3A_636, %mul3A_637 : i32
        %add3A_639 = arith.constant 0 : i32
        %add3A_640 = arith.addi %add3A_639, %mul3A_638 : i32
        %add3A_641 = vector.broadcast %add3A_640 : i32 to vector<16xi32>
        %add3A_642 = arith.addi %iota3A, %add3A_641 : vector<16xi32>
        %and3A_643 = arith.constant 63 : i32
        %and3A_644 = vector.broadcast %and3A_643 : i32 to vector<16xi32>
        %and3A_645 = arith.andi %add3A_642, %and3A_644 : vector<16xi32>
        %shift_right_logical3A_646 = arith.constant 3 : i32
        %shift_right_logical3A_647 = vector.broadcast %shift_right_logical3A_646 : i32 to vector<16xi32>
        %shift_right_logical3A_648 = arith.shrui %and3A_645, %shift_right_logical3A_647 : vector<16xi32>
        %and3A_649 = arith.constant 7 : i32
        %and3A_650 = vector.broadcast %and3A_649 : i32 to vector<16xi32>
        %and3A_651 = arith.andi %and3A_645, %and3A_650 : vector<16xi32>
        %gather3A_652 = tpu.vector_load_idx %arg8[%add3A_330, %and3A_645] : memref<128x64xf32, #tpu.memory_space<vmem>>[vector<16xi32>, vector<16xi32>], vector<16xf32>,
        %gather3A_653 = tpu.vector_load_idx %arg10[%shift_right_logical3A_648, %and3A_651, %add3A_330] : memref<8x8x128xf32, #tpu.memory_space<vmem>>[vector<16xi32>, vector<16xi32>, vector<16xi32>], vector<16xf32>,
        %mul3A_654 = arith.mulf %gather3A_652, %gather3A_653 : vector<16xf32>
        tpu.vector_store_idx %arg12[%shift_right_logical3A_648, %and3A_651, %add3A_330], %mul3A_654 : memref<8x8x128xf32, #tpu.memory_space<vmem>>[vector<16xi32>, vector<16xi32>, vector<16xi32>], vector<16xf32>,
        %scan3A_655 = arith.constant 3 : i32
        %scan3A_656 = arith.addi %scan3A_598, %scan3A_655 : i32
        %mul3A_657 = arith.constant 1 : i32
        %mul3A_658 = arith.muli %scan3A_656, %mul3A_657 : i32
        %add3A_659 = arith.constant 0 : i32
        %add3A_660 = arith.addi %add3A_659, %mul3A_658 : i32
        %add3A_661 = vector.broadcast %add3A_660 : i32 to vector<16xi32>
        %add3A_662 = arith.addi %iota3A, %add3A_661 : vector<16xi32>
        %and3A_663 = arith.constant 63 : i32
        %and3A_664 = vector.broadcast %and3A_663 : i32 to vector<16xi32>
        %and3A_665 = arith.andi %add3A_662, %and3A_664 : vector<16xi32>
        %shift_right_logical3A_666 = arith.constant 3 : i32
        %shift_right_logical3A_667 = vector.broadcast %shift_right_logical3A_666 : i32 to vector<16xi32>
        %shift_right_logical3A_668 = arith.shrui %and3A_665, %shift_right_logical3A_667 : vector<16xi32>
        %and3A_669 = arith.constant 7 : i32
        %and3A_670 = vector.broadcast %and3A_669 : i32 to vector<16xi32>
        %and3A_671 = arith.andi %and3A_665, %and3A_670 : vector<16xi32>
        %gather3A_672 = tpu.vector_load_idx %arg8[%add3A_330, %and3A_665] : memref<128x64xf32, #tpu.memory_space<vmem>>[vector<16xi32>, vector<16xi32>], vector<16xf32>,
        %gather3A_673 = tpu.vector_load_idx %arg10[%shift_right_logical3A_668, %and3A_671, %add3A_330] : memref<8x8x128xf32, #tpu.memory_space<vmem>>[vector<16xi32>, vector<16xi32>, vector<16xi32>], vector<16xf32>,
        %mul3A_674 = arith.mulf %gather3A_672, %gather3A_673 : vector<16xf32>
        tpu.vector_store_idx %arg12[%shift_right_logical3A_668, %and3A_671, %add3A_330], %mul3A_674 : memref<8x8x128xf32, #tpu.memory_space<vmem>>[vector<16xi32>, vector<16xi32>, vector<16xi32>], vector<16xf32>,
        %scan3A_675 = arith.constant 4 : i32
        %scan3A_676 = arith.addi %scan3A_598, %scan3A_675 : i32
        %mul3A_677 = arith.constant 1 : i32
        %mul3A_678 = arith.muli %scan3A_676, %mul3A_677 : i32
        %add3A_679 = arith.constant 0 : i32
        %add3A_680 = arith.addi %add3A_679, %mul3A_678 : i32
        %add3A_681 = vector.broadcast %add3A_680 : i32 to vector<16xi32>
        %add3A_682 = arith.addi %iota3A, %add3A_681 : vector<16xi32>
        %and3A_683 = arith.constant 63 : i32
        %and3A_684 = vector.broadcast %and3A_683 : i32 to vector<16xi32>
        %and3A_685 = arith.andi %add3A_682, %and3A_684 : vector<16xi32>
        %shift_right_logical3A_686 = arith.constant 3 : i32
        %shift_right_logical3A_687 = vector.broadcast %shift_right_logical3A_686 : i32 to vector<16xi32>
        %shift_right_logical3A_688 = arith.shrui %and3A_685, %shift_right_logical3A_687 : vector<16xi32>
        %and3A_689 = arith.constant 7 : i32
        %and3A_690 = vector.broadcast %and3A_689 : i32 to vector<16xi32>
        %and3A_691 = arith.andi %and3A_685, %and3A_690 : vector<16xi32>
        %gather3A_692 = tpu.vector_load_idx %arg8[%add3A_330, %and3A_685] : memref<128x64xf32, #tpu.memory_space<vmem>>[vector<16xi32>, vector<16xi32>], vector<16xf32>,
        %gather3A_693 = tpu.vector_load_idx %arg10[%shift_right_logical3A_688, %and3A_691, %add3A_330] : memref<8x8x128xf32, #tpu.memory_space<vmem>>[vector<16xi32>, vector<16xi32>, vector<16xi32>], vector<16xf32>,
        %mul3A_694 = arith.mulf %gather3A_692, %gather3A_693 : vector<16xf32>
        tpu.vector_store_idx %arg12[%shift_right_logical3A_688, %and3A_691, %add3A_330], %mul3A_694 : memref<8x8x128xf32, #tpu.memory_space<vmem>>[vector<16xi32>, vector<16xi32>, vector<16xi32>], vector<16xf32>,
        %scan3A_695 = arith.constant 5 : i32
        %scan3A_696 = arith.addi %scan3A_598, %scan3A_695 : i32
        %mul3A_697 = arith.constant 1 : i32
        %mul3A_698 = arith.muli %scan3A_696, %mul3A_697 : i32
        %add3A_699 = arith.constant 0 : i32
        %add3A_700 = arith.addi %add3A_699, %mul3A_698 : i32
        %add3A_701 = vector.broadcast %add3A_700 : i32 to vector<16xi32>
        %add3A_702 = arith.addi %iota3A, %add3A_701 : vector<16xi32>
        %and3A_703 = arith.constant 63 : i32
        %and3A_704 = vector.broadcast %and3A_703 : i32 to vector<16xi32>
        %and3A_705 = arith.andi %add3A_702, %and3A_704 : vector<16xi32>
        %shift_right_logical3A_706 = arith.constant 3 : i32
        %shift_right_logical3A_707 = vector.broadcast %shift_right_logical3A_706 : i32 to vector<16xi32>
        %shift_right_logical3A_708 = arith.shrui %and3A_705, %shift_right_logical3A_707 : vector<16xi32>
        %and3A_709 = arith.constant 7 : i32
        %and3A_710 = vector.broadcast %and3A_709 : i32 to vector<16xi32>
        %and3A_711 = arith.andi %and3A_705, %and3A_710 : vector<16xi32>
        %gather3A_712 = tpu.vector_load_idx %arg8[%add3A_330, %and3A_705] : memref<128x64xf32, #tpu.memory_space<vmem>>[vector<16xi32>, vector<16xi32>], vector<16xf32>,
        %gather3A_713 = tpu.vector_load_idx %arg10[%shift_right_logical3A_708, %and3A_711, %add3A_330] : memref<8x8x128xf32, #tpu.memory_space<vmem>>[vector<16xi32>, vector<16xi32>, vector<16xi32>], vector<16xf32>,
        %mul3A_714 = arith.mulf %gather3A_712, %gather3A_713 : vector<16xf32>
        tpu.vector_store_idx %arg12[%shift_right_logical3A_708, %and3A_711, %add3A_330], %mul3A_714 : memref<8x8x128xf32, #tpu.memory_space<vmem>>[vector<16xi32>, vector<16xi32>, vector<16xi32>], vector<16xf32>,
        %scan3A_715 = arith.constant 6 : i32
        %scan3A_716 = arith.addi %scan3A_598, %scan3A_715 : i32
        %mul3A_717 = arith.constant 1 : i32
        %mul3A_718 = arith.muli %scan3A_716, %mul3A_717 : i32
        %add3A_719 = arith.constant 0 : i32
        %add3A_720 = arith.addi %add3A_719, %mul3A_718 : i32
        %add3A_721 = vector.broadcast %add3A_720 : i32 to vector<16xi32>
        %add3A_722 = arith.addi %iota3A, %add3A_721 : vector<16xi32>
        %and3A_723 = arith.constant 63 : i32
        %and3A_724 = vector.broadcast %and3A_723 : i32 to vector<16xi32>
        %and3A_725 = arith.andi %add3A_722, %and3A_724 : vector<16xi32>
        %shift_right_logical3A_726 = arith.constant 3 : i32
        %shift_right_logical3A_727 = vector.broadcast %shift_right_logical3A_726 : i32 to vector<16xi32>
        %shift_right_logical3A_728 = arith.shrui %and3A_725, %shift_right_logical3A_727 : vector<16xi32>
        %and3A_729 = arith.constant 7 : i32
        %and3A_730 = vector.broadcast %and3A_729 : i32 to vector<16xi32>
        %and3A_731 = arith.andi %and3A_725, %and3A_730 : vector<16xi32>
        %gather3A_732 = tpu.vector_load_idx %arg8[%add3A_330, %and3A_725] : memref<128x64xf32, #tpu.memory_space<vmem>>[vector<16xi32>, vector<16xi32>], vector<16xf32>,
        %gather3A_733 = tpu.vector_load_idx %arg10[%shift_right_logical3A_728, %and3A_731, %add3A_330] : memref<8x8x128xf32, #tpu.memory_space<vmem>>[vector<16xi32>, vector<16xi32>, vector<16xi32>], vector<16xf32>,
        %mul3A_734 = arith.mulf %gather3A_732, %gather3A_733 : vector<16xf32>
        tpu.vector_store_idx %arg12[%shift_right_logical3A_728, %and3A_731, %add3A_330], %mul3A_734 : memref<8x8x128xf32, #tpu.memory_space<vmem>>[vector<16xi32>, vector<16xi32>, vector<16xi32>], vector<16xf32>,
        %scan3A_735 = arith.constant 7 : i32
        %scan3A_736 = arith.addi %scan3A_598, %scan3A_735 : i32
        %mul3A_737 = arith.constant 1 : i32
        %mul3A_738 = arith.muli %scan3A_736, %mul3A_737 : i32
        %add3A_739 = arith.constant 0 : i32
        %add3A_740 = arith.addi %add3A_739, %mul3A_738 : i32
        %add3A_741 = vector.broadcast %add3A_740 : i32 to vector<16xi32>
        %add3A_742 = arith.addi %iota3A, %add3A_741 : vector<16xi32>
        %and3A_743 = arith.constant 63 : i32
        %and3A_744 = vector.broadcast %and3A_743 : i32 to vector<16xi32>
        %and3A_745 = arith.andi %add3A_742, %and3A_744 : vector<16xi32>
        %shift_right_logical3A_746 = arith.constant 3 : i32
        %shift_right_logical3A_747 = vector.broadcast %shift_right_logical3A_746 : i32 to vector<16xi32>
        %shift_right_logical3A_748 = arith.shrui %and3A_745, %shift_right_logical3A_747 : vector<16xi32>
        %and3A_749 = arith.constant 7 : i32
        %and3A_750 = vector.broadcast %and3A_749 : i32 to vector<16xi32>
        %and3A_751 = arith.andi %and3A_745, %and3A_750 : vector<16xi32>
        %gather3A_752 = tpu.vector_load_idx %arg8[%add3A_330, %and3A_745] : memref<128x64xf32, #tpu.memory_space<vmem>>[vector<16xi32>, vector<16xi32>], vector<16xf32>,
        %gather3A_753 = tpu.vector_load_idx %arg10[%shift_right_logical3A_748, %and3A_751, %add3A_330] : memref<8x8x128xf32, #tpu.memory_space<vmem>>[vector<16xi32>, vector<16xi32>, vector<16xi32>], vector<16xf32>,
        %mul3A_754 = arith.mulf %gather3A_752, %gather3A_753 : vector<16xf32>
        tpu.vector_store_idx %arg12[%shift_right_logical3A_748, %and3A_751, %add3A_330], %mul3A_754 : memref<8x8x128xf32, #tpu.memory_space<vmem>>[vector<16xi32>, vector<16xi32>, vector<16xi32>], vector<16xf32>,
      }
      %scan3A_335 = arith.constant 64 : i32
      %add3A_336 = arith.constant 96 : i32
      %add3A_337 = vector.broadcast %add3A_336 : i32 to vector<16xi32>
      %add3A_338 = arith.addi %iota3A, %add3A_337 : vector<16xi32>
      %scan3A_339 = arith.constant 0 : i32
      %scan3A_340 = arith.constant 64 : i32
      %scan3A_341 = arith.addi %scan3A_339, %scan3A_340 : i32
      %scan3A_342 = arith.constant 8 : i32
      scf.for %scan3A_598 = %scan3A_339 to %scan3A_341 step %scan3A_342  : i32 {
        %mul3A_599 = arith.constant 1 : i32
        %mul3A_600 = arith.muli %scan3A_598, %mul3A_599 : i32
        %add3A_601 = arith.constant 0 : i32
        %add3A_602 = arith.addi %add3A_601, %mul3A_600 : i32
        %add3A_603 = vector.broadcast %add3A_602 : i32 to vector<16xi32>
        %add3A_604 = arith.addi %iota3A, %add3A_603 : vector<16xi32>
        %and3A_605 = arith.constant 63 : i32
        %and3A_606 = vector.broadcast %and3A_605 : i32 to vector<16xi32>
        %and3A_607 = arith.andi %add3A_604, %and3A_606 : vector<16xi32>
        %shift_right_logical3A = arith.constant 3 : i32
        %shift_right_logical3A_608 = vector.broadcast %shift_right_logical3A : i32 to vector<16xi32>
        %shift_right_logical3A_609 = arith.shrui %and3A_607, %shift_right_logical3A_608 : vector<16xi32>
        %and3A_610 = arith.constant 7 : i32
        %and3A_611 = vector.broadcast %and3A_610 : i32 to vector<16xi32>
        %and3A_612 = arith.andi %and3A_607, %and3A_611 : vector<16xi32>
        %gather3A = tpu.vector_load_idx %arg8[%add3A_338, %and3A_607] : memref<128x64xf32, #tpu.memory_space<vmem>>[vector<16xi32>, vector<16xi32>], vector<16xf32>,
        %gather3A_613 = tpu.vector_load_idx %arg10[%shift_right_logical3A_609, %and3A_612, %add3A_338] : memref<8x8x128xf32, #tpu.memory_space<vmem>>[vector<16xi32>, vector<16xi32>, vector<16xi32>], vector<16xf32>,
        %mul3A_614 = arith.mulf %gather3A, %gather3A_613 : vector<16xf32>
        tpu.vector_store_idx %arg12[%shift_right_logical3A_609, %and3A_612, %add3A_338], %mul3A_614 : memref<8x8x128xf32, #tpu.memory_space<vmem>>[vector<16xi32>, vector<16xi32>, vector<16xi32>], vector<16xf32>,
        %scan3A_615 = arith.constant 1 : i32
        %scan3A_616 = arith.addi %scan3A_598, %scan3A_615 : i32
        %mul3A_617 = arith.constant 1 : i32
        %mul3A_618 = arith.muli %scan3A_616, %mul3A_617 : i32
        %add3A_619 = arith.constant 0 : i32
        %add3A_620 = arith.addi %add3A_619, %mul3A_618 : i32
        %add3A_621 = vector.broadcast %add3A_620 : i32 to vector<16xi32>
        %add3A_622 = arith.addi %iota3A, %add3A_621 : vector<16xi32>
        %and3A_623 = arith.constant 63 : i32
        %and3A_624 = vector.broadcast %and3A_623 : i32 to vector<16xi32>
        %and3A_625 = arith.andi %add3A_622, %and3A_624 : vector<16xi32>
        %shift_right_logical3A_626 = arith.constant 3 : i32
        %shift_right_logical3A_627 = vector.broadcast %shift_right_logical3A_626 : i32 to vector<16xi32>
        %shift_right_logical3A_628 = arith.shrui %and3A_625, %shift_right_logical3A_627 : vector<16xi32>
        %and3A_629 = arith.constant 7 : i32
        %and3A_630 = vector.broadcast %and3A_629 : i32 to vector<16xi32>
        %and3A_631 = arith.andi %and3A_625, %and3A_630 : vector<16xi32>
        %gather3A_632 = tpu.vector_load_idx %arg8[%add3A_338, %and3A_625] : memref<128x64xf32, #tpu.memory_space<vmem>>[vector<16xi32>, vector<16xi32>], vector<16xf32>,
        %gather3A_633 = tpu.vector_load_idx %arg10[%shift_right_logical3A_628, %and3A_631, %add3A_338] : memref<8x8x128xf32, #tpu.memory_space<vmem>>[vector<16xi32>, vector<16xi32>, vector<16xi32>], vector<16xf32>,
        %mul3A_634 = arith.mulf %gather3A_632, %gather3A_633 : vector<16xf32>
        tpu.vector_store_idx %arg12[%shift_right_logical3A_628, %and3A_631, %add3A_338], %mul3A_634 : memref<8x8x128xf32, #tpu.memory_space<vmem>>[vector<16xi32>, vector<16xi32>, vector<16xi32>], vector<16xf32>,
        %scan3A_635 = arith.constant 2 : i32
        %scan3A_636 = arith.addi %scan3A_598, %scan3A_635 : i32
        %mul3A_637 = arith.constant 1 : i32
        %mul3A_638 = arith.muli %scan3A_636, %mul3A_637 : i32
        %add3A_639 = arith.constant 0 : i32
        %add3A_640 = arith.addi %add3A_639, %mul3A_638 : i32
        %add3A_641 = vector.broadcast %add3A_640 : i32 to vector<16xi32>
        %add3A_642 = arith.addi %iota3A, %add3A_641 : vector<16xi32>
        %and3A_643 = arith.constant 63 : i32
        %and3A_644 = vector.broadcast %and3A_643 : i32 to vector<16xi32>
        %and3A_645 = arith.andi %add3A_642, %and3A_644 : vector<16xi32>
        %shift_right_logical3A_646 = arith.constant 3 : i32
        %shift_right_logical3A_647 = vector.broadcast %shift_right_logical3A_646 : i32 to vector<16xi32>
        %shift_right_logical3A_648 = arith.shrui %and3A_645, %shift_right_logical3A_647 : vector<16xi32>
        %and3A_649 = arith.constant 7 : i32
        %and3A_650 = vector.broadcast %and3A_649 : i32 to vector<16xi32>
        %and3A_651 = arith.andi %and3A_645, %and3A_650 : vector<16xi32>
        %gather3A_652 = tpu.vector_load_idx %arg8[%add3A_338, %and3A_645] : memref<128x64xf32, #tpu.memory_space<vmem>>[vector<16xi32>, vector<16xi32>], vector<16xf32>,
        %gather3A_653 = tpu.vector_load_idx %arg10[%shift_right_logical3A_648, %and3A_651, %add3A_338] : memref<8x8x128xf32, #tpu.memory_space<vmem>>[vector<16xi32>, vector<16xi32>, vector<16xi32>], vector<16xf32>,
        %mul3A_654 = arith.mulf %gather3A_652, %gather3A_653 : vector<16xf32>
        tpu.vector_store_idx %arg12[%shift_right_logical3A_648, %and3A_651, %add3A_338], %mul3A_654 : memref<8x8x128xf32, #tpu.memory_space<vmem>>[vector<16xi32>, vector<16xi32>, vector<16xi32>], vector<16xf32>,
        %scan3A_655 = arith.constant 3 : i32
        %scan3A_656 = arith.addi %scan3A_598, %scan3A_655 : i32
        %mul3A_657 = arith.constant 1 : i32
        %mul3A_658 = arith.muli %scan3A_656, %mul3A_657 : i32
        %add3A_659 = arith.constant 0 : i32
        %add3A_660 = arith.addi %add3A_659, %mul3A_658 : i32
        %add3A_661 = vector.broadcast %add3A_660 : i32 to vector<16xi32>
        %add3A_662 = arith.addi %iota3A, %add3A_661 : vector<16xi32>
        %and3A_663 = arith.constant 63 : i32
        %and3A_664 = vector.broadcast %and3A_663 : i32 to vector<16xi32>
        %and3A_665 = arith.andi %add3A_662, %and3A_664 : vector<16xi32>
        %shift_right_logical3A_666 = arith.constant 3 : i32
        %shift_right_logical3A_667 = vector.broadcast %shift_right_logical3A_666 : i32 to vector<16xi32>
        %shift_right_logical3A_668 = arith.shrui %and3A_665, %shift_right_logical3A_667 : vector<16xi32>
        %and3A_669 = arith.constant 7 : i32
        %and3A_670 = vector.broadcast %and3A_669 : i32 to vector<16xi32>
        %and3A_671 = arith.andi %and3A_665, %and3A_670 : vector<16xi32>
        %gather3A_672 = tpu.vector_load_idx %arg8[%add3A_338, %and3A_665] : memref<128x64xf32, #tpu.memory_space<vmem>>[vector<16xi32>, vector<16xi32>], vector<16xf32>,
        %gather3A_673 = tpu.vector_load_idx %arg10[%shift_right_logical3A_668, %and3A_671, %add3A_338] : memref<8x8x128xf32, #tpu.memory_space<vmem>>[vector<16xi32>, vector<16xi32>, vector<16xi32>], vector<16xf32>,
        %mul3A_674 = arith.mulf %gather3A_672, %gather3A_673 : vector<16xf32>
        tpu.vector_store_idx %arg12[%shift_right_logical3A_668, %and3A_671, %add3A_338], %mul3A_674 : memref<8x8x128xf32, #tpu.memory_space<vmem>>[vector<16xi32>, vector<16xi32>, vector<16xi32>], vector<16xf32>,
        %scan3A_675 = arith.constant 4 : i32
        %scan3A_676 = arith.addi %scan3A_598, %scan3A_675 : i32
        %mul3A_677 = arith.constant 1 : i32
        %mul3A_678 = arith.muli %scan3A_676, %mul3A_677 : i32
        %add3A_679 = arith.constant 0 : i32
        %add3A_680 = arith.addi %add3A_679, %mul3A_678 : i32
        %add3A_681 = vector.broadcast %add3A_680 : i32 to vector<16xi32>
        %add3A_682 = arith.addi %iota3A, %add3A_681 : vector<16xi32>
        %and3A_683 = arith.constant 63 : i32
        %and3A_684 = vector.broadcast %and3A_683 : i32 to vector<16xi32>
        %and3A_685 = arith.andi %add3A_682, %and3A_684 : vector<16xi32>
        %shift_right_logical3A_686 = arith.constant 3 : i32
        %shift_right_logical3A_687 = vector.broadcast %shift_right_logical3A_686 : i32 to vector<16xi32>
        %shift_right_logical3A_688 = arith.shrui %and3A_685, %shift_right_logical3A_687 : vector<16xi32>
        %and3A_689 = arith.constant 7 : i32
        %and3A_690 = vector.broadcast %and3A_689 : i32 to vector<16xi32>
        %and3A_691 = arith.andi %and3A_685, %and3A_690 : vector<16xi32>
        %gather3A_692 = tpu.vector_load_idx %arg8[%add3A_338, %and3A_685] : memref<128x64xf32, #tpu.memory_space<vmem>>[vector<16xi32>, vector<16xi32>], vector<16xf32>,
        %gather3A_693 = tpu.vector_load_idx %arg10[%shift_right_logical3A_688, %and3A_691, %add3A_338] : memref<8x8x128xf32, #tpu.memory_space<vmem>>[vector<16xi32>, vector<16xi32>, vector<16xi32>], vector<16xf32>,
        %mul3A_694 = arith.mulf %gather3A_692, %gather3A_693 : vector<16xf32>
        tpu.vector_store_idx %arg12[%shift_right_logical3A_688, %and3A_691, %add3A_338], %mul3A_694 : memref<8x8x128xf32, #tpu.memory_space<vmem>>[vector<16xi32>, vector<16xi32>, vector<16xi32>], vector<16xf32>,
        %scan3A_695 = arith.constant 5 : i32
        %scan3A_696 = arith.addi %scan3A_598, %scan3A_695 : i32
        %mul3A_697 = arith.constant 1 : i32
        %mul3A_698 = arith.muli %scan3A_696, %mul3A_697 : i32
        %add3A_699 = arith.constant 0 : i32
        %add3A_700 = arith.addi %add3A_699, %mul3A_698 : i32
        %add3A_701 = vector.broadcast %add3A_700 : i32 to vector<16xi32>
        %add3A_702 = arith.addi %iota3A, %add3A_701 : vector<16xi32>
        %and3A_703 = arith.constant 63 : i32
        %and3A_704 = vector.broadcast %and3A_703 : i32 to vector<16xi32>
        %and3A_705 = arith.andi %add3A_702, %and3A_704 : vector<16xi32>
        %shift_right_logical3A_706 = arith.constant 3 : i32
        %shift_right_logical3A_707 = vector.broadcast %shift_right_logical3A_706 : i32 to vector<16xi32>
        %shift_right_logical3A_708 = arith.shrui %and3A_705, %shift_right_logical3A_707 : vector<16xi32>
        %and3A_709 = arith.constant 7 : i32
        %and3A_710 = vector.broadcast %and3A_709 : i32 to vector<16xi32>
        %and3A_711 = arith.andi %and3A_705, %and3A_710 : vector<16xi32>
        %gather3A_712 = tpu.vector_load_idx %arg8[%add3A_338, %and3A_705] : memref<128x64xf32, #tpu.memory_space<vmem>>[vector<16xi32>, vector<16xi32>], vector<16xf32>,
        %gather3A_713 = tpu.vector_load_idx %arg10[%shift_right_logical3A_708, %and3A_711, %add3A_338] : memref<8x8x128xf32, #tpu.memory_space<vmem>>[vector<16xi32>, vector<16xi32>, vector<16xi32>], vector<16xf32>,
        %mul3A_714 = arith.mulf %gather3A_712, %gather3A_713 : vector<16xf32>
        tpu.vector_store_idx %arg12[%shift_right_logical3A_708, %and3A_711, %add3A_338], %mul3A_714 : memref<8x8x128xf32, #tpu.memory_space<vmem>>[vector<16xi32>, vector<16xi32>, vector<16xi32>], vector<16xf32>,
        %scan3A_715 = arith.constant 6 : i32
        %scan3A_716 = arith.addi %scan3A_598, %scan3A_715 : i32
        %mul3A_717 = arith.constant 1 : i32
        %mul3A_718 = arith.muli %scan3A_716, %mul3A_717 : i32
        %add3A_719 = arith.constant 0 : i32
        %add3A_720 = arith.addi %add3A_719, %mul3A_718 : i32
        %add3A_721 = vector.broadcast %add3A_720 : i32 to vector<16xi32>
        %add3A_722 = arith.addi %iota3A, %add3A_721 : vector<16xi32>
        %and3A_723 = arith.constant 63 : i32
        %and3A_724 = vector.broadcast %and3A_723 : i32 to vector<16xi32>
        %and3A_725 = arith.andi %add3A_722, %and3A_724 : vector<16xi32>
        %shift_right_logical3A_726 = arith.constant 3 : i32
        %shift_right_logical3A_727 = vector.broadcast %shift_right_logical3A_726 : i32 to vector<16xi32>
        %shift_right_logical3A_728 = arith.shrui %and3A_725, %shift_right_logical3A_727 : vector<16xi32>
        %and3A_729 = arith.constant 7 : i32
        %and3A_730 = vector.broadcast %and3A_729 : i32 to vector<16xi32>
        %and3A_731 = arith.andi %and3A_725, %and3A_730 : vector<16xi32>
        %gather3A_732 = tpu.vector_load_idx %arg8[%add3A_338, %and3A_725] : memref<128x64xf32, #tpu.memory_space<vmem>>[vector<16xi32>, vector<16xi32>], vector<16xf32>,
        %gather3A_733 = tpu.vector_load_idx %arg10[%shift_right_logical3A_728, %and3A_731, %add3A_338] : memref<8x8x128xf32, #tpu.memory_space<vmem>>[vector<16xi32>, vector<16xi32>, vector<16xi32>], vector<16xf32>,
        %mul3A_734 = arith.mulf %gather3A_732, %gather3A_733 : vector<16xf32>
        tpu.vector_store_idx %arg12[%shift_right_logical3A_728, %and3A_731, %add3A_338], %mul3A_734 : memref<8x8x128xf32, #tpu.memory_space<vmem>>[vector<16xi32>, vector<16xi32>, vector<16xi32>], vector<16xf32>,
        %scan3A_735 = arith.constant 7 : i32
        %scan3A_736 = arith.addi %scan3A_598, %scan3A_735 : i32
        %mul3A_737 = arith.constant 1 : i32
        %mul3A_738 = arith.muli %scan3A_736, %mul3A_737 : i32
        %add3A_739 = arith.constant 0 : i32
        %add3A_740 = arith.addi %add3A_739, %mul3A_738 : i32
        %add3A_741 = vector.broadcast %add3A_740 : i32 to vector<16xi32>
        %add3A_742 = arith.addi %iota3A, %add3A_741 : vector<16xi32>
        %and3A_743 = arith.constant 63 : i32
        %and3A_744 = vector.broadcast %and3A_743 : i32 to vector<16xi32>
        %and3A_745 = arith.andi %add3A_742, %and3A_744 : vector<16xi32>
        %shift_right_logical3A_746 = arith.constant 3 : i32
        %shift_right_logical3A_747 = vector.broadcast %shift_right_logical3A_746 : i32 to vector<16xi32>
        %shift_right_logical3A_748 = arith.shrui %and3A_745, %shift_right_logical3A_747 : vector<16xi32>
        %and3A_749 = arith.constant 7 : i32
        %and3A_750 = vector.broadcast %and3A_749 : i32 to vector<16xi32>
        %and3A_751 = arith.andi %and3A_745, %and3A_750 : vector<16xi32>
        %gather3A_752 = tpu.vector_load_idx %arg8[%add3A_338, %and3A_745] : memref<128x64xf32, #tpu.memory_space<vmem>>[vector<16xi32>, vector<16xi32>], vector<16xf32>,
        %gather3A_753 = tpu.vector_load_idx %arg10[%shift_right_logical3A_748, %and3A_751, %add3A_338] : memref<8x8x128xf32, #tpu.memory_space<vmem>>[vector<16xi32>, vector<16xi32>, vector<16xi32>], vector<16xf32>,
        %mul3A_754 = arith.mulf %gather3A_752, %gather3A_753 : vector<16xf32>
        tpu.vector_store_idx %arg12[%shift_right_logical3A_748, %and3A_751, %add3A_338], %mul3A_754 : memref<8x8x128xf32, #tpu.memory_space<vmem>>[vector<16xi32>, vector<16xi32>, vector<16xi32>], vector<16xf32>,
      }
      %scan3A_343 = arith.constant 64 : i32
      %add3A_344 = arith.constant 112 : i32
      %add3A_345 = vector.broadcast %add3A_344 : i32 to vector<16xi32>
      %add3A_346 = arith.addi %iota3A, %add3A_345 : vector<16xi32>
      %scan3A_347 = arith.constant 0 : i32
      %scan3A_348 = arith.constant 64 : i32
      %scan3A_349 = arith.addi %scan3A_347, %scan3A_348 : i32
      %scan3A_350 = arith.constant 8 : i32
      scf.for %scan3A_598 = %scan3A_347 to %scan3A_349 step %scan3A_350  : i32 {
        %mul3A_599 = arith.constant 1 : i32
        %mul3A_600 = arith.muli %scan3A_598, %mul3A_599 : i32
        %add3A_601 = arith.constant 0 : i32
        %add3A_602 = arith.addi %add3A_601, %mul3A_600 : i32
        %add3A_603 = vector.broadcast %add3A_602 : i32 to vector<16xi32>
        %add3A_604 = arith.addi %iota3A, %add3A_603 : vector<16xi32>
        %and3A_605 = arith.constant 63 : i32
        %and3A_606 = vector.broadcast %and3A_605 : i32 to vector<16xi32>
        %and3A_607 = arith.andi %add3A_604, %and3A_606 : vector<16xi32>
        %shift_right_logical3A = arith.constant 3 : i32
        %shift_right_logical3A_608 = vector.broadcast %shift_right_logical3A : i32 to vector<16xi32>
        %shift_right_logical3A_609 = arith.shrui %and3A_607, %shift_right_logical3A_608 : vector<16xi32>
        %and3A_610 = arith.constant 7 : i32
        %and3A_611 = vector.broadcast %and3A_610 : i32 to vector<16xi32>
        %and3A_612 = arith.andi %and3A_607, %and3A_611 : vector<16xi32>
        %gather3A = tpu.vector_load_idx %arg8[%add3A_346, %and3A_607] : memref<128x64xf32, #tpu.memory_space<vmem>>[vector<16xi32>, vector<16xi32>], vector<16xf32>,
        %gather3A_613 = tpu.vector_load_idx %arg10[%shift_right_logical3A_609, %and3A_612, %add3A_346] : memref<8x8x128xf32, #tpu.memory_space<vmem>>[vector<16xi32>, vector<16xi32>, vector<16xi32>], vector<16xf32>,
        %mul3A_614 = arith.mulf %gather3A, %gather3A_613 : vector<16xf32>
        tpu.vector_store_idx %arg12[%shift_right_logical3A_609, %and3A_612, %add3A_346], %mul3A_614 : memref<8x8x128xf32, #tpu.memory_space<vmem>>[vector<16xi32>, vector<16xi32>, vector<16xi32>], vector<16xf32>,
        %scan3A_615 = arith.constant 1 : i32
        %scan3A_616 = arith.addi %scan3A_598, %scan3A_615 : i32
        %mul3A_617 = arith.constant 1 : i32
        %mul3A_618 = arith.muli %scan3A_616, %mul3A_617 : i32
        %add3A_619 = arith.constant 0 : i32
        %add3A_620 = arith.addi %add3A_619, %mul3A_618 : i32
        %add3A_621 = vector.broadcast %add3A_620 : i32 to vector<16xi32>
        %add3A_622 = arith.addi %iota3A, %add3A_621 : vector<16xi32>
        %and3A_623 = arith.constant 63 : i32
        %and3A_624 = vector.broadcast %and3A_623 : i32 to vector<16xi32>
        %and3A_625 = arith.andi %add3A_622, %and3A_624 : vector<16xi32>
        %shift_right_logical3A_626 = arith.constant 3 : i32
        %shift_right_logical3A_627 = vector.broadcast %shift_right_logical3A_626 : i32 to vector<16xi32>
        %shift_right_logical3A_628 = arith.shrui %and3A_625, %shift_right_logical3A_627 : vector<16xi32>
        %and3A_629 = arith.constant 7 : i32
        %and3A_630 = vector.broadcast %and3A_629 : i32 to vector<16xi32>
        %and3A_631 = arith.andi %and3A_625, %and3A_630 : vector<16xi32>
        %gather3A_632 = tpu.vector_load_idx %arg8[%add3A_346, %and3A_625] : memref<128x64xf32, #tpu.memory_space<vmem>>[vector<16xi32>, vector<16xi32>], vector<16xf32>,
        %gather3A_633 = tpu.vector_load_idx %arg10[%shift_right_logical3A_628, %and3A_631, %add3A_346] : memref<8x8x128xf32, #tpu.memory_space<vmem>>[vector<16xi32>, vector<16xi32>, vector<16xi32>], vector<16xf32>,
        %mul3A_634 = arith.mulf %gather3A_632, %gather3A_633 : vector<16xf32>
        tpu.vector_store_idx %arg12[%shift_right_logical3A_628, %and3A_631, %add3A_346], %mul3A_634 : memref<8x8x128xf32, #tpu.memory_space<vmem>>[vector<16xi32>, vector<16xi32>, vector<16xi32>], vector<16xf32>,
        %scan3A_635 = arith.constant 2 : i32
        %scan3A_636 = arith.addi %scan3A_598, %scan3A_635 : i32
        %mul3A_637 = arith.constant 1 : i32
        %mul3A_638 = arith.muli %scan3A_636, %mul3A_637 : i32
        %add3A_639 = arith.constant 0 : i32
        %add3A_640 = arith.addi %add3A_639, %mul3A_638 : i32
        %add3A_641 = vector.broadcast %add3A_640 : i32 to vector<16xi32>
        %add3A_642 = arith.addi %iota3A, %add3A_641 : vector<16xi32>
        %and3A_643 = arith.constant 63 : i32
        %and3A_644 = vector.broadcast %and3A_643 : i32 to vector<16xi32>
        %and3A_645 = arith.andi %add3A_642, %and3A_644 : vector<16xi32>
        %shift_right_logical3A_646 = arith.constant 3 : i32
        %shift_right_logical3A_647 = vector.broadcast %shift_right_logical3A_646 : i32 to vector<16xi32>
        %shift_right_logical3A_648 = arith.shrui %and3A_645, %shift_right_logical3A_647 : vector<16xi32>
        %and3A_649 = arith.constant 7 : i32
        %and3A_650 = vector.broadcast %and3A_649 : i32 to vector<16xi32>
        %and3A_651 = arith.andi %and3A_645, %and3A_650 : vector<16xi32>
        %gather3A_652 = tpu.vector_load_idx %arg8[%add3A_346, %and3A_645] : memref<128x64xf32, #tpu.memory_space<vmem>>[vector<16xi32>, vector<16xi32>], vector<16xf32>,
        %gather3A_653 = tpu.vector_load_idx %arg10[%shift_right_logical3A_648, %and3A_651, %add3A_346] : memref<8x8x128xf32, #tpu.memory_space<vmem>>[vector<16xi32>, vector<16xi32>, vector<16xi32>], vector<16xf32>,
        %mul3A_654 = arith.mulf %gather3A_652, %gather3A_653 : vector<16xf32>
        tpu.vector_store_idx %arg12[%shift_right_logical3A_648, %and3A_651, %add3A_346], %mul3A_654 : memref<8x8x128xf32, #tpu.memory_space<vmem>>[vector<16xi32>, vector<16xi32>, vector<16xi32>], vector<16xf32>,
        %scan3A_655 = arith.constant 3 : i32
        %scan3A_656 = arith.addi %scan3A_598, %scan3A_655 : i32
        %mul3A_657 = arith.constant 1 : i32
        %mul3A_658 = arith.muli %scan3A_656, %mul3A_657 : i32
        %add3A_659 = arith.constant 0 : i32
        %add3A_660 = arith.addi %add3A_659, %mul3A_658 : i32
        %add3A_661 = vector.broadcast %add3A_660 : i32 to vector<16xi32>
        %add3A_662 = arith.addi %iota3A, %add3A_661 : vector<16xi32>
        %and3A_663 = arith.constant 63 : i32
        %and3A_664 = vector.broadcast %and3A_663 : i32 to vector<16xi32>
        %and3A_665 = arith.andi %add3A_662, %and3A_664 : vector<16xi32>
        %shift_right_logical3A_666 = arith.constant 3 : i32
        %shift_right_logical3A_667 = vector.broadcast %shift_right_logical3A_666 : i32 to vector<16xi32>
        %shift_right_logical3A_668 = arith.shrui %and3A_665, %shift_right_logical3A_667 : vector<16xi32>
        %and3A_669 = arith.constant 7 : i32
        %and3A_670 = vector.broadcast %and3A_669 : i32 to vector<16xi32>
        %and3A_671 = arith.andi %and3A_665, %and3A_670 : vector<16xi32>
        %gather3A_672 = tpu.vector_load_idx %arg8[%add3A_346, %and3A_665] : memref<128x64xf32, #tpu.memory_space<vmem>>[vector<16xi32>, vector<16xi32>], vector<16xf32>,
        %gather3A_673 = tpu.vector_load_idx %arg10[%shift_right_logical3A_668, %and3A_671, %add3A_346] : memref<8x8x128xf32, #tpu.memory_space<vmem>>[vector<16xi32>, vector<16xi32>, vector<16xi32>], vector<16xf32>,
        %mul3A_674 = arith.mulf %gather3A_672, %gather3A_673 : vector<16xf32>
        tpu.vector_store_idx %arg12[%shift_right_logical3A_668, %and3A_671, %add3A_346], %mul3A_674 : memref<8x8x128xf32, #tpu.memory_space<vmem>>[vector<16xi32>, vector<16xi32>, vector<16xi32>], vector<16xf32>,
        %scan3A_675 = arith.constant 4 : i32
        %scan3A_676 = arith.addi %scan3A_598, %scan3A_675 : i32
        %mul3A_677 = arith.constant 1 : i32
        %mul3A_678 = arith.muli %scan3A_676, %mul3A_677 : i32
        %add3A_679 = arith.constant 0 : i32
        %add3A_680 = arith.addi %add3A_679, %mul3A_678 : i32
        %add3A_681 = vector.broadcast %add3A_680 : i32 to vector<16xi32>
        %add3A_682 = arith.addi %iota3A, %add3A_681 : vector<16xi32>
        %and3A_683 = arith.constant 63 : i32
        %and3A_684 = vector.broadcast %and3A_683 : i32 to vector<16xi32>
        %and3A_685 = arith.andi %add3A_682, %and3A_684 : vector<16xi32>
        %shift_right_logical3A_686 = arith.constant 3 : i32
        %shift_right_logical3A_687 = vector.broadcast %shift_right_logical3A_686 : i32 to vector<16xi32>
        %shift_right_logical3A_688 = arith.shrui %and3A_685, %shift_right_logical3A_687 : vector<16xi32>
        %and3A_689 = arith.constant 7 : i32
        %and3A_690 = vector.broadcast %and3A_689 : i32 to vector<16xi32>
        %and3A_691 = arith.andi %and3A_685, %and3A_690 : vector<16xi32>
        %gather3A_692 = tpu.vector_load_idx %arg8[%add3A_346, %and3A_685] : memref<128x64xf32, #tpu.memory_space<vmem>>[vector<16xi32>, vector<16xi32>], vector<16xf32>,
        %gather3A_693 = tpu.vector_load_idx %arg10[%shift_right_logical3A_688, %and3A_691, %add3A_346] : memref<8x8x128xf32, #tpu.memory_space<vmem>>[vector<16xi32>, vector<16xi32>, vector<16xi32>], vector<16xf32>,
        %mul3A_694 = arith.mulf %gather3A_692, %gather3A_693 : vector<16xf32>
        tpu.vector_store_idx %arg12[%shift_right_logical3A_688, %and3A_691, %add3A_346], %mul3A_694 : memref<8x8x128xf32, #tpu.memory_space<vmem>>[vector<16xi32>, vector<16xi32>, vector<16xi32>], vector<16xf32>,
        %scan3A_695 = arith.constant 5 : i32
        %scan3A_696 = arith.addi %scan3A_598, %scan3A_695 : i32
        %mul3A_697 = arith.constant 1 : i32
        %mul3A_698 = arith.muli %scan3A_696, %mul3A_697 : i32
        %add3A_699 = arith.constant 0 : i32
        %add3A_700 = arith.addi %add3A_699, %mul3A_698 : i32
        %add3A_701 = vector.broadcast %add3A_700 : i32 to vector<16xi32>
        %add3A_702 = arith.addi %iota3A, %add3A_701 : vector<16xi32>
        %and3A_703 = arith.constant 63 : i32
        %and3A_704 = vector.broadcast %and3A_703 : i32 to vector<16xi32>
        %and3A_705 = arith.andi %add3A_702, %and3A_704 : vector<16xi32>
        %shift_right_logical3A_706 = arith.constant 3 : i32
        %shift_right_logical3A_707 = vector.broadcast %shift_right_logical3A_706 : i32 to vector<16xi32>
        %shift_right_logical3A_708 = arith.shrui %and3A_705, %shift_right_logical3A_707 : vector<16xi32>
        %and3A_709 = arith.constant 7 : i32
        %and3A_710 = vector.broadcast %and3A_709 : i32 to vector<16xi32>
        %and3A_711 = arith.andi %and3A_705, %and3A_710 : vector<16xi32>
        %gather3A_712 = tpu.vector_load_idx %arg8[%add3A_346, %and3A_705] : memref<128x64xf32, #tpu.memory_space<vmem>>[vector<16xi32>, vector<16xi32>], vector<16xf32>,
        %gather3A_713 = tpu.vector_load_idx %arg10[%shift_right_logical3A_708, %and3A_711, %add3A_346] : memref<8x8x128xf32, #tpu.memory_space<vmem>>[vector<16xi32>, vector<16xi32>, vector<16xi32>], vector<16xf32>,
        %mul3A_714 = arith.mulf %gather3A_712, %gather3A_713 : vector<16xf32>
        tpu.vector_store_idx %arg12[%shift_right_logical3A_708, %and3A_711, %add3A_346], %mul3A_714 : memref<8x8x128xf32, #tpu.memory_space<vmem>>[vector<16xi32>, vector<16xi32>, vector<16xi32>], vector<16xf32>,
        %scan3A_715 = arith.constant 6 : i32
        %scan3A_716 = arith.addi %scan3A_598, %scan3A_715 : i32
        %mul3A_717 = arith.constant 1 : i32
        %mul3A_718 = arith.muli %scan3A_716, %mul3A_717 : i32
        %add3A_719 = arith.constant 0 : i32
        %add3A_720 = arith.addi %add3A_719, %mul3A_718 : i32
        %add3A_721 = vector.broadcast %add3A_720 : i32 to vector<16xi32>
        %add3A_722 = arith.addi %iota3A, %add3A_721 : vector<16xi32>
        %and3A_723 = arith.constant 63 : i32
        %and3A_724 = vector.broadcast %and3A_723 : i32 to vector<16xi32>
        %and3A_725 = arith.andi %add3A_722, %and3A_724 : vector<16xi32>
        %shift_right_logical3A_726 = arith.constant 3 : i32
        %shift_right_logical3A_727 = vector.broadcast %shift_right_logical3A_726 : i32 to vector<16xi32>
        %shift_right_logical3A_728 = arith.shrui %and3A_725, %shift_right_logical3A_727 : vector<16xi32>
        %and3A_729 = arith.constant 7 : i32
        %and3A_730 = vector.broadcast %and3A_729 : i32 to vector<16xi32>
        %and3A_731 = arith.andi %and3A_725, %and3A_730 : vector<16xi32>
        %gather3A_732 = tpu.vector_load_idx %arg8[%add3A_346, %and3A_725] : memref<128x64xf32, #tpu.memory_space<vmem>>[vector<16xi32>, vector<16xi32>], vector<16xf32>,
        %gather3A_733 = tpu.vector_load_idx %arg10[%shift_right_logical3A_728, %and3A_731, %add3A_346] : memref<8x8x128xf32, #tpu.memory_space<vmem>>[vector<16xi32>, vector<16xi32>, vector<16xi32>], vector<16xf32>,
        %mul3A_734 = arith.mulf %gather3A_732, %gather3A_733 : vector<16xf32>
        tpu.vector_store_idx %arg12[%shift_right_logical3A_728, %and3A_731, %add3A_346], %mul3A_734 : memref<8x8x128xf32, #tpu.memory_space<vmem>>[vector<16xi32>, vector<16xi32>, vector<16xi32>], vector<16xf32>,
        %scan3A_735 = arith.constant 7 : i32
        %scan3A_736 = arith.addi %scan3A_598, %scan3A_735 : i32
        %mul3A_737 = arith.constant 1 : i32
        %mul3A_738 = arith.muli %scan3A_736, %mul3A_737 : i32
        %add3A_739 = arith.constant 0 : i32
        %add3A_740 = arith.addi %add3A_739, %mul3A_738 : i32
        %add3A_741 = vector.broadcast %add3A_740 : i32 to vector<16xi32>
        %add3A_742 = arith.addi %iota3A, %add3A_741 : vector<16xi32>
        %and3A_743 = arith.constant 63 : i32
        %and3A_744 = vector.broadcast %and3A_743 : i32 to vector<16xi32>
        %and3A_745 = arith.andi %add3A_742, %and3A_744 : vector<16xi32>
        %shift_right_logical3A_746 = arith.constant 3 : i32
        %shift_right_logical3A_747 = vector.broadcast %shift_right_logical3A_746 : i32 to vector<16xi32>
        %shift_right_logical3A_748 = arith.shrui %and3A_745, %shift_right_logical3A_747 : vector<16xi32>
        %and3A_749 = arith.constant 7 : i32
        %and3A_750 = vector.broadcast %and3A_749 : i32 to vector<16xi32>
        %and3A_751 = arith.andi %and3A_745, %and3A_750 : vector<16xi32>
        %gather3A_752 = tpu.vector_load_idx %arg8[%add3A_346, %and3A_745] : memref<128x64xf32, #tpu.memory_space<vmem>>[vector<16xi32>, vector<16xi32>], vector<16xf32>,
        %gather3A_753 = tpu.vector_load_idx %arg10[%shift_right_logical3A_748, %and3A_751, %add3A_346] : memref<8x8x128xf32, #tpu.memory_space<vmem>>[vector<16xi32>, vector<16xi32>, vector<16xi32>], vector<16xf32>,
        %mul3A_754 = arith.mulf %gather3A_752, %gather3A_753 : vector<16xf32>
        tpu.vector_store_idx %arg12[%shift_right_logical3A_748, %and3A_751, %add3A_346], %mul3A_754 : memref<8x8x128xf32, #tpu.memory_space<vmem>>[vector<16xi32>, vector<16xi32>, vector<16xi32>], vector<16xf32>,
      }
      %scan3A_351 = arith.constant 64 : i32
      %add3A_352 = arith.addi %mul3A_2, %add3A_228 : i32
      %jit3A_353 = arith.constant 32 : i32
      %div3A_354 = arith.divsi %add3A_352, %jit3A_353 : i32
      %sign3A_355 = arith.constant 0 : i32
      %sign3A_356 = arith.cmpi sgt, %add3A_352, %sign3A_355 : i32
      %sign3A_357 = arith.extui %sign3A_356 : i1 to i32
      %sign3A_358 = arith.constant 0 : i32
      %sign3A_359 = arith.cmpi slt, %add3A_352, %sign3A_358 : i32
      %sign3A_360 = arith.extui %sign3A_359 : i1 to i32
      %sign3A_361 = arith.subi %sign3A_357, %sign3A_360 : i32
      %sign3A_362 = arith.constant 0 : i32
      %sign3A_363 = arith.cmpi sgt, %jit3A_353, %sign3A_362 : i32
      %sign3A_364 = arith.extui %sign3A_363 : i1 to i32
      %sign3A_365 = arith.constant 0 : i32
      %sign3A_366 = arith.cmpi slt, %jit3A_353, %sign3A_365 : i32
      %sign3A_367 = arith.extui %sign3A_366 : i1 to i32
      %sign3A_368 = arith.subi %sign3A_364, %sign3A_367 : i32
      %ne3A_369 = arith.cmpi ne, %sign3A_361, %sign3A_368 : i32
      %rem3A_370 = arith.remsi %add3A_352, %jit3A_353 : i32
      %ne3A_371 = arith.constant 0 : i32
      %ne3A_372 = arith.cmpi ne, %rem3A_370, %ne3A_371 : i32
      %and3A_373 = arith.andi %ne3A_369, %ne3A_372 : i1
      %sub3A_374 = arith.constant 1 : i32
      %sub3A_375 = arith.subi %div3A_354, %sub3A_374 : i32
      %select_n3A_376 = arith.select %and3A_373, %sub3A_375, %div3A_354 : i32
      %jit3A_377 = arith.constant 32 : i32
      %eq3A_378 = arith.constant 0 : i32
      %eq3A_379 = arith.cmpi eq, %jit3A_377, %eq3A_378 : i32
      %jit3A_380 = arith.constant 1 : i32
      %select_n3A_381 = arith.select %eq3A_379, %jit3A_380, %jit3A_377 : i32
      %rem3A_382 = arith.remsi %add3A_352, %select_n3A_381 : i32
      %ne3A_383 = arith.constant 0 : i32
      %ne3A_384 = arith.cmpi ne, %rem3A_382, %ne3A_383 : i32
      %lt3A_385 = arith.constant 0 : i32
      %lt3A_386 = arith.cmpi slt, %rem3A_382, %lt3A_385 : i32
      %lt3A_387 = arith.constant 0 : i32
      %lt3A_388 = arith.cmpi slt, %select_n3A_381, %lt3A_387 : i32
      %ne3A_389 = arith.xori %lt3A_386, %lt3A_388 : i1
      %and3A_390 = arith.andi %ne3A_389, %ne3A_384 : i1
      %add3A_391 = arith.addi %rem3A_382, %select_n3A_381 : i32
      %select_n3A_392 = arith.select %and3A_390, %add3A_391, %rem3A_382 : i32
      %dma_start3A_393 = arith.constant 0 : i32
      %dma_start3A_394 = arith.constant 0 : i32
      %dma_start3A_395 = arith.constant 0 : i32
      %dma_start3A_396 = tpu.memref_slice %arg5[%select_n3A_376, %dma_start3A_393, %select_n3A_392, %dma_start3A_394, %dma_start3A_395] : memref<50x8x32x8x128xf32, #tpu.memory_space<hbm>> -> memref<1x8x1x8x128xf32, #tpu.memory_space<hbm>>
      %dma_start3A_397 = tpu.memref_squeeze %dma_start3A_396 : memref<1x8x1x8x128xf32, #tpu.memory_space<hbm>> -> memref<8x8x128xf32, #tpu.memory_space<hbm>>
      %dma_start3A_398 = arith.constant 0 : i32
      %dma_start3A_399 = arith.constant 0 : i32
      %dma_start3A_400 = arith.constant 0 : i32
      %dma_start3A_401 = tpu.memref_slice %arg5[%select_n3A_376, %dma_start3A_398, %select_n3A_392, %dma_start3A_399, %dma_start3A_400] : memref<50x8x32x8x128xf32, #tpu.memory_space<hbm>> -> memref<1x8x1x8x128xf32, #tpu.memory_space<hbm>>
      %dma_start3A_402 = tpu.memref_squeeze %dma_start3A_401 : memref<1x8x1x8x128xf32, #tpu.memory_space<hbm>> -> memref<8x8x128xf32, #tpu.memory_space<hbm>>
      tpu.enqueue_dma source(%arg12 : memref<8x8x128xf32, #tpu.memory_space<vmem>>) target(%dma_start3A_402 : memref<8x8x128xf32, #tpu.memory_space<hbm>>) target_semaphore(%arg16 : memref<!tpu.dma_semaphore, #tpu.memory_space<semaphore_mem>>)
      %add3A_403 = arith.constant 2 : i32
      %add3A_404 = arith.addi %add3A_228, %add3A_403 : i32
      %lt3A_405 = arith.constant 50 : i32
      %lt3A_406 = arith.cmpi slt, %add3A_404, %lt3A_405 : i32
      %convert_element_type3A_407 = arith.extui %lt3A_406 : i1 to i32
      %cond3A_408 = arith.constant 0 : i32
      %cond3A_409 = arith.cmpi ne, %convert_element_type3A_407, %cond3A_408 : i32
      scf.if %cond3A_409 {
        %add3A_598 = arith.constant 2 : i32
        %add3A_599 = arith.addi %add3A_228, %add3A_598 : i32
        %dma_start3A_600 = arith.constant 0 : i32
        %dma_start3A_601 = tpu.memref_slice %arg7[%add3A_599, %dma_start3A_600] : memref<50x128xi32, #tpu.memory_space<vmem>> -> memref<1x128xi32, #tpu.memory_space<vmem>>
        %dma_start3A_602 = tpu.memref_squeeze %dma_start3A_601 : memref<1x128xi32, #tpu.memory_space<vmem>> -> memref<128xi32, #tpu.memory_space<vmem>>
        %dma_start3A_603 = arith.constant 0 : i32
        %dma_start3A_604 = arith.constant 0 : i32
        %dma_start3A_605 = tpu.memref_slice %arg4[%dma_start3A_603, %dma_start3A_604] : memref<1000576x64xf32, #tpu.memory_space<hbm>> -> memref<1000576x64xf32, #tpu.memory_space<hbm>>
        tpu.enqueue_indirect_dma source(%dma_start3A_605 : memref<1000576x64xf32, #tpu.memory_space<hbm>>) target(%arg8 : memref<128x64xf32, #tpu.memory_space<vmem>>) offsets(%dma_start3A_602 : memref<128xi32, #tpu.memory_space<vmem>>) semaphore(%arg14 : memref<!tpu.dma_semaphore, #tpu.memory_space<semaphore_mem>>)
        %add3A_606 = arith.addi %mul3A_2, %add3A_599 : i32
        %jit3A_607 = arith.constant 32 : i32
        %div3A_608 = arith.divsi %add3A_606, %jit3A_607 : i32
        %sign3A_609 = arith.constant 0 : i32
        %sign3A_610 = arith.cmpi sgt, %add3A_606, %sign3A_609 : i32
        %sign3A_611 = arith.extui %sign3A_610 : i1 to i32
        %sign3A_612 = arith.constant 0 : i32
        %sign3A_613 = arith.cmpi slt, %add3A_606, %sign3A_612 : i32
        %sign3A_614 = arith.extui %sign3A_613 : i1 to i32
        %sign3A_615 = arith.subi %sign3A_611, %sign3A_614 : i32
        %sign3A_616 = arith.constant 0 : i32
        %sign3A_617 = arith.cmpi sgt, %jit3A_607, %sign3A_616 : i32
        %sign3A_618 = arith.extui %sign3A_617 : i1 to i32
        %sign3A_619 = arith.constant 0 : i32
        %sign3A_620 = arith.cmpi slt, %jit3A_607, %sign3A_619 : i32
        %sign3A_621 = arith.extui %sign3A_620 : i1 to i32
        %sign3A_622 = arith.subi %sign3A_618, %sign3A_621 : i32
        %ne3A_623 = arith.cmpi ne, %sign3A_615, %sign3A_622 : i32
        %rem3A_624 = arith.remsi %add3A_606, %jit3A_607 : i32
        %ne3A_625 = arith.constant 0 : i32
        %ne3A_626 = arith.cmpi ne, %rem3A_624, %ne3A_625 : i32
        %and3A_627 = arith.andi %ne3A_623, %ne3A_626 : i1
        %sub3A_628 = arith.constant 1 : i32
        %sub3A_629 = arith.subi %div3A_608, %sub3A_628 : i32
        %select_n3A_630 = arith.select %and3A_627, %sub3A_629, %div3A_608 : i32
        %jit3A_631 = arith.constant 32 : i32
        %eq3A_632 = arith.constant 0 : i32
        %eq3A_633 = arith.cmpi eq, %jit3A_631, %eq3A_632 : i32
        %jit3A_634 = arith.constant 1 : i32
        %select_n3A_635 = arith.select %eq3A_633, %jit3A_634, %jit3A_631 : i32
        %rem3A_636 = arith.remsi %add3A_606, %select_n3A_635 : i32
        %ne3A_637 = arith.constant 0 : i32
        %ne3A_638 = arith.cmpi ne, %rem3A_636, %ne3A_637 : i32
        %lt3A_639 = arith.constant 0 : i32
        %lt3A_640 = arith.cmpi slt, %rem3A_636, %lt3A_639 : i32
        %lt3A_641 = arith.constant 0 : i32
        %lt3A_642 = arith.cmpi slt, %select_n3A_635, %lt3A_641 : i32
        %ne3A_643 = arith.xori %lt3A_640, %lt3A_642 : i1
        %and3A_644 = arith.andi %ne3A_643, %ne3A_638 : i1
        %add3A_645 = arith.addi %rem3A_636, %select_n3A_635 : i32
        %select_n3A_646 = arith.select %and3A_644, %add3A_645, %rem3A_636 : i32
        %dma_start3A_647 = arith.constant 0 : i32
        %dma_start3A_648 = arith.constant 0 : i32
        %dma_start3A_649 = arith.constant 0 : i32
        %dma_start3A_650 = tpu.memref_slice %arg2[%select_n3A_630, %dma_start3A_647, %select_n3A_646, %dma_start3A_648, %dma_start3A_649] : memref<50x8x32x8x128xf32, #tpu.memory_space<hbm>> -> memref<1x8x1x8x128xf32, #tpu.memory_space<hbm>>
        %dma_start3A_651 = tpu.memref_squeeze %dma_start3A_650 : memref<1x8x1x8x128xf32, #tpu.memory_space<hbm>> -> memref<8x8x128xf32, #tpu.memory_space<hbm>>
        %dma_start3A_652 = arith.constant 0 : i32
        %dma_start3A_653 = arith.constant 0 : i32
        %dma_start3A_654 = arith.constant 0 : i32
        %dma_start3A_655 = tpu.memref_slice %arg2[%select_n3A_630, %dma_start3A_652, %select_n3A_646, %dma_start3A_653, %dma_start3A_654] : memref<50x8x32x8x128xf32, #tpu.memory_space<hbm>> -> memref<1x8x1x8x128xf32, #tpu.memory_space<hbm>>
        %dma_start3A_656 = tpu.memref_squeeze %dma_start3A_655 : memref<1x8x1x8x128xf32, #tpu.memory_space<hbm>> -> memref<8x8x128xf32, #tpu.memory_space<hbm>>
        tpu.enqueue_dma source(%dma_start3A_656 : memref<8x8x128xf32, #tpu.memory_space<hbm>>) target(%arg10 : memref<8x8x128xf32, #tpu.memory_space<vmem>>) target_semaphore(%arg14 : memref<!tpu.dma_semaphore, #tpu.memory_space<semaphore_mem>>)
      } else {
      }
      %mul3A_410 = arith.constant 2 : i32
      %mul3A_411 = arith.muli %scan3A_224, %mul3A_410 : i32
      %add3A_412 = arith.constant 1 : i32
      %add3A_413 = arith.addi %mul3A_411, %add3A_412 : i32
      %dma_wait3A_414 = arith.constant 0 : i32
      %dma_wait3A_415 = tpu.memref_slice %arg7[%add3A_413, %dma_wait3A_414] : memref<50x128xi32, #tpu.memory_space<vmem>> -> memref<1x128xi32, #tpu.memory_space<vmem>>
      %dma_wait3A_416 = tpu.memref_squeeze %dma_wait3A_415 : memref<1x128xi32, #tpu.memory_space<vmem>> -> memref<128xi32, #tpu.memory_space<vmem>>
      %dma_wait3A_417 = arith.constant 0 : i32
      %dma_wait3A_418 = arith.constant 0 : i32
      %dma_wait3A_419 = tpu.memref_slice %arg4[%dma_wait3A_417, %dma_wait3A_418] : memref<1000576x64xf32, #tpu.memory_space<hbm>> -> memref<1000576x64xf32, #tpu.memory_space<hbm>>
      tpu.wait_indirect_dma semaphore(%arg15 : memref<!tpu.dma_semaphore, #tpu.memory_space<semaphore_mem>>) src(%dma_wait3A_419 : memref<1000576x64xf32, #tpu.memory_space<hbm>>) dst(%arg9 : memref<128x64xf32, #tpu.memory_space<vmem>>)
      %add3A_420 = arith.addi %mul3A_2, %add3A_413 : i32
      %jit3A_421 = arith.constant 32 : i32
      %div3A_422 = arith.divsi %add3A_420, %jit3A_421 : i32
      %sign3A_423 = arith.constant 0 : i32
      %sign3A_424 = arith.cmpi sgt, %add3A_420, %sign3A_423 : i32
      %sign3A_425 = arith.extui %sign3A_424 : i1 to i32
      %sign3A_426 = arith.constant 0 : i32
      %sign3A_427 = arith.cmpi slt, %add3A_420, %sign3A_426 : i32
      %sign3A_428 = arith.extui %sign3A_427 : i1 to i32
      %sign3A_429 = arith.subi %sign3A_425, %sign3A_428 : i32
      %sign3A_430 = arith.constant 0 : i32
      %sign3A_431 = arith.cmpi sgt, %jit3A_421, %sign3A_430 : i32
      %sign3A_432 = arith.extui %sign3A_431 : i1 to i32
      %sign3A_433 = arith.constant 0 : i32
      %sign3A_434 = arith.cmpi slt, %jit3A_421, %sign3A_433 : i32
      %sign3A_435 = arith.extui %sign3A_434 : i1 to i32
      %sign3A_436 = arith.subi %sign3A_432, %sign3A_435 : i32
      %ne3A_437 = arith.cmpi ne, %sign3A_429, %sign3A_436 : i32
      %rem3A_438 = arith.remsi %add3A_420, %jit3A_421 : i32
      %ne3A_439 = arith.constant 0 : i32
      %ne3A_440 = arith.cmpi ne, %rem3A_438, %ne3A_439 : i32
      %and3A_441 = arith.andi %ne3A_437, %ne3A_440 : i1
      %sub3A_442 = arith.constant 1 : i32
      %sub3A_443 = arith.subi %div3A_422, %sub3A_442 : i32
      %select_n3A_444 = arith.select %and3A_441, %sub3A_443, %div3A_422 : i32
      %jit3A_445 = arith.constant 32 : i32
      %eq3A_446 = arith.constant 0 : i32
      %eq3A_447 = arith.cmpi eq, %jit3A_445, %eq3A_446 : i32
      %jit3A_448 = arith.constant 1 : i32
      %select_n3A_449 = arith.select %eq3A_447, %jit3A_448, %jit3A_445 : i32
      %rem3A_450 = arith.remsi %add3A_420, %select_n3A_449 : i32
      %ne3A_451 = arith.constant 0 : i32
      %ne3A_452 = arith.cmpi ne, %rem3A_450, %ne3A_451 : i32
      %lt3A_453 = arith.constant 0 : i32
      %lt3A_454 = arith.cmpi slt, %rem3A_450, %lt3A_453 : i32
      %lt3A_455 = arith.constant 0 : i32
      %lt3A_456 = arith.cmpi slt, %select_n3A_449, %lt3A_455 : i32
      %ne3A_457 = arith.xori %lt3A_454, %lt3A_456 : i1
      %and3A_458 = arith.andi %ne3A_457, %ne3A_452 : i1
      %add3A_459 = arith.addi %rem3A_450, %select_n3A_449 : i32
      %select_n3A_460 = arith.select %and3A_458, %add3A_459, %rem3A_450 : i32
      %dma_wait3A_461 = arith.constant 0 : i32
      %dma_wait3A_462 = arith.constant 0 : i32
      %dma_wait3A_463 = arith.constant 0 : i32
      %dma_wait3A_464 = tpu.memref_slice %arg2[%select_n3A_444, %dma_wait3A_461, %select_n3A_460, %dma_wait3A_462, %dma_wait3A_463] : memref<50x8x32x8x128xf32, #tpu.memory_space<hbm>> -> memref<1x8x1x8x128xf32, #tpu.memory_space<hbm>>
      %dma_wait3A_465 = tpu.memref_squeeze %dma_wait3A_464 : memref<1x8x1x8x128xf32, #tpu.memory_space<hbm>> -> memref<8x8x128xf32, #tpu.memory_space<hbm>>
      %dma_wait3A_466 = arith.constant 0 : i32
      %dma_wait3A_467 = arith.constant 0 : i32
      %dma_wait3A_468 = arith.constant 0 : i32
      %dma_wait3A_469 = tpu.memref_slice %arg2[%select_n3A_444, %dma_wait3A_466, %select_n3A_460, %dma_wait3A_467, %dma_wait3A_468] : memref<50x8x32x8x128xf32, #tpu.memory_space<hbm>> -> memref<1x8x1x8x128xf32, #tpu.memory_space<hbm>>
      %dma_wait3A_470 = tpu.memref_squeeze %dma_wait3A_469 : memref<1x8x1x8x128xf32, #tpu.memory_space<hbm>> -> memref<8x8x128xf32, #tpu.memory_space<hbm>>
      tpu.wait_dma2 semaphore(%arg15 : memref<!tpu.dma_semaphore, #tpu.memory_space<semaphore_mem>>) src(%dma_wait3A_470 : memref<8x8x128xf32, #tpu.memory_space<hbm>>) dst(%arg11 : memref<8x8x128xf32, #tpu.memory_space<vmem>>)
      %ge3A_471 = arith.constant 2 : i32
      %ge3A_472 = arith.cmpi sge, %add3A_413, %ge3A_471 : i32
      %convert_element_type3A_473 = arith.extui %ge3A_472 : i1 to i32
      %cond3A_474 = arith.constant 0 : i32
      %cond3A_475 = arith.cmpi ne, %convert_element_type3A_473, %cond3A_474 : i32
      scf.if %cond3A_475 {
        %sub3A_598 = arith.constant 2 : i32
        %sub3A_599 = arith.subi %add3A_413, %sub3A_598 : i32
        %add3A_600 = arith.addi %mul3A_2, %sub3A_599 : i32
        %jit3A_601 = arith.constant 32 : i32
        %div3A_602 = arith.divsi %add3A_600, %jit3A_601 : i32
        %sign3A_603 = arith.constant 0 : i32
        %sign3A_604 = arith.cmpi sgt, %add3A_600, %sign3A_603 : i32
        %sign3A_605 = arith.extui %sign3A_604 : i1 to i32
        %sign3A_606 = arith.constant 0 : i32
        %sign3A_607 = arith.cmpi slt, %add3A_600, %sign3A_606 : i32
        %sign3A_608 = arith.extui %sign3A_607 : i1 to i32
        %sign3A_609 = arith.subi %sign3A_605, %sign3A_608 : i32
        %sign3A_610 = arith.constant 0 : i32
        %sign3A_611 = arith.cmpi sgt, %jit3A_601, %sign3A_610 : i32
        %sign3A_612 = arith.extui %sign3A_611 : i1 to i32
        %sign3A_613 = arith.constant 0 : i32
        %sign3A_614 = arith.cmpi slt, %jit3A_601, %sign3A_613 : i32
        %sign3A_615 = arith.extui %sign3A_614 : i1 to i32
        %sign3A_616 = arith.subi %sign3A_612, %sign3A_615 : i32
        %ne3A_617 = arith.cmpi ne, %sign3A_609, %sign3A_616 : i32
        %rem3A_618 = arith.remsi %add3A_600, %jit3A_601 : i32
        %ne3A_619 = arith.constant 0 : i32
        %ne3A_620 = arith.cmpi ne, %rem3A_618, %ne3A_619 : i32
        %and3A_621 = arith.andi %ne3A_617, %ne3A_620 : i1
        %sub3A_622 = arith.constant 1 : i32
        %sub3A_623 = arith.subi %div3A_602, %sub3A_622 : i32
        %select_n3A_624 = arith.select %and3A_621, %sub3A_623, %div3A_602 : i32
        %jit3A_625 = arith.constant 32 : i32
        %eq3A_626 = arith.constant 0 : i32
        %eq3A_627 = arith.cmpi eq, %jit3A_625, %eq3A_626 : i32
        %jit3A_628 = arith.constant 1 : i32
        %select_n3A_629 = arith.select %eq3A_627, %jit3A_628, %jit3A_625 : i32
        %rem3A_630 = arith.remsi %add3A_600, %select_n3A_629 : i32
        %ne3A_631 = arith.constant 0 : i32
        %ne3A_632 = arith.cmpi ne, %rem3A_630, %ne3A_631 : i32
        %lt3A_633 = arith.constant 0 : i32
        %lt3A_634 = arith.cmpi slt, %rem3A_630, %lt3A_633 : i32
        %lt3A_635 = arith.constant 0 : i32
        %lt3A_636 = arith.cmpi slt, %select_n3A_629, %lt3A_635 : i32
        %ne3A_637 = arith.xori %lt3A_634, %lt3A_636 : i1
        %and3A_638 = arith.andi %ne3A_637, %ne3A_632 : i1
        %add3A_639 = arith.addi %rem3A_630, %select_n3A_629 : i32
        %select_n3A_640 = arith.select %and3A_638, %add3A_639, %rem3A_630 : i32
        %dma_wait3A_641 = arith.constant 0 : i32
        %dma_wait3A_642 = arith.constant 0 : i32
        %dma_wait3A_643 = arith.constant 0 : i32
        %dma_wait3A_644 = tpu.memref_slice %arg5[%select_n3A_624, %dma_wait3A_641, %select_n3A_640, %dma_wait3A_642, %dma_wait3A_643] : memref<50x8x32x8x128xf32, #tpu.memory_space<hbm>> -> memref<1x8x1x8x128xf32, #tpu.memory_space<hbm>>
        %dma_wait3A_645 = tpu.memref_squeeze %dma_wait3A_644 : memref<1x8x1x8x128xf32, #tpu.memory_space<hbm>> -> memref<8x8x128xf32, #tpu.memory_space<hbm>>
        %dma_wait3A_646 = arith.constant 0 : i32
        %dma_wait3A_647 = arith.constant 0 : i32
        %dma_wait3A_648 = arith.constant 0 : i32
        %dma_wait3A_649 = tpu.memref_slice %arg5[%select_n3A_624, %dma_wait3A_646, %select_n3A_640, %dma_wait3A_647, %dma_wait3A_648] : memref<50x8x32x8x128xf32, #tpu.memory_space<hbm>> -> memref<1x8x1x8x128xf32, #tpu.memory_space<hbm>>
        %dma_wait3A_650 = tpu.memref_squeeze %dma_wait3A_649 : memref<1x8x1x8x128xf32, #tpu.memory_space<hbm>> -> memref<8x8x128xf32, #tpu.memory_space<hbm>>
        tpu.wait_dma2 semaphore(%arg17 : memref<!tpu.dma_semaphore, #tpu.memory_space<semaphore_mem>>) src(%arg13 : memref<8x8x128xf32, #tpu.memory_space<vmem>>) dst(%dma_wait3A_650 : memref<8x8x128xf32, #tpu.memory_space<hbm>>)
      } else {
      }
      %add3A_476 = arith.constant 0 : i32
      %add3A_477 = vector.broadcast %add3A_476 : i32 to vector<16xi32>
      %add3A_478 = arith.addi %iota3A, %add3A_477 : vector<16xi32>
      %scan3A_479 = arith.constant 0 : i32
      %scan3A_480 = arith.constant 64 : i32
      %scan3A_481 = arith.addi %scan3A_479, %scan3A_480 : i32
      %scan3A_482 = arith.constant 8 : i32
      scf.for %scan3A_598 = %scan3A_479 to %scan3A_481 step %scan3A_482  : i32 {
        %mul3A_599 = arith.constant 1 : i32
        %mul3A_600 = arith.muli %scan3A_598, %mul3A_599 : i32
        %add3A_601 = arith.constant 0 : i32
        %add3A_602 = arith.addi %add3A_601, %mul3A_600 : i32
        %add3A_603 = vector.broadcast %add3A_602 : i32 to vector<16xi32>
        %add3A_604 = arith.addi %iota3A, %add3A_603 : vector<16xi32>
        %and3A_605 = arith.constant 63 : i32
        %and3A_606 = vector.broadcast %and3A_605 : i32 to vector<16xi32>
        %and3A_607 = arith.andi %add3A_604, %and3A_606 : vector<16xi32>
        %shift_right_logical3A = arith.constant 3 : i32
        %shift_right_logical3A_608 = vector.broadcast %shift_right_logical3A : i32 to vector<16xi32>
        %shift_right_logical3A_609 = arith.shrui %and3A_607, %shift_right_logical3A_608 : vector<16xi32>
        %and3A_610 = arith.constant 7 : i32
        %and3A_611 = vector.broadcast %and3A_610 : i32 to vector<16xi32>
        %and3A_612 = arith.andi %and3A_607, %and3A_611 : vector<16xi32>
        %gather3A = tpu.vector_load_idx %arg9[%add3A_478, %and3A_607] : memref<128x64xf32, #tpu.memory_space<vmem>>[vector<16xi32>, vector<16xi32>], vector<16xf32>,
        %gather3A_613 = tpu.vector_load_idx %arg11[%shift_right_logical3A_609, %and3A_612, %add3A_478] : memref<8x8x128xf32, #tpu.memory_space<vmem>>[vector<16xi32>, vector<16xi32>, vector<16xi32>], vector<16xf32>,
        %mul3A_614 = arith.mulf %gather3A, %gather3A_613 : vector<16xf32>
        tpu.vector_store_idx %arg13[%shift_right_logical3A_609, %and3A_612, %add3A_478], %mul3A_614 : memref<8x8x128xf32, #tpu.memory_space<vmem>>[vector<16xi32>, vector<16xi32>, vector<16xi32>], vector<16xf32>,
        %scan3A_615 = arith.constant 1 : i32
        %scan3A_616 = arith.addi %scan3A_598, %scan3A_615 : i32
        %mul3A_617 = arith.constant 1 : i32
        %mul3A_618 = arith.muli %scan3A_616, %mul3A_617 : i32
        %add3A_619 = arith.constant 0 : i32
        %add3A_620 = arith.addi %add3A_619, %mul3A_618 : i32
        %add3A_621 = vector.broadcast %add3A_620 : i32 to vector<16xi32>
        %add3A_622 = arith.addi %iota3A, %add3A_621 : vector<16xi32>
        %and3A_623 = arith.constant 63 : i32
        %and3A_624 = vector.broadcast %and3A_623 : i32 to vector<16xi32>
        %and3A_625 = arith.andi %add3A_622, %and3A_624 : vector<16xi32>
        %shift_right_logical3A_626 = arith.constant 3 : i32
        %shift_right_logical3A_627 = vector.broadcast %shift_right_logical3A_626 : i32 to vector<16xi32>
        %shift_right_logical3A_628 = arith.shrui %and3A_625, %shift_right_logical3A_627 : vector<16xi32>
        %and3A_629 = arith.constant 7 : i32
        %and3A_630 = vector.broadcast %and3A_629 : i32 to vector<16xi32>
        %and3A_631 = arith.andi %and3A_625, %and3A_630 : vector<16xi32>
        %gather3A_632 = tpu.vector_load_idx %arg9[%add3A_478, %and3A_625] : memref<128x64xf32, #tpu.memory_space<vmem>>[vector<16xi32>, vector<16xi32>], vector<16xf32>,
        %gather3A_633 = tpu.vector_load_idx %arg11[%shift_right_logical3A_628, %and3A_631, %add3A_478] : memref<8x8x128xf32, #tpu.memory_space<vmem>>[vector<16xi32>, vector<16xi32>, vector<16xi32>], vector<16xf32>,
        %mul3A_634 = arith.mulf %gather3A_632, %gather3A_633 : vector<16xf32>
        tpu.vector_store_idx %arg13[%shift_right_logical3A_628, %and3A_631, %add3A_478], %mul3A_634 : memref<8x8x128xf32, #tpu.memory_space<vmem>>[vector<16xi32>, vector<16xi32>, vector<16xi32>], vector<16xf32>,
        %scan3A_635 = arith.constant 2 : i32
        %scan3A_636 = arith.addi %scan3A_598, %scan3A_635 : i32
        %mul3A_637 = arith.constant 1 : i32
        %mul3A_638 = arith.muli %scan3A_636, %mul3A_637 : i32
        %add3A_639 = arith.constant 0 : i32
        %add3A_640 = arith.addi %add3A_639, %mul3A_638 : i32
        %add3A_641 = vector.broadcast %add3A_640 : i32 to vector<16xi32>
        %add3A_642 = arith.addi %iota3A, %add3A_641 : vector<16xi32>
        %and3A_643 = arith.constant 63 : i32
        %and3A_644 = vector.broadcast %and3A_643 : i32 to vector<16xi32>
        %and3A_645 = arith.andi %add3A_642, %and3A_644 : vector<16xi32>
        %shift_right_logical3A_646 = arith.constant 3 : i32
        %shift_right_logical3A_647 = vector.broadcast %shift_right_logical3A_646 : i32 to vector<16xi32>
        %shift_right_logical3A_648 = arith.shrui %and3A_645, %shift_right_logical3A_647 : vector<16xi32>
        %and3A_649 = arith.constant 7 : i32
        %and3A_650 = vector.broadcast %and3A_649 : i32 to vector<16xi32>
        %and3A_651 = arith.andi %and3A_645, %and3A_650 : vector<16xi32>
        %gather3A_652 = tpu.vector_load_idx %arg9[%add3A_478, %and3A_645] : memref<128x64xf32, #tpu.memory_space<vmem>>[vector<16xi32>, vector<16xi32>], vector<16xf32>,
        %gather3A_653 = tpu.vector_load_idx %arg11[%shift_right_logical3A_648, %and3A_651, %add3A_478] : memref<8x8x128xf32, #tpu.memory_space<vmem>>[vector<16xi32>, vector<16xi32>, vector<16xi32>], vector<16xf32>,
        %mul3A_654 = arith.mulf %gather3A_652, %gather3A_653 : vector<16xf32>
        tpu.vector_store_idx %arg13[%shift_right_logical3A_648, %and3A_651, %add3A_478], %mul3A_654 : memref<8x8x128xf32, #tpu.memory_space<vmem>>[vector<16xi32>, vector<16xi32>, vector<16xi32>], vector<16xf32>,
        %scan3A_655 = arith.constant 3 : i32
        %scan3A_656 = arith.addi %scan3A_598, %scan3A_655 : i32
        %mul3A_657 = arith.constant 1 : i32
        %mul3A_658 = arith.muli %scan3A_656, %mul3A_657 : i32
        %add3A_659 = arith.constant 0 : i32
        %add3A_660 = arith.addi %add3A_659, %mul3A_658 : i32
        %add3A_661 = vector.broadcast %add3A_660 : i32 to vector<16xi32>
        %add3A_662 = arith.addi %iota3A, %add3A_661 : vector<16xi32>
        %and3A_663 = arith.constant 63 : i32
        %and3A_664 = vector.broadcast %and3A_663 : i32 to vector<16xi32>
        %and3A_665 = arith.andi %add3A_662, %and3A_664 : vector<16xi32>
        %shift_right_logical3A_666 = arith.constant 3 : i32
        %shift_right_logical3A_667 = vector.broadcast %shift_right_logical3A_666 : i32 to vector<16xi32>
        %shift_right_logical3A_668 = arith.shrui %and3A_665, %shift_right_logical3A_667 : vector<16xi32>
        %and3A_669 = arith.constant 7 : i32
        %and3A_670 = vector.broadcast %and3A_669 : i32 to vector<16xi32>
        %and3A_671 = arith.andi %and3A_665, %and3A_670 : vector<16xi32>
        %gather3A_672 = tpu.vector_load_idx %arg9[%add3A_478, %and3A_665] : memref<128x64xf32, #tpu.memory_space<vmem>>[vector<16xi32>, vector<16xi32>], vector<16xf32>,
        %gather3A_673 = tpu.vector_load_idx %arg11[%shift_right_logical3A_668, %and3A_671, %add3A_478] : memref<8x8x128xf32, #tpu.memory_space<vmem>>[vector<16xi32>, vector<16xi32>, vector<16xi32>], vector<16xf32>,
        %mul3A_674 = arith.mulf %gather3A_672, %gather3A_673 : vector<16xf32>
        tpu.vector_store_idx %arg13[%shift_right_logical3A_668, %and3A_671, %add3A_478], %mul3A_674 : memref<8x8x128xf32, #tpu.memory_space<vmem>>[vector<16xi32>, vector<16xi32>, vector<16xi32>], vector<16xf32>,
        %scan3A_675 = arith.constant 4 : i32
        %scan3A_676 = arith.addi %scan3A_598, %scan3A_675 : i32
        %mul3A_677 = arith.constant 1 : i32
        %mul3A_678 = arith.muli %scan3A_676, %mul3A_677 : i32
        %add3A_679 = arith.constant 0 : i32
        %add3A_680 = arith.addi %add3A_679, %mul3A_678 : i32
        %add3A_681 = vector.broadcast %add3A_680 : i32 to vector<16xi32>
        %add3A_682 = arith.addi %iota3A, %add3A_681 : vector<16xi32>
        %and3A_683 = arith.constant 63 : i32
        %and3A_684 = vector.broadcast %and3A_683 : i32 to vector<16xi32>
        %and3A_685 = arith.andi %add3A_682, %and3A_684 : vector<16xi32>
        %shift_right_logical3A_686 = arith.constant 3 : i32
        %shift_right_logical3A_687 = vector.broadcast %shift_right_logical3A_686 : i32 to vector<16xi32>
        %shift_right_logical3A_688 = arith.shrui %and3A_685, %shift_right_logical3A_687 : vector<16xi32>
        %and3A_689 = arith.constant 7 : i32
        %and3A_690 = vector.broadcast %and3A_689 : i32 to vector<16xi32>
        %and3A_691 = arith.andi %and3A_685, %and3A_690 : vector<16xi32>
        %gather3A_692 = tpu.vector_load_idx %arg9[%add3A_478, %and3A_685] : memref<128x64xf32, #tpu.memory_space<vmem>>[vector<16xi32>, vector<16xi32>], vector<16xf32>,
        %gather3A_693 = tpu.vector_load_idx %arg11[%shift_right_logical3A_688, %and3A_691, %add3A_478] : memref<8x8x128xf32, #tpu.memory_space<vmem>>[vector<16xi32>, vector<16xi32>, vector<16xi32>], vector<16xf32>,
        %mul3A_694 = arith.mulf %gather3A_692, %gather3A_693 : vector<16xf32>
        tpu.vector_store_idx %arg13[%shift_right_logical3A_688, %and3A_691, %add3A_478], %mul3A_694 : memref<8x8x128xf32, #tpu.memory_space<vmem>>[vector<16xi32>, vector<16xi32>, vector<16xi32>], vector<16xf32>,
        %scan3A_695 = arith.constant 5 : i32
        %scan3A_696 = arith.addi %scan3A_598, %scan3A_695 : i32
        %mul3A_697 = arith.constant 1 : i32
        %mul3A_698 = arith.muli %scan3A_696, %mul3A_697 : i32
        %add3A_699 = arith.constant 0 : i32
        %add3A_700 = arith.addi %add3A_699, %mul3A_698 : i32
        %add3A_701 = vector.broadcast %add3A_700 : i32 to vector<16xi32>
        %add3A_702 = arith.addi %iota3A, %add3A_701 : vector<16xi32>
        %and3A_703 = arith.constant 63 : i32
        %and3A_704 = vector.broadcast %and3A_703 : i32 to vector<16xi32>
        %and3A_705 = arith.andi %add3A_702, %and3A_704 : vector<16xi32>
        %shift_right_logical3A_706 = arith.constant 3 : i32
        %shift_right_logical3A_707 = vector.broadcast %shift_right_logical3A_706 : i32 to vector<16xi32>
        %shift_right_logical3A_708 = arith.shrui %and3A_705, %shift_right_logical3A_707 : vector<16xi32>
        %and3A_709 = arith.constant 7 : i32
        %and3A_710 = vector.broadcast %and3A_709 : i32 to vector<16xi32>
        %and3A_711 = arith.andi %and3A_705, %and3A_710 : vector<16xi32>
        %gather3A_712 = tpu.vector_load_idx %arg9[%add3A_478, %and3A_705] : memref<128x64xf32, #tpu.memory_space<vmem>>[vector<16xi32>, vector<16xi32>], vector<16xf32>,
        %gather3A_713 = tpu.vector_load_idx %arg11[%shift_right_logical3A_708, %and3A_711, %add3A_478] : memref<8x8x128xf32, #tpu.memory_space<vmem>>[vector<16xi32>, vector<16xi32>, vector<16xi32>], vector<16xf32>,
        %mul3A_714 = arith.mulf %gather3A_712, %gather3A_713 : vector<16xf32>
        tpu.vector_store_idx %arg13[%shift_right_logical3A_708, %and3A_711, %add3A_478], %mul3A_714 : memref<8x8x128xf32, #tpu.memory_space<vmem>>[vector<16xi32>, vector<16xi32>, vector<16xi32>], vector<16xf32>,
        %scan3A_715 = arith.constant 6 : i32
        %scan3A_716 = arith.addi %scan3A_598, %scan3A_715 : i32
        %mul3A_717 = arith.constant 1 : i32
        %mul3A_718 = arith.muli %scan3A_716, %mul3A_717 : i32
        %add3A_719 = arith.constant 0 : i32
        %add3A_720 = arith.addi %add3A_719, %mul3A_718 : i32
        %add3A_721 = vector.broadcast %add3A_720 : i32 to vector<16xi32>
        %add3A_722 = arith.addi %iota3A, %add3A_721 : vector<16xi32>
        %and3A_723 = arith.constant 63 : i32
        %and3A_724 = vector.broadcast %and3A_723 : i32 to vector<16xi32>
        %and3A_725 = arith.andi %add3A_722, %and3A_724 : vector<16xi32>
        %shift_right_logical3A_726 = arith.constant 3 : i32
        %shift_right_logical3A_727 = vector.broadcast %shift_right_logical3A_726 : i32 to vector<16xi32>
        %shift_right_logical3A_728 = arith.shrui %and3A_725, %shift_right_logical3A_727 : vector<16xi32>
        %and3A_729 = arith.constant 7 : i32
        %and3A_730 = vector.broadcast %and3A_729 : i32 to vector<16xi32>
        %and3A_731 = arith.andi %and3A_725, %and3A_730 : vector<16xi32>
        %gather3A_732 = tpu.vector_load_idx %arg9[%add3A_478, %and3A_725] : memref<128x64xf32, #tpu.memory_space<vmem>>[vector<16xi32>, vector<16xi32>], vector<16xf32>,
        %gather3A_733 = tpu.vector_load_idx %arg11[%shift_right_logical3A_728, %and3A_731, %add3A_478] : memref<8x8x128xf32, #tpu.memory_space<vmem>>[vector<16xi32>, vector<16xi32>, vector<16xi32>], vector<16xf32>,
        %mul3A_734 = arith.mulf %gather3A_732, %gather3A_733 : vector<16xf32>
        tpu.vector_store_idx %arg13[%shift_right_logical3A_728, %and3A_731, %add3A_478], %mul3A_734 : memref<8x8x128xf32, #tpu.memory_space<vmem>>[vector<16xi32>, vector<16xi32>, vector<16xi32>], vector<16xf32>,
        %scan3A_735 = arith.constant 7 : i32
        %scan3A_736 = arith.addi %scan3A_598, %scan3A_735 : i32
        %mul3A_737 = arith.constant 1 : i32
        %mul3A_738 = arith.muli %scan3A_736, %mul3A_737 : i32
        %add3A_739 = arith.constant 0 : i32
        %add3A_740 = arith.addi %add3A_739, %mul3A_738 : i32
        %add3A_741 = vector.broadcast %add3A_740 : i32 to vector<16xi32>
        %add3A_742 = arith.addi %iota3A, %add3A_741 : vector<16xi32>
        %and3A_743 = arith.constant 63 : i32
        %and3A_744 = vector.broadcast %and3A_743 : i32 to vector<16xi32>
        %and3A_745 = arith.andi %add3A_742, %and3A_744 : vector<16xi32>
        %shift_right_logical3A_746 = arith.constant 3 : i32
        %shift_right_logical3A_747 = vector.broadcast %shift_right_logical3A_746 : i32 to vector<16xi32>
        %shift_right_logical3A_748 = arith.shrui %and3A_745, %shift_right_logical3A_747 : vector<16xi32>
        %and3A_749 = arith.constant 7 : i32
        %and3A_750 = vector.broadcast %and3A_749 : i32 to vector<16xi32>
        %and3A_751 = arith.andi %and3A_745, %and3A_750 : vector<16xi32>
        %gather3A_752 = tpu.vector_load_idx %arg9[%add3A_478, %and3A_745] : memref<128x64xf32, #tpu.memory_space<vmem>>[vector<16xi32>, vector<16xi32>], vector<16xf32>,
        %gather3A_753 = tpu.vector_load_idx %arg11[%shift_right_logical3A_748, %and3A_751, %add3A_478] : memref<8x8x128xf32, #tpu.memory_space<vmem>>[vector<16xi32>, vector<16xi32>, vector<16xi32>], vector<16xf32>,
        %mul3A_754 = arith.mulf %gather3A_752, %gather3A_753 : vector<16xf32>
        tpu.vector_store_idx %arg13[%shift_right_logical3A_748, %and3A_751, %add3A_478], %mul3A_754 : memref<8x8x128xf32, #tpu.memory_space<vmem>>[vector<16xi32>, vector<16xi32>, vector<16xi32>], vector<16xf32>,
      }
      %scan3A_483 = arith.constant 64 : i32
      %add3A_484 = arith.constant 16 : i32
      %add3A_485 = vector.broadcast %add3A_484 : i32 to vector<16xi32>
      %add3A_486 = arith.addi %iota3A, %add3A_485 : vector<16xi32>
      %scan3A_487 = arith.constant 0 : i32
      %scan3A_488 = arith.constant 64 : i32
      %scan3A_489 = arith.addi %scan3A_487, %scan3A_488 : i32
      %scan3A_490 = arith.constant 8 : i32
      scf.for %scan3A_598 = %scan3A_487 to %scan3A_489 step %scan3A_490  : i32 {
        %mul3A_599 = arith.constant 1 : i32
        %mul3A_600 = arith.muli %scan3A_598, %mul3A_599 : i32
        %add3A_601 = arith.constant 0 : i32
        %add3A_602 = arith.addi %add3A_601, %mul3A_600 : i32
        %add3A_603 = vector.broadcast %add3A_602 : i32 to vector<16xi32>
        %add3A_604 = arith.addi %iota3A, %add3A_603 : vector<16xi32>
        %and3A_605 = arith.constant 63 : i32
        %and3A_606 = vector.broadcast %and3A_605 : i32 to vector<16xi32>
        %and3A_607 = arith.andi %add3A_604, %and3A_606 : vector<16xi32>
        %shift_right_logical3A = arith.constant 3 : i32
        %shift_right_logical3A_608 = vector.broadcast %shift_right_logical3A : i32 to vector<16xi32>
        %shift_right_logical3A_609 = arith.shrui %and3A_607, %shift_right_logical3A_608 : vector<16xi32>
        %and3A_610 = arith.constant 7 : i32
        %and3A_611 = vector.broadcast %and3A_610 : i32 to vector<16xi32>
        %and3A_612 = arith.andi %and3A_607, %and3A_611 : vector<16xi32>
        %gather3A = tpu.vector_load_idx %arg9[%add3A_486, %and3A_607] : memref<128x64xf32, #tpu.memory_space<vmem>>[vector<16xi32>, vector<16xi32>], vector<16xf32>,
        %gather3A_613 = tpu.vector_load_idx %arg11[%shift_right_logical3A_609, %and3A_612, %add3A_486] : memref<8x8x128xf32, #tpu.memory_space<vmem>>[vector<16xi32>, vector<16xi32>, vector<16xi32>], vector<16xf32>,
        %mul3A_614 = arith.mulf %gather3A, %gather3A_613 : vector<16xf32>
        tpu.vector_store_idx %arg13[%shift_right_logical3A_609, %and3A_612, %add3A_486], %mul3A_614 : memref<8x8x128xf32, #tpu.memory_space<vmem>>[vector<16xi32>, vector<16xi32>, vector<16xi32>], vector<16xf32>,
        %scan3A_615 = arith.constant 1 : i32
        %scan3A_616 = arith.addi %scan3A_598, %scan3A_615 : i32
        %mul3A_617 = arith.constant 1 : i32
        %mul3A_618 = arith.muli %scan3A_616, %mul3A_617 : i32
        %add3A_619 = arith.constant 0 : i32
        %add3A_620 = arith.addi %add3A_619, %mul3A_618 : i32
        %add3A_621 = vector.broadcast %add3A_620 : i32 to vector<16xi32>
        %add3A_622 = arith.addi %iota3A, %add3A_621 : vector<16xi32>
        %and3A_623 = arith.constant 63 : i32
        %and3A_624 = vector.broadcast %and3A_623 : i32 to vector<16xi32>
        %and3A_625 = arith.andi %add3A_622, %and3A_624 : vector<16xi32>
        %shift_right_logical3A_626 = arith.constant 3 : i32
        %shift_right_logical3A_627 = vector.broadcast %shift_right_logical3A_626 : i32 to vector<16xi32>
        %shift_right_logical3A_628 = arith.shrui %and3A_625, %shift_right_logical3A_627 : vector<16xi32>
        %and3A_629 = arith.constant 7 : i32
        %and3A_630 = vector.broadcast %and3A_629 : i32 to vector<16xi32>
        %and3A_631 = arith.andi %and3A_625, %and3A_630 : vector<16xi32>
        %gather3A_632 = tpu.vector_load_idx %arg9[%add3A_486, %and3A_625] : memref<128x64xf32, #tpu.memory_space<vmem>>[vector<16xi32>, vector<16xi32>], vector<16xf32>,
        %gather3A_633 = tpu.vector_load_idx %arg11[%shift_right_logical3A_628, %and3A_631, %add3A_486] : memref<8x8x128xf32, #tpu.memory_space<vmem>>[vector<16xi32>, vector<16xi32>, vector<16xi32>], vector<16xf32>,
        %mul3A_634 = arith.mulf %gather3A_632, %gather3A_633 : vector<16xf32>
        tpu.vector_store_idx %arg13[%shift_right_logical3A_628, %and3A_631, %add3A_486], %mul3A_634 : memref<8x8x128xf32, #tpu.memory_space<vmem>>[vector<16xi32>, vector<16xi32>, vector<16xi32>], vector<16xf32>,
        %scan3A_635 = arith.constant 2 : i32
        %scan3A_636 = arith.addi %scan3A_598, %scan3A_635 : i32
        %mul3A_637 = arith.constant 1 : i32
        %mul3A_638 = arith.muli %scan3A_636, %mul3A_637 : i32
        %add3A_639 = arith.constant 0 : i32
        %add3A_640 = arith.addi %add3A_639, %mul3A_638 : i32
        %add3A_641 = vector.broadcast %add3A_640 : i32 to vector<16xi32>
        %add3A_642 = arith.addi %iota3A, %add3A_641 : vector<16xi32>
        %and3A_643 = arith.constant 63 : i32
        %and3A_644 = vector.broadcast %and3A_643 : i32 to vector<16xi32>
        %and3A_645 = arith.andi %add3A_642, %and3A_644 : vector<16xi32>
        %shift_right_logical3A_646 = arith.constant 3 : i32
        %shift_right_logical3A_647 = vector.broadcast %shift_right_logical3A_646 : i32 to vector<16xi32>
        %shift_right_logical3A_648 = arith.shrui %and3A_645, %shift_right_logical3A_647 : vector<16xi32>
        %and3A_649 = arith.constant 7 : i32
        %and3A_650 = vector.broadcast %and3A_649 : i32 to vector<16xi32>
        %and3A_651 = arith.andi %and3A_645, %and3A_650 : vector<16xi32>
        %gather3A_652 = tpu.vector_load_idx %arg9[%add3A_486, %and3A_645] : memref<128x64xf32, #tpu.memory_space<vmem>>[vector<16xi32>, vector<16xi32>], vector<16xf32>,
        %gather3A_653 = tpu.vector_load_idx %arg11[%shift_right_logical3A_648, %and3A_651, %add3A_486] : memref<8x8x128xf32, #tpu.memory_space<vmem>>[vector<16xi32>, vector<16xi32>, vector<16xi32>], vector<16xf32>,
        %mul3A_654 = arith.mulf %gather3A_652, %gather3A_653 : vector<16xf32>
        tpu.vector_store_idx %arg13[%shift_right_logical3A_648, %and3A_651, %add3A_486], %mul3A_654 : memref<8x8x128xf32, #tpu.memory_space<vmem>>[vector<16xi32>, vector<16xi32>, vector<16xi32>], vector<16xf32>,
        %scan3A_655 = arith.constant 3 : i32
        %scan3A_656 = arith.addi %scan3A_598, %scan3A_655 : i32
        %mul3A_657 = arith.constant 1 : i32
        %mul3A_658 = arith.muli %scan3A_656, %mul3A_657 : i32
        %add3A_659 = arith.constant 0 : i32
        %add3A_660 = arith.addi %add3A_659, %mul3A_658 : i32
        %add3A_661 = vector.broadcast %add3A_660 : i32 to vector<16xi32>
        %add3A_662 = arith.addi %iota3A, %add3A_661 : vector<16xi32>
        %and3A_663 = arith.constant 63 : i32
        %and3A_664 = vector.broadcast %and3A_663 : i32 to vector<16xi32>
        %and3A_665 = arith.andi %add3A_662, %and3A_664 : vector<16xi32>
        %shift_right_logical3A_666 = arith.constant 3 : i32
        %shift_right_logical3A_667 = vector.broadcast %shift_right_logical3A_666 : i32 to vector<16xi32>
        %shift_right_logical3A_668 = arith.shrui %and3A_665, %shift_right_logical3A_667 : vector<16xi32>
        %and3A_669 = arith.constant 7 : i32
        %and3A_670 = vector.broadcast %and3A_669 : i32 to vector<16xi32>
        %and3A_671 = arith.andi %and3A_665, %and3A_670 : vector<16xi32>
        %gather3A_672 = tpu.vector_load_idx %arg9[%add3A_486, %and3A_665] : memref<128x64xf32, #tpu.memory_space<vmem>>[vector<16xi32>, vector<16xi32>], vector<16xf32>,
        %gather3A_673 = tpu.vector_load_idx %arg11[%shift_right_logical3A_668, %and3A_671, %add3A_486] : memref<8x8x128xf32, #tpu.memory_space<vmem>>[vector<16xi32>, vector<16xi32>, vector<16xi32>], vector<16xf32>,
        %mul3A_674 = arith.mulf %gather3A_672, %gather3A_673 : vector<16xf32>
        tpu.vector_store_idx %arg13[%shift_right_logical3A_668, %and3A_671, %add3A_486], %mul3A_674 : memref<8x8x128xf32, #tpu.memory_space<vmem>>[vector<16xi32>, vector<16xi32>, vector<16xi32>], vector<16xf32>,
        %scan3A_675 = arith.constant 4 : i32
        %scan3A_676 = arith.addi %scan3A_598, %scan3A_675 : i32
        %mul3A_677 = arith.constant 1 : i32
        %mul3A_678 = arith.muli %scan3A_676, %mul3A_677 : i32
        %add3A_679 = arith.constant 0 : i32
        %add3A_680 = arith.addi %add3A_679, %mul3A_678 : i32
        %add3A_681 = vector.broadcast %add3A_680 : i32 to vector<16xi32>
        %add3A_682 = arith.addi %iota3A, %add3A_681 : vector<16xi32>
        %and3A_683 = arith.constant 63 : i32
        %and3A_684 = vector.broadcast %and3A_683 : i32 to vector<16xi32>
        %and3A_685 = arith.andi %add3A_682, %and3A_684 : vector<16xi32>
        %shift_right_logical3A_686 = arith.constant 3 : i32
        %shift_right_logical3A_687 = vector.broadcast %shift_right_logical3A_686 : i32 to vector<16xi32>
        %shift_right_logical3A_688 = arith.shrui %and3A_685, %shift_right_logical3A_687 : vector<16xi32>
        %and3A_689 = arith.constant 7 : i32
        %and3A_690 = vector.broadcast %and3A_689 : i32 to vector<16xi32>
        %and3A_691 = arith.andi %and3A_685, %and3A_690 : vector<16xi32>
        %gather3A_692 = tpu.vector_load_idx %arg9[%add3A_486, %and3A_685] : memref<128x64xf32, #tpu.memory_space<vmem>>[vector<16xi32>, vector<16xi32>], vector<16xf32>,
        %gather3A_693 = tpu.vector_load_idx %arg11[%shift_right_logical3A_688, %and3A_691, %add3A_486] : memref<8x8x128xf32, #tpu.memory_space<vmem>>[vector<16xi32>, vector<16xi32>, vector<16xi32>], vector<16xf32>,
        %mul3A_694 = arith.mulf %gather3A_692, %gather3A_693 : vector<16xf32>
        tpu.vector_store_idx %arg13[%shift_right_logical3A_688, %and3A_691, %add3A_486], %mul3A_694 : memref<8x8x128xf32, #tpu.memory_space<vmem>>[vector<16xi32>, vector<16xi32>, vector<16xi32>], vector<16xf32>,
        %scan3A_695 = arith.constant 5 : i32
        %scan3A_696 = arith.addi %scan3A_598, %scan3A_695 : i32
        %mul3A_697 = arith.constant 1 : i32
        %mul3A_698 = arith.muli %scan3A_696, %mul3A_697 : i32
        %add3A_699 = arith.constant 0 : i32
        %add3A_700 = arith.addi %add3A_699, %mul3A_698 : i32
        %add3A_701 = vector.broadcast %add3A_700 : i32 to vector<16xi32>
        %add3A_702 = arith.addi %iota3A, %add3A_701 : vector<16xi32>
        %and3A_703 = arith.constant 63 : i32
        %and3A_704 = vector.broadcast %and3A_703 : i32 to vector<16xi32>
        %and3A_705 = arith.andi %add3A_702, %and3A_704 : vector<16xi32>
        %shift_right_logical3A_706 = arith.constant 3 : i32
        %shift_right_logical3A_707 = vector.broadcast %shift_right_logical3A_706 : i32 to vector<16xi32>
        %shift_right_logical3A_708 = arith.shrui %and3A_705, %shift_right_logical3A_707 : vector<16xi32>
        %and3A_709 = arith.constant 7 : i32
        %and3A_710 = vector.broadcast %and3A_709 : i32 to vector<16xi32>
        %and3A_711 = arith.andi %and3A_705, %and3A_710 : vector<16xi32>
        %gather3A_712 = tpu.vector_load_idx %arg9[%add3A_486, %and3A_705] : memref<128x64xf32, #tpu.memory_space<vmem>>[vector<16xi32>, vector<16xi32>], vector<16xf32>,
        %gather3A_713 = tpu.vector_load_idx %arg11[%shift_right_logical3A_708, %and3A_711, %add3A_486] : memref<8x8x128xf32, #tpu.memory_space<vmem>>[vector<16xi32>, vector<16xi32>, vector<16xi32>], vector<16xf32>,
        %mul3A_714 = arith.mulf %gather3A_712, %gather3A_713 : vector<16xf32>
        tpu.vector_store_idx %arg13[%shift_right_logical3A_708, %and3A_711, %add3A_486], %mul3A_714 : memref<8x8x128xf32, #tpu.memory_space<vmem>>[vector<16xi32>, vector<16xi32>, vector<16xi32>], vector<16xf32>,
        %scan3A_715 = arith.constant 6 : i32
        %scan3A_716 = arith.addi %scan3A_598, %scan3A_715 : i32
        %mul3A_717 = arith.constant 1 : i32
        %mul3A_718 = arith.muli %scan3A_716, %mul3A_717 : i32
        %add3A_719 = arith.constant 0 : i32
        %add3A_720 = arith.addi %add3A_719, %mul3A_718 : i32
        %add3A_721 = vector.broadcast %add3A_720 : i32 to vector<16xi32>
        %add3A_722 = arith.addi %iota3A, %add3A_721 : vector<16xi32>
        %and3A_723 = arith.constant 63 : i32
        %and3A_724 = vector.broadcast %and3A_723 : i32 to vector<16xi32>
        %and3A_725 = arith.andi %add3A_722, %and3A_724 : vector<16xi32>
        %shift_right_logical3A_726 = arith.constant 3 : i32
        %shift_right_logical3A_727 = vector.broadcast %shift_right_logical3A_726 : i32 to vector<16xi32>
        %shift_right_logical3A_728 = arith.shrui %and3A_725, %shift_right_logical3A_727 : vector<16xi32>
        %and3A_729 = arith.constant 7 : i32
        %and3A_730 = vector.broadcast %and3A_729 : i32 to vector<16xi32>
        %and3A_731 = arith.andi %and3A_725, %and3A_730 : vector<16xi32>
        %gather3A_732 = tpu.vector_load_idx %arg9[%add3A_486, %and3A_725] : memref<128x64xf32, #tpu.memory_space<vmem>>[vector<16xi32>, vector<16xi32>], vector<16xf32>,
        %gather3A_733 = tpu.vector_load_idx %arg11[%shift_right_logical3A_728, %and3A_731, %add3A_486] : memref<8x8x128xf32, #tpu.memory_space<vmem>>[vector<16xi32>, vector<16xi32>, vector<16xi32>], vector<16xf32>,
        %mul3A_734 = arith.mulf %gather3A_732, %gather3A_733 : vector<16xf32>
        tpu.vector_store_idx %arg13[%shift_right_logical3A_728, %and3A_731, %add3A_486], %mul3A_734 : memref<8x8x128xf32, #tpu.memory_space<vmem>>[vector<16xi32>, vector<16xi32>, vector<16xi32>], vector<16xf32>,
        %scan3A_735 = arith.constant 7 : i32
        %scan3A_736 = arith.addi %scan3A_598, %scan3A_735 : i32
        %mul3A_737 = arith.constant 1 : i32
        %mul3A_738 = arith.muli %scan3A_736, %mul3A_737 : i32
        %add3A_739 = arith.constant 0 : i32
        %add3A_740 = arith.addi %add3A_739, %mul3A_738 : i32
        %add3A_741 = vector.broadcast %add3A_740 : i32 to vector<16xi32>
        %add3A_742 = arith.addi %iota3A, %add3A_741 : vector<16xi32>
        %and3A_743 = arith.constant 63 : i32
        %and3A_744 = vector.broadcast %and3A_743 : i32 to vector<16xi32>
        %and3A_745 = arith.andi %add3A_742, %and3A_744 : vector<16xi32>
        %shift_right_logical3A_746 = arith.constant 3 : i32
        %shift_right_logical3A_747 = vector.broadcast %shift_right_logical3A_746 : i32 to vector<16xi32>
        %shift_right_logical3A_748 = arith.shrui %and3A_745, %shift_right_logical3A_747 : vector<16xi32>
        %and3A_749 = arith.constant 7 : i32
        %and3A_750 = vector.broadcast %and3A_749 : i32 to vector<16xi32>
        %and3A_751 = arith.andi %and3A_745, %and3A_750 : vector<16xi32>
        %gather3A_752 = tpu.vector_load_idx %arg9[%add3A_486, %and3A_745] : memref<128x64xf32, #tpu.memory_space<vmem>>[vector<16xi32>, vector<16xi32>], vector<16xf32>,
        %gather3A_753 = tpu.vector_load_idx %arg11[%shift_right_logical3A_748, %and3A_751, %add3A_486] : memref<8x8x128xf32, #tpu.memory_space<vmem>>[vector<16xi32>, vector<16xi32>, vector<16xi32>], vector<16xf32>,
        %mul3A_754 = arith.mulf %gather3A_752, %gather3A_753 : vector<16xf32>
        tpu.vector_store_idx %arg13[%shift_right_logical3A_748, %and3A_751, %add3A_486], %mul3A_754 : memref<8x8x128xf32, #tpu.memory_space<vmem>>[vector<16xi32>, vector<16xi32>, vector<16xi32>], vector<16xf32>,
      }
      %scan3A_491 = arith.constant 64 : i32
      %add3A_492 = arith.constant 32 : i32
      %add3A_493 = vector.broadcast %add3A_492 : i32 to vector<16xi32>
      %add3A_494 = arith.addi %iota3A, %add3A_493 : vector<16xi32>
      %scan3A_495 = arith.constant 0 : i32
      %scan3A_496 = arith.constant 64 : i32
      %scan3A_497 = arith.addi %scan3A_495, %scan3A_496 : i32
      %scan3A_498 = arith.constant 8 : i32
      scf.for %scan3A_598 = %scan3A_495 to %scan3A_497 step %scan3A_498  : i32 {
        %mul3A_599 = arith.constant 1 : i32
        %mul3A_600 = arith.muli %scan3A_598, %mul3A_599 : i32
        %add3A_601 = arith.constant 0 : i32
        %add3A_602 = arith.addi %add3A_601, %mul3A_600 : i32
        %add3A_603 = vector.broadcast %add3A_602 : i32 to vector<16xi32>
        %add3A_604 = arith.addi %iota3A, %add3A_603 : vector<16xi32>
        %and3A_605 = arith.constant 63 : i32
        %and3A_606 = vector.broadcast %and3A_605 : i32 to vector<16xi32>
        %and3A_607 = arith.andi %add3A_604, %and3A_606 : vector<16xi32>
        %shift_right_logical3A = arith.constant 3 : i32
        %shift_right_logical3A_608 = vector.broadcast %shift_right_logical3A : i32 to vector<16xi32>
        %shift_right_logical3A_609 = arith.shrui %and3A_607, %shift_right_logical3A_608 : vector<16xi32>
        %and3A_610 = arith.constant 7 : i32
        %and3A_611 = vector.broadcast %and3A_610 : i32 to vector<16xi32>
        %and3A_612 = arith.andi %and3A_607, %and3A_611 : vector<16xi32>
        %gather3A = tpu.vector_load_idx %arg9[%add3A_494, %and3A_607] : memref<128x64xf32, #tpu.memory_space<vmem>>[vector<16xi32>, vector<16xi32>], vector<16xf32>,
        %gather3A_613 = tpu.vector_load_idx %arg11[%shift_right_logical3A_609, %and3A_612, %add3A_494] : memref<8x8x128xf32, #tpu.memory_space<vmem>>[vector<16xi32>, vector<16xi32>, vector<16xi32>], vector<16xf32>,
        %mul3A_614 = arith.mulf %gather3A, %gather3A_613 : vector<16xf32>
        tpu.vector_store_idx %arg13[%shift_right_logical3A_609, %and3A_612, %add3A_494], %mul3A_614 : memref<8x8x128xf32, #tpu.memory_space<vmem>>[vector<16xi32>, vector<16xi32>, vector<16xi32>], vector<16xf32>,
        %scan3A_615 = arith.constant 1 : i32
        %scan3A_616 = arith.addi %scan3A_598, %scan3A_615 : i32
        %mul3A_617 = arith.constant 1 : i32
        %mul3A_618 = arith.muli %scan3A_616, %mul3A_617 : i32
        %add3A_619 = arith.constant 0 : i32
        %add3A_620 = arith.addi %add3A_619, %mul3A_618 : i32
        %add3A_621 = vector.broadcast %add3A_620 : i32 to vector<16xi32>
        %add3A_622 = arith.addi %iota3A, %add3A_621 : vector<16xi32>
        %and3A_623 = arith.constant 63 : i32
        %and3A_624 = vector.broadcast %and3A_623 : i32 to vector<16xi32>
        %and3A_625 = arith.andi %add3A_622, %and3A_624 : vector<16xi32>
        %shift_right_logical3A_626 = arith.constant 3 : i32
        %shift_right_logical3A_627 = vector.broadcast %shift_right_logical3A_626 : i32 to vector<16xi32>
        %shift_right_logical3A_628 = arith.shrui %and3A_625, %shift_right_logical3A_627 : vector<16xi32>
        %and3A_629 = arith.constant 7 : i32
        %and3A_630 = vector.broadcast %and3A_629 : i32 to vector<16xi32>
        %and3A_631 = arith.andi %and3A_625, %and3A_630 : vector<16xi32>
        %gather3A_632 = tpu.vector_load_idx %arg9[%add3A_494, %and3A_625] : memref<128x64xf32, #tpu.memory_space<vmem>>[vector<16xi32>, vector<16xi32>], vector<16xf32>,
        %gather3A_633 = tpu.vector_load_idx %arg11[%shift_right_logical3A_628, %and3A_631, %add3A_494] : memref<8x8x128xf32, #tpu.memory_space<vmem>>[vector<16xi32>, vector<16xi32>, vector<16xi32>], vector<16xf32>,
        %mul3A_634 = arith.mulf %gather3A_632, %gather3A_633 : vector<16xf32>
        tpu.vector_store_idx %arg13[%shift_right_logical3A_628, %and3A_631, %add3A_494], %mul3A_634 : memref<8x8x128xf32, #tpu.memory_space<vmem>>[vector<16xi32>, vector<16xi32>, vector<16xi32>], vector<16xf32>,
        %scan3A_635 = arith.constant 2 : i32
        %scan3A_636 = arith.addi %scan3A_598, %scan3A_635 : i32
        %mul3A_637 = arith.constant 1 : i32
        %mul3A_638 = arith.muli %scan3A_636, %mul3A_637 : i32
        %add3A_639 = arith.constant 0 : i32
        %add3A_640 = arith.addi %add3A_639, %mul3A_638 : i32
        %add3A_641 = vector.broadcast %add3A_640 : i32 to vector<16xi32>
        %add3A_642 = arith.addi %iota3A, %add3A_641 : vector<16xi32>
        %and3A_643 = arith.constant 63 : i32
        %and3A_644 = vector.broadcast %and3A_643 : i32 to vector<16xi32>
        %and3A_645 = arith.andi %add3A_642, %and3A_644 : vector<16xi32>
        %shift_right_logical3A_646 = arith.constant 3 : i32
        %shift_right_logical3A_647 = vector.broadcast %shift_right_logical3A_646 : i32 to vector<16xi32>
        %shift_right_logical3A_648 = arith.shrui %and3A_645, %shift_right_logical3A_647 : vector<16xi32>
        %and3A_649 = arith.constant 7 : i32
        %and3A_650 = vector.broadcast %and3A_649 : i32 to vector<16xi32>
        %and3A_651 = arith.andi %and3A_645, %and3A_650 : vector<16xi32>
        %gather3A_652 = tpu.vector_load_idx %arg9[%add3A_494, %and3A_645] : memref<128x64xf32, #tpu.memory_space<vmem>>[vector<16xi32>, vector<16xi32>], vector<16xf32>,
        %gather3A_653 = tpu.vector_load_idx %arg11[%shift_right_logical3A_648, %and3A_651, %add3A_494] : memref<8x8x128xf32, #tpu.memory_space<vmem>>[vector<16xi32>, vector<16xi32>, vector<16xi32>], vector<16xf32>,
        %mul3A_654 = arith.mulf %gather3A_652, %gather3A_653 : vector<16xf32>
        tpu.vector_store_idx %arg13[%shift_right_logical3A_648, %and3A_651, %add3A_494], %mul3A_654 : memref<8x8x128xf32, #tpu.memory_space<vmem>>[vector<16xi32>, vector<16xi32>, vector<16xi32>], vector<16xf32>,
        %scan3A_655 = arith.constant 3 : i32
        %scan3A_656 = arith.addi %scan3A_598, %scan3A_655 : i32
        %mul3A_657 = arith.constant 1 : i32
        %mul3A_658 = arith.muli %scan3A_656, %mul3A_657 : i32
        %add3A_659 = arith.constant 0 : i32
        %add3A_660 = arith.addi %add3A_659, %mul3A_658 : i32
        %add3A_661 = vector.broadcast %add3A_660 : i32 to vector<16xi32>
        %add3A_662 = arith.addi %iota3A, %add3A_661 : vector<16xi32>
        %and3A_663 = arith.constant 63 : i32
        %and3A_664 = vector.broadcast %and3A_663 : i32 to vector<16xi32>
        %and3A_665 = arith.andi %add3A_662, %and3A_664 : vector<16xi32>
        %shift_right_logical3A_666 = arith.constant 3 : i32
        %shift_right_logical3A_667 = vector.broadcast %shift_right_logical3A_666 : i32 to vector<16xi32>
        %shift_right_logical3A_668 = arith.shrui %and3A_665, %shift_right_logical3A_667 : vector<16xi32>
        %and3A_669 = arith.constant 7 : i32
        %and3A_670 = vector.broadcast %and3A_669 : i32 to vector<16xi32>
        %and3A_671 = arith.andi %and3A_665, %and3A_670 : vector<16xi32>
        %gather3A_672 = tpu.vector_load_idx %arg9[%add3A_494, %and3A_665] : memref<128x64xf32, #tpu.memory_space<vmem>>[vector<16xi32>, vector<16xi32>], vector<16xf32>,
        %gather3A_673 = tpu.vector_load_idx %arg11[%shift_right_logical3A_668, %and3A_671, %add3A_494] : memref<8x8x128xf32, #tpu.memory_space<vmem>>[vector<16xi32>, vector<16xi32>, vector<16xi32>], vector<16xf32>,
        %mul3A_674 = arith.mulf %gather3A_672, %gather3A_673 : vector<16xf32>
        tpu.vector_store_idx %arg13[%shift_right_logical3A_668, %and3A_671, %add3A_494], %mul3A_674 : memref<8x8x128xf32, #tpu.memory_space<vmem>>[vector<16xi32>, vector<16xi32>, vector<16xi32>], vector<16xf32>,
        %scan3A_675 = arith.constant 4 : i32
        %scan3A_676 = arith.addi %scan3A_598, %scan3A_675 : i32
        %mul3A_677 = arith.constant 1 : i32
        %mul3A_678 = arith.muli %scan3A_676, %mul3A_677 : i32
        %add3A_679 = arith.constant 0 : i32
        %add3A_680 = arith.addi %add3A_679, %mul3A_678 : i32
        %add3A_681 = vector.broadcast %add3A_680 : i32 to vector<16xi32>
        %add3A_682 = arith.addi %iota3A, %add3A_681 : vector<16xi32>
        %and3A_683 = arith.constant 63 : i32
        %and3A_684 = vector.broadcast %and3A_683 : i32 to vector<16xi32>
        %and3A_685 = arith.andi %add3A_682, %and3A_684 : vector<16xi32>
        %shift_right_logical3A_686 = arith.constant 3 : i32
        %shift_right_logical3A_687 = vector.broadcast %shift_right_logical3A_686 : i32 to vector<16xi32>
        %shift_right_logical3A_688 = arith.shrui %and3A_685, %shift_right_logical3A_687 : vector<16xi32>
        %and3A_689 = arith.constant 7 : i32
        %and3A_690 = vector.broadcast %and3A_689 : i32 to vector<16xi32>
        %and3A_691 = arith.andi %and3A_685, %and3A_690 : vector<16xi32>
        %gather3A_692 = tpu.vector_load_idx %arg9[%add3A_494, %and3A_685] : memref<128x64xf32, #tpu.memory_space<vmem>>[vector<16xi32>, vector<16xi32>], vector<16xf32>,
        %gather3A_693 = tpu.vector_load_idx %arg11[%shift_right_logical3A_688, %and3A_691, %add3A_494] : memref<8x8x128xf32, #tpu.memory_space<vmem>>[vector<16xi32>, vector<16xi32>, vector<16xi32>], vector<16xf32>,
        %mul3A_694 = arith.mulf %gather3A_692, %gather3A_693 : vector<16xf32>
        tpu.vector_store_idx %arg13[%shift_right_logical3A_688, %and3A_691, %add3A_494], %mul3A_694 : memref<8x8x128xf32, #tpu.memory_space<vmem>>[vector<16xi32>, vector<16xi32>, vector<16xi32>], vector<16xf32>,
        %scan3A_695 = arith.constant 5 : i32
        %scan3A_696 = arith.addi %scan3A_598, %scan3A_695 : i32
        %mul3A_697 = arith.constant 1 : i32
        %mul3A_698 = arith.muli %scan3A_696, %mul3A_697 : i32
        %add3A_699 = arith.constant 0 : i32
        %add3A_700 = arith.addi %add3A_699, %mul3A_698 : i32
        %add3A_701 = vector.broadcast %add3A_700 : i32 to vector<16xi32>
        %add3A_702 = arith.addi %iota3A, %add3A_701 : vector<16xi32>
        %and3A_703 = arith.constant 63 : i32
        %and3A_704 = vector.broadcast %and3A_703 : i32 to vector<16xi32>
        %and3A_705 = arith.andi %add3A_702, %and3A_704 : vector<16xi32>
        %shift_right_logical3A_706 = arith.constant 3 : i32
        %shift_right_logical3A_707 = vector.broadcast %shift_right_logical3A_706 : i32 to vector<16xi32>
        %shift_right_logical3A_708 = arith.shrui %and3A_705, %shift_right_logical3A_707 : vector<16xi32>
        %and3A_709 = arith.constant 7 : i32
        %and3A_710 = vector.broadcast %and3A_709 : i32 to vector<16xi32>
        %and3A_711 = arith.andi %and3A_705, %and3A_710 : vector<16xi32>
        %gather3A_712 = tpu.vector_load_idx %arg9[%add3A_494, %and3A_705] : memref<128x64xf32, #tpu.memory_space<vmem>>[vector<16xi32>, vector<16xi32>], vector<16xf32>,
        %gather3A_713 = tpu.vector_load_idx %arg11[%shift_right_logical3A_708, %and3A_711, %add3A_494] : memref<8x8x128xf32, #tpu.memory_space<vmem>>[vector<16xi32>, vector<16xi32>, vector<16xi32>], vector<16xf32>,
        %mul3A_714 = arith.mulf %gather3A_712, %gather3A_713 : vector<16xf32>
        tpu.vector_store_idx %arg13[%shift_right_logical3A_708, %and3A_711, %add3A_494], %mul3A_714 : memref<8x8x128xf32, #tpu.memory_space<vmem>>[vector<16xi32>, vector<16xi32>, vector<16xi32>], vector<16xf32>,
        %scan3A_715 = arith.constant 6 : i32
        %scan3A_716 = arith.addi %scan3A_598, %scan3A_715 : i32
        %mul3A_717 = arith.constant 1 : i32
        %mul3A_718 = arith.muli %scan3A_716, %mul3A_717 : i32
        %add3A_719 = arith.constant 0 : i32
        %add3A_720 = arith.addi %add3A_719, %mul3A_718 : i32
        %add3A_721 = vector.broadcast %add3A_720 : i32 to vector<16xi32>
        %add3A_722 = arith.addi %iota3A, %add3A_721 : vector<16xi32>
        %and3A_723 = arith.constant 63 : i32
        %and3A_724 = vector.broadcast %and3A_723 : i32 to vector<16xi32>
        %and3A_725 = arith.andi %add3A_722, %and3A_724 : vector<16xi32>
        %shift_right_logical3A_726 = arith.constant 3 : i32
        %shift_right_logical3A_727 = vector.broadcast %shift_right_logical3A_726 : i32 to vector<16xi32>
        %shift_right_logical3A_728 = arith.shrui %and3A_725, %shift_right_logical3A_727 : vector<16xi32>
        %and3A_729 = arith.constant 7 : i32
        %and3A_730 = vector.broadcast %and3A_729 : i32 to vector<16xi32>
        %and3A_731 = arith.andi %and3A_725, %and3A_730 : vector<16xi32>
        %gather3A_732 = tpu.vector_load_idx %arg9[%add3A_494, %and3A_725] : memref<128x64xf32, #tpu.memory_space<vmem>>[vector<16xi32>, vector<16xi32>], vector<16xf32>,
        %gather3A_733 = tpu.vector_load_idx %arg11[%shift_right_logical3A_728, %and3A_731, %add3A_494] : memref<8x8x128xf32, #tpu.memory_space<vmem>>[vector<16xi32>, vector<16xi32>, vector<16xi32>], vector<16xf32>,
        %mul3A_734 = arith.mulf %gather3A_732, %gather3A_733 : vector<16xf32>
        tpu.vector_store_idx %arg13[%shift_right_logical3A_728, %and3A_731, %add3A_494], %mul3A_734 : memref<8x8x128xf32, #tpu.memory_space<vmem>>[vector<16xi32>, vector<16xi32>, vector<16xi32>], vector<16xf32>,
        %scan3A_735 = arith.constant 7 : i32
        %scan3A_736 = arith.addi %scan3A_598, %scan3A_735 : i32
        %mul3A_737 = arith.constant 1 : i32
        %mul3A_738 = arith.muli %scan3A_736, %mul3A_737 : i32
        %add3A_739 = arith.constant 0 : i32
        %add3A_740 = arith.addi %add3A_739, %mul3A_738 : i32
        %add3A_741 = vector.broadcast %add3A_740 : i32 to vector<16xi32>
        %add3A_742 = arith.addi %iota3A, %add3A_741 : vector<16xi32>
        %and3A_743 = arith.constant 63 : i32
        %and3A_744 = vector.broadcast %and3A_743 : i32 to vector<16xi32>
        %and3A_745 = arith.andi %add3A_742, %and3A_744 : vector<16xi32>
        %shift_right_logical3A_746 = arith.constant 3 : i32
        %shift_right_logical3A_747 = vector.broadcast %shift_right_logical3A_746 : i32 to vector<16xi32>
        %shift_right_logical3A_748 = arith.shrui %and3A_745, %shift_right_logical3A_747 : vector<16xi32>
        %and3A_749 = arith.constant 7 : i32
        %and3A_750 = vector.broadcast %and3A_749 : i32 to vector<16xi32>
        %and3A_751 = arith.andi %and3A_745, %and3A_750 : vector<16xi32>
        %gather3A_752 = tpu.vector_load_idx %arg9[%add3A_494, %and3A_745] : memref<128x64xf32, #tpu.memory_space<vmem>>[vector<16xi32>, vector<16xi32>], vector<16xf32>,
        %gather3A_753 = tpu.vector_load_idx %arg11[%shift_right_logical3A_748, %and3A_751, %add3A_494] : memref<8x8x128xf32, #tpu.memory_space<vmem>>[vector<16xi32>, vector<16xi32>, vector<16xi32>], vector<16xf32>,
        %mul3A_754 = arith.mulf %gather3A_752, %gather3A_753 : vector<16xf32>
        tpu.vector_store_idx %arg13[%shift_right_logical3A_748, %and3A_751, %add3A_494], %mul3A_754 : memref<8x8x128xf32, #tpu.memory_space<vmem>>[vector<16xi32>, vector<16xi32>, vector<16xi32>], vector<16xf32>,
      }
      %scan3A_499 = arith.constant 64 : i32
      %add3A_500 = arith.constant 48 : i32
      %add3A_501 = vector.broadcast %add3A_500 : i32 to vector<16xi32>
      %add3A_502 = arith.addi %iota3A, %add3A_501 : vector<16xi32>
      %scan3A_503 = arith.constant 0 : i32
      %scan3A_504 = arith.constant 64 : i32
      %scan3A_505 = arith.addi %scan3A_503, %scan3A_504 : i32
      %scan3A_506 = arith.constant 8 : i32
      scf.for %scan3A_598 = %scan3A_503 to %scan3A_505 step %scan3A_506  : i32 {
        %mul3A_599 = arith.constant 1 : i32
        %mul3A_600 = arith.muli %scan3A_598, %mul3A_599 : i32
        %add3A_601 = arith.constant 0 : i32
        %add3A_602 = arith.addi %add3A_601, %mul3A_600 : i32
        %add3A_603 = vector.broadcast %add3A_602 : i32 to vector<16xi32>
        %add3A_604 = arith.addi %iota3A, %add3A_603 : vector<16xi32>
        %and3A_605 = arith.constant 63 : i32
        %and3A_606 = vector.broadcast %and3A_605 : i32 to vector<16xi32>
        %and3A_607 = arith.andi %add3A_604, %and3A_606 : vector<16xi32>
        %shift_right_logical3A = arith.constant 3 : i32
        %shift_right_logical3A_608 = vector.broadcast %shift_right_logical3A : i32 to vector<16xi32>
        %shift_right_logical3A_609 = arith.shrui %and3A_607, %shift_right_logical3A_608 : vector<16xi32>
        %and3A_610 = arith.constant 7 : i32
        %and3A_611 = vector.broadcast %and3A_610 : i32 to vector<16xi32>
        %and3A_612 = arith.andi %and3A_607, %and3A_611 : vector<16xi32>
        %gather3A = tpu.vector_load_idx %arg9[%add3A_502, %and3A_607] : memref<128x64xf32, #tpu.memory_space<vmem>>[vector<16xi32>, vector<16xi32>], vector<16xf32>,
        %gather3A_613 = tpu.vector_load_idx %arg11[%shift_right_logical3A_609, %and3A_612, %add3A_502] : memref<8x8x128xf32, #tpu.memory_space<vmem>>[vector<16xi32>, vector<16xi32>, vector<16xi32>], vector<16xf32>,
        %mul3A_614 = arith.mulf %gather3A, %gather3A_613 : vector<16xf32>
        tpu.vector_store_idx %arg13[%shift_right_logical3A_609, %and3A_612, %add3A_502], %mul3A_614 : memref<8x8x128xf32, #tpu.memory_space<vmem>>[vector<16xi32>, vector<16xi32>, vector<16xi32>], vector<16xf32>,
        %scan3A_615 = arith.constant 1 : i32
        %scan3A_616 = arith.addi %scan3A_598, %scan3A_615 : i32
        %mul3A_617 = arith.constant 1 : i32
        %mul3A_618 = arith.muli %scan3A_616, %mul3A_617 : i32
        %add3A_619 = arith.constant 0 : i32
        %add3A_620 = arith.addi %add3A_619, %mul3A_618 : i32
        %add3A_621 = vector.broadcast %add3A_620 : i32 to vector<16xi32>
        %add3A_622 = arith.addi %iota3A, %add3A_621 : vector<16xi32>
        %and3A_623 = arith.constant 63 : i32
        %and3A_624 = vector.broadcast %and3A_623 : i32 to vector<16xi32>
        %and3A_625 = arith.andi %add3A_622, %and3A_624 : vector<16xi32>
        %shift_right_logical3A_626 = arith.constant 3 : i32
        %shift_right_logical3A_627 = vector.broadcast %shift_right_logical3A_626 : i32 to vector<16xi32>
        %shift_right_logical3A_628 = arith.shrui %and3A_625, %shift_right_logical3A_627 : vector<16xi32>
        %and3A_629 = arith.constant 7 : i32
        %and3A_630 = vector.broadcast %and3A_629 : i32 to vector<16xi32>
        %and3A_631 = arith.andi %and3A_625, %and3A_630 : vector<16xi32>
        %gather3A_632 = tpu.vector_load_idx %arg9[%add3A_502, %and3A_625] : memref<128x64xf32, #tpu.memory_space<vmem>>[vector<16xi32>, vector<16xi32>], vector<16xf32>,
        %gather3A_633 = tpu.vector_load_idx %arg11[%shift_right_logical3A_628, %and3A_631, %add3A_502] : memref<8x8x128xf32, #tpu.memory_space<vmem>>[vector<16xi32>, vector<16xi32>, vector<16xi32>], vector<16xf32>,
        %mul3A_634 = arith.mulf %gather3A_632, %gather3A_633 : vector<16xf32>
        tpu.vector_store_idx %arg13[%shift_right_logical3A_628, %and3A_631, %add3A_502], %mul3A_634 : memref<8x8x128xf32, #tpu.memory_space<vmem>>[vector<16xi32>, vector<16xi32>, vector<16xi32>], vector<16xf32>,
        %scan3A_635 = arith.constant 2 : i32
        %scan3A_636 = arith.addi %scan3A_598, %scan3A_635 : i32
        %mul3A_637 = arith.constant 1 : i32
        %mul3A_638 = arith.muli %scan3A_636, %mul3A_637 : i32
        %add3A_639 = arith.constant 0 : i32
        %add3A_640 = arith.addi %add3A_639, %mul3A_638 : i32
        %add3A_641 = vector.broadcast %add3A_640 : i32 to vector<16xi32>
        %add3A_642 = arith.addi %iota3A, %add3A_641 : vector<16xi32>
        %and3A_643 = arith.constant 63 : i32
        %and3A_644 = vector.broadcast %and3A_643 : i32 to vector<16xi32>
        %and3A_645 = arith.andi %add3A_642, %and3A_644 : vector<16xi32>
        %shift_right_logical3A_646 = arith.constant 3 : i32
        %shift_right_logical3A_647 = vector.broadcast %shift_right_logical3A_646 : i32 to vector<16xi32>
        %shift_right_logical3A_648 = arith.shrui %and3A_645, %shift_right_logical3A_647 : vector<16xi32>
        %and3A_649 = arith.constant 7 : i32
        %and3A_650 = vector.broadcast %and3A_649 : i32 to vector<16xi32>
        %and3A_651 = arith.andi %and3A_645, %and3A_650 : vector<16xi32>
        %gather3A_652 = tpu.vector_load_idx %arg9[%add3A_502, %and3A_645] : memref<128x64xf32, #tpu.memory_space<vmem>>[vector<16xi32>, vector<16xi32>], vector<16xf32>,
        %gather3A_653 = tpu.vector_load_idx %arg11[%shift_right_logical3A_648, %and3A_651, %add3A_502] : memref<8x8x128xf32, #tpu.memory_space<vmem>>[vector<16xi32>, vector<16xi32>, vector<16xi32>], vector<16xf32>,
        %mul3A_654 = arith.mulf %gather3A_652, %gather3A_653 : vector<16xf32>
        tpu.vector_store_idx %arg13[%shift_right_logical3A_648, %and3A_651, %add3A_502], %mul3A_654 : memref<8x8x128xf32, #tpu.memory_space<vmem>>[vector<16xi32>, vector<16xi32>, vector<16xi32>], vector<16xf32>,
        %scan3A_655 = arith.constant 3 : i32
        %scan3A_656 = arith.addi %scan3A_598, %scan3A_655 : i32
        %mul3A_657 = arith.constant 1 : i32
        %mul3A_658 = arith.muli %scan3A_656, %mul3A_657 : i32
        %add3A_659 = arith.constant 0 : i32
        %add3A_660 = arith.addi %add3A_659, %mul3A_658 : i32
        %add3A_661 = vector.broadcast %add3A_660 : i32 to vector<16xi32>
        %add3A_662 = arith.addi %iota3A, %add3A_661 : vector<16xi32>
        %and3A_663 = arith.constant 63 : i32
        %and3A_664 = vector.broadcast %and3A_663 : i32 to vector<16xi32>
        %and3A_665 = arith.andi %add3A_662, %and3A_664 : vector<16xi32>
        %shift_right_logical3A_666 = arith.constant 3 : i32
        %shift_right_logical3A_667 = vector.broadcast %shift_right_logical3A_666 : i32 to vector<16xi32>
        %shift_right_logical3A_668 = arith.shrui %and3A_665, %shift_right_logical3A_667 : vector<16xi32>
        %and3A_669 = arith.constant 7 : i32
        %and3A_670 = vector.broadcast %and3A_669 : i32 to vector<16xi32>
        %and3A_671 = arith.andi %and3A_665, %and3A_670 : vector<16xi32>
        %gather3A_672 = tpu.vector_load_idx %arg9[%add3A_502, %and3A_665] : memref<128x64xf32, #tpu.memory_space<vmem>>[vector<16xi32>, vector<16xi32>], vector<16xf32>,
        %gather3A_673 = tpu.vector_load_idx %arg11[%shift_right_logical3A_668, %and3A_671, %add3A_502] : memref<8x8x128xf32, #tpu.memory_space<vmem>>[vector<16xi32>, vector<16xi32>, vector<16xi32>], vector<16xf32>,
        %mul3A_674 = arith.mulf %gather3A_672, %gather3A_673 : vector<16xf32>
        tpu.vector_store_idx %arg13[%shift_right_logical3A_668, %and3A_671, %add3A_502], %mul3A_674 : memref<8x8x128xf32, #tpu.memory_space<vmem>>[vector<16xi32>, vector<16xi32>, vector<16xi32>], vector<16xf32>,
        %scan3A_675 = arith.constant 4 : i32
        %scan3A_676 = arith.addi %scan3A_598, %scan3A_675 : i32
        %mul3A_677 = arith.constant 1 : i32
        %mul3A_678 = arith.muli %scan3A_676, %mul3A_677 : i32
        %add3A_679 = arith.constant 0 : i32
        %add3A_680 = arith.addi %add3A_679, %mul3A_678 : i32
        %add3A_681 = vector.broadcast %add3A_680 : i32 to vector<16xi32>
        %add3A_682 = arith.addi %iota3A, %add3A_681 : vector<16xi32>
        %and3A_683 = arith.constant 63 : i32
        %and3A_684 = vector.broadcast %and3A_683 : i32 to vector<16xi32>
        %and3A_685 = arith.andi %add3A_682, %and3A_684 : vector<16xi32>
        %shift_right_logical3A_686 = arith.constant 3 : i32
        %shift_right_logical3A_687 = vector.broadcast %shift_right_logical3A_686 : i32 to vector<16xi32>
        %shift_right_logical3A_688 = arith.shrui %and3A_685, %shift_right_logical3A_687 : vector<16xi32>
        %and3A_689 = arith.constant 7 : i32
        %and3A_690 = vector.broadcast %and3A_689 : i32 to vector<16xi32>
        %and3A_691 = arith.andi %and3A_685, %and3A_690 : vector<16xi32>
        %gather3A_692 = tpu.vector_load_idx %arg9[%add3A_502, %and3A_685] : memref<128x64xf32, #tpu.memory_space<vmem>>[vector<16xi32>, vector<16xi32>], vector<16xf32>,
        %gather3A_693 = tpu.vector_load_idx %arg11[%shift_right_logical3A_688, %and3A_691, %add3A_502] : memref<8x8x128xf32, #tpu.memory_space<vmem>>[vector<16xi32>, vector<16xi32>, vector<16xi32>], vector<16xf32>,
        %mul3A_694 = arith.mulf %gather3A_692, %gather3A_693 : vector<16xf32>
        tpu.vector_store_idx %arg13[%shift_right_logical3A_688, %and3A_691, %add3A_502], %mul3A_694 : memref<8x8x128xf32, #tpu.memory_space<vmem>>[vector<16xi32>, vector<16xi32>, vector<16xi32>], vector<16xf32>,
        %scan3A_695 = arith.constant 5 : i32
        %scan3A_696 = arith.addi %scan3A_598, %scan3A_695 : i32
        %mul3A_697 = arith.constant 1 : i32
        %mul3A_698 = arith.muli %scan3A_696, %mul3A_697 : i32
        %add3A_699 = arith.constant 0 : i32
        %add3A_700 = arith.addi %add3A_699, %mul3A_698 : i32
        %add3A_701 = vector.broadcast %add3A_700 : i32 to vector<16xi32>
        %add3A_702 = arith.addi %iota3A, %add3A_701 : vector<16xi32>
        %and3A_703 = arith.constant 63 : i32
        %and3A_704 = vector.broadcast %and3A_703 : i32 to vector<16xi32>
        %and3A_705 = arith.andi %add3A_702, %and3A_704 : vector<16xi32>
        %shift_right_logical3A_706 = arith.constant 3 : i32
        %shift_right_logical3A_707 = vector.broadcast %shift_right_logical3A_706 : i32 to vector<16xi32>
        %shift_right_logical3A_708 = arith.shrui %and3A_705, %shift_right_logical3A_707 : vector<16xi32>
        %and3A_709 = arith.constant 7 : i32
        %and3A_710 = vector.broadcast %and3A_709 : i32 to vector<16xi32>
        %and3A_711 = arith.andi %and3A_705, %and3A_710 : vector<16xi32>
        %gather3A_712 = tpu.vector_load_idx %arg9[%add3A_502, %and3A_705] : memref<128x64xf32, #tpu.memory_space<vmem>>[vector<16xi32>, vector<16xi32>], vector<16xf32>,
        %gather3A_713 = tpu.vector_load_idx %arg11[%shift_right_logical3A_708, %and3A_711, %add3A_502] : memref<8x8x128xf32, #tpu.memory_space<vmem>>[vector<16xi32>, vector<16xi32>, vector<16xi32>], vector<16xf32>,
        %mul3A_714 = arith.mulf %gather3A_712, %gather3A_713 : vector<16xf32>
        tpu.vector_store_idx %arg13[%shift_right_logical3A_708, %and3A_711, %add3A_502], %mul3A_714 : memref<8x8x128xf32, #tpu.memory_space<vmem>>[vector<16xi32>, vector<16xi32>, vector<16xi32>], vector<16xf32>,
        %scan3A_715 = arith.constant 6 : i32
        %scan3A_716 = arith.addi %scan3A_598, %scan3A_715 : i32
        %mul3A_717 = arith.constant 1 : i32
        %mul3A_718 = arith.muli %scan3A_716, %mul3A_717 : i32
        %add3A_719 = arith.constant 0 : i32
        %add3A_720 = arith.addi %add3A_719, %mul3A_718 : i32
        %add3A_721 = vector.broadcast %add3A_720 : i32 to vector<16xi32>
        %add3A_722 = arith.addi %iota3A, %add3A_721 : vector<16xi32>
        %and3A_723 = arith.constant 63 : i32
        %and3A_724 = vector.broadcast %and3A_723 : i32 to vector<16xi32>
        %and3A_725 = arith.andi %add3A_722, %and3A_724 : vector<16xi32>
        %shift_right_logical3A_726 = arith.constant 3 : i32
        %shift_right_logical3A_727 = vector.broadcast %shift_right_logical3A_726 : i32 to vector<16xi32>
        %shift_right_logical3A_728 = arith.shrui %and3A_725, %shift_right_logical3A_727 : vector<16xi32>
        %and3A_729 = arith.constant 7 : i32
        %and3A_730 = vector.broadcast %and3A_729 : i32 to vector<16xi32>
        %and3A_731 = arith.andi %and3A_725, %and3A_730 : vector<16xi32>
        %gather3A_732 = tpu.vector_load_idx %arg9[%add3A_502, %and3A_725] : memref<128x64xf32, #tpu.memory_space<vmem>>[vector<16xi32>, vector<16xi32>], vector<16xf32>,
        %gather3A_733 = tpu.vector_load_idx %arg11[%shift_right_logical3A_728, %and3A_731, %add3A_502] : memref<8x8x128xf32, #tpu.memory_space<vmem>>[vector<16xi32>, vector<16xi32>, vector<16xi32>], vector<16xf32>,
        %mul3A_734 = arith.mulf %gather3A_732, %gather3A_733 : vector<16xf32>
        tpu.vector_store_idx %arg13[%shift_right_logical3A_728, %and3A_731, %add3A_502], %mul3A_734 : memref<8x8x128xf32, #tpu.memory_space<vmem>>[vector<16xi32>, vector<16xi32>, vector<16xi32>], vector<16xf32>,
        %scan3A_735 = arith.constant 7 : i32
        %scan3A_736 = arith.addi %scan3A_598, %scan3A_735 : i32
        %mul3A_737 = arith.constant 1 : i32
        %mul3A_738 = arith.muli %scan3A_736, %mul3A_737 : i32
        %add3A_739 = arith.constant 0 : i32
        %add3A_740 = arith.addi %add3A_739, %mul3A_738 : i32
        %add3A_741 = vector.broadcast %add3A_740 : i32 to vector<16xi32>
        %add3A_742 = arith.addi %iota3A, %add3A_741 : vector<16xi32>
        %and3A_743 = arith.constant 63 : i32
        %and3A_744 = vector.broadcast %and3A_743 : i32 to vector<16xi32>
        %and3A_745 = arith.andi %add3A_742, %and3A_744 : vector<16xi32>
        %shift_right_logical3A_746 = arith.constant 3 : i32
        %shift_right_logical3A_747 = vector.broadcast %shift_right_logical3A_746 : i32 to vector<16xi32>
        %shift_right_logical3A_748 = arith.shrui %and3A_745, %shift_right_logical3A_747 : vector<16xi32>
        %and3A_749 = arith.constant 7 : i32
        %and3A_750 = vector.broadcast %and3A_749 : i32 to vector<16xi32>
        %and3A_751 = arith.andi %and3A_745, %and3A_750 : vector<16xi32>
        %gather3A_752 = tpu.vector_load_idx %arg9[%add3A_502, %and3A_745] : memref<128x64xf32, #tpu.memory_space<vmem>>[vector<16xi32>, vector<16xi32>], vector<16xf32>,
        %gather3A_753 = tpu.vector_load_idx %arg11[%shift_right_logical3A_748, %and3A_751, %add3A_502] : memref<8x8x128xf32, #tpu.memory_space<vmem>>[vector<16xi32>, vector<16xi32>, vector<16xi32>], vector<16xf32>,
        %mul3A_754 = arith.mulf %gather3A_752, %gather3A_753 : vector<16xf32>
        tpu.vector_store_idx %arg13[%shift_right_logical3A_748, %and3A_751, %add3A_502], %mul3A_754 : memref<8x8x128xf32, #tpu.memory_space<vmem>>[vector<16xi32>, vector<16xi32>, vector<16xi32>], vector<16xf32>,
      }
      %scan3A_507 = arith.constant 64 : i32
      %add3A_508 = arith.constant 64 : i32
      %add3A_509 = vector.broadcast %add3A_508 : i32 to vector<16xi32>
      %add3A_510 = arith.addi %iota3A, %add3A_509 : vector<16xi32>
      %scan3A_511 = arith.constant 0 : i32
      %scan3A_512 = arith.constant 64 : i32
      %scan3A_513 = arith.addi %scan3A_511, %scan3A_512 : i32
      %scan3A_514 = arith.constant 8 : i32
      scf.for %scan3A_598 = %scan3A_511 to %scan3A_513 step %scan3A_514  : i32 {
        %mul3A_599 = arith.constant 1 : i32
        %mul3A_600 = arith.muli %scan3A_598, %mul3A_599 : i32
        %add3A_601 = arith.constant 0 : i32
        %add3A_602 = arith.addi %add3A_601, %mul3A_600 : i32
        %add3A_603 = vector.broadcast %add3A_602 : i32 to vector<16xi32>
        %add3A_604 = arith.addi %iota3A, %add3A_603 : vector<16xi32>
        %and3A_605 = arith.constant 63 : i32
        %and3A_606 = vector.broadcast %and3A_605 : i32 to vector<16xi32>
        %and3A_607 = arith.andi %add3A_604, %and3A_606 : vector<16xi32>
        %shift_right_logical3A = arith.constant 3 : i32
        %shift_right_logical3A_608 = vector.broadcast %shift_right_logical3A : i32 to vector<16xi32>
        %shift_right_logical3A_609 = arith.shrui %and3A_607, %shift_right_logical3A_608 : vector<16xi32>
        %and3A_610 = arith.constant 7 : i32
        %and3A_611 = vector.broadcast %and3A_610 : i32 to vector<16xi32>
        %and3A_612 = arith.andi %and3A_607, %and3A_611 : vector<16xi32>
        %gather3A = tpu.vector_load_idx %arg9[%add3A_510, %and3A_607] : memref<128x64xf32, #tpu.memory_space<vmem>>[vector<16xi32>, vector<16xi32>], vector<16xf32>,
        %gather3A_613 = tpu.vector_load_idx %arg11[%shift_right_logical3A_609, %and3A_612, %add3A_510] : memref<8x8x128xf32, #tpu.memory_space<vmem>>[vector<16xi32>, vector<16xi32>, vector<16xi32>], vector<16xf32>,
        %mul3A_614 = arith.mulf %gather3A, %gather3A_613 : vector<16xf32>
        tpu.vector_store_idx %arg13[%shift_right_logical3A_609, %and3A_612, %add3A_510], %mul3A_614 : memref<8x8x128xf32, #tpu.memory_space<vmem>>[vector<16xi32>, vector<16xi32>, vector<16xi32>], vector<16xf32>,
        %scan3A_615 = arith.constant 1 : i32
        %scan3A_616 = arith.addi %scan3A_598, %scan3A_615 : i32
        %mul3A_617 = arith.constant 1 : i32
        %mul3A_618 = arith.muli %scan3A_616, %mul3A_617 : i32
        %add3A_619 = arith.constant 0 : i32
        %add3A_620 = arith.addi %add3A_619, %mul3A_618 : i32
        %add3A_621 = vector.broadcast %add3A_620 : i32 to vector<16xi32>
        %add3A_622 = arith.addi %iota3A, %add3A_621 : vector<16xi32>
        %and3A_623 = arith.constant 63 : i32
        %and3A_624 = vector.broadcast %and3A_623 : i32 to vector<16xi32>
        %and3A_625 = arith.andi %add3A_622, %and3A_624 : vector<16xi32>
        %shift_right_logical3A_626 = arith.constant 3 : i32
        %shift_right_logical3A_627 = vector.broadcast %shift_right_logical3A_626 : i32 to vector<16xi32>
        %shift_right_logical3A_628 = arith.shrui %and3A_625, %shift_right_logical3A_627 : vector<16xi32>
        %and3A_629 = arith.constant 7 : i32
        %and3A_630 = vector.broadcast %and3A_629 : i32 to vector<16xi32>
        %and3A_631 = arith.andi %and3A_625, %and3A_630 : vector<16xi32>
        %gather3A_632 = tpu.vector_load_idx %arg9[%add3A_510, %and3A_625] : memref<128x64xf32, #tpu.memory_space<vmem>>[vector<16xi32>, vector<16xi32>], vector<16xf32>,
        %gather3A_633 = tpu.vector_load_idx %arg11[%shift_right_logical3A_628, %and3A_631, %add3A_510] : memref<8x8x128xf32, #tpu.memory_space<vmem>>[vector<16xi32>, vector<16xi32>, vector<16xi32>], vector<16xf32>,
        %mul3A_634 = arith.mulf %gather3A_632, %gather3A_633 : vector<16xf32>
        tpu.vector_store_idx %arg13[%shift_right_logical3A_628, %and3A_631, %add3A_510], %mul3A_634 : memref<8x8x128xf32, #tpu.memory_space<vmem>>[vector<16xi32>, vector<16xi32>, vector<16xi32>], vector<16xf32>,
        %scan3A_635 = arith.constant 2 : i32
        %scan3A_636 = arith.addi %scan3A_598, %scan3A_635 : i32
        %mul3A_637 = arith.constant 1 : i32
        %mul3A_638 = arith.muli %scan3A_636, %mul3A_637 : i32
        %add3A_639 = arith.constant 0 : i32
        %add3A_640 = arith.addi %add3A_639, %mul3A_638 : i32
        %add3A_641 = vector.broadcast %add3A_640 : i32 to vector<16xi32>
        %add3A_642 = arith.addi %iota3A, %add3A_641 : vector<16xi32>
        %and3A_643 = arith.constant 63 : i32
        %and3A_644 = vector.broadcast %and3A_643 : i32 to vector<16xi32>
        %and3A_645 = arith.andi %add3A_642, %and3A_644 : vector<16xi32>
        %shift_right_logical3A_646 = arith.constant 3 : i32
        %shift_right_logical3A_647 = vector.broadcast %shift_right_logical3A_646 : i32 to vector<16xi32>
        %shift_right_logical3A_648 = arith.shrui %and3A_645, %shift_right_logical3A_647 : vector<16xi32>
        %and3A_649 = arith.constant 7 : i32
        %and3A_650 = vector.broadcast %and3A_649 : i32 to vector<16xi32>
        %and3A_651 = arith.andi %and3A_645, %and3A_650 : vector<16xi32>
        %gather3A_652 = tpu.vector_load_idx %arg9[%add3A_510, %and3A_645] : memref<128x64xf32, #tpu.memory_space<vmem>>[vector<16xi32>, vector<16xi32>], vector<16xf32>,
        %gather3A_653 = tpu.vector_load_idx %arg11[%shift_right_logical3A_648, %and3A_651, %add3A_510] : memref<8x8x128xf32, #tpu.memory_space<vmem>>[vector<16xi32>, vector<16xi32>, vector<16xi32>], vector<16xf32>,
        %mul3A_654 = arith.mulf %gather3A_652, %gather3A_653 : vector<16xf32>
        tpu.vector_store_idx %arg13[%shift_right_logical3A_648, %and3A_651, %add3A_510], %mul3A_654 : memref<8x8x128xf32, #tpu.memory_space<vmem>>[vector<16xi32>, vector<16xi32>, vector<16xi32>], vector<16xf32>,
        %scan3A_655 = arith.constant 3 : i32
        %scan3A_656 = arith.addi %scan3A_598, %scan3A_655 : i32
        %mul3A_657 = arith.constant 1 : i32
        %mul3A_658 = arith.muli %scan3A_656, %mul3A_657 : i32
        %add3A_659 = arith.constant 0 : i32
        %add3A_660 = arith.addi %add3A_659, %mul3A_658 : i32
        %add3A_661 = vector.broadcast %add3A_660 : i32 to vector<16xi32>
        %add3A_662 = arith.addi %iota3A, %add3A_661 : vector<16xi32>
        %and3A_663 = arith.constant 63 : i32
        %and3A_664 = vector.broadcast %and3A_663 : i32 to vector<16xi32>
        %and3A_665 = arith.andi %add3A_662, %and3A_664 : vector<16xi32>
        %shift_right_logical3A_666 = arith.constant 3 : i32
        %shift_right_logical3A_667 = vector.broadcast %shift_right_logical3A_666 : i32 to vector<16xi32>
        %shift_right_logical3A_668 = arith.shrui %and3A_665, %shift_right_logical3A_667 : vector<16xi32>
        %and3A_669 = arith.constant 7 : i32
        %and3A_670 = vector.broadcast %and3A_669 : i32 to vector<16xi32>
        %and3A_671 = arith.andi %and3A_665, %and3A_670 : vector<16xi32>
        %gather3A_672 = tpu.vector_load_idx %arg9[%add3A_510, %and3A_665] : memref<128x64xf32, #tpu.memory_space<vmem>>[vector<16xi32>, vector<16xi32>], vector<16xf32>,
        %gather3A_673 = tpu.vector_load_idx %arg11[%shift_right_logical3A_668, %and3A_671, %add3A_510] : memref<8x8x128xf32, #tpu.memory_space<vmem>>[vector<16xi32>, vector<16xi32>, vector<16xi32>], vector<16xf32>,
        %mul3A_674 = arith.mulf %gather3A_672, %gather3A_673 : vector<16xf32>
        tpu.vector_store_idx %arg13[%shift_right_logical3A_668, %and3A_671, %add3A_510], %mul3A_674 : memref<8x8x128xf32, #tpu.memory_space<vmem>>[vector<16xi32>, vector<16xi32>, vector<16xi32>], vector<16xf32>,
        %scan3A_675 = arith.constant 4 : i32
        %scan3A_676 = arith.addi %scan3A_598, %scan3A_675 : i32
        %mul3A_677 = arith.constant 1 : i32
        %mul3A_678 = arith.muli %scan3A_676, %mul3A_677 : i32
        %add3A_679 = arith.constant 0 : i32
        %add3A_680 = arith.addi %add3A_679, %mul3A_678 : i32
        %add3A_681 = vector.broadcast %add3A_680 : i32 to vector<16xi32>
        %add3A_682 = arith.addi %iota3A, %add3A_681 : vector<16xi32>
        %and3A_683 = arith.constant 63 : i32
        %and3A_684 = vector.broadcast %and3A_683 : i32 to vector<16xi32>
        %and3A_685 = arith.andi %add3A_682, %and3A_684 : vector<16xi32>
        %shift_right_logical3A_686 = arith.constant 3 : i32
        %shift_right_logical3A_687 = vector.broadcast %shift_right_logical3A_686 : i32 to vector<16xi32>
        %shift_right_logical3A_688 = arith.shrui %and3A_685, %shift_right_logical3A_687 : vector<16xi32>
        %and3A_689 = arith.constant 7 : i32
        %and3A_690 = vector.broadcast %and3A_689 : i32 to vector<16xi32>
        %and3A_691 = arith.andi %and3A_685, %and3A_690 : vector<16xi32>
        %gather3A_692 = tpu.vector_load_idx %arg9[%add3A_510, %and3A_685] : memref<128x64xf32, #tpu.memory_space<vmem>>[vector<16xi32>, vector<16xi32>], vector<16xf32>,
        %gather3A_693 = tpu.vector_load_idx %arg11[%shift_right_logical3A_688, %and3A_691, %add3A_510] : memref<8x8x128xf32, #tpu.memory_space<vmem>>[vector<16xi32>, vector<16xi32>, vector<16xi32>], vector<16xf32>,
        %mul3A_694 = arith.mulf %gather3A_692, %gather3A_693 : vector<16xf32>
        tpu.vector_store_idx %arg13[%shift_right_logical3A_688, %and3A_691, %add3A_510], %mul3A_694 : memref<8x8x128xf32, #tpu.memory_space<vmem>>[vector<16xi32>, vector<16xi32>, vector<16xi32>], vector<16xf32>,
        %scan3A_695 = arith.constant 5 : i32
        %scan3A_696 = arith.addi %scan3A_598, %scan3A_695 : i32
        %mul3A_697 = arith.constant 1 : i32
        %mul3A_698 = arith.muli %scan3A_696, %mul3A_697 : i32
        %add3A_699 = arith.constant 0 : i32
        %add3A_700 = arith.addi %add3A_699, %mul3A_698 : i32
        %add3A_701 = vector.broadcast %add3A_700 : i32 to vector<16xi32>
        %add3A_702 = arith.addi %iota3A, %add3A_701 : vector<16xi32>
        %and3A_703 = arith.constant 63 : i32
        %and3A_704 = vector.broadcast %and3A_703 : i32 to vector<16xi32>
        %and3A_705 = arith.andi %add3A_702, %and3A_704 : vector<16xi32>
        %shift_right_logical3A_706 = arith.constant 3 : i32
        %shift_right_logical3A_707 = vector.broadcast %shift_right_logical3A_706 : i32 to vector<16xi32>
        %shift_right_logical3A_708 = arith.shrui %and3A_705, %shift_right_logical3A_707 : vector<16xi32>
        %and3A_709 = arith.constant 7 : i32
        %and3A_710 = vector.broadcast %and3A_709 : i32 to vector<16xi32>
        %and3A_711 = arith.andi %and3A_705, %and3A_710 : vector<16xi32>
        %gather3A_712 = tpu.vector_load_idx %arg9[%add3A_510, %and3A_705] : memref<128x64xf32, #tpu.memory_space<vmem>>[vector<16xi32>, vector<16xi32>], vector<16xf32>,
        %gather3A_713 = tpu.vector_load_idx %arg11[%shift_right_logical3A_708, %and3A_711, %add3A_510] : memref<8x8x128xf32, #tpu.memory_space<vmem>>[vector<16xi32>, vector<16xi32>, vector<16xi32>], vector<16xf32>,
        %mul3A_714 = arith.mulf %gather3A_712, %gather3A_713 : vector<16xf32>
        tpu.vector_store_idx %arg13[%shift_right_logical3A_708, %and3A_711, %add3A_510], %mul3A_714 : memref<8x8x128xf32, #tpu.memory_space<vmem>>[vector<16xi32>, vector<16xi32>, vector<16xi32>], vector<16xf32>,
        %scan3A_715 = arith.constant 6 : i32
        %scan3A_716 = arith.addi %scan3A_598, %scan3A_715 : i32
        %mul3A_717 = arith.constant 1 : i32
        %mul3A_718 = arith.muli %scan3A_716, %mul3A_717 : i32
        %add3A_719 = arith.constant 0 : i32
        %add3A_720 = arith.addi %add3A_719, %mul3A_718 : i32
        %add3A_721 = vector.broadcast %add3A_720 : i32 to vector<16xi32>
        %add3A_722 = arith.addi %iota3A, %add3A_721 : vector<16xi32>
        %and3A_723 = arith.constant 63 : i32
        %and3A_724 = vector.broadcast %and3A_723 : i32 to vector<16xi32>
        %and3A_725 = arith.andi %add3A_722, %and3A_724 : vector<16xi32>
        %shift_right_logical3A_726 = arith.constant 3 : i32
        %shift_right_logical3A_727 = vector.broadcast %shift_right_logical3A_726 : i32 to vector<16xi32>
        %shift_right_logical3A_728 = arith.shrui %and3A_725, %shift_right_logical3A_727 : vector<16xi32>
        %and3A_729 = arith.constant 7 : i32
        %and3A_730 = vector.broadcast %and3A_729 : i32 to vector<16xi32>
        %and3A_731 = arith.andi %and3A_725, %and3A_730 : vector<16xi32>
        %gather3A_732 = tpu.vector_load_idx %arg9[%add3A_510, %and3A_725] : memref<128x64xf32, #tpu.memory_space<vmem>>[vector<16xi32>, vector<16xi32>], vector<16xf32>,
        %gather3A_733 = tpu.vector_load_idx %arg11[%shift_right_logical3A_728, %and3A_731, %add3A_510] : memref<8x8x128xf32, #tpu.memory_space<vmem>>[vector<16xi32>, vector<16xi32>, vector<16xi32>], vector<16xf32>,
        %mul3A_734 = arith.mulf %gather3A_732, %gather3A_733 : vector<16xf32>
        tpu.vector_store_idx %arg13[%shift_right_logical3A_728, %and3A_731, %add3A_510], %mul3A_734 : memref<8x8x128xf32, #tpu.memory_space<vmem>>[vector<16xi32>, vector<16xi32>, vector<16xi32>], vector<16xf32>,
        %scan3A_735 = arith.constant 7 : i32
        %scan3A_736 = arith.addi %scan3A_598, %scan3A_735 : i32
        %mul3A_737 = arith.constant 1 : i32
        %mul3A_738 = arith.muli %scan3A_736, %mul3A_737 : i32
        %add3A_739 = arith.constant 0 : i32
        %add3A_740 = arith.addi %add3A_739, %mul3A_738 : i32
        %add3A_741 = vector.broadcast %add3A_740 : i32 to vector<16xi32>
        %add3A_742 = arith.addi %iota3A, %add3A_741 : vector<16xi32>
        %and3A_743 = arith.constant 63 : i32
        %and3A_744 = vector.broadcast %and3A_743 : i32 to vector<16xi32>
        %and3A_745 = arith.andi %add3A_742, %and3A_744 : vector<16xi32>
        %shift_right_logical3A_746 = arith.constant 3 : i32
        %shift_right_logical3A_747 = vector.broadcast %shift_right_logical3A_746 : i32 to vector<16xi32>
        %shift_right_logical3A_748 = arith.shrui %and3A_745, %shift_right_logical3A_747 : vector<16xi32>
        %and3A_749 = arith.constant 7 : i32
        %and3A_750 = vector.broadcast %and3A_749 : i32 to vector<16xi32>
        %and3A_751 = arith.andi %and3A_745, %and3A_750 : vector<16xi32>
        %gather3A_752 = tpu.vector_load_idx %arg9[%add3A_510, %and3A_745] : memref<128x64xf32, #tpu.memory_space<vmem>>[vector<16xi32>, vector<16xi32>], vector<16xf32>,
        %gather3A_753 = tpu.vector_load_idx %arg11[%shift_right_logical3A_748, %and3A_751, %add3A_510] : memref<8x8x128xf32, #tpu.memory_space<vmem>>[vector<16xi32>, vector<16xi32>, vector<16xi32>], vector<16xf32>,
        %mul3A_754 = arith.mulf %gather3A_752, %gather3A_753 : vector<16xf32>
        tpu.vector_store_idx %arg13[%shift_right_logical3A_748, %and3A_751, %add3A_510], %mul3A_754 : memref<8x8x128xf32, #tpu.memory_space<vmem>>[vector<16xi32>, vector<16xi32>, vector<16xi32>], vector<16xf32>,
      }
      %scan3A_515 = arith.constant 64 : i32
      %add3A_516 = arith.constant 80 : i32
      %add3A_517 = vector.broadcast %add3A_516 : i32 to vector<16xi32>
      %add3A_518 = arith.addi %iota3A, %add3A_517 : vector<16xi32>
      %scan3A_519 = arith.constant 0 : i32
      %scan3A_520 = arith.constant 64 : i32
      %scan3A_521 = arith.addi %scan3A_519, %scan3A_520 : i32
      %scan3A_522 = arith.constant 8 : i32
      scf.for %scan3A_598 = %scan3A_519 to %scan3A_521 step %scan3A_522  : i32 {
        %mul3A_599 = arith.constant 1 : i32
        %mul3A_600 = arith.muli %scan3A_598, %mul3A_599 : i32
        %add3A_601 = arith.constant 0 : i32
        %add3A_602 = arith.addi %add3A_601, %mul3A_600 : i32
        %add3A_603 = vector.broadcast %add3A_602 : i32 to vector<16xi32>
        %add3A_604 = arith.addi %iota3A, %add3A_603 : vector<16xi32>
        %and3A_605 = arith.constant 63 : i32
        %and3A_606 = vector.broadcast %and3A_605 : i32 to vector<16xi32>
        %and3A_607 = arith.andi %add3A_604, %and3A_606 : vector<16xi32>
        %shift_right_logical3A = arith.constant 3 : i32
        %shift_right_logical3A_608 = vector.broadcast %shift_right_logical3A : i32 to vector<16xi32>
        %shift_right_logical3A_609 = arith.shrui %and3A_607, %shift_right_logical3A_608 : vector<16xi32>
        %and3A_610 = arith.constant 7 : i32
        %and3A_611 = vector.broadcast %and3A_610 : i32 to vector<16xi32>
        %and3A_612 = arith.andi %and3A_607, %and3A_611 : vector<16xi32>
        %gather3A = tpu.vector_load_idx %arg9[%add3A_518, %and3A_607] : memref<128x64xf32, #tpu.memory_space<vmem>>[vector<16xi32>, vector<16xi32>], vector<16xf32>,
        %gather3A_613 = tpu.vector_load_idx %arg11[%shift_right_logical3A_609, %and3A_612, %add3A_518] : memref<8x8x128xf32, #tpu.memory_space<vmem>>[vector<16xi32>, vector<16xi32>, vector<16xi32>], vector<16xf32>,
        %mul3A_614 = arith.mulf %gather3A, %gather3A_613 : vector<16xf32>
        tpu.vector_store_idx %arg13[%shift_right_logical3A_609, %and3A_612, %add3A_518], %mul3A_614 : memref<8x8x128xf32, #tpu.memory_space<vmem>>[vector<16xi32>, vector<16xi32>, vector<16xi32>], vector<16xf32>,
        %scan3A_615 = arith.constant 1 : i32
        %scan3A_616 = arith.addi %scan3A_598, %scan3A_615 : i32
        %mul3A_617 = arith.constant 1 : i32
        %mul3A_618 = arith.muli %scan3A_616, %mul3A_617 : i32
        %add3A_619 = arith.constant 0 : i32
        %add3A_620 = arith.addi %add3A_619, %mul3A_618 : i32
        %add3A_621 = vector.broadcast %add3A_620 : i32 to vector<16xi32>
        %add3A_622 = arith.addi %iota3A, %add3A_621 : vector<16xi32>
        %and3A_623 = arith.constant 63 : i32
        %and3A_624 = vector.broadcast %and3A_623 : i32 to vector<16xi32>
        %and3A_625 = arith.andi %add3A_622, %and3A_624 : vector<16xi32>
        %shift_right_logical3A_626 = arith.constant 3 : i32
        %shift_right_logical3A_627 = vector.broadcast %shift_right_logical3A_626 : i32 to vector<16xi32>
        %shift_right_logical3A_628 = arith.shrui %and3A_625, %shift_right_logical3A_627 : vector<16xi32>
        %and3A_629 = arith.constant 7 : i32
        %and3A_630 = vector.broadcast %and3A_629 : i32 to vector<16xi32>
        %and3A_631 = arith.andi %and3A_625, %and3A_630 : vector<16xi32>
        %gather3A_632 = tpu.vector_load_idx %arg9[%add3A_518, %and3A_625] : memref<128x64xf32, #tpu.memory_space<vmem>>[vector<16xi32>, vector<16xi32>], vector<16xf32>,
        %gather3A_633 = tpu.vector_load_idx %arg11[%shift_right_logical3A_628, %and3A_631, %add3A_518] : memref<8x8x128xf32, #tpu.memory_space<vmem>>[vector<16xi32>, vector<16xi32>, vector<16xi32>], vector<16xf32>,
        %mul3A_634 = arith.mulf %gather3A_632, %gather3A_633 : vector<16xf32>
        tpu.vector_store_idx %arg13[%shift_right_logical3A_628, %and3A_631, %add3A_518], %mul3A_634 : memref<8x8x128xf32, #tpu.memory_space<vmem>>[vector<16xi32>, vector<16xi32>, vector<16xi32>], vector<16xf32>,
        %scan3A_635 = arith.constant 2 : i32
        %scan3A_636 = arith.addi %scan3A_598, %scan3A_635 : i32
        %mul3A_637 = arith.constant 1 : i32
        %mul3A_638 = arith.muli %scan3A_636, %mul3A_637 : i32
        %add3A_639 = arith.constant 0 : i32
        %add3A_640 = arith.addi %add3A_639, %mul3A_638 : i32
        %add3A_641 = vector.broadcast %add3A_640 : i32 to vector<16xi32>
        %add3A_642 = arith.addi %iota3A, %add3A_641 : vector<16xi32>
        %and3A_643 = arith.constant 63 : i32
        %and3A_644 = vector.broadcast %and3A_643 : i32 to vector<16xi32>
        %and3A_645 = arith.andi %add3A_642, %and3A_644 : vector<16xi32>
        %shift_right_logical3A_646 = arith.constant 3 : i32
        %shift_right_logical3A_647 = vector.broadcast %shift_right_logical3A_646 : i32 to vector<16xi32>
        %shift_right_logical3A_648 = arith.shrui %and3A_645, %shift_right_logical3A_647 : vector<16xi32>
        %and3A_649 = arith.constant 7 : i32
        %and3A_650 = vector.broadcast %and3A_649 : i32 to vector<16xi32>
        %and3A_651 = arith.andi %and3A_645, %and3A_650 : vector<16xi32>
        %gather3A_652 = tpu.vector_load_idx %arg9[%add3A_518, %and3A_645] : memref<128x64xf32, #tpu.memory_space<vmem>>[vector<16xi32>, vector<16xi32>], vector<16xf32>,
        %gather3A_653 = tpu.vector_load_idx %arg11[%shift_right_logical3A_648, %and3A_651, %add3A_518] : memref<8x8x128xf32, #tpu.memory_space<vmem>>[vector<16xi32>, vector<16xi32>, vector<16xi32>], vector<16xf32>,
        %mul3A_654 = arith.mulf %gather3A_652, %gather3A_653 : vector<16xf32>
        tpu.vector_store_idx %arg13[%shift_right_logical3A_648, %and3A_651, %add3A_518], %mul3A_654 : memref<8x8x128xf32, #tpu.memory_space<vmem>>[vector<16xi32>, vector<16xi32>, vector<16xi32>], vector<16xf32>,
        %scan3A_655 = arith.constant 3 : i32
        %scan3A_656 = arith.addi %scan3A_598, %scan3A_655 : i32
        %mul3A_657 = arith.constant 1 : i32
        %mul3A_658 = arith.muli %scan3A_656, %mul3A_657 : i32
        %add3A_659 = arith.constant 0 : i32
        %add3A_660 = arith.addi %add3A_659, %mul3A_658 : i32
        %add3A_661 = vector.broadcast %add3A_660 : i32 to vector<16xi32>
        %add3A_662 = arith.addi %iota3A, %add3A_661 : vector<16xi32>
        %and3A_663 = arith.constant 63 : i32
        %and3A_664 = vector.broadcast %and3A_663 : i32 to vector<16xi32>
        %and3A_665 = arith.andi %add3A_662, %and3A_664 : vector<16xi32>
        %shift_right_logical3A_666 = arith.constant 3 : i32
        %shift_right_logical3A_667 = vector.broadcast %shift_right_logical3A_666 : i32 to vector<16xi32>
        %shift_right_logical3A_668 = arith.shrui %and3A_665, %shift_right_logical3A_667 : vector<16xi32>
        %and3A_669 = arith.constant 7 : i32
        %and3A_670 = vector.broadcast %and3A_669 : i32 to vector<16xi32>
        %and3A_671 = arith.andi %and3A_665, %and3A_670 : vector<16xi32>
        %gather3A_672 = tpu.vector_load_idx %arg9[%add3A_518, %and3A_665] : memref<128x64xf32, #tpu.memory_space<vmem>>[vector<16xi32>, vector<16xi32>], vector<16xf32>,
        %gather3A_673 = tpu.vector_load_idx %arg11[%shift_right_logical3A_668, %and3A_671, %add3A_518] : memref<8x8x128xf32, #tpu.memory_space<vmem>>[vector<16xi32>, vector<16xi32>, vector<16xi32>], vector<16xf32>,
        %mul3A_674 = arith.mulf %gather3A_672, %gather3A_673 : vector<16xf32>
        tpu.vector_store_idx %arg13[%shift_right_logical3A_668, %and3A_671, %add3A_518], %mul3A_674 : memref<8x8x128xf32, #tpu.memory_space<vmem>>[vector<16xi32>, vector<16xi32>, vector<16xi32>], vector<16xf32>,
        %scan3A_675 = arith.constant 4 : i32
        %scan3A_676 = arith.addi %scan3A_598, %scan3A_675 : i32
        %mul3A_677 = arith.constant 1 : i32
        %mul3A_678 = arith.muli %scan3A_676, %mul3A_677 : i32
        %add3A_679 = arith.constant 0 : i32
        %add3A_680 = arith.addi %add3A_679, %mul3A_678 : i32
        %add3A_681 = vector.broadcast %add3A_680 : i32 to vector<16xi32>
        %add3A_682 = arith.addi %iota3A, %add3A_681 : vector<16xi32>
        %and3A_683 = arith.constant 63 : i32
        %and3A_684 = vector.broadcast %and3A_683 : i32 to vector<16xi32>
        %and3A_685 = arith.andi %add3A_682, %and3A_684 : vector<16xi32>
        %shift_right_logical3A_686 = arith.constant 3 : i32
        %shift_right_logical3A_687 = vector.broadcast %shift_right_logical3A_686 : i32 to vector<16xi32>
        %shift_right_logical3A_688 = arith.shrui %and3A_685, %shift_right_logical3A_687 : vector<16xi32>
        %and3A_689 = arith.constant 7 : i32
        %and3A_690 = vector.broadcast %and3A_689 : i32 to vector<16xi32>
        %and3A_691 = arith.andi %and3A_685, %and3A_690 : vector<16xi32>
        %gather3A_692 = tpu.vector_load_idx %arg9[%add3A_518, %and3A_685] : memref<128x64xf32, #tpu.memory_space<vmem>>[vector<16xi32>, vector<16xi32>], vector<16xf32>,
        %gather3A_693 = tpu.vector_load_idx %arg11[%shift_right_logical3A_688, %and3A_691, %add3A_518] : memref<8x8x128xf32, #tpu.memory_space<vmem>>[vector<16xi32>, vector<16xi32>, vector<16xi32>], vector<16xf32>,
        %mul3A_694 = arith.mulf %gather3A_692, %gather3A_693 : vector<16xf32>
        tpu.vector_store_idx %arg13[%shift_right_logical3A_688, %and3A_691, %add3A_518], %mul3A_694 : memref<8x8x128xf32, #tpu.memory_space<vmem>>[vector<16xi32>, vector<16xi32>, vector<16xi32>], vector<16xf32>,
        %scan3A_695 = arith.constant 5 : i32
        %scan3A_696 = arith.addi %scan3A_598, %scan3A_695 : i32
        %mul3A_697 = arith.constant 1 : i32
        %mul3A_698 = arith.muli %scan3A_696, %mul3A_697 : i32
        %add3A_699 = arith.constant 0 : i32
        %add3A_700 = arith.addi %add3A_699, %mul3A_698 : i32
        %add3A_701 = vector.broadcast %add3A_700 : i32 to vector<16xi32>
        %add3A_702 = arith.addi %iota3A, %add3A_701 : vector<16xi32>
        %and3A_703 = arith.constant 63 : i32
        %and3A_704 = vector.broadcast %and3A_703 : i32 to vector<16xi32>
        %and3A_705 = arith.andi %add3A_702, %and3A_704 : vector<16xi32>
        %shift_right_logical3A_706 = arith.constant 3 : i32
        %shift_right_logical3A_707 = vector.broadcast %shift_right_logical3A_706 : i32 to vector<16xi32>
        %shift_right_logical3A_708 = arith.shrui %and3A_705, %shift_right_logical3A_707 : vector<16xi32>
        %and3A_709 = arith.constant 7 : i32
        %and3A_710 = vector.broadcast %and3A_709 : i32 to vector<16xi32>
        %and3A_711 = arith.andi %and3A_705, %and3A_710 : vector<16xi32>
        %gather3A_712 = tpu.vector_load_idx %arg9[%add3A_518, %and3A_705] : memref<128x64xf32, #tpu.memory_space<vmem>>[vector<16xi32>, vector<16xi32>], vector<16xf32>,
        %gather3A_713 = tpu.vector_load_idx %arg11[%shift_right_logical3A_708, %and3A_711, %add3A_518] : memref<8x8x128xf32, #tpu.memory_space<vmem>>[vector<16xi32>, vector<16xi32>, vector<16xi32>], vector<16xf32>,
        %mul3A_714 = arith.mulf %gather3A_712, %gather3A_713 : vector<16xf32>
        tpu.vector_store_idx %arg13[%shift_right_logical3A_708, %and3A_711, %add3A_518], %mul3A_714 : memref<8x8x128xf32, #tpu.memory_space<vmem>>[vector<16xi32>, vector<16xi32>, vector<16xi32>], vector<16xf32>,
        %scan3A_715 = arith.constant 6 : i32
        %scan3A_716 = arith.addi %scan3A_598, %scan3A_715 : i32
        %mul3A_717 = arith.constant 1 : i32
        %mul3A_718 = arith.muli %scan3A_716, %mul3A_717 : i32
        %add3A_719 = arith.constant 0 : i32
        %add3A_720 = arith.addi %add3A_719, %mul3A_718 : i32
        %add3A_721 = vector.broadcast %add3A_720 : i32 to vector<16xi32>
        %add3A_722 = arith.addi %iota3A, %add3A_721 : vector<16xi32>
        %and3A_723 = arith.constant 63 : i32
        %and3A_724 = vector.broadcast %and3A_723 : i32 to vector<16xi32>
        %and3A_725 = arith.andi %add3A_722, %and3A_724 : vector<16xi32>
        %shift_right_logical3A_726 = arith.constant 3 : i32
        %shift_right_logical3A_727 = vector.broadcast %shift_right_logical3A_726 : i32 to vector<16xi32>
        %shift_right_logical3A_728 = arith.shrui %and3A_725, %shift_right_logical3A_727 : vector<16xi32>
        %and3A_729 = arith.constant 7 : i32
        %and3A_730 = vector.broadcast %and3A_729 : i32 to vector<16xi32>
        %and3A_731 = arith.andi %and3A_725, %and3A_730 : vector<16xi32>
        %gather3A_732 = tpu.vector_load_idx %arg9[%add3A_518, %and3A_725] : memref<128x64xf32, #tpu.memory_space<vmem>>[vector<16xi32>, vector<16xi32>], vector<16xf32>,
        %gather3A_733 = tpu.vector_load_idx %arg11[%shift_right_logical3A_728, %and3A_731, %add3A_518] : memref<8x8x128xf32, #tpu.memory_space<vmem>>[vector<16xi32>, vector<16xi32>, vector<16xi32>], vector<16xf32>,
        %mul3A_734 = arith.mulf %gather3A_732, %gather3A_733 : vector<16xf32>
        tpu.vector_store_idx %arg13[%shift_right_logical3A_728, %and3A_731, %add3A_518], %mul3A_734 : memref<8x8x128xf32, #tpu.memory_space<vmem>>[vector<16xi32>, vector<16xi32>, vector<16xi32>], vector<16xf32>,
        %scan3A_735 = arith.constant 7 : i32
        %scan3A_736 = arith.addi %scan3A_598, %scan3A_735 : i32
        %mul3A_737 = arith.constant 1 : i32
        %mul3A_738 = arith.muli %scan3A_736, %mul3A_737 : i32
        %add3A_739 = arith.constant 0 : i32
        %add3A_740 = arith.addi %add3A_739, %mul3A_738 : i32
        %add3A_741 = vector.broadcast %add3A_740 : i32 to vector<16xi32>
        %add3A_742 = arith.addi %iota3A, %add3A_741 : vector<16xi32>
        %and3A_743 = arith.constant 63 : i32
        %and3A_744 = vector.broadcast %and3A_743 : i32 to vector<16xi32>
        %and3A_745 = arith.andi %add3A_742, %and3A_744 : vector<16xi32>
        %shift_right_logical3A_746 = arith.constant 3 : i32
        %shift_right_logical3A_747 = vector.broadcast %shift_right_logical3A_746 : i32 to vector<16xi32>
        %shift_right_logical3A_748 = arith.shrui %and3A_745, %shift_right_logical3A_747 : vector<16xi32>
        %and3A_749 = arith.constant 7 : i32
        %and3A_750 = vector.broadcast %and3A_749 : i32 to vector<16xi32>
        %and3A_751 = arith.andi %and3A_745, %and3A_750 : vector<16xi32>
        %gather3A_752 = tpu.vector_load_idx %arg9[%add3A_518, %and3A_745] : memref<128x64xf32, #tpu.memory_space<vmem>>[vector<16xi32>, vector<16xi32>], vector<16xf32>,
        %gather3A_753 = tpu.vector_load_idx %arg11[%shift_right_logical3A_748, %and3A_751, %add3A_518] : memref<8x8x128xf32, #tpu.memory_space<vmem>>[vector<16xi32>, vector<16xi32>, vector<16xi32>], vector<16xf32>,
        %mul3A_754 = arith.mulf %gather3A_752, %gather3A_753 : vector<16xf32>
        tpu.vector_store_idx %arg13[%shift_right_logical3A_748, %and3A_751, %add3A_518], %mul3A_754 : memref<8x8x128xf32, #tpu.memory_space<vmem>>[vector<16xi32>, vector<16xi32>, vector<16xi32>], vector<16xf32>,
      }
      %scan3A_523 = arith.constant 64 : i32
      %add3A_524 = arith.constant 96 : i32
      %add3A_525 = vector.broadcast %add3A_524 : i32 to vector<16xi32>
      %add3A_526 = arith.addi %iota3A, %add3A_525 : vector<16xi32>
      %scan3A_527 = arith.constant 0 : i32
      %scan3A_528 = arith.constant 64 : i32
      %scan3A_529 = arith.addi %scan3A_527, %scan3A_528 : i32
      %scan3A_530 = arith.constant 8 : i32
      scf.for %scan3A_598 = %scan3A_527 to %scan3A_529 step %scan3A_530  : i32 {
        %mul3A_599 = arith.constant 1 : i32
        %mul3A_600 = arith.muli %scan3A_598, %mul3A_599 : i32
        %add3A_601 = arith.constant 0 : i32
        %add3A_602 = arith.addi %add3A_601, %mul3A_600 : i32
        %add3A_603 = vector.broadcast %add3A_602 : i32 to vector<16xi32>
        %add3A_604 = arith.addi %iota3A, %add3A_603 : vector<16xi32>
        %and3A_605 = arith.constant 63 : i32
        %and3A_606 = vector.broadcast %and3A_605 : i32 to vector<16xi32>
        %and3A_607 = arith.andi %add3A_604, %and3A_606 : vector<16xi32>
        %shift_right_logical3A = arith.constant 3 : i32
        %shift_right_logical3A_608 = vector.broadcast %shift_right_logical3A : i32 to vector<16xi32>
        %shift_right_logical3A_609 = arith.shrui %and3A_607, %shift_right_logical3A_608 : vector<16xi32>
        %and3A_610 = arith.constant 7 : i32
        %and3A_611 = vector.broadcast %and3A_610 : i32 to vector<16xi32>
        %and3A_612 = arith.andi %and3A_607, %and3A_611 : vector<16xi32>
        %gather3A = tpu.vector_load_idx %arg9[%add3A_526, %and3A_607] : memref<128x64xf32, #tpu.memory_space<vmem>>[vector<16xi32>, vector<16xi32>], vector<16xf32>,
        %gather3A_613 = tpu.vector_load_idx %arg11[%shift_right_logical3A_609, %and3A_612, %add3A_526] : memref<8x8x128xf32, #tpu.memory_space<vmem>>[vector<16xi32>, vector<16xi32>, vector<16xi32>], vector<16xf32>,
        %mul3A_614 = arith.mulf %gather3A, %gather3A_613 : vector<16xf32>
        tpu.vector_store_idx %arg13[%shift_right_logical3A_609, %and3A_612, %add3A_526], %mul3A_614 : memref<8x8x128xf32, #tpu.memory_space<vmem>>[vector<16xi32>, vector<16xi32>, vector<16xi32>], vector<16xf32>,
        %scan3A_615 = arith.constant 1 : i32
        %scan3A_616 = arith.addi %scan3A_598, %scan3A_615 : i32
        %mul3A_617 = arith.constant 1 : i32
        %mul3A_618 = arith.muli %scan3A_616, %mul3A_617 : i32
        %add3A_619 = arith.constant 0 : i32
        %add3A_620 = arith.addi %add3A_619, %mul3A_618 : i32
        %add3A_621 = vector.broadcast %add3A_620 : i32 to vector<16xi32>
        %add3A_622 = arith.addi %iota3A, %add3A_621 : vector<16xi32>
        %and3A_623 = arith.constant 63 : i32
        %and3A_624 = vector.broadcast %and3A_623 : i32 to vector<16xi32>
        %and3A_625 = arith.andi %add3A_622, %and3A_624 : vector<16xi32>
        %shift_right_logical3A_626 = arith.constant 3 : i32
        %shift_right_logical3A_627 = vector.broadcast %shift_right_logical3A_626 : i32 to vector<16xi32>
        %shift_right_logical3A_628 = arith.shrui %and3A_625, %shift_right_logical3A_627 : vector<16xi32>
        %and3A_629 = arith.constant 7 : i32
        %and3A_630 = vector.broadcast %and3A_629 : i32 to vector<16xi32>
        %and3A_631 = arith.andi %and3A_625, %and3A_630 : vector<16xi32>
        %gather3A_632 = tpu.vector_load_idx %arg9[%add3A_526, %and3A_625] : memref<128x64xf32, #tpu.memory_space<vmem>>[vector<16xi32>, vector<16xi32>], vector<16xf32>,
        %gather3A_633 = tpu.vector_load_idx %arg11[%shift_right_logical3A_628, %and3A_631, %add3A_526] : memref<8x8x128xf32, #tpu.memory_space<vmem>>[vector<16xi32>, vector<16xi32>, vector<16xi32>], vector<16xf32>,
        %mul3A_634 = arith.mulf %gather3A_632, %gather3A_633 : vector<16xf32>
        tpu.vector_store_idx %arg13[%shift_right_logical3A_628, %and3A_631, %add3A_526], %mul3A_634 : memref<8x8x128xf32, #tpu.memory_space<vmem>>[vector<16xi32>, vector<16xi32>, vector<16xi32>], vector<16xf32>,
        %scan3A_635 = arith.constant 2 : i32
        %scan3A_636 = arith.addi %scan3A_598, %scan3A_635 : i32
        %mul3A_637 = arith.constant 1 : i32
        %mul3A_638 = arith.muli %scan3A_636, %mul3A_637 : i32
        %add3A_639 = arith.constant 0 : i32
        %add3A_640 = arith.addi %add3A_639, %mul3A_638 : i32
        %add3A_641 = vector.broadcast %add3A_640 : i32 to vector<16xi32>
        %add3A_642 = arith.addi %iota3A, %add3A_641 : vector<16xi32>
        %and3A_643 = arith.constant 63 : i32
        %and3A_644 = vector.broadcast %and3A_643 : i32 to vector<16xi32>
        %and3A_645 = arith.andi %add3A_642, %and3A_644 : vector<16xi32>
        %shift_right_logical3A_646 = arith.constant 3 : i32
        %shift_right_logical3A_647 = vector.broadcast %shift_right_logical3A_646 : i32 to vector<16xi32>
        %shift_right_logical3A_648 = arith.shrui %and3A_645, %shift_right_logical3A_647 : vector<16xi32>
        %and3A_649 = arith.constant 7 : i32
        %and3A_650 = vector.broadcast %and3A_649 : i32 to vector<16xi32>
        %and3A_651 = arith.andi %and3A_645, %and3A_650 : vector<16xi32>
        %gather3A_652 = tpu.vector_load_idx %arg9[%add3A_526, %and3A_645] : memref<128x64xf32, #tpu.memory_space<vmem>>[vector<16xi32>, vector<16xi32>], vector<16xf32>,
        %gather3A_653 = tpu.vector_load_idx %arg11[%shift_right_logical3A_648, %and3A_651, %add3A_526] : memref<8x8x128xf32, #tpu.memory_space<vmem>>[vector<16xi32>, vector<16xi32>, vector<16xi32>], vector<16xf32>,
        %mul3A_654 = arith.mulf %gather3A_652, %gather3A_653 : vector<16xf32>
        tpu.vector_store_idx %arg13[%shift_right_logical3A_648, %and3A_651, %add3A_526], %mul3A_654 : memref<8x8x128xf32, #tpu.memory_space<vmem>>[vector<16xi32>, vector<16xi32>, vector<16xi32>], vector<16xf32>,
        %scan3A_655 = arith.constant 3 : i32
        %scan3A_656 = arith.addi %scan3A_598, %scan3A_655 : i32
        %mul3A_657 = arith.constant 1 : i32
        %mul3A_658 = arith.muli %scan3A_656, %mul3A_657 : i32
        %add3A_659 = arith.constant 0 : i32
        %add3A_660 = arith.addi %add3A_659, %mul3A_658 : i32
        %add3A_661 = vector.broadcast %add3A_660 : i32 to vector<16xi32>
        %add3A_662 = arith.addi %iota3A, %add3A_661 : vector<16xi32>
        %and3A_663 = arith.constant 63 : i32
        %and3A_664 = vector.broadcast %and3A_663 : i32 to vector<16xi32>
        %and3A_665 = arith.andi %add3A_662, %and3A_664 : vector<16xi32>
        %shift_right_logical3A_666 = arith.constant 3 : i32
        %shift_right_logical3A_667 = vector.broadcast %shift_right_logical3A_666 : i32 to vector<16xi32>
        %shift_right_logical3A_668 = arith.shrui %and3A_665, %shift_right_logical3A_667 : vector<16xi32>
        %and3A_669 = arith.constant 7 : i32
        %and3A_670 = vector.broadcast %and3A_669 : i32 to vector<16xi32>
        %and3A_671 = arith.andi %and3A_665, %and3A_670 : vector<16xi32>
        %gather3A_672 = tpu.vector_load_idx %arg9[%add3A_526, %and3A_665] : memref<128x64xf32, #tpu.memory_space<vmem>>[vector<16xi32>, vector<16xi32>], vector<16xf32>,
        %gather3A_673 = tpu.vector_load_idx %arg11[%shift_right_logical3A_668, %and3A_671, %add3A_526] : memref<8x8x128xf32, #tpu.memory_space<vmem>>[vector<16xi32>, vector<16xi32>, vector<16xi32>], vector<16xf32>,
        %mul3A_674 = arith.mulf %gather3A_672, %gather3A_673 : vector<16xf32>
        tpu.vector_store_idx %arg13[%shift_right_logical3A_668, %and3A_671, %add3A_526], %mul3A_674 : memref<8x8x128xf32, #tpu.memory_space<vmem>>[vector<16xi32>, vector<16xi32>, vector<16xi32>], vector<16xf32>,
        %scan3A_675 = arith.constant 4 : i32
        %scan3A_676 = arith.addi %scan3A_598, %scan3A_675 : i32
        %mul3A_677 = arith.constant 1 : i32
        %mul3A_678 = arith.muli %scan3A_676, %mul3A_677 : i32
        %add3A_679 = arith.constant 0 : i32
        %add3A_680 = arith.addi %add3A_679, %mul3A_678 : i32
        %add3A_681 = vector.broadcast %add3A_680 : i32 to vector<16xi32>
        %add3A_682 = arith.addi %iota3A, %add3A_681 : vector<16xi32>
        %and3A_683 = arith.constant 63 : i32
        %and3A_684 = vector.broadcast %and3A_683 : i32 to vector<16xi32>
        %and3A_685 = arith.andi %add3A_682, %and3A_684 : vector<16xi32>
        %shift_right_logical3A_686 = arith.constant 3 : i32
        %shift_right_logical3A_687 = vector.broadcast %shift_right_logical3A_686 : i32 to vector<16xi32>
        %shift_right_logical3A_688 = arith.shrui %and3A_685, %shift_right_logical3A_687 : vector<16xi32>
        %and3A_689 = arith.constant 7 : i32
        %and3A_690 = vector.broadcast %and3A_689 : i32 to vector<16xi32>
        %and3A_691 = arith.andi %and3A_685, %and3A_690 : vector<16xi32>
        %gather3A_692 = tpu.vector_load_idx %arg9[%add3A_526, %and3A_685] : memref<128x64xf32, #tpu.memory_space<vmem>>[vector<16xi32>, vector<16xi32>], vector<16xf32>,
        %gather3A_693 = tpu.vector_load_idx %arg11[%shift_right_logical3A_688, %and3A_691, %add3A_526] : memref<8x8x128xf32, #tpu.memory_space<vmem>>[vector<16xi32>, vector<16xi32>, vector<16xi32>], vector<16xf32>,
        %mul3A_694 = arith.mulf %gather3A_692, %gather3A_693 : vector<16xf32>
        tpu.vector_store_idx %arg13[%shift_right_logical3A_688, %and3A_691, %add3A_526], %mul3A_694 : memref<8x8x128xf32, #tpu.memory_space<vmem>>[vector<16xi32>, vector<16xi32>, vector<16xi32>], vector<16xf32>,
        %scan3A_695 = arith.constant 5 : i32
        %scan3A_696 = arith.addi %scan3A_598, %scan3A_695 : i32
        %mul3A_697 = arith.constant 1 : i32
        %mul3A_698 = arith.muli %scan3A_696, %mul3A_697 : i32
        %add3A_699 = arith.constant 0 : i32
        %add3A_700 = arith.addi %add3A_699, %mul3A_698 : i32
        %add3A_701 = vector.broadcast %add3A_700 : i32 to vector<16xi32>
        %add3A_702 = arith.addi %iota3A, %add3A_701 : vector<16xi32>
        %and3A_703 = arith.constant 63 : i32
        %and3A_704 = vector.broadcast %and3A_703 : i32 to vector<16xi32>
        %and3A_705 = arith.andi %add3A_702, %and3A_704 : vector<16xi32>
        %shift_right_logical3A_706 = arith.constant 3 : i32
        %shift_right_logical3A_707 = vector.broadcast %shift_right_logical3A_706 : i32 to vector<16xi32>
        %shift_right_logical3A_708 = arith.shrui %and3A_705, %shift_right_logical3A_707 : vector<16xi32>
        %and3A_709 = arith.constant 7 : i32
        %and3A_710 = vector.broadcast %and3A_709 : i32 to vector<16xi32>
        %and3A_711 = arith.andi %and3A_705, %and3A_710 : vector<16xi32>
        %gather3A_712 = tpu.vector_load_idx %arg9[%add3A_526, %and3A_705] : memref<128x64xf32, #tpu.memory_space<vmem>>[vector<16xi32>, vector<16xi32>], vector<16xf32>,
        %gather3A_713 = tpu.vector_load_idx %arg11[%shift_right_logical3A_708, %and3A_711, %add3A_526] : memref<8x8x128xf32, #tpu.memory_space<vmem>>[vector<16xi32>, vector<16xi32>, vector<16xi32>], vector<16xf32>,
        %mul3A_714 = arith.mulf %gather3A_712, %gather3A_713 : vector<16xf32>
        tpu.vector_store_idx %arg13[%shift_right_logical3A_708, %and3A_711, %add3A_526], %mul3A_714 : memref<8x8x128xf32, #tpu.memory_space<vmem>>[vector<16xi32>, vector<16xi32>, vector<16xi32>], vector<16xf32>,
        %scan3A_715 = arith.constant 6 : i32
        %scan3A_716 = arith.addi %scan3A_598, %scan3A_715 : i32
        %mul3A_717 = arith.constant 1 : i32
        %mul3A_718 = arith.muli %scan3A_716, %mul3A_717 : i32
        %add3A_719 = arith.constant 0 : i32
        %add3A_720 = arith.addi %add3A_719, %mul3A_718 : i32
        %add3A_721 = vector.broadcast %add3A_720 : i32 to vector<16xi32>
        %add3A_722 = arith.addi %iota3A, %add3A_721 : vector<16xi32>
        %and3A_723 = arith.constant 63 : i32
        %and3A_724 = vector.broadcast %and3A_723 : i32 to vector<16xi32>
        %and3A_725 = arith.andi %add3A_722, %and3A_724 : vector<16xi32>
        %shift_right_logical3A_726 = arith.constant 3 : i32
        %shift_right_logical3A_727 = vector.broadcast %shift_right_logical3A_726 : i32 to vector<16xi32>
        %shift_right_logical3A_728 = arith.shrui %and3A_725, %shift_right_logical3A_727 : vector<16xi32>
        %and3A_729 = arith.constant 7 : i32
        %and3A_730 = vector.broadcast %and3A_729 : i32 to vector<16xi32>
        %and3A_731 = arith.andi %and3A_725, %and3A_730 : vector<16xi32>
        %gather3A_732 = tpu.vector_load_idx %arg9[%add3A_526, %and3A_725] : memref<128x64xf32, #tpu.memory_space<vmem>>[vector<16xi32>, vector<16xi32>], vector<16xf32>,
        %gather3A_733 = tpu.vector_load_idx %arg11[%shift_right_logical3A_728, %and3A_731, %add3A_526] : memref<8x8x128xf32, #tpu.memory_space<vmem>>[vector<16xi32>, vector<16xi32>, vector<16xi32>], vector<16xf32>,
        %mul3A_734 = arith.mulf %gather3A_732, %gather3A_733 : vector<16xf32>
        tpu.vector_store_idx %arg13[%shift_right_logical3A_728, %and3A_731, %add3A_526], %mul3A_734 : memref<8x8x128xf32, #tpu.memory_space<vmem>>[vector<16xi32>, vector<16xi32>, vector<16xi32>], vector<16xf32>,
        %scan3A_735 = arith.constant 7 : i32
        %scan3A_736 = arith.addi %scan3A_598, %scan3A_735 : i32
        %mul3A_737 = arith.constant 1 : i32
        %mul3A_738 = arith.muli %scan3A_736, %mul3A_737 : i32
        %add3A_739 = arith.constant 0 : i32
        %add3A_740 = arith.addi %add3A_739, %mul3A_738 : i32
        %add3A_741 = vector.broadcast %add3A_740 : i32 to vector<16xi32>
        %add3A_742 = arith.addi %iota3A, %add3A_741 : vector<16xi32>
        %and3A_743 = arith.constant 63 : i32
        %and3A_744 = vector.broadcast %and3A_743 : i32 to vector<16xi32>
        %and3A_745 = arith.andi %add3A_742, %and3A_744 : vector<16xi32>
        %shift_right_logical3A_746 = arith.constant 3 : i32
        %shift_right_logical3A_747 = vector.broadcast %shift_right_logical3A_746 : i32 to vector<16xi32>
        %shift_right_logical3A_748 = arith.shrui %and3A_745, %shift_right_logical3A_747 : vector<16xi32>
        %and3A_749 = arith.constant 7 : i32
        %and3A_750 = vector.broadcast %and3A_749 : i32 to vector<16xi32>
        %and3A_751 = arith.andi %and3A_745, %and3A_750 : vector<16xi32>
        %gather3A_752 = tpu.vector_load_idx %arg9[%add3A_526, %and3A_745] : memref<128x64xf32, #tpu.memory_space<vmem>>[vector<16xi32>, vector<16xi32>], vector<16xf32>,
        %gather3A_753 = tpu.vector_load_idx %arg11[%shift_right_logical3A_748, %and3A_751, %add3A_526] : memref<8x8x128xf32, #tpu.memory_space<vmem>>[vector<16xi32>, vector<16xi32>, vector<16xi32>], vector<16xf32>,
        %mul3A_754 = arith.mulf %gather3A_752, %gather3A_753 : vector<16xf32>
        tpu.vector_store_idx %arg13[%shift_right_logical3A_748, %and3A_751, %add3A_526], %mul3A_754 : memref<8x8x128xf32, #tpu.memory_space<vmem>>[vector<16xi32>, vector<16xi32>, vector<16xi32>], vector<16xf32>,
      }
      %scan3A_531 = arith.constant 64 : i32
      %add3A_532 = arith.constant 112 : i32
      %add3A_533 = vector.broadcast %add3A_532 : i32 to vector<16xi32>
      %add3A_534 = arith.addi %iota3A, %add3A_533 : vector<16xi32>
      %scan3A_535 = arith.constant 0 : i32
      %scan3A_536 = arith.constant 64 : i32
      %scan3A_537 = arith.addi %scan3A_535, %scan3A_536 : i32
      %scan3A_538 = arith.constant 8 : i32
      scf.for %scan3A_598 = %scan3A_535 to %scan3A_537 step %scan3A_538  : i32 {
        %mul3A_599 = arith.constant 1 : i32
        %mul3A_600 = arith.muli %scan3A_598, %mul3A_599 : i32
        %add3A_601 = arith.constant 0 : i32
        %add3A_602 = arith.addi %add3A_601, %mul3A_600 : i32
        %add3A_603 = vector.broadcast %add3A_602 : i32 to vector<16xi32>
        %add3A_604 = arith.addi %iota3A, %add3A_603 : vector<16xi32>
        %and3A_605 = arith.constant 63 : i32
        %and3A_606 = vector.broadcast %and3A_605 : i32 to vector<16xi32>
        %and3A_607 = arith.andi %add3A_604, %and3A_606 : vector<16xi32>
        %shift_right_logical3A = arith.constant 3 : i32
        %shift_right_logical3A_608 = vector.broadcast %shift_right_logical3A : i32 to vector<16xi32>
        %shift_right_logical3A_609 = arith.shrui %and3A_607, %shift_right_logical3A_608 : vector<16xi32>
        %and3A_610 = arith.constant 7 : i32
        %and3A_611 = vector.broadcast %and3A_610 : i32 to vector<16xi32>
        %and3A_612 = arith.andi %and3A_607, %and3A_611 : vector<16xi32>
        %gather3A = tpu.vector_load_idx %arg9[%add3A_534, %and3A_607] : memref<128x64xf32, #tpu.memory_space<vmem>>[vector<16xi32>, vector<16xi32>], vector<16xf32>,
        %gather3A_613 = tpu.vector_load_idx %arg11[%shift_right_logical3A_609, %and3A_612, %add3A_534] : memref<8x8x128xf32, #tpu.memory_space<vmem>>[vector<16xi32>, vector<16xi32>, vector<16xi32>], vector<16xf32>,
        %mul3A_614 = arith.mulf %gather3A, %gather3A_613 : vector<16xf32>
        tpu.vector_store_idx %arg13[%shift_right_logical3A_609, %and3A_612, %add3A_534], %mul3A_614 : memref<8x8x128xf32, #tpu.memory_space<vmem>>[vector<16xi32>, vector<16xi32>, vector<16xi32>], vector<16xf32>,
        %scan3A_615 = arith.constant 1 : i32
        %scan3A_616 = arith.addi %scan3A_598, %scan3A_615 : i32
        %mul3A_617 = arith.constant 1 : i32
        %mul3A_618 = arith.muli %scan3A_616, %mul3A_617 : i32
        %add3A_619 = arith.constant 0 : i32
        %add3A_620 = arith.addi %add3A_619, %mul3A_618 : i32
        %add3A_621 = vector.broadcast %add3A_620 : i32 to vector<16xi32>
        %add3A_622 = arith.addi %iota3A, %add3A_621 : vector<16xi32>
        %and3A_623 = arith.constant 63 : i32
        %and3A_624 = vector.broadcast %and3A_623 : i32 to vector<16xi32>
        %and3A_625 = arith.andi %add3A_622, %and3A_624 : vector<16xi32>
        %shift_right_logical3A_626 = arith.constant 3 : i32
        %shift_right_logical3A_627 = vector.broadcast %shift_right_logical3A_626 : i32 to vector<16xi32>
        %shift_right_logical3A_628 = arith.shrui %and3A_625, %shift_right_logical3A_627 : vector<16xi32>
        %and3A_629 = arith.constant 7 : i32
        %and3A_630 = vector.broadcast %and3A_629 : i32 to vector<16xi32>
        %and3A_631 = arith.andi %and3A_625, %and3A_630 : vector<16xi32>
        %gather3A_632 = tpu.vector_load_idx %arg9[%add3A_534, %and3A_625] : memref<128x64xf32, #tpu.memory_space<vmem>>[vector<16xi32>, vector<16xi32>], vector<16xf32>,
        %gather3A_633 = tpu.vector_load_idx %arg11[%shift_right_logical3A_628, %and3A_631, %add3A_534] : memref<8x8x128xf32, #tpu.memory_space<vmem>>[vector<16xi32>, vector<16xi32>, vector<16xi32>], vector<16xf32>,
        %mul3A_634 = arith.mulf %gather3A_632, %gather3A_633 : vector<16xf32>
        tpu.vector_store_idx %arg13[%shift_right_logical3A_628, %and3A_631, %add3A_534], %mul3A_634 : memref<8x8x128xf32, #tpu.memory_space<vmem>>[vector<16xi32>, vector<16xi32>, vector<16xi32>], vector<16xf32>,
        %scan3A_635 = arith.constant 2 : i32
        %scan3A_636 = arith.addi %scan3A_598, %scan3A_635 : i32
        %mul3A_637 = arith.constant 1 : i32
        %mul3A_638 = arith.muli %scan3A_636, %mul3A_637 : i32
        %add3A_639 = arith.constant 0 : i32
        %add3A_640 = arith.addi %add3A_639, %mul3A_638 : i32
        %add3A_641 = vector.broadcast %add3A_640 : i32 to vector<16xi32>
        %add3A_642 = arith.addi %iota3A, %add3A_641 : vector<16xi32>
        %and3A_643 = arith.constant 63 : i32
        %and3A_644 = vector.broadcast %and3A_643 : i32 to vector<16xi32>
        %and3A_645 = arith.andi %add3A_642, %and3A_644 : vector<16xi32>
        %shift_right_logical3A_646 = arith.constant 3 : i32
        %shift_right_logical3A_647 = vector.broadcast %shift_right_logical3A_646 : i32 to vector<16xi32>
        %shift_right_logical3A_648 = arith.shrui %and3A_645, %shift_right_logical3A_647 : vector<16xi32>
        %and3A_649 = arith.constant 7 : i32
        %and3A_650 = vector.broadcast %and3A_649 : i32 to vector<16xi32>
        %and3A_651 = arith.andi %and3A_645, %and3A_650 : vector<16xi32>
        %gather3A_652 = tpu.vector_load_idx %arg9[%add3A_534, %and3A_645] : memref<128x64xf32, #tpu.memory_space<vmem>>[vector<16xi32>, vector<16xi32>], vector<16xf32>,
        %gather3A_653 = tpu.vector_load_idx %arg11[%shift_right_logical3A_648, %and3A_651, %add3A_534] : memref<8x8x128xf32, #tpu.memory_space<vmem>>[vector<16xi32>, vector<16xi32>, vector<16xi32>], vector<16xf32>,
        %mul3A_654 = arith.mulf %gather3A_652, %gather3A_653 : vector<16xf32>
        tpu.vector_store_idx %arg13[%shift_right_logical3A_648, %and3A_651, %add3A_534], %mul3A_654 : memref<8x8x128xf32, #tpu.memory_space<vmem>>[vector<16xi32>, vector<16xi32>, vector<16xi32>], vector<16xf32>,
        %scan3A_655 = arith.constant 3 : i32
        %scan3A_656 = arith.addi %scan3A_598, %scan3A_655 : i32
        %mul3A_657 = arith.constant 1 : i32
        %mul3A_658 = arith.muli %scan3A_656, %mul3A_657 : i32
        %add3A_659 = arith.constant 0 : i32
        %add3A_660 = arith.addi %add3A_659, %mul3A_658 : i32
        %add3A_661 = vector.broadcast %add3A_660 : i32 to vector<16xi32>
        %add3A_662 = arith.addi %iota3A, %add3A_661 : vector<16xi32>
        %and3A_663 = arith.constant 63 : i32
        %and3A_664 = vector.broadcast %and3A_663 : i32 to vector<16xi32>
        %and3A_665 = arith.andi %add3A_662, %and3A_664 : vector<16xi32>
        %shift_right_logical3A_666 = arith.constant 3 : i32
        %shift_right_logical3A_667 = vector.broadcast %shift_right_logical3A_666 : i32 to vector<16xi32>
        %shift_right_logical3A_668 = arith.shrui %and3A_665, %shift_right_logical3A_667 : vector<16xi32>
        %and3A_669 = arith.constant 7 : i32
        %and3A_670 = vector.broadcast %and3A_669 : i32 to vector<16xi32>
        %and3A_671 = arith.andi %and3A_665, %and3A_670 : vector<16xi32>
        %gather3A_672 = tpu.vector_load_idx %arg9[%add3A_534, %and3A_665] : memref<128x64xf32, #tpu.memory_space<vmem>>[vector<16xi32>, vector<16xi32>], vector<16xf32>,
        %gather3A_673 = tpu.vector_load_idx %arg11[%shift_right_logical3A_668, %and3A_671, %add3A_534] : memref<8x8x128xf32, #tpu.memory_space<vmem>>[vector<16xi32>, vector<16xi32>, vector<16xi32>], vector<16xf32>,
        %mul3A_674 = arith.mulf %gather3A_672, %gather3A_673 : vector<16xf32>
        tpu.vector_store_idx %arg13[%shift_right_logical3A_668, %and3A_671, %add3A_534], %mul3A_674 : memref<8x8x128xf32, #tpu.memory_space<vmem>>[vector<16xi32>, vector<16xi32>, vector<16xi32>], vector<16xf32>,
        %scan3A_675 = arith.constant 4 : i32
        %scan3A_676 = arith.addi %scan3A_598, %scan3A_675 : i32
        %mul3A_677 = arith.constant 1 : i32
        %mul3A_678 = arith.muli %scan3A_676, %mul3A_677 : i32
        %add3A_679 = arith.constant 0 : i32
        %add3A_680 = arith.addi %add3A_679, %mul3A_678 : i32
        %add3A_681 = vector.broadcast %add3A_680 : i32 to vector<16xi32>
        %add3A_682 = arith.addi %iota3A, %add3A_681 : vector<16xi32>
        %and3A_683 = arith.constant 63 : i32
        %and3A_684 = vector.broadcast %and3A_683 : i32 to vector<16xi32>
        %and3A_685 = arith.andi %add3A_682, %and3A_684 : vector<16xi32>
        %shift_right_logical3A_686 = arith.constant 3 : i32
        %shift_right_logical3A_687 = vector.broadcast %shift_right_logical3A_686 : i32 to vector<16xi32>
        %shift_right_logical3A_688 = arith.shrui %and3A_685, %shift_right_logical3A_687 : vector<16xi32>
        %and3A_689 = arith.constant 7 : i32
        %and3A_690 = vector.broadcast %and3A_689 : i32 to vector<16xi32>
        %and3A_691 = arith.andi %and3A_685, %and3A_690 : vector<16xi32>
        %gather3A_692 = tpu.vector_load_idx %arg9[%add3A_534, %and3A_685] : memref<128x64xf32, #tpu.memory_space<vmem>>[vector<16xi32>, vector<16xi32>], vector<16xf32>,
        %gather3A_693 = tpu.vector_load_idx %arg11[%shift_right_logical3A_688, %and3A_691, %add3A_534] : memref<8x8x128xf32, #tpu.memory_space<vmem>>[vector<16xi32>, vector<16xi32>, vector<16xi32>], vector<16xf32>,
        %mul3A_694 = arith.mulf %gather3A_692, %gather3A_693 : vector<16xf32>
        tpu.vector_store_idx %arg13[%shift_right_logical3A_688, %and3A_691, %add3A_534], %mul3A_694 : memref<8x8x128xf32, #tpu.memory_space<vmem>>[vector<16xi32>, vector<16xi32>, vector<16xi32>], vector<16xf32>,
        %scan3A_695 = arith.constant 5 : i32
        %scan3A_696 = arith.addi %scan3A_598, %scan3A_695 : i32
        %mul3A_697 = arith.constant 1 : i32
        %mul3A_698 = arith.muli %scan3A_696, %mul3A_697 : i32
        %add3A_699 = arith.constant 0 : i32
        %add3A_700 = arith.addi %add3A_699, %mul3A_698 : i32
        %add3A_701 = vector.broadcast %add3A_700 : i32 to vector<16xi32>
        %add3A_702 = arith.addi %iota3A, %add3A_701 : vector<16xi32>
        %and3A_703 = arith.constant 63 : i32
        %and3A_704 = vector.broadcast %and3A_703 : i32 to vector<16xi32>
        %and3A_705 = arith.andi %add3A_702, %and3A_704 : vector<16xi32>
        %shift_right_logical3A_706 = arith.constant 3 : i32
        %shift_right_logical3A_707 = vector.broadcast %shift_right_logical3A_706 : i32 to vector<16xi32>
        %shift_right_logical3A_708 = arith.shrui %and3A_705, %shift_right_logical3A_707 : vector<16xi32>
        %and3A_709 = arith.constant 7 : i32
        %and3A_710 = vector.broadcast %and3A_709 : i32 to vector<16xi32>
        %and3A_711 = arith.andi %and3A_705, %and3A_710 : vector<16xi32>
        %gather3A_712 = tpu.vector_load_idx %arg9[%add3A_534, %and3A_705] : memref<128x64xf32, #tpu.memory_space<vmem>>[vector<16xi32>, vector<16xi32>], vector<16xf32>,
        %gather3A_713 = tpu.vector_load_idx %arg11[%shift_right_logical3A_708, %and3A_711, %add3A_534] : memref<8x8x128xf32, #tpu.memory_space<vmem>>[vector<16xi32>, vector<16xi32>, vector<16xi32>], vector<16xf32>,
        %mul3A_714 = arith.mulf %gather3A_712, %gather3A_713 : vector<16xf32>
        tpu.vector_store_idx %arg13[%shift_right_logical3A_708, %and3A_711, %add3A_534], %mul3A_714 : memref<8x8x128xf32, #tpu.memory_space<vmem>>[vector<16xi32>, vector<16xi32>, vector<16xi32>], vector<16xf32>,
        %scan3A_715 = arith.constant 6 : i32
        %scan3A_716 = arith.addi %scan3A_598, %scan3A_715 : i32
        %mul3A_717 = arith.constant 1 : i32
        %mul3A_718 = arith.muli %scan3A_716, %mul3A_717 : i32
        %add3A_719 = arith.constant 0 : i32
        %add3A_720 = arith.addi %add3A_719, %mul3A_718 : i32
        %add3A_721 = vector.broadcast %add3A_720 : i32 to vector<16xi32>
        %add3A_722 = arith.addi %iota3A, %add3A_721 : vector<16xi32>
        %and3A_723 = arith.constant 63 : i32
        %and3A_724 = vector.broadcast %and3A_723 : i32 to vector<16xi32>
        %and3A_725 = arith.andi %add3A_722, %and3A_724 : vector<16xi32>
        %shift_right_logical3A_726 = arith.constant 3 : i32
        %shift_right_logical3A_727 = vector.broadcast %shift_right_logical3A_726 : i32 to vector<16xi32>
        %shift_right_logical3A_728 = arith.shrui %and3A_725, %shift_right_logical3A_727 : vector<16xi32>
        %and3A_729 = arith.constant 7 : i32
        %and3A_730 = vector.broadcast %and3A_729 : i32 to vector<16xi32>
        %and3A_731 = arith.andi %and3A_725, %and3A_730 : vector<16xi32>
        %gather3A_732 = tpu.vector_load_idx %arg9[%add3A_534, %and3A_725] : memref<128x64xf32, #tpu.memory_space<vmem>>[vector<16xi32>, vector<16xi32>], vector<16xf32>,
        %gather3A_733 = tpu.vector_load_idx %arg11[%shift_right_logical3A_728, %and3A_731, %add3A_534] : memref<8x8x128xf32, #tpu.memory_space<vmem>>[vector<16xi32>, vector<16xi32>, vector<16xi32>], vector<16xf32>,
        %mul3A_734 = arith.mulf %gather3A_732, %gather3A_733 : vector<16xf32>
        tpu.vector_store_idx %arg13[%shift_right_logical3A_728, %and3A_731, %add3A_534], %mul3A_734 : memref<8x8x128xf32, #tpu.memory_space<vmem>>[vector<16xi32>, vector<16xi32>, vector<16xi32>], vector<16xf32>,
        %scan3A_735 = arith.constant 7 : i32
        %scan3A_736 = arith.addi %scan3A_598, %scan3A_735 : i32
        %mul3A_737 = arith.constant 1 : i32
        %mul3A_738 = arith.muli %scan3A_736, %mul3A_737 : i32
        %add3A_739 = arith.constant 0 : i32
        %add3A_740 = arith.addi %add3A_739, %mul3A_738 : i32
        %add3A_741 = vector.broadcast %add3A_740 : i32 to vector<16xi32>
        %add3A_742 = arith.addi %iota3A, %add3A_741 : vector<16xi32>
        %and3A_743 = arith.constant 63 : i32
        %and3A_744 = vector.broadcast %and3A_743 : i32 to vector<16xi32>
        %and3A_745 = arith.andi %add3A_742, %and3A_744 : vector<16xi32>
        %shift_right_logical3A_746 = arith.constant 3 : i32
        %shift_right_logical3A_747 = vector.broadcast %shift_right_logical3A_746 : i32 to vector<16xi32>
        %shift_right_logical3A_748 = arith.shrui %and3A_745, %shift_right_logical3A_747 : vector<16xi32>
        %and3A_749 = arith.constant 7 : i32
        %and3A_750 = vector.broadcast %and3A_749 : i32 to vector<16xi32>
        %and3A_751 = arith.andi %and3A_745, %and3A_750 : vector<16xi32>
        %gather3A_752 = tpu.vector_load_idx %arg9[%add3A_534, %and3A_745] : memref<128x64xf32, #tpu.memory_space<vmem>>[vector<16xi32>, vector<16xi32>], vector<16xf32>,
        %gather3A_753 = tpu.vector_load_idx %arg11[%shift_right_logical3A_748, %and3A_751, %add3A_534] : memref<8x8x128xf32, #tpu.memory_space<vmem>>[vector<16xi32>, vector<16xi32>, vector<16xi32>], vector<16xf32>,
        %mul3A_754 = arith.mulf %gather3A_752, %gather3A_753 : vector<16xf32>
        tpu.vector_store_idx %arg13[%shift_right_logical3A_748, %and3A_751, %add3A_534], %mul3A_754 : memref<8x8x128xf32, #tpu.memory_space<vmem>>[vector<16xi32>, vector<16xi32>, vector<16xi32>], vector<16xf32>,
      }
      %scan3A_539 = arith.constant 64 : i32
      %add3A_540 = arith.addi %mul3A_2, %add3A_413 : i32
      %jit3A_541 = arith.constant 32 : i32
      %div3A_542 = arith.divsi %add3A_540, %jit3A_541 : i32
      %sign3A_543 = arith.constant 0 : i32
      %sign3A_544 = arith.cmpi sgt, %add3A_540, %sign3A_543 : i32
      %sign3A_545 = arith.extui %sign3A_544 : i1 to i32
      %sign3A_546 = arith.constant 0 : i32
      %sign3A_547 = arith.cmpi slt, %add3A_540, %sign3A_546 : i32
      %sign3A_548 = arith.extui %sign3A_547 : i1 to i32
      %sign3A_549 = arith.subi %sign3A_545, %sign3A_548 : i32
      %sign3A_550 = arith.constant 0 : i32
      %sign3A_551 = arith.cmpi sgt, %jit3A_541, %sign3A_550 : i32
      %sign3A_552 = arith.extui %sign3A_551 : i1 to i32
      %sign3A_553 = arith.constant 0 : i32
      %sign3A_554 = arith.cmpi slt, %jit3A_541, %sign3A_553 : i32
      %sign3A_555 = arith.extui %sign3A_554 : i1 to i32
      %sign3A_556 = arith.subi %sign3A_552, %sign3A_555 : i32
      %ne3A_557 = arith.cmpi ne, %sign3A_549, %sign3A_556 : i32
      %rem3A_558 = arith.remsi %add3A_540, %jit3A_541 : i32
      %ne3A_559 = arith.constant 0 : i32
      %ne3A_560 = arith.cmpi ne, %rem3A_558, %ne3A_559 : i32
      %and3A_561 = arith.andi %ne3A_557, %ne3A_560 : i1
      %sub3A_562 = arith.constant 1 : i32
      %sub3A_563 = arith.subi %div3A_542, %sub3A_562 : i32
      %select_n3A_564 = arith.select %and3A_561, %sub3A_563, %div3A_542 : i32
      %jit3A_565 = arith.constant 32 : i32
      %eq3A_566 = arith.constant 0 : i32
      %eq3A_567 = arith.cmpi eq, %jit3A_565, %eq3A_566 : i32
      %jit3A_568 = arith.constant 1 : i32
      %select_n3A_569 = arith.select %eq3A_567, %jit3A_568, %jit3A_565 : i32
      %rem3A_570 = arith.remsi %add3A_540, %select_n3A_569 : i32
      %ne3A_571 = arith.constant 0 : i32
      %ne3A_572 = arith.cmpi ne, %rem3A_570, %ne3A_571 : i32
      %lt3A_573 = arith.constant 0 : i32
      %lt3A_574 = arith.cmpi slt, %rem3A_570, %lt3A_573 : i32
      %lt3A_575 = arith.constant 0 : i32
      %lt3A_576 = arith.cmpi slt, %select_n3A_569, %lt3A_575 : i32
      %ne3A_577 = arith.xori %lt3A_574, %lt3A_576 : i1
      %and3A_578 = arith.andi %ne3A_577, %ne3A_572 : i1
      %add3A_579 = arith.addi %rem3A_570, %select_n3A_569 : i32
      %select_n3A_580 = arith.select %and3A_578, %add3A_579, %rem3A_570 : i32
      %dma_start3A_581 = arith.constant 0 : i32
      %dma_start3A_582 = arith.constant 0 : i32
      %dma_start3A_583 = arith.constant 0 : i32
      %dma_start3A_584 = tpu.memref_slice %arg5[%select_n3A_564, %dma_start3A_581, %select_n3A_580, %dma_start3A_582, %dma_start3A_583] : memref<50x8x32x8x128xf32, #tpu.memory_space<hbm>> -> memref<1x8x1x8x128xf32, #tpu.memory_space<hbm>>
      %dma_start3A_585 = tpu.memref_squeeze %dma_start3A_584 : memref<1x8x1x8x128xf32, #tpu.memory_space<hbm>> -> memref<8x8x128xf32, #tpu.memory_space<hbm>>
      %dma_start3A_586 = arith.constant 0 : i32
      %dma_start3A_587 = arith.constant 0 : i32
      %dma_start3A_588 = arith.constant 0 : i32
      %dma_start3A_589 = tpu.memref_slice %arg5[%select_n3A_564, %dma_start3A_586, %select_n3A_580, %dma_start3A_587, %dma_start3A_588] : memref<50x8x32x8x128xf32, #tpu.memory_space<hbm>> -> memref<1x8x1x8x128xf32, #tpu.memory_space<hbm>>
      %dma_start3A_590 = tpu.memref_squeeze %dma_start3A_589 : memref<1x8x1x8x128xf32, #tpu.memory_space<hbm>> -> memref<8x8x128xf32, #tpu.memory_space<hbm>>
      tpu.enqueue_dma source(%arg13 : memref<8x8x128xf32, #tpu.memory_space<vmem>>) target(%dma_start3A_590 : memref<8x8x128xf32, #tpu.memory_space<hbm>>) target_semaphore(%arg17 : memref<!tpu.dma_semaphore, #tpu.memory_space<semaphore_mem>>)
      %add3A_591 = arith.constant 2 : i32
      %add3A_592 = arith.addi %add3A_413, %add3A_591 : i32
      %lt3A_593 = arith.constant 50 : i32
      %lt3A_594 = arith.cmpi slt, %add3A_592, %lt3A_593 : i32
      %convert_element_type3A_595 = arith.extui %lt3A_594 : i1 to i32
      %cond3A_596 = arith.constant 0 : i32
      %cond3A_597 = arith.cmpi ne, %convert_element_type3A_595, %cond3A_596 : i32
      scf.if %cond3A_597 {
        %add3A_598 = arith.constant 2 : i32
        %add3A_599 = arith.addi %add3A_413, %add3A_598 : i32
        %dma_start3A_600 = arith.constant 0 : i32
        %dma_start3A_601 = tpu.memref_slice %arg7[%add3A_599, %dma_start3A_600] : memref<50x128xi32, #tpu.memory_space<vmem>> -> memref<1x128xi32, #tpu.memory_space<vmem>>
        %dma_start3A_602 = tpu.memref_squeeze %dma_start3A_601 : memref<1x128xi32, #tpu.memory_space<vmem>> -> memref<128xi32, #tpu.memory_space<vmem>>
        %dma_start3A_603 = arith.constant 0 : i32
        %dma_start3A_604 = arith.constant 0 : i32
        %dma_start3A_605 = tpu.memref_slice %arg4[%dma_start3A_603, %dma_start3A_604] : memref<1000576x64xf32, #tpu.memory_space<hbm>> -> memref<1000576x64xf32, #tpu.memory_space<hbm>>
        tpu.enqueue_indirect_dma source(%dma_start3A_605 : memref<1000576x64xf32, #tpu.memory_space<hbm>>) target(%arg9 : memref<128x64xf32, #tpu.memory_space<vmem>>) offsets(%dma_start3A_602 : memref<128xi32, #tpu.memory_space<vmem>>) semaphore(%arg15 : memref<!tpu.dma_semaphore, #tpu.memory_space<semaphore_mem>>)
        %add3A_606 = arith.addi %mul3A_2, %add3A_599 : i32
        %jit3A_607 = arith.constant 32 : i32
        %div3A_608 = arith.divsi %add3A_606, %jit3A_607 : i32
        %sign3A_609 = arith.constant 0 : i32
        %sign3A_610 = arith.cmpi sgt, %add3A_606, %sign3A_609 : i32
        %sign3A_611 = arith.extui %sign3A_610 : i1 to i32
        %sign3A_612 = arith.constant 0 : i32
        %sign3A_613 = arith.cmpi slt, %add3A_606, %sign3A_612 : i32
        %sign3A_614 = arith.extui %sign3A_613 : i1 to i32
        %sign3A_615 = arith.subi %sign3A_611, %sign3A_614 : i32
        %sign3A_616 = arith.constant 0 : i32
        %sign3A_617 = arith.cmpi sgt, %jit3A_607, %sign3A_616 : i32
        %sign3A_618 = arith.extui %sign3A_617 : i1 to i32
        %sign3A_619 = arith.constant 0 : i32
        %sign3A_620 = arith.cmpi slt, %jit3A_607, %sign3A_619 : i32
        %sign3A_621 = arith.extui %sign3A_620 : i1 to i32
        %sign3A_622 = arith.subi %sign3A_618, %sign3A_621 : i32
        %ne3A_623 = arith.cmpi ne, %sign3A_615, %sign3A_622 : i32
        %rem3A_624 = arith.remsi %add3A_606, %jit3A_607 : i32
        %ne3A_625 = arith.constant 0 : i32
        %ne3A_626 = arith.cmpi ne, %rem3A_624, %ne3A_625 : i32
        %and3A_627 = arith.andi %ne3A_623, %ne3A_626 : i1
        %sub3A_628 = arith.constant 1 : i32
        %sub3A_629 = arith.subi %div3A_608, %sub3A_628 : i32
        %select_n3A_630 = arith.select %and3A_627, %sub3A_629, %div3A_608 : i32
        %jit3A_631 = arith.constant 32 : i32
        %eq3A_632 = arith.constant 0 : i32
        %eq3A_633 = arith.cmpi eq, %jit3A_631, %eq3A_632 : i32
        %jit3A_634 = arith.constant 1 : i32
        %select_n3A_635 = arith.select %eq3A_633, %jit3A_634, %jit3A_631 : i32
        %rem3A_636 = arith.remsi %add3A_606, %select_n3A_635 : i32
        %ne3A_637 = arith.constant 0 : i32
        %ne3A_638 = arith.cmpi ne, %rem3A_636, %ne3A_637 : i32
        %lt3A_639 = arith.constant 0 : i32
        %lt3A_640 = arith.cmpi slt, %rem3A_636, %lt3A_639 : i32
        %lt3A_641 = arith.constant 0 : i32
        %lt3A_642 = arith.cmpi slt, %select_n3A_635, %lt3A_641 : i32
        %ne3A_643 = arith.xori %lt3A_640, %lt3A_642 : i1
        %and3A_644 = arith.andi %ne3A_643, %ne3A_638 : i1
        %add3A_645 = arith.addi %rem3A_636, %select_n3A_635 : i32
        %select_n3A_646 = arith.select %and3A_644, %add3A_645, %rem3A_636 : i32
        %dma_start3A_647 = arith.constant 0 : i32
        %dma_start3A_648 = arith.constant 0 : i32
        %dma_start3A_649 = arith.constant 0 : i32
        %dma_start3A_650 = tpu.memref_slice %arg2[%select_n3A_630, %dma_start3A_647, %select_n3A_646, %dma_start3A_648, %dma_start3A_649] : memref<50x8x32x8x128xf32, #tpu.memory_space<hbm>> -> memref<1x8x1x8x128xf32, #tpu.memory_space<hbm>>
        %dma_start3A_651 = tpu.memref_squeeze %dma_start3A_650 : memref<1x8x1x8x128xf32, #tpu.memory_space<hbm>> -> memref<8x8x128xf32, #tpu.memory_space<hbm>>
        %dma_start3A_652 = arith.constant 0 : i32
        %dma_start3A_653 = arith.constant 0 : i32
        %dma_start3A_654 = arith.constant 0 : i32
        %dma_start3A_655 = tpu.memref_slice %arg2[%select_n3A_630, %dma_start3A_652, %select_n3A_646, %dma_start3A_653, %dma_start3A_654] : memref<50x8x32x8x128xf32, #tpu.memory_space<hbm>> -> memref<1x8x1x8x128xf32, #tpu.memory_space<hbm>>
        %dma_start3A_656 = tpu.memref_squeeze %dma_start3A_655 : memref<1x8x1x8x128xf32, #tpu.memory_space<hbm>> -> memref<8x8x128xf32, #tpu.memory_space<hbm>>
        tpu.enqueue_dma source(%dma_start3A_656 : memref<8x8x128xf32, #tpu.memory_space<hbm>>) target(%arg11 : memref<8x8x128xf32, #tpu.memory_space<vmem>>) target_semaphore(%arg15 : memref<!tpu.dma_semaphore, #tpu.memory_space<semaphore_mem>>)
      } else {
      }
    }
    %scan3A_120 = arith.constant 25 : i32
    %add3A_121 = arith.constant 48 : i32
    %add3A_122 = arith.addi %mul3A_2, %add3A_121 : i32
    %jit3A_123 = arith.constant 32 : i32
    %div3A_124 = arith.divsi %add3A_122, %jit3A_123 : i32
    %sign3A_125 = arith.constant 0 : i32
    %sign3A_126 = arith.cmpi sgt, %add3A_122, %sign3A_125 : i32
    %sign3A_127 = arith.extui %sign3A_126 : i1 to i32
    %sign3A_128 = arith.constant 0 : i32
    %sign3A_129 = arith.cmpi slt, %add3A_122, %sign3A_128 : i32
    %sign3A_130 = arith.extui %sign3A_129 : i1 to i32
    %sign3A_131 = arith.subi %sign3A_127, %sign3A_130 : i32
    %sign3A_132 = arith.constant 0 : i32
    %sign3A_133 = arith.cmpi sgt, %jit3A_123, %sign3A_132 : i32
    %sign3A_134 = arith.extui %sign3A_133 : i1 to i32
    %sign3A_135 = arith.constant 0 : i32
    %sign3A_136 = arith.cmpi slt, %jit3A_123, %sign3A_135 : i32
    %sign3A_137 = arith.extui %sign3A_136 : i1 to i32
    %sign3A_138 = arith.subi %sign3A_134, %sign3A_137 : i32
    %ne3A_139 = arith.cmpi ne, %sign3A_131, %sign3A_138 : i32
    %rem3A_140 = arith.remsi %add3A_122, %jit3A_123 : i32
    %ne3A_141 = arith.constant 0 : i32
    %ne3A_142 = arith.cmpi ne, %rem3A_140, %ne3A_141 : i32
    %and3A_143 = arith.andi %ne3A_139, %ne3A_142 : i1
    %sub3A_144 = arith.constant 1 : i32
    %sub3A_145 = arith.subi %div3A_124, %sub3A_144 : i32
    %select_n3A_146 = arith.select %and3A_143, %sub3A_145, %div3A_124 : i32
    %jit3A_147 = arith.constant 32 : i32
    %eq3A_148 = arith.constant 0 : i32
    %eq3A_149 = arith.cmpi eq, %jit3A_147, %eq3A_148 : i32
    %jit3A_150 = arith.constant 1 : i32
    %select_n3A_151 = arith.select %eq3A_149, %jit3A_150, %jit3A_147 : i32
    %rem3A_152 = arith.remsi %add3A_122, %select_n3A_151 : i32
    %ne3A_153 = arith.constant 0 : i32
    %ne3A_154 = arith.cmpi ne, %rem3A_152, %ne3A_153 : i32
    %lt3A_155 = arith.constant 0 : i32
    %lt3A_156 = arith.cmpi slt, %rem3A_152, %lt3A_155 : i32
    %lt3A_157 = arith.constant 0 : i32
    %lt3A_158 = arith.cmpi slt, %select_n3A_151, %lt3A_157 : i32
    %ne3A_159 = arith.xori %lt3A_156, %lt3A_158 : i1
    %and3A_160 = arith.andi %ne3A_159, %ne3A_154 : i1
    %add3A_161 = arith.addi %rem3A_152, %select_n3A_151 : i32
    %select_n3A_162 = arith.select %and3A_160, %add3A_161, %rem3A_152 : i32
    %dma_wait3A = arith.constant 0 : i32
    %dma_wait3A_163 = arith.constant 0 : i32
    %dma_wait3A_164 = arith.constant 0 : i32
    %dma_wait3A_165 = tpu.memref_slice %arg5[%select_n3A_146, %dma_wait3A, %select_n3A_162, %dma_wait3A_163, %dma_wait3A_164] : memref<50x8x32x8x128xf32, #tpu.memory_space<hbm>> -> memref<1x8x1x8x128xf32, #tpu.memory_space<hbm>>
    %dma_wait3A_166 = tpu.memref_squeeze %dma_wait3A_165 : memref<1x8x1x8x128xf32, #tpu.memory_space<hbm>> -> memref<8x8x128xf32, #tpu.memory_space<hbm>>
    %dma_wait3A_167 = arith.constant 0 : i32
    %dma_wait3A_168 = arith.constant 0 : i32
    %dma_wait3A_169 = arith.constant 0 : i32
    %dma_wait3A_170 = tpu.memref_slice %arg5[%select_n3A_146, %dma_wait3A_167, %select_n3A_162, %dma_wait3A_168, %dma_wait3A_169] : memref<50x8x32x8x128xf32, #tpu.memory_space<hbm>> -> memref<1x8x1x8x128xf32, #tpu.memory_space<hbm>>
    %dma_wait3A_171 = tpu.memref_squeeze %dma_wait3A_170 : memref<1x8x1x8x128xf32, #tpu.memory_space<hbm>> -> memref<8x8x128xf32, #tpu.memory_space<hbm>>
    tpu.wait_dma2 semaphore(%arg16 : memref<!tpu.dma_semaphore, #tpu.memory_space<semaphore_mem>>) src(%arg12 : memref<8x8x128xf32, #tpu.memory_space<vmem>>) dst(%dma_wait3A_171 : memref<8x8x128xf32, #tpu.memory_space<hbm>>)
    %add3A_172 = arith.constant 49 : i32
    %add3A_173 = arith.addi %mul3A_2, %add3A_172 : i32
    %jit3A_174 = arith.constant 32 : i32
    %div3A_175 = arith.divsi %add3A_173, %jit3A_174 : i32
    %sign3A_176 = arith.constant 0 : i32
    %sign3A_177 = arith.cmpi sgt, %add3A_173, %sign3A_176 : i32
    %sign3A_178 = arith.extui %sign3A_177 : i1 to i32
    %sign3A_179 = arith.constant 0 : i32
    %sign3A_180 = arith.cmpi slt, %add3A_173, %sign3A_179 : i32
    %sign3A_181 = arith.extui %sign3A_180 : i1 to i32
    %sign3A_182 = arith.subi %sign3A_178, %sign3A_181 : i32
    %sign3A_183 = arith.constant 0 : i32
    %sign3A_184 = arith.cmpi sgt, %jit3A_174, %sign3A_183 : i32
    %sign3A_185 = arith.extui %sign3A_184 : i1 to i32
    %sign3A_186 = arith.constant 0 : i32
    %sign3A_187 = arith.cmpi slt, %jit3A_174, %sign3A_186 : i32
    %sign3A_188 = arith.extui %sign3A_187 : i1 to i32
    %sign3A_189 = arith.subi %sign3A_185, %sign3A_188 : i32
    %ne3A_190 = arith.cmpi ne, %sign3A_182, %sign3A_189 : i32
    %rem3A_191 = arith.remsi %add3A_173, %jit3A_174 : i32
    %ne3A_192 = arith.constant 0 : i32
    %ne3A_193 = arith.cmpi ne, %rem3A_191, %ne3A_192 : i32
    %and3A_194 = arith.andi %ne3A_190, %ne3A_193 : i1
    %sub3A_195 = arith.constant 1 : i32
    %sub3A_196 = arith.subi %div3A_175, %sub3A_195 : i32
    %select_n3A_197 = arith.select %and3A_194, %sub3A_196, %div3A_175 : i32
    %jit3A_198 = arith.constant 32 : i32
    %eq3A_199 = arith.constant 0 : i32
    %eq3A_200 = arith.cmpi eq, %jit3A_198, %eq3A_199 : i32
    %jit3A_201 = arith.constant 1 : i32
    %select_n3A_202 = arith.select %eq3A_200, %jit3A_201, %jit3A_198 : i32
    %rem3A_203 = arith.remsi %add3A_173, %select_n3A_202 : i32
    %ne3A_204 = arith.constant 0 : i32
    %ne3A_205 = arith.cmpi ne, %rem3A_203, %ne3A_204 : i32
    %lt3A_206 = arith.constant 0 : i32
    %lt3A_207 = arith.cmpi slt, %rem3A_203, %lt3A_206 : i32
    %lt3A_208 = arith.constant 0 : i32
    %lt3A_209 = arith.cmpi slt, %select_n3A_202, %lt3A_208 : i32
    %ne3A_210 = arith.xori %lt3A_207, %lt3A_209 : i1
    %and3A_211 = arith.andi %ne3A_210, %ne3A_205 : i1
    %add3A_212 = arith.addi %rem3A_203, %select_n3A_202 : i32
    %select_n3A_213 = arith.select %and3A_211, %add3A_212, %rem3A_203 : i32
    %dma_wait3A_214 = arith.constant 0 : i32
    %dma_wait3A_215 = arith.constant 0 : i32
    %dma_wait3A_216 = arith.constant 0 : i32
    %dma_wait3A_217 = tpu.memref_slice %arg5[%select_n3A_197, %dma_wait3A_214, %select_n3A_213, %dma_wait3A_215, %dma_wait3A_216] : memref<50x8x32x8x128xf32, #tpu.memory_space<hbm>> -> memref<1x8x1x8x128xf32, #tpu.memory_space<hbm>>
    %dma_wait3A_218 = tpu.memref_squeeze %dma_wait3A_217 : memref<1x8x1x8x128xf32, #tpu.memory_space<hbm>> -> memref<8x8x128xf32, #tpu.memory_space<hbm>>
    %dma_wait3A_219 = arith.constant 0 : i32
    %dma_wait3A_220 = arith.constant 0 : i32
    %dma_wait3A_221 = arith.constant 0 : i32
    %dma_wait3A_222 = tpu.memref_slice %arg5[%select_n3A_197, %dma_wait3A_219, %select_n3A_213, %dma_wait3A_220, %dma_wait3A_221] : memref<50x8x32x8x128xf32, #tpu.memory_space<hbm>> -> memref<1x8x1x8x128xf32, #tpu.memory_space<hbm>>
    %dma_wait3A_223 = tpu.memref_squeeze %dma_wait3A_222 : memref<1x8x1x8x128xf32, #tpu.memory_space<hbm>> -> memref<8x8x128xf32, #tpu.memory_space<hbm>>
    tpu.wait_dma2 semaphore(%arg17 : memref<!tpu.dma_semaphore, #tpu.memory_space<semaphore_mem>>) src(%arg13 : memref<8x8x128xf32, #tpu.memory_space<vmem>>) dst(%dma_wait3A_223 : memref<8x8x128xf32, #tpu.memory_space<hbm>>)
    return
  }
}

module attributes {stable_mosaic.version = 14 : i64} {
  func.func @body(%arg0: i32, %arg1: memref<64x8192xf32, #tpu.memory_space<vmem>>, %arg2: memref<64x8192xf32, #tpu.memory_space<vmem>>, %arg3: memref<64x64xf32, #tpu.memory_space<vmem>>, %arg4: memref<8192x128xf32, #tpu.memory_space<vmem>>) attributes {dimension_semantics = [#tpu.dimension_semantics<arbitrary>], iteration_bounds = array<i64: 62>, scalar_prefetch = 0 : i64, scratch_operands = 0 : i64, tpu.core_type = #tpu.core_type<tc>, window_params = [{transform_indices = @transform_0, window_bounds = array<i64: 64, 8192>}, {transform_indices = @transform_1, window_bounds = array<i64: 64, 8192>}, {pipeline_mode = #tpu.pipeline_mode<synchronous>, transform_indices = @transform_2, window_bounds = array<i64: 64, 64>}, {transform_indices = @transform_3, window_bounds = array<i64: 8192, 128>}]} {
    %get3A = arith.constant 0 : index
    %get3A_0 = arith.constant 0 : index
    %get3A_1 = vector.load %arg1[%get3A, %get3A_0] : memref<64x8192xf32, #tpu.memory_space<vmem>>, vector<64x8192xf32>
    %get3A_2 = arith.constant 0 : index
    %get3A_3 = arith.constant 0 : index
    %get3A_4 = vector.load %arg3[%get3A_2, %get3A_3] : memref<64x64xf32, #tpu.memory_space<vmem>>, vector<64x64xf32>
    %dot_general3A = arith.constant dense<0.000000e+00> : vector<8192x64xf32>
    %dot_general3A_5 = tpu.matmul %get3A_1, %get3A_4, %dot_general3A {dimension_numbers = #tpu.dot_dimension_numbers<[0], [0], [1], [1], [0, 1, 1, 1], [], []>, transpose_lhs_hint = false} : vector<64x8192xf32>, vector<64x64xf32>, vector<8192x64xf32> -> vector<8192x64xf32>
    %swap3A = arith.constant 0 : index
    %swap3A_6 = arith.constant 0 : index
    %swap3A_7 = vector.load %arg4[%swap3A, %swap3A_6] : memref<8192x128xf32, #tpu.memory_space<vmem>>, vector<8192x64xf32>
    tpu.vector_store %arg4[%swap3A, %swap3A_6], %dot_general3A_5 {strides = array<i32>} : memref<8192x128xf32, #tpu.memory_space<vmem>>, vector<8192x64xf32>,
    %get3A_8 = arith.constant 0 : index
    %get3A_9 = arith.constant 0 : index
    %get3A_10 = vector.load %arg2[%get3A_8, %get3A_9] : memref<64x8192xf32, #tpu.memory_space<vmem>>, vector<64x8192xf32>
    %get3A_11 = arith.constant 0 : index
    %get3A_12 = arith.constant 0 : index
    %get3A_13 = vector.load %arg3[%get3A_11, %get3A_12] : memref<64x64xf32, #tpu.memory_space<vmem>>, vector<64x64xf32>
    %dot_general3A_14 = arith.constant dense<0.000000e+00> : vector<8192x64xf32>
    %dot_general3A_15 = tpu.matmul %get3A_10, %get3A_13, %dot_general3A_14 {dimension_numbers = #tpu.dot_dimension_numbers<[0], [0], [1], [1], [0, 1, 1, 1], [], []>, transpose_lhs_hint = false} : vector<64x8192xf32>, vector<64x64xf32>, vector<8192x64xf32> -> vector<8192x64xf32>
    %swap3A_16 = arith.constant 0 : index
    %swap3A_17 = arith.constant 64 : index
    %swap3A_18 = vector.load %arg4[%swap3A_16, %swap3A_17] : memref<8192x128xf32, #tpu.memory_space<vmem>>, vector<8192x64xf32>
    tpu.vector_store %arg4[%swap3A_16, %swap3A_17], %dot_general3A_15 {strides = array<i32>} : memref<8192x128xf32, #tpu.memory_space<vmem>>, vector<8192x64xf32>,
    return
  }
  func.func @transform_0(%arg0: i32) -> (i32, i32) {
    %c0_i32 = arith.constant 0 : i32
    %c0_i32_0 = arith.constant 0 : i32
    return %c0_i32, %arg0 : i32, i32
  }
  func.func @transform_1(%arg0: i32) -> (i32, i32) {
    %add3A = arith.constant 61 : i32
    %add3A_0 = arith.addi %arg0, %add3A : i32
    %c0_i32 = arith.constant 0 : i32
    %c0_i32_1 = arith.constant 0 : i32
    return %c0_i32, %add3A_0 : i32, i32
  }
  func.func @transform_2(%arg0: i32) -> (i32, i32) {
    %c0_i32 = arith.constant 0 : i32
    %c0_i32_0 = arith.constant 0 : i32
    %c0_i32_1 = arith.constant 0 : i32
    return %c0_i32, %c0_i32_0 : i32, i32
  }
  func.func @transform_3(%arg0: i32) -> (i32, i32) {
    %c0_i32 = arith.constant 0 : i32
    %c0_i32_0 = arith.constant 0 : i32
    return %arg0, %c0_i32 : i32, i32
  }
}

</mosaic_0001>

<sc_bundles>
// kernel: kernel.4.cloned.1.call-start
scs
__scs_entry_jumppad:
0x0: {  	(pc) =	sbr.rel $0x88, $3  }
0x1: {  	(tag) =	ssettag $0x0;
	lr =	simm.s32 $0x1  }
0x2: {  	[smem:$0x3F9E] =	sst lr;
	_ =	strace $0xD0000000  }
0x3: {  	_ = 	snop  }
0x4: {  	_ = 	snop  }
0x5: {  	_ = 	snop  }
0x6: {  	_ = 	snop  }
0x7: {  	_ = 	snop  }
__scs_overlays_trampoline_lowered:
0x8: {  	[smem:$0x3FAD] =	sst s0  }
0x9: {  	[smem:$0x3FAE] =	sst s1  }
0xa: {  	[smem:$0x3FAF] =	sst s2  }
0xb: {  	[smem:$0x3FB0] =	sst s3  }
0xc: {  	[smem:$0x3FB1] =	sst s4  }
0xd: {  	[smem:$0x3FB2] =	sst s5  }
0xe: {  	[smem:$0x3FB3] =	sst s6  }
0xf: {  	[smem:$0x3FB4] =	sst s7  }
0x10: {  	[smem:$0x3FB5] =	sst s8  }
0x11: {  	[smem:$0x3FB6] =	sst s9;
	s0 =	simm.s32 @!p0 $0x0  }
0x12: {  	s1 =	sld [smem:$0x3F9C];
	s0 =	simm.s32 @p0 $0x1  }
0x13: {  	[smem:$0x3FB7] =	sst s0;
	s0 =	simm.s32 @!p1 $0x0  }
0x14: {  	s2 =	sld [smem:$0x3F9B];
	s0 =	simm.s32 @p1 $0x1  }
0x15: {  	[smem:$0x3FB8] =	sst s0;
	s0 =	simm.s32 @!p2 $0x0  }
0x16: {  	s3 =	sld [smem:$0x3FDB];
	s0 =	simm.s32 @p2 $0x1  }
0x17: {  	s4 =	simm.s32 $0x1BF5;
	[smem:$0x3FBA] =	sst s0  }
0x18: {  	s0 =	sld [smem:$0x3F9D];
	_ =	swait.ge [sflag:s4], $0x0  }
0x19: {  	s7 =	sld [smem:$0x3F9E]  }
0x1a: {  	s8 =	sadd.s32 $0xFFFFE003, lr  }
0x1b: {  	s9 =	sadd.s32 $0xFFFFFEF7, lr;
	s5 =	simm.s32 $0xFFFFFFFF;
	p2 =	slt.u32 s8, $0xFFFFF086  }
0x1c: {  	p1 =	slt.u32 s9, $0xF7A;
	s5 =	simm.s32 @!p2 $0x0  }
0x1d: {  	s5 =	simm.s32 @p1 $0x1;
	p0 =	seq.s32 s7, s2  }
0x1e: {  	s7 =	smul.u32 @!p0 $0xF7A, s2;
	p2 =	seq.s32 @!p0 s5, $0x0  }
0x1f: {  	s9 =	smul.u32 $0xF7A, s1;
	s8 =	simm.s32 @!p0 $0x1BF5;
	p2 =	por !p2, p0  }
0x20: {  	[sflag:s8] =	ssyncset.s32 @!p0 $0xFFFFF086;
	s6 =	sadd.s32 @!p0 s3, s7;
	s7 =	simm.s32 @!p0 $0x108  }
0x21: {  	s3 =	sadd.s32 s3, s9;
	s6 =	sadd.s32 @!p0 $0x88, s6;
	s7 =	simm.s32 @p2 $0x1082  }
0x22: {  	[simem:s7], [sflag:s8] =	dma.local @!p0 [hbm:s6], $0xF7A  }
0x23: {  	s9 =	sor.u32 $0xD0000000, s2;
	s6 =	simm.s32 $0x108;
	_ =	swait.ge @!p0 [sflag:s8], $0x0  }
0x24: {  	s3 =	sadd.s32 $0x88, s3;
	s6 =	simm.s32 @!p1 $0x1082;
	[sflag:s4] =	ssyncset.s32 $0xFFFFF086  }
0x25: {  	[simem:s6], [sflag:s4] =	dma.local [hbm:s3], $0xF7A  }
0x26: {  	[smem:$0x3F9E] =	sst s1;
	(tag) =	ssettag s2;
	_ =	strace s9  }
0x27: {  	s1 =	sld [smem:$0x3FAE]  }
0x28: {  	s2 =	sld [smem:$0x3FAF]  }
0x29: {  	s4 =	sld [smem:$0x3FB1]  }
0x2a: {  	p0 =	seq.s32 s5, $0x0;
	s5 =	sld [smem:$0x3FB2]  }
0x2b: {  	s6 =	sld [smem:$0x3FB3]  }
0x2c: {  	s7 =	sld [smem:$0x3FB4]  }
0x2d: {  	s3 =	simm.s32 $0x108;
	s8 =	sld [smem:$0x3FB5]  }
0x2e: {  	s3 =	simm.s32 @!p0 $0x1082;
	s9 =	sld [smem:$0x3FB6]  }
0x2f: {  	lr =	sadd.s32 s0, s3;
	s0 =	sld [smem:$0x3FAD]  }
0x30: {  	s3 =	sld [smem:$0x3FB0]  }
0x31: {  	[smem:$0x3FB9] =	sst s10  }
0x32: {  	s10 =	sld [smem:$0x3FB7];
	_ =	sdelay $0x3  }
0x33: {  	p0 =	seq.s32 s10, $0x1;
	s10 =	sld [smem:$0x3FB9];
	_ =	sdelay $0x3  }
0x34: {  	[smem:$0x3FB9] =	sst s10  }
0x35: {  	s10 =	sld [smem:$0x3FB8];
	_ =	sdelay $0x3  }
0x36: {  	p1 =	seq.s32 s10, $0x1;
	s10 =	sld [smem:$0x3FB9];
	_ =	sdelay $0x3  }
0x37: {  	[smem:$0x3FB9] =	sst s10  }
0x38: {  	s10 =	sld [smem:$0x3FBA]  }
0x39: {  	_ = 	snop;
	(pc) =	sbr.ind lr, $3  }
0x3a: {  	_ = 	snop  }
0x3b: {  	_ = 	snop  }
0x3c: {  	p2 =	seq.s32 s10, $0x1;
	s10 =	sld [smem:$0x3FB9]  }
0x3d: {  	_ =	shalt  }
0x3e: {  	_ =	shalt  }
0x3f: {  	_ =	shalt  }
0x40: {  	_ =	shalt  }
0x41: {  	_ =	shalt  }
0x42: {  	_ =	shalt  }
0x43: {  	_ =	shalt  }
0x44: {  	_ =	shalt  }
0x45: {  	_ =	shalt  }
0x46: {  	_ =	shalt  }
0x47: {  	_ =	shalt  }
0x48: {  	_ =	shalt  }
0x49: {  	_ =	shalt  }
0x4a: {  	_ =	shalt  }
0x4b: {  	_ =	shalt  }
0x4c: {  	_ =	shalt  }
0x4d: {  	_ =	shalt  }
0x4e: {  	_ =	shalt  }
0x4f: {  	_ =	shalt  }
0x50: {  	_ =	shalt  }
0x51: {  	_ =	shalt  }
0x52: {  	_ =	shalt  }
0x53: {  	_ =	shalt  }
0x54: {  	_ =	shalt  }
0x55: {  	_ =	shalt  }
0x56: {  	_ =	shalt  }
0x57: {  	_ =	shalt  }
0x58: {  	_ =	shalt  }
0x59: {  	_ =	shalt  }
0x5a: {  	_ =	shalt  }
0x5b: {  	_ =	shalt  }
0x5c: {  	_ =	shalt  }
0x5d: {  	_ =	shalt  }
0x5e: {  	_ =	shalt  }
0x5f: {  	_ =	shalt  }
0x60: {  	_ =	shalt  }
0x61: {  	_ =	shalt  }
0x62: {  	_ =	shalt  }
0x63: {  	_ =	shalt  }
0x64: {  	_ =	shalt  }
0x65: {  	_ =	shalt  }
0x66: {  	_ =	shalt  }
0x67: {  	_ =	shalt  }
0x68: {  	_ =	shalt  }
0x69: {  	_ =	shalt  }
0x6a: {  	_ =	shalt  }
0x6b: {  	_ =	shalt  }
0x6c: {  	_ =	shalt  }
0x6d: {  	_ =	shalt  }
0x6e: {  	_ =	shalt  }
0x6f: {  	_ =	shalt  }
0x70: {  	_ =	shalt  }
0x71: {  	_ =	shalt  }
0x72: {  	_ =	shalt  }
0x73: {  	_ =	shalt  }
0x74: {  	_ =	shalt  }
0x75: {  	_ =	shalt  }
0x76: {  	_ =	shalt  }
0x77: {  	_ =	shalt  }
0x78: {  	_ =	shalt  }
0x79: {  	_ =	shalt  }
0x7a: {  	_ =	shalt  }
0x7b: {  	_ =	shalt  }
0x7c: {  	_ =	shalt  }
0x7d: {  	_ =	shalt  }
0x7e: {  	_ =	shalt  }
0x7f: {  	_ =	shalt  }
0x80: {  	_ =	shalt  }
0x81: {  	_ =	shalt  }
0x82: {  	_ =	shalt  }
0x83: {  	_ =	shalt  }
0x84: {  	_ =	shalt  }
0x85: {  	_ =	shalt  }
0x86: {  	_ =	shalt  }
0x87: {  	_ =	shalt  }
.Lfunc_end0:
.L_simem_size_0:
called_computation_lowered:
.L_overlay_start_0:
0x88: {  	s2 =	sld [smem:$0x3FD9]  }
0x89: {  	s3 =	sld [smem:$0x3FFE];
	_ =	sdelay $0x1  }
0x8a: {  	s1 =	srdreg.scid  }
0x8b: {  	s0 =	sand.u32 $0x1, s1  }
0x8c: {  	s17 =	sshll.u32 s0, $0xA;
	s2 =	sadd.s32 s3, s2  }
0x8d: {  	s2 =	sadd.s32 s2, s17  }
0x8e: {  	[smem:$0x3FC5] =	sst s2  }
0x8f: {  	_ = 	snop  }
0x90: {  	s2 =	sld [smem:$0x3FC9]  }
0x91: {  	s18 =	sld [smem:$0x3FD0];
	(tm) =	ssettm $0x1  }
0x92: {  	s4 =	sld [smem:$0x3FFB];
	_ =	sdelay $0x3  }
0x93: {  	_ =	strace s4  }
0x94: {  	s4 =	sld [smem:$0x3FFC];
	_ =	sdelay $0x3  }
0x95: {  	_ =	strace s4  }
0x96: {  	s4 =	sld [smem:$0x3FFD];
	_ =	sdelay $0x3  }
0x97: {  	_ =	strace s4  }
0x98: {  	_ =	strace $0x8FFFFFFF  }
0x99: {  	s19 =	sld [smem:$0x3FDB];
	_ =	sdelay $0x1  }
0x9a: {  	s5 =	simm.s32 $_scs_section_size  }
0x9b: {  	s6 =	simm.s32 $_size__tile_overlayer_lowered;
	s7 =	simm.s32 $_tile_overlayer_lowered  }
0x9c: {  	s22 =	simm.s32 $0x1BFF;
	s21 =	sshll.u32 s7, $0x1;
	s4 =	sadd.s32 s5, s19  }
0x9d: {  	s8 =	simm.s32 $0x0;
	s20 =	sshll.u32 s6, $0x1;
	s6 =	sadd.s32 s21, s4  }
0x9e: {  	[timem:s8], [sflag:s22] =	dma.local [hbm:s6], s20  }
0x9f: {  	_ =	swait.ge [sflag:s22], s20  }
0xa0: {  	s5 =	ssub.s32 $0x0, s20;
	[sflag:s22] =	ssyncset.done $0x0  }
0xa1: {  	[sflag:s22] =	ssyncadd.s32 s5;
	_ =	sdelay $0x1  }
0xa2: {  	s23 =	simm.s32 $0x1B8B  }
0xa3: {  	_ =	swait.ge [sflag:s23], $0x1  }
0xa4: {  	[sflag:s23] =	ssyncset.done $0x0  }
0xa5: {  	s25 =	simm.s32 $0x1B8E;
	s24 =	sld [smem:$0x3FFE];
	[sflag:s23] =	ssyncadd.s32 $0xFFFFFFFF  }
0xa6: {  	s26 =	simm.s32 $execute0_lowered;
	[smem:$0x3FD2] =	sst s25  }
0xa7: {  	s6 =	sshll.u32 s26, $0x1;
	_ =	strace $0x80000046;
	[dreg:$0x1] =	wrdreg $0xFFFFFFFF  }
0xa8: {  	s28 =	simm.s32 $_size_execute0_lowered;
	s4 =	sadd.s32 s4, s6;
	[dreg:$0x0] =	wrdreg $0x0  }
0xa9: {  	s6 =	sshll.u32 s28, $0x1;
	[dreg:$0x2] =	wrdreg s4  }
0xaa: {  	[dreg:$0x3] =	wrdreg s6  }
0xab: {  	[dreg:$0x4] =	wrdreg $0xC0  }
0xac: {  	_ =	task [dreg:s8], $0x5FFFF  }
0xad: {  	[dreg:$0x1] =	wrdreg $0xFFFFFFFF  }
0xae: {  	[dreg:$0x0] =	wrdreg $0x60  }
0xaf: {  	[dreg:$0x2] =	wrdreg s2  }
0xb0: {  	[dreg:$0x3] =	wrdreg s24  }
0xb1: {  	[dreg:$0x4] =	wrdreg s18  }
0xb2: {  	[dreg:$0x5] =	wrdreg $0x9  }
0xb3: {  	_ =	task.clear_ibuf [dreg:s8], $0x6FFFF;
	_ =	strace $0x90000046  }
0xb4: {  	s29 =	simm.s32 $0x9;
	_ =	strace $0x80000048  }
0xb5: {  	_ =	swait.ge [sflag:s29], $0x1  }
0xb6: {  	[sflag:s29] =	ssyncadd.s32 $0xFFFFFFFF  }
0xb7: {  	_ =	strace $0x90000048  }
0xb8: {  	_ =	sfence  }
0xb9: {  	s30 =	sld [smem:$0x0];
	_ =	sdelay $0x2  }
0xba: {  	s31 =	sshll.u32 s1, $0xD;
	s1 =	sshrl.u32 s1, $0x2  }
0xbb: {  	s3 =	sand.u32 $0x4000, s31;
	s1 =	sadd.s32 s1, s30  }
0xbc: {  	s0 =	sor.u32 s3, s0;
	s1 =	sshll.u32 s1, $0x11  }
0xbd: {  	s0 =	sor.u32 s1, s0  }
0xbe: {  	s0 =	sadd.s32 $0x8F2B, s0  }
0xbf: {  	[sflag:s0] =	ssyncadd.remote.s32 $0x1  }
0xc0: {  	_ =	sfence.sel $0xFFFF  }
0xc1: {  	[dreg:$0x0] =	wrdreg $0xFFFFFFFF;
	(pc) =	sbr.abs _section_cstart, $3  }
0xc2: {  	[dreg:$0x1] =	wrdreg $0xFFFFFFFF  }
0xc3: {  	_ =	task.clear_ibuf [dreg:s8], $0x2FFFF;
	_ =	strace $0x9FFFFFFF  }
0xc4: {  	(tm) =	ssettm $0x7FFFFFFF  }
0xc5: {  	_ =	shalt  }
tec
execute0_lowered:
.L_overlay_start_1:
0x0: {  	(tag) =	ssettag $0x1  }
0x1: {  	v0 =	vimm.s32 $0xC3824100  }
0x2: {  	vm0 =	vcmask $0xF00;
	vm10 =	vcmask $0x1310;
	vm9 =	vcmask $0x1714  }
0x3: {  	vm8 =	vcmask $0x1B18;
	vm7 =	vcmask $0x1F1C;
	vm6 =	vcmask $0x2320  }
0x4: {  	vm5 =	vcmask $0x2724;
	vm4 =	vcmask $0x2B28;
	vm3 =	vcmask $0x2F2C  }
0x5: {  	vm2 =	vcmask $0x3330;
	vm1 =	vcmask $0x3734;
	v2 =	vimm.s32 $0x38F  }
0x6: {  	vm14 =	vcmask $0x300;
	vm13 =	vcmask $0x704;
	vm11 =	vcmask $0xB08  }
0x7: {  	v3 =	vimm.s32 $0x7C7;
	v4 =	vimm.s32 $0x39F;
	vm12 =	vcmask $0xF0C  }
0x8: {  	v8 =	vimm.s32 $0xBC7;
	v9 =	vimm.s32 $0x3AF;
	v10 =	vimm.s32 $0xFC7  }
0x9: {  	v13 =	vimm.s32 $0x3BF;
	v14 =	vimm.s32 $0x13C7;
	v15 =	vimm.s32 $0x3CF  }
0xa: {  	v16 =	vimm.s32 $0x17C7;
	v17 =	vimm.s32 $0x3DF;
	v18 =	vimm.s32 $0x1BC7  }
0xb: {  	v19 =	vimm.s32 $0x3EF;
	v20 =	vimm.s32 $0x1FC7;
	v21 =	vimm.s32 $0x3FF  }
0xc: {  	v0 =	vunpack.c.0.s8.s32 v0;
	v2 =	vsel vm14, $0x0, v2;
	v3 =	vsel vm14, $0x400, v3  }
0xd: {  	v4 =	vsel vm14, $0x10, v4;
	v8 =	vsel vm14, $0x800, v8;
	v9 =	vsel vm14, $0x20, v9  }
0xe: {  	v10 =	vsel vm14, $0xC00, v10;
	v13 =	vsel vm14, $0x30, v13;
	v14 =	vsel vm14, $0x1000, v14  }
0xf: {  	v15 =	vsel vm14, $0x40, v15;
	v16 =	vsel vm14, $0x1400, v16;
	v17 =	vsel vm14, $0x50, v17  }
0x10: {  	v18 =	vsel vm14, $0x1800, v18;
	v19 =	vsel vm14, $0x60, v19;
	v20 =	vsel vm14, $0x1C00, v20  }
0x11: {  	v21 =	vsel vm14, $0x70, v21;
	v2 =	vsel vm13, $0x81, v2;
	v3 =	vsel vm13, $0x441, v3  }
0x12: {  	v4 =	vsel vm13, $0x91, v4;
	v8 =	vsel vm13, $0x841, v8;
	v9 =	vsel vm13, $0xA1, v9  }
0x13: {  	v10 =	vsel vm13, $0xC41, v10;
	v13 =	vsel vm13, $0xB1, v13;
	v14 =	vsel vm13, $0x1041, v14  }
0x14: {  	v15 =	vsel vm13, $0xC1, v15;
	v16 =	vsel vm13, $0x1441, v16;
	v17 =	vsel vm13, $0xD1, v17  }
0x15: {  	v18 =	vsel vm13, $0x1841, v18;
	v19 =	vsel vm13, $0xE1, v19;
	v20 =	vsel vm13, $0x1C41, v20  }
0x16: {  	v21 =	vsel vm13, $0xF1, v21;
	v0 =	vand.u32 $0xFF, v0;
	v2 =	vsel vm11, $0x102, v2  }
0x17: {  	v3 =	vsel vm11, $0x482, v3;
	v4 =	vsel vm11, $0x112, v4;
	v8 =	vsel vm11, $0x882, v8  }
0x18: {  	v9 =	vsel vm11, $0x122, v9;
	v10 =	vsel vm11, $0xC82, v10;
	v13 =	vsel vm11, $0x132, v13  }
0x19: {  	v14 =	vsel vm11, $0x1082, v14;
	v15 =	vsel vm11, $0x142, v15;
	v16 =	vsel vm11, $0x1482, v16  }
0x1a: {  	v17 =	vsel vm11, $0x152, v17;
	v18 =	vsel vm11, $0x1882, v18;
	v19 =	vsel vm11, $0x162, v19  }
0x1b: {  	v20 =	vsel vm11, $0x1C82, v20;
	v21 =	vsel vm11, $0x172, v21;
	v0 =	vnsel vm0, $0x3C7, v0  }
0x1c: {  	vm0 =	vcmask $0x3B38;
	v2 =	vsel vm12, $0x183, v2;
	v3 =	vsel vm12, $0x4C3, v3  }
0x1d: {  	v4 =	vsel vm12, $0x193, v4;
	v8 =	vsel vm12, $0x8C3, v8;
	v9 =	vsel vm12, $0x1A3, v9  }
0x1e: {  	v10 =	vsel vm12, $0xCC3, v10;
	v13 =	vsel vm12, $0x1B3, v13;
	v14 =	vsel vm12, $0x10C3, v14  }
0x1f: {  	v15 =	vsel vm12, $0x1C3, v15;
	v16 =	vsel vm12, $0x14C3, v16;
	v17 =	vsel vm12, $0x1D3, v17  }
0x20: {  	v18 =	vsel vm12, $0x18C3, v18;
	v19 =	vsel vm12, $0x1E3, v19;
	v20 =	vsel vm12, $0x1CC3, v20  }
0x21: {  	v21 =	vsel vm12, $0x1F3, v21;
	v0 =	vsel vm10, $0x104, v0;
	v2 =	vsel vm10, $0x204, v2  }
0x22: {  	v3 =	vsel vm10, $0x504, v3;
	v4 =	vsel vm10, $0x214, v4;
	v8 =	vsel vm10, $0x904, v8  }
0x23: {  	v9 =	vsel vm10, $0x224, v9;
	v10 =	vsel vm10, $0xD04, v10;
	v13 =	vsel vm10, $0x234, v13  }
0x24: {  	v14 =	vsel vm10, $0x1104, v14;
	v15 =	vsel vm10, $0x244, v15;
	v16 =	vsel vm10, $0x1504, v16  }
0x25: {  	v17 =	vsel vm10, $0x254, v17;
	v18 =	vsel vm10, $0x1904, v18;
	v19 =	vsel vm10, $0x264, v19  }
0x26: {  	v20 =	vsel vm10, $0x1D04, v20;
	v21 =	vsel vm10, $0x274, v21;
	v0 =	vsel vm9, $0x145, v0  }
0x27: {  	v2 =	vsel vm9, $0x285, v2;
	v3 =	vsel vm9, $0x545, v3;
	v4 =	vsel vm9, $0x295, v4  }
0x28: {  	v8 =	vsel vm9, $0x945, v8;
	v9 =	vsel vm9, $0x2A5, v9;
	v10 =	vsel vm9, $0xD45, v10  }
0x29: {  	v13 =	vsel vm9, $0x2B5, v13;
	v14 =	vsel vm9, $0x1145, v14;
	v15 =	vsel vm9, $0x2C5, v15  }
0x2a: {  	v16 =	vsel vm9, $0x1545, v16;
	v17 =	vsel vm9, $0x2D5, v17;
	v18 =	vsel vm9, $0x1945, v18  }
0x2b: {  	v19 =	vsel vm9, $0x2E5, v19;
	v20 =	vsel vm9, $0x1D45, v20;
	v21 =	vsel vm9, $0x2F5, v21  }
0x2c: {  	v0 =	vsel vm8, $0x186, v0;
	v2 =	vsel vm8, $0x306, v2;
	v3 =	vsel vm8, $0x586, v3  }
0x2d: {  	v4 =	vsel vm8, $0x316, v4;
	v8 =	vsel vm8, $0x986, v8;
	v9 =	vsel vm8, $0x326, v9  }
0x2e: {  	v10 =	vsel vm8, $0xD86, v10;
	v13 =	vsel vm8, $0x336, v13;
	v14 =	vsel vm8, $0x1186, v14  }
0x2f: {  	v15 =	vsel vm8, $0x346, v15;
	v16 =	vsel vm8, $0x1586, v16;
	v17 =	vsel vm8, $0x356, v17  }
0x30: {  	v18 =	vsel vm8, $0x1986, v18;
	v19 =	vsel vm8, $0x366, v19;
	v20 =	vsel vm8, $0x1D86, v20  }
0x31: {  	v21 =	vsel vm8, $0x376, v21;
	v0 =	vsel vm7, $0x1C7, v0;
	v2 =	vsel vm7, $0x387, v2  }
0x32: {  	v3 =	vsel vm7, $0x5C7, v3;
	v4 =	vsel vm7, $0x397, v4;
	v8 =	vsel vm7, $0x9C7, v8  }
0x33: {  	v9 =	vsel vm7, $0x3A7, v9;
	v10 =	vsel vm7, $0xDC7, v10;
	v13 =	vsel vm7, $0x3B7, v13  }
0x34: {  	v14 =	vsel vm7, $0x11C7, v14;
	v15 =	vsel vm7, $0x3C7, v15;
	v16 =	vsel vm7, $0x15C7, v16  }
0x35: {  	v17 =	vsel vm7, $0x3D7, v17;
	v18 =	vsel vm7, $0x19C7, v18;
	v19 =	vsel vm7, $0x3E7, v19  }
0x36: {  	v20 =	vsel vm7, $0x1DC7, v20;
	v21 =	vsel vm7, $0x3F7, v21;
	v0 =	vsel vm6, $0x200, v0  }
0x37: {  	v2 =	vsel vm6, $0x8, v2;
	v3 =	vsel vm6, $0x600, v3;
	v4 =	vsel vm6, $0x18, v4  }
0x38: {  	v8 =	vsel vm6, $0xA00, v8;
	v9 =	vsel vm6, $0x28, v9;
	v10 =	vsel vm6, $0xE00, v10  }
0x39: {  	v13 =	vsel vm6, $0x38, v13;
	v14 =	vsel vm6, $0x1200, v14;
	v15 =	vsel vm6, $0x48, v15  }
0x3a: {  	v16 =	vsel vm6, $0x1600, v16;
	v17 =	vsel vm6, $0x58, v17;
	v18 =	vsel vm6, $0x1A00, v18  }
0x3b: {  	v19 =	vsel vm6, $0x68, v19;
	v20 =	vsel vm6, $0x1E00, v20;
	v21 =	vsel vm6, $0x78, v21  }
0x3c: {  	v0 =	vsel vm5, $0x241, v0;
	v2 =	vsel vm5, $0x89, v2;
	v3 =	vsel vm5, $0x641, v3  }
0x3d: {  	v4 =	vsel vm5, $0x99, v4;
	v8 =	vsel vm5, $0xA41, v8;
	v9 =	vsel vm5, $0xA9, v9  }
0x3e: {  	v10 =	vsel vm5, $0xE41, v10;
	v13 =	vsel vm5, $0xB9, v13;
	v14 =	vsel vm5, $0x1241, v14  }
0x3f: {  	v15 =	vsel vm5, $0xC9, v15;
	v16 =	vsel vm5, $0x1641, v16;
	v17 =	vsel vm5, $0xD9, v17  }
0x40: {  	v18 =	vsel vm5, $0x1A41, v18;
	v19 =	vsel vm5, $0xE9, v19;
	v20 =	vsel vm5, $0x1E41, v20  }
0x41: {  	v21 =	vsel vm5, $0xF9, v21;
	v0 =	vsel vm4, $0x282, v0;
	v2 =	vsel vm4, $0x10A, v2  }
0x42: {  	v3 =	vsel vm4, $0x682, v3;
	v4 =	vsel vm4, $0x11A, v4;
	v8 =	vsel vm4, $0xA82, v8  }
0x43: {  	v9 =	vsel vm4, $0x12A, v9;
	v10 =	vsel vm4, $0xE82, v10;
	v13 =	vsel vm4, $0x13A, v13  }
0x44: {  	v14 =	vsel vm4, $0x1282, v14;
	v15 =	vsel vm4, $0x14A, v15;
	v16 =	vsel vm4, $0x1682, v16  }
0x45: {  	v17 =	vsel vm4, $0x15A, v17;
	v18 =	vsel vm4, $0x1A82, v18;
	v19 =	vsel vm4, $0x16A, v19  }
0x46: {  	v20 =	vsel vm4, $0x1E82, v20;
	v21 =	vsel vm4, $0x17A, v21;
	v1 =	vsel vm3, $0x2C3, v0  }
0x47: {  	v0 =	vlaneseq.u32;
	v2 =	vsel vm3, $0x18B, v2;
	v3 =	vsel vm3, $0x6C3, v3  }
0x48: {  	v4 =	vsel vm3, $0x19B, v4;
	v8 =	vsel vm3, $0xAC3, v8;
	v9 =	vsel vm3, $0x1AB, v9  }
0x49: {  	v10 =	vsel vm3, $0xEC3, v10;
	v13 =	vsel vm3, $0x1BB, v13;
	v14 =	vsel vm3, $0x12C3, v14  }
0x4a: {  	v15 =	vsel vm3, $0x1CB, v15;
	v16 =	vsel vm3, $0x16C3, v16;
	v17 =	vsel vm3, $0x1DB, v17  }
0x4b: {  	v18 =	vsel vm3, $0x1AC3, v18;
	v19 =	vsel vm3, $0x1EB, v19;
	v20 =	vsel vm3, $0x1EC3, v20  }
0x4c: {  	v21 =	vsel vm3, $0x1FB, v21;
	v1 =	vsel vm2, $0x304, v1;
	v2 =	vsel vm2, $0x20C, v2  }
0x4d: {  	v6 =	vsel vm2, $0x704, v3;
	v4 =	vsel vm2, $0x21C, v4;
	v7 =	vor.u32 $0x10, v0  }
0x4e: {  	s1 =	rddreg [dreg:$0x0];
	v8 =	vsel vm2, $0xB04, v8;
	v9 =	vsel vm2, $0x22C, v9;
	v10 =	vsel vm2, $0xF04, v10  }
0x4f: {  	s0 =	srdreg.scid;
	s5 =	rddreg [dreg:$0x1];
	v11 =	vor.u32 $0x20, v0;
	v13 =	vsel vm2, $0x23C, v13;
	v14 =	vsel vm2, $0x1304, v14  }
0x50: {  	s2 =	stileid.u32;
	s3 =	rddreg [dreg:$0x2];
	v15 =	vsel vm2, $0x24C, v15;
	v16 =	vsel vm2, $0x1704, v16;
	v17 =	vsel vm2, $0x25C, v17  }
0x51: {  	s4 =	simm.s32 $0x0;
	s11 =	simm.s32 $0x5;
	s12 =	simm.s32 $0x80;
	v18 =	vsel vm2, $0x1B04, v18;
	v19 =	vsel vm2, $0x26C, v19;
	v20 =	vsel vm2, $0x1F04, v20  }
0x52: {  	s14 =	simm.s32 $0x3200;
	s15 =	simm.s32 $0x400;
	s16 =	simm.s32 $0x8000;
	v21 =	vsel vm2, $0x27C, v21;
	v1 =	vsel vm1, $0x345, v1;
	v5 =	vsel vm1, $0x28D, v2  }
0x53: {  	s17 =	simm.s32 $0x7200;
	s19 =	simm.s32 $0x5200;
	s20 =	simm.s32 $0x9200;
	v2 =	vmul.u32 $0x40, v0;
	v8 =	vsel vm1, $0xB45, v8;
	v9 =	vsel vm1, $0x2AD, v9  }
0x54: {  	s21 =	simm.s32 $0x1;
	s0 =	sand.u32 $0x1, s0;
	s2 =	sshll.u32 s2, $0x1;
	v12 =	vsel vm1, $0xF45, v10;
	v13 =	vsel vm1, $0x2BD, v13;
	v14 =	vsel vm1, $0x1345, v14  }
0x55: {  	s22 =	simm.s32 $0xB200;
	s23 =	simm.s32 $0x2;
	s2 =	sor.u32 s0, s2;
	v15 =	vsel vm1, $0x2CD, v15;
	v16 =	vsel vm1, $0x1745, v16;
	v17 =	vsel vm1, $0x2DD, v17  }
0x56: {  	s24 =	simm.s32 $0xD200;
	s25 =	simm.s32 $0x3;
	s6 =	smul.u32 $0x64000, s2;
	v18 =	vsel vm1, $0x1B45, v18;
	v19 =	vsel vm1, $0x2ED, v19;
	v20 =	vsel vm1, $0x1F45, v20  }
0x57: {  	s26 =	simm.s32 $0x4;
	s28 =	simm.s32 $0x0;
	s7 =	smul.u32 $0x4800, s2;
	v21 =	vsel vm1, $0x2FD, v21;
	v1 =	vsel vm0, $0x386, v1;
	v3 =	vsel vm0, $0x30E, v5  }
0x58: {  	[smem:$0x7FF] =	sst s4;
	s0 =	ssub.s32 $0x2, s0;
	s8 =	smul.u32 $0x320, s2;
	v5 =	vsel vm1, $0x745, v6;
	v6 =	vsel vm1, $0x29D, v4;
	v8 =	vsel vm0, $0xB86, v8  }
.Ltmp0:
0x59: {  	s6 =	sand.u32 $0xFC0000, s6;
	s7 =	sand.u32 $0x7800, s7;
	v9 =	vsel vm0, $0x32E, v9;
	v12 =	vsel vm0, $0xF86, v12;
	v13 =	vsel vm0, $0x33E, v13;
	(pc) =	sbr.rel .LBB2_1-.Ltmp0, $4  }
0x5a: {  	_ =	strace $0x80000047;
	s31 =	sshrl.u32 s0, $0x1;
	s6 =	sor.u32 s7, s6;
	v14 =	vsel vm0, $0x1386, v14;
	v15 =	vsel vm0, $0x34E, v15;
	v16 =	vsel vm0, $0x1786, v16  }
0x5b: {  	s0 =	ssub.s32 s0, s31;
	s8 =	sadd.s32 s8, s5;
	s6 =	sshrl.u32 s6, $0x3;
	v17 =	vsel vm0, $0x35E, v17;
	v18 =	vsel vm0, $0x1B86, v18;
	v19 =	vsel vm0, $0x36E, v19  }
0x5c: {  	s5 =	sadd.s32 $0x6800, s5;
	s10 =	smax.u32 s0, $0x1;
	s6 =	sadd.s32 s1, s6;
	v20 =	vsel vm0, $0x1F86, v20;
	v21 =	vsel vm0, $0x37E, v21;
	v4 =	vsel vm0, $0x786, v5  }
0x5d: {  	s7 =	smul.u32 $0x32, s2;
	s8 =	sadd.s32 $0x400, s8;
	s9 =	sadd.s32 $0x80, s6;
	v5 =	vsel vm0, $0x31E, v6;
	v6 =	vor.u32 $0x400, v2;
	v10 =	vor.u32 $0x800, v2  }
.LBB2_38:
0x5e: {  	s28 =	sadd.s32 $0x1, s28  }
0x5f: {  	_ =	swait.ge [sflag:s25], $0x2000;
	p0 =	sne.s32 s28, s10  }
.Ltmp1:
0x60: {  	[sflag:s25] =	ssyncset.done $0x0;
	(pc) =	sbr.rel @!p0 .LBB2_39-.Ltmp1, $4  }
0x61: {  	[sflag:s25] =	ssyncadd.s32 $0xFFFFE000  }
0x62: {  	_ =	swait.ge [sflag:s26], $0x2000  }
0x63: {  	[sflag:s26] =	ssyncset.done $0x0  }
0x64: {  	[sflag:s26] =	ssyncadd.s32 $0xFFFFE000  }
.LBB2_1:
0x65: {  	[tilespmem:s4], [sflag:$0x5] =	stream.linear.gather [hbm4b:s8+s4], $0x1900, $0x38;
	[tilespmem:$0xF200] =	vst v63  }
0x66: {  	_ =	swait.ge [sflag:s11], $0x1900  }
0x67: {  	[sflag:s11] =	ssyncset.done $0x0  }
0x68: {  	s0 =	simm.s32 $0x0;
	[sflag:s11] =	ssyncadd.s32 $0xFFFFE700  }
0x69: {  	v22 =	vld [tilespmem:s0+$0x70]  }
0x6a: {  	v24 =	vld [tilespmem:s0+$0x10]  }
0x6b: {  	v25 =	vld [tilespmem:s0+$0x20]  }
0x6c: {  	v26 =	vld [tilespmem:s0+$0x30]  }
0x6d: {  	v27 =	vld [tilespmem:s0+$0x40]  }
0x6e: {  	v29 =	vld [tilespmem:s0+$0x50]  }
0x6f: {  	v30 =	vld [tilespmem:s0+$0x60]  }
0x70: {  	v23 =	vld [tilespmem:s0+$0x0]  }
0x71: {  	v28 =	vshll.u32 v22, $0x1;
	vm0 =	vgt.s32 v22, $0x79FFF;
	v34 =	vshll.u32 v25, $0x1  }
0x72: {  	vm1 =	vgt.s32 v24, $0x79FFF;
	vm2 =	vgt.s32 v25, $0x79FFF;
	v22 =	vadd.s32 $0xFFF0C001, v28  }
0x73: {  	v38 =	vshll.u32 v27, $0x1;
	vm3 =	vgt.s32 v26, $0x79FFF;
	v22 =	vsel vm0, v22, v28  }
0x74: {  	s2 =	simm.s32 $0x80;
	v39 =	vshll.u32 v29, $0x1;
	vm4 =	vgt.s32 v30, $0x79FFF;
	v36 =	vadd.s32 $0xFFF0C001, v34;
	[tilespmem:s0+$0x1970] =	vst v22  }
0x75: {  	v28 =	vshll.u32 v24, $0x1;
	vm0 =	vgt.s32 v23, $0x79FFF;
	v24 =	vshll.u32 v26, $0x1;
	v32 =	vld [tilespmem:s2+$0x70]  }
0x76: {  	v22 =	vshll.u32 v23, $0x1;
	v23 =	vadd.s32 $0xFFF0C001, v28;
	v25 =	vadd.s32 $0xFFF0C001, v24;
	v33 =	vld [tilespmem:s2+$0x0]  }
0x77: {  	v31 =	vadd.s32 $0xFFF0C001, v22;
	v35 =	vld [tilespmem:s2+$0x10];
	v28 =	vsel vm1, v23, v28;
	vm1 =	vgt.s32 v29, $0x79FFF  }
0x78: {  	v37 =	vld [tilespmem:s2+$0x20];
	v26 =	vsel vm0, v31, v22;
	v31 =	vadd.s32 $0xFFF0C001, v38;
	vm0 =	vgt.s32 v27, $0x79FFF  }
0x79: {  	v22 =	vld [tilespmem:s2+$0x30];
	v27 =	vshll.u32 v30, $0x1;
	v30 =	vsel vm3, v25, v24;
	[tilespmem:s0+$0x1900] =	vst v26;
	v26 =	vadd.s32 $0xFFF0C001, v39  }
0x7a: {  	v29 =	vadd.s32 $0xFFF0C001, v27;
	v61 =	vsel vm0, v31, v38;
	v23 =	vld [tilespmem:s2+$0x40];
	[tilespmem:s0+$0x1910] =	vst v28;
	v28 =	vsel vm2, v36, v34  }
0x7b: {  	v62 =	vsel vm1, v26, v39;
	v31 =	vsel vm4, v29, v27;
	v63 =	vshll.u32 v32, $0x1  }
0x7c: {  	v24 =	vld [tilespmem:s2+$0x50];
	[tilespmem:s0+$0x1920] =	vst v28;
	v25 =	vshll.u32 v33, $0x1;
	vm0 =	vgt.s32 v32, $0x79FFF;
	v28 =	vadd.s32 $0xFFF0C001, v63  }
0x7d: {  	v26 =	vld [tilespmem:s2+$0x60];
	v27 =	vshll.u32 v35, $0x1;
	[tilespmem:s0+$0x1930] =	vst v30;
	vm1 =	vgt.s32 v35, $0x79FFF;
	v38 =	vsel vm0, v28, v63  }
0x7e: {  	vm2 =	vgt.s32 v37, $0x79FFF;
	v29 =	vadd.s32 $0xFFF0C001, v25;
	v32 =	vadd.s32 $0xFFF0C001, v27;
	[tilespmem:s2+$0x1970] =	vst v38  }
0x7f: {  	v30 =	vshll.u32 v22, $0x1;
	vm0 =	vgt.s32 v33, $0x79FFF;
	v28 =	vshll.u32 v37, $0x1;
	[tilespmem:s0+$0x1940] =	vst v61  }
0x80: {  	s13 =	simm.s32 $0x100;
	s29 =	simm.s32 $0x600;
	v35 =	vadd.s32 $0xFFF0C001, v30;
	v33 =	vadd.s32 $0xFFF0C001, v28;
	v34 =	vshll.u32 v23, $0x1;
	[tilespmem:s0+$0x1950] =	vst v62  }
.LBB2_2:
0x81: {  	p0 =	sne.s32 s29, $0x6200;
	v36 =	vld [tilespmem:s13+$0x70];
	vm3 =	vgt.s32 v22, $0x79FFF;
	v37 =	vadd.s32 $0xFFF0C001, v34;
	v38 =	vshll.u32 v24, $0x1;
	[tilespmem:s0+$0x1960] =	vst v31;
	s0 =	smov.u32 s2;
	s2 =	smov.u32 s13  }
0x82: {  	vm4 =	vgt.s32 v23, $0x79FFF;
	v39 =	vld [tilespmem:s2+$0x0];
	v23 =	vadd.s32 $0xFFF0C001, v38;
	v31 =	vshll.u32 v26, $0x1  }
0x83: {  	vm5 =	vgt.s32 v24, $0x79FFF;
	vm6 =	vgt.s32 v26, $0x79FFF;
	v40 =	vld [tilespmem:s2+$0x10];
	v24 =	vadd.s32 $0xFFF0C001, v31  }
0x84: {  	v25 =	vsel vm0, v29, v25;
	v26 =	vsel vm1, v32, v27;
	v27 =	vsel vm2, v33, v28;
	v41 =	vld [tilespmem:s2+$0x20]  }
0x85: {  	v28 =	vsel vm3, v35, v30;
	v34 =	vsel vm4, v37, v34;
	v37 =	vsel vm5, v23, v38;
	v22 =	vld [tilespmem:s2+$0x30];
	[tilespmem:s0+$0x1900] =	vst v25  }
0x86: {  	v31 =	vsel vm6, v24, v31;
	v23 =	vld [tilespmem:s2+$0x40];
	v30 =	vshll.u32 v36, $0x1;
	[tilespmem:s0+$0x1910] =	vst v26  }
.Ltmp2:
0x87: {  	vm0 =	vgt.s32 v36, $0x79FFF;
	v25 =	vshll.u32 v39, $0x1;
	v24 =	vld [tilespmem:s2+$0x50];
	v32 =	vadd.s32 $0xFFF0C001, v30;
	[tilespmem:s0+$0x1920] =	vst v27;
	(pc) =	sbr.rel @p0 .LBB2_2-.Ltmp2, $4  }
0x88: {  	v29 =	vadd.s32 $0xFFF0C001, v25;
	v27 =	vshll.u32 v40, $0x1;
	v26 =	vld [tilespmem:s2+$0x60];
	v30 =	vsel vm0, v32, v30;
	[tilespmem:s0+$0x1930] =	vst v28  }
0x89: {  	vm0 =	vgt.s32 v39, $0x79FFF;
	v32 =	vadd.s32 $0xFFF0C001, v27;
	v28 =	vshll.u32 v41, $0x1;
	[tilespmem:s2+$0x1970] =	vst v30  }
0x8a: {  	vm1 =	vgt.s32 v40, $0x79FFF;
	v33 =	vadd.s32 $0xFFF0C001, v28;
	v30 =	vshll.u32 v22, $0x1;
	[tilespmem:s0+$0x1940] =	vst v34  }
0x8b: {  	s13 =	sshra.s32 s29, $0x2;
	s29 =	sadd.s32 $0x200, s29;
	vm2 =	vgt.s32 v41, $0x79FFF;
	v35 =	vadd.s32 $0xFFF0C001, v30;
	v34 =	vshll.u32 v23, $0x1;
	[tilespmem:s0+$0x1950] =	vst v37  }
0x8c: {  	v36 =	vld [tilespmem:s13+$0x70];
	[tilespmem:s0+$0x1960] =	vst v31  }
0x8d: {  	v25 =	vsel vm0, v29, v25;
	vm14 =	vgt.s32 v22, $0x79FFF;
	v31 =	vld [tilespmem:s13+$0x0]  }
0x8e: {  	v22 =	vadd.s32 $0xFFF0C001, v34;
	v45 =	vshll.u32 v24, $0x1;
	v27 =	vsel vm1, v32, v27;
	v37 =	vld [tilespmem:s13+$0x10]  }
0x8f: {  	vm15 =	vgt.s32 v23, $0x79FFF;
	vm3 =	vgt.s32 v24, $0x79FFF;
	v47 =	vsel vm2, v33, v28;
	v38 =	vld [tilespmem:s13+$0x20]  }
0x90: {  	v44 =	vld [tilespmem:s13+$0x30];
	[tilespmem:s2+$0x1900] =	vst v25;
	v23 =	vadd.s32 $0xFFF0C001, v45;
	v39 =	vshll.u32 v26, $0x1;
	vm4 =	vgt.s32 v26, $0x79FFF  }
0x91: {  	v50 =	vsel vm14, v35, v30;
	v22 =	vsel vm15, v22, v34;
	v46 =	vld [tilespmem:s13+$0x40];
	[tilespmem:s2+$0x1910] =	vst v27;
	v51 =	vshll.u32 v36, $0x1  }
0x92: {  	v49 =	vadd.s32 $0xFFF0C001, v39;
	v48 =	vld [tilespmem:s13+$0x50];
	[tilespmem:s2+$0x1920] =	vst v47;
	vm8 =	vgt.s32 v36, $0x79FFF;
	v52 =	vadd.s32 $0xFFF0C001, v51  }
0x93: {  	v23 =	vsel vm3, v23, v45;
	v27 =	vsel vm4, v49, v39;
	v53 =	vld [tilespmem:s13+$0x60];
	[tilespmem:s2+$0x1930] =	vst v50;
	v24 =	vsel vm8, v52, v51  }
0x94: {  	v54 =	vshll.u32 v31, $0x1;
	v56 =	vshll.u32 v37, $0x1;
	vm9 =	vgt.s32 v31, $0x79FFF;
	[tilespmem:s13+$0x1970] =	vst v24  }
0x95: {  	v58 =	vshll.u32 v38, $0x1;
	vm10 =	vgt.s32 v37, $0x79FFF;
	v59 =	vshll.u32 v44, $0x1;
	[tilespmem:s2+$0x1940] =	vst v22  }
0x96: {  	vm11 =	vgt.s32 v38, $0x79FFF;
	vm12 =	vgt.s32 v44, $0x79FFF;
	v55 =	vadd.s32 $0xFFF0C001, v54;
	[tilespmem:s2+$0x1950] =	vst v23  }
0x97: {  	v57 =	vadd.s32 $0xFFF0C001, v56;
	v60 =	vshll.u32 v46, $0x1;
	v25 =	vsel vm9, v55, v54;
	[tilespmem:s2+$0x1960] =	vst v27  }
0x98: {  	vm13 =	vgt.s32 v46, $0x79FFF;
	v24 =	vsel vm10, v57, v56;
	v22 =	vadd.s32 $0xFFF0C001, v58;
	[tilespmem:s13+$0x1900] =	vst v25  }
0x99: {  	v61 =	vadd.s32 $0xFFF0C001, v60;
	v23 =	vadd.s32 $0xFFF0C001, v59;
	v22 =	vsel vm11, v22, v58;
	[tilespmem:s13+$0x1910] =	vst v24  }
0x9a: {  	v62 =	vshll.u32 v48, $0x1;
	vm14 =	vgt.s32 v48, $0x79FFF;
	v23 =	vsel vm12, v23, v59;
	[tilespmem:s13+$0x1920] =	vst v22  }
0x9b: {  	v63 =	vadd.s32 $0xFFF0C001, v62;
	v25 =	vsel vm13, v61, v60;
	v22 =	vshll.u32 v53, $0x1;
	[tilespmem:s13+$0x1930] =	vst v23  }
0x9c: {  	vm15 =	vgt.s32 v53, $0x79FFF;
	v24 =	vsel vm14, v63, v62;
	[tilespmem:s13+$0x1940] =	vst v25;
	v23 =	vadd.s32 $0xFFF0C001, v22  }
0x9d: {  	[tilespmem:s13+$0x1950] =	vst v24;
	v22 =	vsel vm15, v23, v22  }
0x9e: {  	s18 =	simm.s32 $0x1900;
	[tilespmem:s13+$0x1960] =	vst v22  }
0x9f: {  	[tilespmem:s14], [sflag:$0x1] =	stream.indirect.gather [hbm4b:s5+s12], $0x40, s18, s12, $0xb8;
	[tilespmem:$0xF200] =	vst v63  }
0xa0: {  	_ = 	snop  }
0xa1: {  	[tilespmem:s17], [sflag:$0x1] =	stream.strided.gather [hbm4b:s6+s15], $0x2000, s16, s15, $0x38;
	[tilespmem:$0xF200] =	vst v63  }
0xa2: {  	s31 =	simm.s32 $0x1980  }
0xa3: {  	[tilespmem:s19], [sflag:$0x2] =	stream.indirect.gather [hbm4b:s5+s12], $0x40, s31, s12, $0xb8;
	[tilespmem:$0xF200] =	vst v63  }
0xa4: {  	s29 =	simm.s32 $0x0;
	s30 =	simm.s32 $0x0  }
0xa5: {  	[tilespmem:s20], [sflag:$0x2] =	stream.strided.gather [hbm4b:s9+s15], $0x2000, s16, s15, $0x38;
	[tilespmem:$0xF200] =	vst v63  }
.LBB2_4:
0xa6: {  	_ =	swait.ge [sflag:s21], $0x2000  }
0xa7: {  	[sflag:s21] =	ssyncset.done $0x0  }
0xa8: {  	v22 =	vadd.s32 s29, v0;
	[sflag:s21] =	ssyncadd.s32 $0xFFFFE000  }
0xa9: {  	v23 =	vand.u32 $0x38, v22;
	v22 =	vshll.u32 v22, $0x7;
	_ =	swait.ge [sflag:s21], $0x2000  }
0xaa: {  	p0 =	seq.s32 s30, $0x0;
	v23 =	vor.u32 v1, v23;
	v22 =	vand.u32 $0x1C00, v22;
	[sflag:s21] =	ssyncset.done $0x0  }
0xab: {  	s0 =	simm.s32 @!p0 $0x3;
	v22 =	vor.u32 v3, v22;
	[sflag:s21] =	ssyncadd.s32 $0xFFFFE000  }
0xac: {  	_ =	swait.ge @!p0 [sflag:s0], $0x2000  }
0xad: {  	[sflag:s0] =	ssyncset.done @!p0 $0x0  }
0xae: {  	[sflag:s0] =	ssyncadd.s32 @!p0 $0xFFFFE000  }
0xaf: {  	v23 =	vld.idx.msk [tilespmem:v23+s14+$0x0], $0xffff  }
0xb0: {  	s18 =	simm.s32 $0x1;
	v24 =	vld.idx.msk [tilespmem:v22+s17+$0x0], $0xffff  }
0xb1: {  	v25 =	vadd.s32 s18, v0  }
0xb2: {  	v26 =	vand.u32 $0x3F, v25;
	v25 =	vshll.u32 v25, $0x7  }
0xb3: {  	v25 =	vand.u32 $0x1F80, v25;
	v26 =	vor.u32 v2, v26  }
0xb4: {  	v25 =	vor.u32 v0, v25  }
0xb5: {  	v23 =	vmul.f32 v24, v23;
	_ =	sdelay $0x1  }
0xb6: {  	[tilespmem:v22+s22+$0x0] =	vst.idx.msk $0xffff, v23  }
0xb7: {  	v22 =	vld.idx.msk [tilespmem:v26+s14+$0x0], $0xffff  }
0xb8: {  	s2 =	simm.s32 $0x2;
	v23 =	vld.idx.msk [tilespmem:v25+s17+$0x0], $0xffff  }
0xb9: {  	v24 =	vadd.s32 s2, v0  }
0xba: {  	v26 =	vand.u32 $0x3F, v24;
	v24 =	vshll.u32 v24, $0x7  }
0xbb: {  	v24 =	vand.u32 $0x1F80, v24;
	v26 =	vor.u32 v2, v26  }
0xbc: {  	v24 =	vor.u32 v0, v24  }
0xbd: {  	v22 =	vmul.f32 v23, v22;
	_ =	sdelay $0x1  }
0xbe: {  	[tilespmem:v25+s22+$0x0] =	vst.idx.msk $0xffff, v22  }
0xbf: {  	v22 =	vld.idx.msk [tilespmem:v26+s14+$0x0], $0xffff  }
0xc0: {  	s13 =	simm.s32 $0x3;
	v23 =	vld.idx.msk [tilespmem:v24+s17+$0x0], $0xffff  }
0xc1: {  	v25 =	vadd.s32 s13, v0  }
0xc2: {  	v26 =	vand.u32 $0x3F, v25;
	v25 =	vshll.u32 v25, $0x7  }
0xc3: {  	v25 =	vand.u32 $0x1F80, v25;
	v26 =	vor.u32 v2, v26  }
0xc4: {  	v25 =	vor.u32 v0, v25  }
0xc5: {  	v22 =	vmul.f32 v23, v22;
	_ =	sdelay $0x1  }
0xc6: {  	[tilespmem:v24+s22+$0x0] =	vst.idx.msk $0xffff, v22  }
0xc7: {  	v22 =	vld.idx.msk [tilespmem:v26+s14+$0x0], $0xffff  }
0xc8: {  	s18 =	simm.s32 $0x4;
	v23 =	vld.idx.msk [tilespmem:v25+s17+$0x0], $0xffff  }
0xc9: {  	v24 =	vadd.s32 s18, v0  }
0xca: {  	v26 =	vand.u32 $0x3F, v24;
	v24 =	vshll.u32 v24, $0x7  }
0xcb: {  	v24 =	vand.u32 $0x1F80, v24;
	v26 =	vor.u32 v2, v26  }
0xcc: {  	v24 =	vor.u32 v0, v24  }
0xcd: {  	v22 =	vmul.f32 v23, v22;
	_ =	sdelay $0x1  }
0xce: {  	[tilespmem:v25+s22+$0x0] =	vst.idx.msk $0xffff, v22  }
0xcf: {  	v22 =	vld.idx.msk [tilespmem:v26+s14+$0x0], $0xffff  }
0xd0: {  	s2 =	simm.s32 $0x5;
	v23 =	vld.idx.msk [tilespmem:v24+s17+$0x0], $0xffff  }
0xd1: {  	v25 =	vadd.s32 s2, v0  }
0xd2: {  	v26 =	vand.u32 $0x3F, v25;
	v25 =	vshll.u32 v25, $0x7  }
0xd3: {  	v25 =	vand.u32 $0x1F80, v25;
	v26 =	vor.u32 v2, v26  }
0xd4: {  	v25 =	vor.u32 v0, v25  }
0xd5: {  	v22 =	vmul.f32 v23, v22;
	_ =	sdelay $0x1  }
0xd6: {  	[tilespmem:v24+s22+$0x0] =	vst.idx.msk $0xffff, v22  }
0xd7: {  	v22 =	vld.idx.msk [tilespmem:v26+s14+$0x0], $0xffff  }
0xd8: {  	s13 =	simm.s32 $0x6;
	v23 =	vld.idx.msk [tilespmem:v25+s17+$0x0], $0xffff  }
0xd9: {  	v24 =	vadd.s32 s13, v0  }
0xda: {  	v26 =	vand.u32 $0x3F, v24;
	v24 =	vshll.u32 v24, $0x7  }
0xdb: {  	v24 =	vand.u32 $0x1F80, v24;
	v26 =	vor.u32 v2, v26  }
0xdc: {  	v27 =	vor.u32 v0, v24  }
0xdd: {  	v22 =	vmul.f32 v23, v22;
	_ =	sdelay $0x1  }
0xde: {  	[tilespmem:v25+s22+$0x0] =	vst.idx.msk $0xffff, v22  }
0xdf: {  	v22 =	vld.idx.msk [tilespmem:v26+s14+$0x0], $0xffff  }
0xe0: {  	s18 =	simm.s32 $0x7;
	v23 =	vld.idx.msk [tilespmem:v27+s17+$0x0], $0xffff  }
0xe1: {  	v24 =	vadd.s32 s18, v0  }
0xe2: {  	v25 =	vand.u32 $0x3F, v24;
	v24 =	vshll.u32 v24, $0x7  }
0xe3: {  	v24 =	vand.u32 $0x1F80, v24;
	v25 =	vor.u32 v2, v25  }
0xe4: {  	v24 =	vor.u32 v0, v24  }
0xe5: {  	v22 =	vmul.f32 v23, v22;
	_ =	sdelay $0x1  }
0xe6: {  	[tilespmem:v27+s22+$0x0] =	vst.idx.msk $0xffff, v22  }
0xe7: {  	s31 =	sshll.u32 s30, $0x1;
	v25 =	vld.idx.msk [tilespmem:v25+s14+$0x0], $0xffff  }
0xe8: {  	s0 =	simm.s32 $0x8;
	s2 =	sadd.s32 s7, s31;
	v26 =	vld.idx.msk [tilespmem:v24+s17+$0x0], $0xffff  }
.LBB2_5:
0xe9: {  	p1 =	slt.u32 s0, $0x38;
	s13 =	smov.u32 s0;
	s0 =	sadd.s32 $0x8, s0  }
0xea: {  	v22 =	vadd.s32 s13, v0  }
0xeb: {  	v23 =	vand.u32 $0x38, v22;
	v22 =	vshll.u32 v22, $0x7  }
0xec: {  	v23 =	vor.u32 v1, v23;
	v22 =	vand.u32 $0x1C00, v22  }
0xed: {  	v22 =	vor.u32 v3, v22  }
0xee: {  	v25 =	vmul.f32 v26, v25;
	_ =	sdelay $0x1  }
0xef: {  	[tilespmem:v24+s22+$0x0] =	vst.idx.msk $0xffff, v25  }
0xf0: {  	v23 =	vld.idx.msk [tilespmem:v23+s14+$0x0], $0xffff  }
0xf1: {  	s18 =	sadd.s32 $0x1, s13;
	v24 =	vld.idx.msk [tilespmem:v22+s17+$0x0], $0xffff  }
0xf2: {  	v25 =	vadd.s32 s18, v0  }
0xf3: {  	v26 =	vand.u32 $0x3F, v25;
	v25 =	vshll.u32 v25, $0x7  }
0xf4: {  	v25 =	vand.u32 $0x1F80, v25  }
0xf5: {  	v26 =	vor.u32 v2, v26;
	v25 =	vor.u32 v0, v25;
	_ =	sdelay $0x1  }
0xf6: {  	v23 =	vmul.f32 v24, v23;
	_ =	sdelay $0x1  }
0xf7: {  	[tilespmem:v22+s22+$0x0] =	vst.idx.msk $0xffff, v23  }
0xf8: {  	v22 =	vld.idx.msk [tilespmem:v26+s14+$0x0], $0xffff  }
0xf9: {  	s18 =	sadd.s32 $0x2, s13;
	v23 =	vld.idx.msk [tilespmem:v25+s17+$0x0], $0xffff  }
0xfa: {  	v24 =	vadd.s32 s18, v0  }
0xfb: {  	v26 =	vand.u32 $0x3F, v24;
	v24 =	vshll.u32 v24, $0x7  }
0xfc: {  	v24 =	vand.u32 $0x1F80, v24  }
0xfd: {  	v26 =	vor.u32 v2, v26;
	v24 =	vor.u32 v0, v24;
	_ =	sdelay $0x1  }
0xfe: {  	v22 =	vmul.f32 v23, v22;
	_ =	sdelay $0x1  }
0xff: {  	[tilespmem:v25+s22+$0x0] =	vst.idx.msk $0xffff, v22  }
0x100: {  	v22 =	vld.idx.msk [tilespmem:v26+s14+$0x0], $0xffff  }
0x101: {  	s18 =	sadd.s32 $0x3, s13;
	v23 =	vld.idx.msk [tilespmem:v24+s17+$0x0], $0xffff  }
0x102: {  	v25 =	vadd.s32 s18, v0  }
0x103: {  	v26 =	vand.u32 $0x3F, v25;
	v25 =	vshll.u32 v25, $0x7  }
0x104: {  	v25 =	vand.u32 $0x1F80, v25  }
0x105: {  	v26 =	vor.u32 v2, v26;
	v25 =	vor.u32 v0, v25;
	_ =	sdelay $0x1  }
0x106: {  	v22 =	vmul.f32 v23, v22;
	_ =	sdelay $0x1  }
0x107: {  	[tilespmem:v24+s22+$0x0] =	vst.idx.msk $0xffff, v22  }
0x108: {  	v22 =	vld.idx.msk [tilespmem:v26+s14+$0x0], $0xffff  }
0x109: {  	s18 =	sadd.s32 $0x4, s13;
	v23 =	vld.idx.msk [tilespmem:v25+s17+$0x0], $0xffff  }
0x10a: {  	v24 =	vadd.s32 s18, v0  }
0x10b: {  	v26 =	vand.u32 $0x3F, v24;
	v24 =	vshll.u32 v24, $0x7  }
0x10c: {  	v24 =	vand.u32 $0x1F80, v24  }
0x10d: {  	v26 =	vor.u32 v2, v26;
	v24 =	vor.u32 v0, v24;
	_ =	sdelay $0x1  }
0x10e: {  	v22 =	vmul.f32 v23, v22;
	_ =	sdelay $0x1  }
0x10f: {  	[tilespmem:v25+s22+$0x0] =	vst.idx.msk $0xffff, v22  }
0x110: {  	v22 =	vld.idx.msk [tilespmem:v26+s14+$0x0], $0xffff  }
0x111: {  	s18 =	sadd.s32 $0x5, s13;
	v23 =	vld.idx.msk [tilespmem:v24+s17+$0x0], $0xffff  }
0x112: {  	v25 =	vadd.s32 s18, v0  }
0x113: {  	v26 =	vand.u32 $0x3F, v25;
	v25 =	vshll.u32 v25, $0x7  }
0x114: {  	v25 =	vand.u32 $0x1F80, v25  }
0x115: {  	v26 =	vor.u32 v2, v26;
	v25 =	vor.u32 v0, v25;
	_ =	sdelay $0x1  }
0x116: {  	v22 =	vmul.f32 v23, v22;
	_ =	sdelay $0x1  }
0x117: {  	[tilespmem:v24+s22+$0x0] =	vst.idx.msk $0xffff, v22  }
0x118: {  	v22 =	vld.idx.msk [tilespmem:v26+s14+$0x0], $0xffff  }
0x119: {  	s18 =	sadd.s32 $0x6, s13;
	v23 =	vld.idx.msk [tilespmem:v25+s17+$0x0], $0xffff  }
0x11a: {  	v24 =	vadd.s32 s18, v0  }
0x11b: {  	v26 =	vand.u32 $0x3F, v24;
	v24 =	vshll.u32 v24, $0x7  }
0x11c: {  	v24 =	vand.u32 $0x1F80, v24  }
0x11d: {  	v26 =	vor.u32 v2, v26;
	v27 =	vor.u32 v0, v24;
	_ =	sdelay $0x1  }
0x11e: {  	v22 =	vmul.f32 v23, v22;
	_ =	sdelay $0x1  }
0x11f: {  	[tilespmem:v25+s22+$0x0] =	vst.idx.msk $0xffff, v22  }
0x120: {  	v22 =	vld.idx.msk [tilespmem:v26+s14+$0x0], $0xffff  }
0x121: {  	s13 =	sadd.s32 $0x7, s13;
	v23 =	vld.idx.msk [tilespmem:v27+s17+$0x0], $0xffff  }
0x122: {  	v24 =	vadd.s32 s13, v0  }
0x123: {  	v25 =	vand.u32 $0x3F, v24;
	v24 =	vshll.u32 v24, $0x7  }
0x124: {  	v24 =	vand.u32 $0x1F80, v24  }
0x125: {  	v25 =	vor.u32 v2, v25;
	v24 =	vor.u32 v0, v24;
	_ =	sdelay $0x1  }
.Ltmp3:
0x126: {  	v22 =	vmul.f32 v23, v22;
	(pc) =	sbr.rel @p1 .LBB2_5-.Ltmp3, $4  }
0x127: {  	_ = 	snop  }
0x128: {  	[tilespmem:v27+s22+$0x0] =	vst.idx.msk $0xffff, v22  }
0x129: {  	v25 =	vld.idx.msk [tilespmem:v25+s14+$0x0], $0xffff  }
0x12a: {  	v26 =	vld.idx.msk [tilespmem:v24+s17+$0x0], $0xffff  }
0x12b: {  	s0 =	simm.s32 $0x0  }
0x12c: {  	v23 =	vadd.s32 s0, v0  }
0x12d: {  	v22 =	vand.u32 $0x38, v23;
	v23 =	vshll.u32 v23, $0x7  }
0x12e: {  	v27 =	vor.u32 v4, v22;
	v23 =	vand.u32 $0x1C00, v23  }
0x12f: {  	v28 =	vor.u32 v5, v23  }
0x130: {  	v25 =	vmul.f32 v26, v25;
	_ =	sdelay $0x1  }
0x131: {  	[tilespmem:v24+s22+$0x0] =	vst.idx.msk $0xffff, v25  }
0x132: {  	v26 =	vld.idx.msk [tilespmem:v27+s14+$0x0], $0xffff  }
0x133: {  	s18 =	simm.s32 $0x1;
	v27 =	vld.idx.msk [tilespmem:v28+s17+$0x0], $0xffff  }
0x134: {  	v25 =	vadd.s32 s18, v0  }
0x135: {  	v24 =	vand.u32 $0x3F, v25;
	v25 =	vshll.u32 v25, $0x7  }
0x136: {  	v25 =	vand.u32 $0x1F80, v25;
	v29 =	vor.u32 v6, v24  }
0x137: {  	v30 =	vor.u32 v7, v25  }
0x138: {  	v26 =	vmul.f32 v27, v26;
	_ =	sdelay $0x1  }
0x139: {  	[tilespmem:v28+s22+$0x0] =	vst.idx.msk $0xffff, v26  }
0x13a: {  	v28 =	vld.idx.msk [tilespmem:v29+s14+$0x0], $0xffff  }
0x13b: {  	s13 =	simm.s32 $0x2;
	v29 =	vld.idx.msk [tilespmem:v30+s17+$0x0], $0xffff  }
0x13c: {  	v27 =	vadd.s32 s13, v0  }
0x13d: {  	v26 =	vand.u32 $0x3F, v27;
	v27 =	vshll.u32 v27, $0x7  }
0x13e: {  	v27 =	vand.u32 $0x1F80, v27;
	v31 =	vor.u32 v6, v26  }
0x13f: {  	v32 =	vor.u32 v7, v27  }
0x140: {  	v28 =	vmul.f32 v29, v28;
	_ =	sdelay $0x1  }
0x141: {  	[tilespmem:v30+s22+$0x0] =	vst.idx.msk $0xffff, v28  }
0x142: {  	v30 =	vld.idx.msk [tilespmem:v31+s14+$0x0], $0xffff  }
0x143: {  	s18 =	simm.s32 $0x3;
	v31 =	vld.idx.msk [tilespmem:v32+s17+$0x0], $0xffff  }
0x144: {  	v29 =	vadd.s32 s18, v0  }
0x145: {  	v28 =	vand.u32 $0x3F, v29;
	v29 =	vshll.u32 v29, $0x7  }
0x146: {  	v29 =	vand.u32 $0x1F80, v29;
	v33 =	vor.u32 v6, v28  }
0x147: {  	v34 =	vor.u32 v7, v29  }
0x148: {  	v30 =	vmul.f32 v31, v30;
	_ =	sdelay $0x1  }
0x149: {  	[tilespmem:v32+s22+$0x0] =	vst.idx.msk $0xffff, v30  }
0x14a: {  	v32 =	vld.idx.msk [tilespmem:v33+s14+$0x0], $0xffff  }
0x14b: {  	s13 =	simm.s32 $0x4;
	v58 =	vld.idx.msk [tilespmem:v34+s17+$0x0], $0xffff  }
0x14c: {  	v31 =	vadd.s32 s13, v0  }
0x14d: {  	v30 =	vand.u32 $0x3F, v31;
	v31 =	vshll.u32 v31, $0x7  }
0x14e: {  	v31 =	vand.u32 $0x1F80, v31;
	v35 =	vor.u32 v6, v30  }
0x14f: {  	v36 =	vor.u32 v7, v31  }
0x150: {  	v32 =	vmul.f32 v58, v32;
	_ =	sdelay $0x1  }
0x151: {  	[tilespmem:v34+s22+$0x0] =	vst.idx.msk $0xffff, v32  }
0x152: {  	v34 =	vld.idx.msk [tilespmem:v35+s14+$0x0], $0xffff  }
0x153: {  	s18 =	simm.s32 $0x5;
	v59 =	vld.idx.msk [tilespmem:v36+s17+$0x0], $0xffff  }
0x154: {  	v60 =	vadd.s32 s18, v0  }
0x155: {  	v33 =	vshll.u32 v60, $0x7;
	v32 =	vand.u32 $0x3F, v60  }
0x156: {  	v33 =	vand.u32 $0x1F80, v33;
	v37 =	vor.u32 v6, v32  }
0x157: {  	v38 =	vor.u32 v7, v33  }
0x158: {  	v34 =	vmul.f32 v59, v34;
	_ =	sdelay $0x1  }
0x159: {  	[tilespmem:v36+s22+$0x0] =	vst.idx.msk $0xffff, v34  }
0x15a: {  	v36 =	vld.idx.msk [tilespmem:v37+s14+$0x0], $0xffff  }
0x15b: {  	s13 =	simm.s32 $0x6;
	v61 =	vld.idx.msk [tilespmem:v38+s17+$0x0], $0xffff  }
0x15c: {  	v62 =	vadd.s32 s13, v0  }
0x15d: {  	v35 =	vshll.u32 v62, $0x7;
	v34 =	vand.u32 $0x3F, v62  }
0x15e: {  	v35 =	vand.u32 $0x1F80, v35;
	v39 =	vor.u32 v6, v34  }
0x15f: {  	v40 =	vor.u32 v7, v35  }
0x160: {  	v36 =	vmul.f32 v61, v36;
	_ =	sdelay $0x1  }
0x161: {  	[tilespmem:v38+s22+$0x0] =	vst.idx.msk $0xffff, v36  }
0x162: {  	v39 =	vld.idx.msk [tilespmem:v39+s14+$0x0], $0xffff  }
0x163: {  	s18 =	simm.s32 $0x7;
	v41 =	vld.idx.msk [tilespmem:v40+s17+$0x0], $0xffff  }
0x164: {  	v63 =	vadd.s32 s18, v0  }
0x165: {  	v37 =	vshll.u32 v63, $0x7;
	v36 =	vand.u32 $0x3F, v63  }
0x166: {  	v37 =	vand.u32 $0x1F80, v37;
	v42 =	vor.u32 v6, v36  }
0x167: {  	v38 =	vor.u32 v7, v37  }
0x168: {  	v39 =	vmul.f32 v41, v39;
	_ =	sdelay $0x1  }
0x169: {  	[tilespmem:v40+s22+$0x0] =	vst.idx.msk $0xffff, v39  }
0x16a: {  	v39 =	vld.idx.msk [tilespmem:v42+s14+$0x0], $0xffff  }
0x16b: {  	s0 =	simm.s32 $0x8;
	v40 =	vld.idx.msk [tilespmem:v38+s17+$0x0], $0xffff  }
.LBB2_7:
0x16c: {  	p1 =	slt.u32 s0, $0x38;
	s13 =	smov.u32 s0;
	s0 =	sadd.s32 $0x8, s0  }
0x16d: {  	v41 =	vadd.s32 s13, v0  }
0x16e: {  	v42 =	vand.u32 $0x38, v41;
	v41 =	vshll.u32 v41, $0x7  }
0x16f: {  	v42 =	vor.u32 v4, v42;
	v41 =	vand.u32 $0x1C00, v41  }
0x170: {  	v41 =	vor.u32 v5, v41  }
0x171: {  	v39 =	vmul.f32 v40, v39;
	_ =	sdelay $0x1  }
0x172: {  	[tilespmem:v38+s22+$0x0] =	vst.idx.msk $0xffff, v39  }
0x173: {  	v38 =	vld.idx.msk [tilespmem:v42+s14+$0x0], $0xffff  }
0x174: {  	s18 =	sadd.s32 $0x1, s13;
	v39 =	vld.idx.msk [tilespmem:v41+s17+$0x0], $0xffff  }
0x175: {  	v40 =	vadd.s32 s18, v0  }
0x176: {  	v42 =	vand.u32 $0x3F, v40;
	v40 =	vshll.u32 v40, $0x7  }
0x177: {  	v40 =	vand.u32 $0x1F80, v40  }
0x178: {  	v42 =	vor.u32 v6, v42;
	v40 =	vor.u32 v7, v40;
	_ =	sdelay $0x1  }
0x179: {  	v38 =	vmul.f32 v39, v38;
	_ =	sdelay $0x1  }
0x17a: {  	[tilespmem:v41+s22+$0x0] =	vst.idx.msk $0xffff, v38  }
0x17b: {  	v38 =	vld.idx.msk [tilespmem:v42+s14+$0x0], $0xffff  }
0x17c: {  	s18 =	sadd.s32 $0x2, s13;
	v39 =	vld.idx.msk [tilespmem:v40+s17+$0x0], $0xffff  }
0x17d: {  	v41 =	vadd.s32 s18, v0  }
0x17e: {  	v42 =	vand.u32 $0x3F, v41;
	v41 =	vshll.u32 v41, $0x7  }
0x17f: {  	v41 =	vand.u32 $0x1F80, v41  }
0x180: {  	v42 =	vor.u32 v6, v42;
	v41 =	vor.u32 v7, v41;
	_ =	sdelay $0x1  }
0x181: {  	v38 =	vmul.f32 v39, v38;
	_ =	sdelay $0x1  }
0x182: {  	[tilespmem:v40+s22+$0x0] =	vst.idx.msk $0xffff, v38  }
0x183: {  	v38 =	vld.idx.msk [tilespmem:v42+s14+$0x0], $0xffff  }
0x184: {  	s18 =	sadd.s32 $0x3, s13;
	v39 =	vld.idx.msk [tilespmem:v41+s17+$0x0], $0xffff  }
0x185: {  	v40 =	vadd.s32 s18, v0  }
0x186: {  	v42 =	vand.u32 $0x3F, v40;
	v40 =	vshll.u32 v40, $0x7  }
0x187: {  	v40 =	vand.u32 $0x1F80, v40  }
0x188: {  	v42 =	vor.u32 v6, v42;
	v40 =	vor.u32 v7, v40;
	_ =	sdelay $0x1  }
0x189: {  	v38 =	vmul.f32 v39, v38;
	_ =	sdelay $0x1  }
0x18a: {  	[tilespmem:v41+s22+$0x0] =	vst.idx.msk $0xffff, v38  }
0x18b: {  	v38 =	vld.idx.msk [tilespmem:v42+s14+$0x0], $0xffff  }
0x18c: {  	s18 =	sadd.s32 $0x4, s13;
	v39 =	vld.idx.msk [tilespmem:v40+s17+$0x0], $0xffff  }
0x18d: {  	v41 =	vadd.s32 s18, v0  }
0x18e: {  	v42 =	vand.u32 $0x3F, v41;
	v41 =	vshll.u32 v41, $0x7  }
0x18f: {  	v41 =	vand.u32 $0x1F80, v41  }
0x190: {  	v42 =	vor.u32 v6, v42;
	v41 =	vor.u32 v7, v41;
	_ =	sdelay $0x1  }
0x191: {  	v38 =	vmul.f32 v39, v38;
	_ =	sdelay $0x1  }
0x192: {  	[tilespmem:v40+s22+$0x0] =	vst.idx.msk $0xffff, v38  }
0x193: {  	v38 =	vld.idx.msk [tilespmem:v42+s14+$0x0], $0xffff  }
0x194: {  	s18 =	sadd.s32 $0x5, s13;
	v39 =	vld.idx.msk [tilespmem:v41+s17+$0x0], $0xffff  }
0x195: {  	v40 =	vadd.s32 s18, v0  }
0x196: {  	v42 =	vand.u32 $0x3F, v40;
	v40 =	vshll.u32 v40, $0x7  }
0x197: {  	v40 =	vand.u32 $0x1F80, v40  }
0x198: {  	v42 =	vor.u32 v6, v42;
	v40 =	vor.u32 v7, v40;
	_ =	sdelay $0x1  }
0x199: {  	v38 =	vmul.f32 v39, v38;
	_ =	sdelay $0x1  }
0x19a: {  	[tilespmem:v41+s22+$0x0] =	vst.idx.msk $0xffff, v38  }
0x19b: {  	v38 =	vld.idx.msk [tilespmem:v42+s14+$0x0], $0xffff  }
0x19c: {  	s18 =	sadd.s32 $0x6, s13;
	v39 =	vld.idx.msk [tilespmem:v40+s17+$0x0], $0xffff  }
0x19d: {  	v41 =	vadd.s32 s18, v0  }
0x19e: {  	v42 =	vand.u32 $0x3F, v41;
	v41 =	vshll.u32 v41, $0x7  }
0x19f: {  	v41 =	vand.u32 $0x1F80, v41  }
0x1a0: {  	v42 =	vor.u32 v6, v42;
	v41 =	vor.u32 v7, v41;
	_ =	sdelay $0x1  }
0x1a1: {  	v38 =	vmul.f32 v39, v38;
	_ =	sdelay $0x1  }
0x1a2: {  	[tilespmem:v40+s22+$0x0] =	vst.idx.msk $0xffff, v38  }
0x1a3: {  	v39 =	vld.idx.msk [tilespmem:v42+s14+$0x0], $0xffff  }
0x1a4: {  	s13 =	sadd.s32 $0x7, s13;
	v40 =	vld.idx.msk [tilespmem:v41+s17+$0x0], $0xffff  }
0x1a5: {  	v38 =	vadd.s32 s13, v0  }
0x1a6: {  	v42 =	vand.u32 $0x3F, v38;
	v38 =	vshll.u32 v38, $0x7  }
0x1a7: {  	v38 =	vand.u32 $0x1F80, v38  }
0x1a8: {  	v42 =	vor.u32 v6, v42;
	v38 =	vor.u32 v7, v38;
	_ =	sdelay $0x1  }
.Ltmp4:
0x1a9: {  	v39 =	vmul.f32 v40, v39;
	(pc) =	sbr.rel @p1 .LBB2_7-.Ltmp4, $4  }
0x1aa: {  	_ = 	snop  }
0x1ab: {  	[tilespmem:v41+s22+$0x0] =	vst.idx.msk $0xffff, v39  }
0x1ac: {  	v39 =	vld.idx.msk [tilespmem:v42+s14+$0x0], $0xffff  }
0x1ad: {  	v40 =	vld.idx.msk [tilespmem:v38+s17+$0x0], $0xffff  }
0x1ae: {  	_ =	sdelay $0x1  }
0x1af: {  	v22 =	vor.u32 v8, v22  }
0x1b0: {  	v23 =	vor.u32 v9, v23  }
0x1b1: {  	v39 =	vmul.f32 v40, v39;
	_ =	sdelay $0x1  }
0x1b2: {  	[tilespmem:v38+s22+$0x0] =	vst.idx.msk $0xffff, v39  }
0x1b3: {  	v22 =	vld.idx.msk [tilespmem:v22+s14+$0x0], $0xffff  }
0x1b4: {  	v38 =	vld.idx.msk [tilespmem:v23+s17+$0x0], $0xffff;
	_ =	sdelay $0x2  }
0x1b5: {  	v24 =	vor.u32 v10, v24  }
0x1b6: {  	v25 =	vor.u32 v11, v25  }
0x1b7: {  	v22 =	vmul.f32 v38, v22;
	_ =	sdelay $0x1  }
0x1b8: {  	[tilespmem:v23+s22+$0x0] =	vst.idx.msk $0xffff, v22  }
0x1b9: {  	v22 =	vld.idx.msk [tilespmem:v24+s14+$0x0], $0xffff  }
0x1ba: {  	v23 =	vld.idx.msk [tilespmem:v25+s17+$0x0], $0xffff;
	_ =	sdelay $0x2  }
0x1bb: {  	v24 =	vor.u32 v10, v26  }
0x1bc: {  	v26 =	vor.u32 v11, v27  }
0x1bd: {  	v22 =	vmul.f32 v23, v22;
	_ =	sdelay $0x1  }
0x1be: {  	[tilespmem:v25+s22+$0x0] =	vst.idx.msk $0xffff, v22  }
0x1bf: {  	v22 =	vld.idx.msk [tilespmem:v24+s14+$0x0], $0xffff  }
0x1c0: {  	v23 =	vld.idx.msk [tilespmem:v26+s17+$0x0], $0xffff;
	_ =	sdelay $0x2  }
0x1c1: {  	v24 =	vor.u32 v10, v28  }
0x1c2: {  	v25 =	vor.u32 v11, v29  }
0x1c3: {  	v22 =	vmul.f32 v23, v22;
	_ =	sdelay $0x1  }
0x1c4: {  	[tilespmem:v26+s22+$0x0] =	vst.idx.msk $0xffff, v22  }
0x1c5: {  	v22 =	vld.idx.msk [tilespmem:v24+s14+$0x0], $0xffff  }
0x1c6: {  	v23 =	vld.idx.msk [tilespmem:v25+s17+$0x0], $0xffff;
	_ =	sdelay $0x2  }
0x1c7: {  	v24 =	vor.u32 v10, v30  }
0x1c8: {  	v26 =	vor.u32 v11, v31  }
0x1c9: {  	v22 =	vmul.f32 v23, v22;
	_ =	sdelay $0x1  }
0x1ca: {  	[tilespmem:v25+s22+$0x0] =	vst.idx.msk $0xffff, v22  }
0x1cb: {  	v22 =	vld.idx.msk [tilespmem:v24+s14+$0x0], $0xffff  }
0x1cc: {  	v23 =	vld.idx.msk [tilespmem:v26+s17+$0x0], $0xffff;
	_ =	sdelay $0x2  }
0x1cd: {  	v24 =	vor.u32 v10, v32  }
0x1ce: {  	v25 =	vor.u32 v11, v33  }
0x1cf: {  	v22 =	vmul.f32 v23, v22;
	_ =	sdelay $0x1  }
0x1d0: {  	[tilespmem:v26+s22+$0x0] =	vst.idx.msk $0xffff, v22  }
0x1d1: {  	v22 =	vld.idx.msk [tilespmem:v24+s14+$0x0], $0xffff  }
0x1d2: {  	v23 =	vld.idx.msk [tilespmem:v25+s17+$0x0], $0xffff;
	_ =	sdelay $0x2  }
0x1d3: {  	v24 =	vor.u32 v10, v34  }
0x1d4: {  	v26 =	vor.u32 v11, v35  }
0x1d5: {  	v22 =	vmul.f32 v23, v22;
	_ =	sdelay $0x1  }
0x1d6: {  	[tilespmem:v25+s22+$0x0] =	vst.idx.msk $0xffff, v22  }
0x1d7: {  	v22 =	vld.idx.msk [tilespmem:v24+s14+$0x0], $0xffff  }
0x1d8: {  	v23 =	vld.idx.msk [tilespmem:v26+s17+$0x0], $0xffff;
	_ =	sdelay $0x2  }
0x1d9: {  	v25 =	vor.u32 v10, v36  }
0x1da: {  	v24 =	vor.u32 v11, v37  }
0x1db: {  	v22 =	vmul.f32 v23, v22;
	_ =	sdelay $0x1  }
0x1dc: {  	[tilespmem:v26+s22+$0x0] =	vst.idx.msk $0xffff, v22  }
0x1dd: {  	v25 =	vld.idx.msk [tilespmem:v25+s14+$0x0], $0xffff  }
0x1de: {  	s0 =	simm.s32 $0x8;
	v26 =	vld.idx.msk [tilespmem:v24+s17+$0x0], $0xffff  }
.LBB2_9:
0x1df: {  	p1 =	slt.u32 s0, $0x38;
	s13 =	smov.u32 s0;
	s0 =	sadd.s32 $0x8, s0  }
0x1e0: {  	v22 =	vadd.s32 s13, v0  }
0x1e1: {  	v23 =	vand.u32 $0x38, v22;
	v22 =	vshll.u32 v22, $0x7  }
0x1e2: {  	v23 =	vor.u32 v8, v23;
	v22 =	vand.u32 $0x1C00, v22  }
0x1e3: {  	v22 =	vor.u32 v9, v22  }
0x1e4: {  	v25 =	vmul.f32 v26, v25;
	_ =	sdelay $0x1  }
0x1e5: {  	[tilespmem:v24+s22+$0x0] =	vst.idx.msk $0xffff, v25  }
0x1e6: {  	v23 =	vld.idx.msk [tilespmem:v23+s14+$0x0], $0xffff  }
0x1e7: {  	s18 =	sadd.s32 $0x1, s13;
	v24 =	vld.idx.msk [tilespmem:v22+s17+$0x0], $0xffff  }
0x1e8: {  	v25 =	vadd.s32 s18, v0  }
0x1e9: {  	v26 =	vand.u32 $0x3F, v25;
	v25 =	vshll.u32 v25, $0x7  }
0x1ea: {  	v25 =	vand.u32 $0x1F80, v25  }
0x1eb: {  	v26 =	vor.u32 v10, v26;
	v25 =	vor.u32 v11, v25;
	_ =	sdelay $0x1  }
0x1ec: {  	v23 =	vmul.f32 v24, v23;
	_ =	sdelay $0x1  }
0x1ed: {  	[tilespmem:v22+s22+$0x0] =	vst.idx.msk $0xffff, v23  }
0x1ee: {  	v22 =	vld.idx.msk [tilespmem:v26+s14+$0x0], $0xffff  }
0x1ef: {  	s18 =	sadd.s32 $0x2, s13;
	v23 =	vld.idx.msk [tilespmem:v25+s17+$0x0], $0xffff  }
0x1f0: {  	v24 =	vadd.s32 s18, v0  }
0x1f1: {  	v26 =	vand.u32 $0x3F, v24;
	v24 =	vshll.u32 v24, $0x7  }
0x1f2: {  	v24 =	vand.u32 $0x1F80, v24  }
0x1f3: {  	v26 =	vor.u32 v10, v26;
	v24 =	vor.u32 v11, v24;
	_ =	sdelay $0x1  }
0x1f4: {  	v22 =	vmul.f32 v23, v22;
	_ =	sdelay $0x1  }
0x1f5: {  	[tilespmem:v25+s22+$0x0] =	vst.idx.msk $0xffff, v22  }
0x1f6: {  	v22 =	vld.idx.msk [tilespmem:v26+s14+$0x0], $0xffff  }
0x1f7: {  	s18 =	sadd.s32 $0x3, s13;
	v23 =	vld.idx.msk [tilespmem:v24+s17+$0x0], $0xffff  }
0x1f8: {  	v25 =	vadd.s32 s18, v0  }
0x1f9: {  	v26 =	vand.u32 $0x3F, v25;
	v25 =	vshll.u32 v25, $0x7  }
0x1fa: {  	v25 =	vand.u32 $0x1F80, v25  }
0x1fb: {  	v26 =	vor.u32 v10, v26;
	v25 =	vor.u32 v11, v25;
	_ =	sdelay $0x1  }
0x1fc: {  	v22 =	vmul.f32 v23, v22;
	_ =	sdelay $0x1  }
0x1fd: {  	[tilespmem:v24+s22+$0x0] =	vst.idx.msk $0xffff, v22  }
0x1fe: {  	v22 =	vld.idx.msk [tilespmem:v26+s14+$0x0], $0xffff  }
0x1ff: {  	s18 =	sadd.s32 $0x4, s13;
	v23 =	vld.idx.msk [tilespmem:v25+s17+$0x0], $0xffff  }
0x200: {  	v24 =	vadd.s32 s18, v0  }
0x201: {  	v26 =	vand.u32 $0x3F, v24;
	v24 =	vshll.u32 v24, $0x7  }
0x202: {  	v24 =	vand.u32 $0x1F80, v24  }
0x203: {  	v26 =	vor.u32 v10, v26;
	v24 =	vor.u32 v11, v24;
	_ =	sdelay $0x1  }
0x204: {  	v22 =	vmul.f32 v23, v22;
	_ =	sdelay $0x1  }
0x205: {  	[tilespmem:v25+s22+$0x0] =	vst.idx.msk $0xffff, v22  }
0x206: {  	v22 =	vld.idx.msk [tilespmem:v26+s14+$0x0], $0xffff  }
0x207: {  	s18 =	sadd.s32 $0x5, s13;
	v23 =	vld.idx.msk [tilespmem:v24+s17+$0x0], $0xffff  }
0x208: {  	v25 =	vadd.s32 s18, v0  }
0x209: {  	v26 =	vand.u32 $0x3F, v25;
	v25 =	vshll.u32 v25, $0x7  }
0x20a: {  	v25 =	vand.u32 $0x1F80, v25  }
0x20b: {  	v26 =	vor.u32 v10, v26;
	v25 =	vor.u32 v11, v25;
	_ =	sdelay $0x1  }
0x20c: {  	v22 =	vmul.f32 v23, v22;
	_ =	sdelay $0x1  }
0x20d: {  	[tilespmem:v24+s22+$0x0] =	vst.idx.msk $0xffff, v22  }
0x20e: {  	v22 =	vld.idx.msk [tilespmem:v26+s14+$0x0], $0xffff  }
0x20f: {  	s18 =	sadd.s32 $0x6, s13;
	v23 =	vld.idx.msk [tilespmem:v25+s17+$0x0], $0xffff  }
0x210: {  	v24 =	vadd.s32 s18, v0  }
0x211: {  	v26 =	vand.u32 $0x3F, v24;
	v24 =	vshll.u32 v24, $0x7  }
0x212: {  	v24 =	vand.u32 $0x1F80, v24  }
0x213: {  	v26 =	vor.u32 v10, v26;
	v27 =	vor.u32 v11, v24;
	_ =	sdelay $0x1  }
0x214: {  	v22 =	vmul.f32 v23, v22;
	_ =	sdelay $0x1  }
0x215: {  	[tilespmem:v25+s22+$0x0] =	vst.idx.msk $0xffff, v22  }
0x216: {  	v22 =	vld.idx.msk [tilespmem:v26+s14+$0x0], $0xffff  }
0x217: {  	s13 =	sadd.s32 $0x7, s13;
	v23 =	vld.idx.msk [tilespmem:v27+s17+$0x0], $0xffff  }
0x218: {  	v24 =	vadd.s32 s13, v0  }
0x219: {  	v25 =	vand.u32 $0x3F, v24;
	v24 =	vshll.u32 v24, $0x7  }
0x21a: {  	v24 =	vand.u32 $0x1F80, v24  }
0x21b: {  	v25 =	vor.u32 v10, v25;
	v24 =	vor.u32 v11, v24;
	_ =	sdelay $0x1  }
.Ltmp5:
0x21c: {  	v22 =	vmul.f32 v23, v22;
	(pc) =	sbr.rel @p1 .LBB2_9-.Ltmp5, $4  }
0x21d: {  	_ = 	snop  }
0x21e: {  	[tilespmem:v27+s22+$0x0] =	vst.idx.msk $0xffff, v22  }
0x21f: {  	v25 =	vld.idx.msk [tilespmem:v25+s14+$0x0], $0xffff  }
0x220: {  	v26 =	vld.idx.msk [tilespmem:v24+s17+$0x0], $0xffff  }
0x221: {  	s0 =	simm.s32 $0x0  }
0x222: {  	v23 =	vadd.s32 s0, v0  }
0x223: {  	v22 =	vand.u32 $0x38, v23;
	v23 =	vshll.u32 v23, $0x7  }
0x224: {  	v27 =	vor.u32 v12, v22;
	v23 =	vand.u32 $0x1C00, v23  }
0x225: {  	v28 =	vor.u32 v13, v23  }
0x226: {  	v25 =	vmul.f32 v26, v25;
	_ =	sdelay $0x1  }
0x227: {  	[tilespmem:v24+s22+$0x0] =	vst.idx.msk $0xffff, v25  }
0x228: {  	v29 =	vld.idx.msk [tilespmem:v27+s14+$0x0], $0xffff  }
0x229: {  	s18 =	simm.s32 $0x1;
	v30 =	vld.idx.msk [tilespmem:v28+s17+$0x0], $0xffff  }
0x22a: {  	v25 =	vadd.s32 s18, v0  }
0x22b: {  	v26 =	vor.u32 $0xC00, v2;
	v24 =	vand.u32 $0x3F, v25;
	v25 =	vshll.u32 v25, $0x7  }
0x22c: {  	v25 =	vand.u32 $0x1F80, v25;
	v27 =	vor.u32 $0x30, v0;
	v31 =	vor.u32 v26, v24  }
0x22d: {  	v32 =	vor.u32 v27, v25  }
0x22e: {  	v29 =	vmul.f32 v30, v29;
	_ =	sdelay $0x1  }
0x22f: {  	[tilespmem:v28+s22+$0x0] =	vst.idx.msk $0xffff, v29  }
0x230: {  	v30 =	vld.idx.msk [tilespmem:v31+s14+$0x0], $0xffff  }
0x231: {  	s13 =	simm.s32 $0x2;
	v31 =	vld.idx.msk [tilespmem:v32+s17+$0x0], $0xffff  }
0x232: {  	v29 =	vadd.s32 s13, v0  }
0x233: {  	v28 =	vand.u32 $0x3F, v29;
	v29 =	vshll.u32 v29, $0x7  }
0x234: {  	v33 =	vor.u32 v26, v28;
	v29 =	vand.u32 $0x1F80, v29  }
0x235: {  	v34 =	vor.u32 v27, v29  }
0x236: {  	v30 =	vmul.f32 v31, v30;
	_ =	sdelay $0x1  }
0x237: {  	[tilespmem:v32+s22+$0x0] =	vst.idx.msk $0xffff, v30  }
0x238: {  	v32 =	vld.idx.msk [tilespmem:v33+s14+$0x0], $0xffff  }
0x239: {  	s18 =	simm.s32 $0x3;
	v52 =	vld.idx.msk [tilespmem:v34+s17+$0x0], $0xffff  }
0x23a: {  	v31 =	vadd.s32 s18, v0  }
0x23b: {  	v30 =	vand.u32 $0x3F, v31;
	v31 =	vshll.u32 v31, $0x7  }
0x23c: {  	v35 =	vor.u32 v26, v30;
	v31 =	vand.u32 $0x1F80, v31  }
0x23d: {  	v36 =	vor.u32 v27, v31  }
0x23e: {  	v32 =	vmul.f32 v52, v32;
	_ =	sdelay $0x1  }
0x23f: {  	[tilespmem:v34+s22+$0x0] =	vst.idx.msk $0xffff, v32  }
0x240: {  	v34 =	vld.idx.msk [tilespmem:v35+s14+$0x0], $0xffff  }
0x241: {  	s13 =	simm.s32 $0x4;
	v53 =	vld.idx.msk [tilespmem:v36+s17+$0x0], $0xffff  }
0x242: {  	v54 =	vadd.s32 s13, v0  }
0x243: {  	v55 =	vshll.u32 v54, $0x7;
	v32 =	vand.u32 $0x3F, v54  }
0x244: {  	v33 =	vand.u32 $0x1F80, v55;
	v37 =	vor.u32 v26, v32  }
0x245: {  	v38 =	vor.u32 v27, v33  }
0x246: {  	v34 =	vmul.f32 v53, v34;
	_ =	sdelay $0x1  }
0x247: {  	[tilespmem:v36+s22+$0x0] =	vst.idx.msk $0xffff, v34  }
0x248: {  	v36 =	vld.idx.msk [tilespmem:v37+s14+$0x0], $0xffff  }
0x249: {  	s18 =	simm.s32 $0x5;
	v56 =	vld.idx.msk [tilespmem:v38+s17+$0x0], $0xffff  }
0x24a: {  	v57 =	vadd.s32 s18, v0  }
0x24b: {  	v58 =	vshll.u32 v57, $0x7;
	v34 =	vand.u32 $0x3F, v57  }
0x24c: {  	v35 =	vand.u32 $0x1F80, v58;
	v39 =	vor.u32 v26, v34  }
0x24d: {  	v40 =	vor.u32 v27, v35  }
0x24e: {  	v36 =	vmul.f32 v56, v36;
	_ =	sdelay $0x1  }
0x24f: {  	[tilespmem:v38+s22+$0x0] =	vst.idx.msk $0xffff, v36  }
0x250: {  	v38 =	vld.idx.msk [tilespmem:v39+s14+$0x0], $0xffff  }
0x251: {  	s13 =	simm.s32 $0x6;
	v59 =	vld.idx.msk [tilespmem:v40+s17+$0x0], $0xffff  }
0x252: {  	v60 =	vadd.s32 s13, v0  }
0x253: {  	v61 =	vshll.u32 v60, $0x7;
	v36 =	vand.u32 $0x3F, v60  }
0x254: {  	v37 =	vand.u32 $0x1F80, v61;
	v41 =	vor.u32 v26, v36  }
0x255: {  	v42 =	vor.u32 v27, v37  }
0x256: {  	v38 =	vmul.f32 v59, v38;
	_ =	sdelay $0x1  }
0x257: {  	[tilespmem:v40+s22+$0x0] =	vst.idx.msk $0xffff, v38  }
0x258: {  	v41 =	vld.idx.msk [tilespmem:v41+s14+$0x0], $0xffff  }
0x259: {  	s18 =	simm.s32 $0x7;
	v43 =	vld.idx.msk [tilespmem:v42+s17+$0x0], $0xffff  }
0x25a: {  	v62 =	vadd.s32 s18, v0  }
0x25b: {  	v63 =	vshll.u32 v62, $0x7;
	v38 =	vand.u32 $0x3F, v62  }
0x25c: {  	v39 =	vand.u32 $0x1F80, v63;
	v44 =	vor.u32 v26, v38  }
0x25d: {  	v40 =	vor.u32 v27, v39  }
0x25e: {  	v41 =	vmul.f32 v43, v41;
	_ =	sdelay $0x1  }
0x25f: {  	[tilespmem:v42+s22+$0x0] =	vst.idx.msk $0xffff, v41  }
0x260: {  	v41 =	vld.idx.msk [tilespmem:v44+s14+$0x0], $0xffff  }
0x261: {  	s0 =	simm.s32 $0x8;
	v42 =	vld.idx.msk [tilespmem:v40+s17+$0x0], $0xffff  }
.LBB2_11:
0x262: {  	p1 =	slt.u32 s0, $0x38;
	s13 =	smov.u32 s0;
	s0 =	sadd.s32 $0x8, s0  }
0x263: {  	v43 =	vadd.s32 s13, v0  }
0x264: {  	v44 =	vand.u32 $0x38, v43;
	v43 =	vshll.u32 v43, $0x7  }
0x265: {  	v44 =	vor.u32 v12, v44;
	v43 =	vand.u32 $0x1C00, v43  }
0x266: {  	v43 =	vor.u32 v13, v43  }
0x267: {  	v41 =	vmul.f32 v42, v41;
	_ =	sdelay $0x1  }
0x268: {  	[tilespmem:v40+s22+$0x0] =	vst.idx.msk $0xffff, v41  }
0x269: {  	v40 =	vld.idx.msk [tilespmem:v44+s14+$0x0], $0xffff  }
0x26a: {  	s18 =	sadd.s32 $0x1, s13;
	v41 =	vld.idx.msk [tilespmem:v43+s17+$0x0], $0xffff  }
0x26b: {  	v42 =	vadd.s32 s18, v0  }
0x26c: {  	v44 =	vand.u32 $0x3F, v42;
	v42 =	vshll.u32 v42, $0x7  }
0x26d: {  	v42 =	vand.u32 $0x1F80, v42  }
0x26e: {  	v44 =	vor.u32 v26, v44;
	v42 =	vor.u32 v27, v42;
	_ =	sdelay $0x1  }
0x26f: {  	v40 =	vmul.f32 v41, v40;
	_ =	sdelay $0x1  }
0x270: {  	[tilespmem:v43+s22+$0x0] =	vst.idx.msk $0xffff, v40  }
0x271: {  	v40 =	vld.idx.msk [tilespmem:v44+s14+$0x0], $0xffff  }
0x272: {  	s18 =	sadd.s32 $0x2, s13;
	v41 =	vld.idx.msk [tilespmem:v42+s17+$0x0], $0xffff  }
0x273: {  	v43 =	vadd.s32 s18, v0  }
0x274: {  	v44 =	vand.u32 $0x3F, v43;
	v43 =	vshll.u32 v43, $0x7  }
0x275: {  	v44 =	vor.u32 v26, v44;
	v43 =	vand.u32 $0x1F80, v43  }
0x276: {  	v43 =	vor.u32 v27, v43;
	_ =	sdelay $0x1  }
0x277: {  	v40 =	vmul.f32 v41, v40;
	_ =	sdelay $0x1  }
0x278: {  	[tilespmem:v42+s22+$0x0] =	vst.idx.msk $0xffff, v40  }
0x279: {  	v40 =	vld.idx.msk [tilespmem:v44+s14+$0x0], $0xffff  }
0x27a: {  	s18 =	sadd.s32 $0x3, s13;
	v41 =	vld.idx.msk [tilespmem:v43+s17+$0x0], $0xffff  }
0x27b: {  	v42 =	vadd.s32 s18, v0  }
0x27c: {  	v44 =	vand.u32 $0x3F, v42;
	v42 =	vshll.u32 v42, $0x7  }
0x27d: {  	v44 =	vor.u32 v26, v44;
	v42 =	vand.u32 $0x1F80, v42  }
0x27e: {  	v42 =	vor.u32 v27, v42;
	_ =	sdelay $0x1  }
0x27f: {  	v40 =	vmul.f32 v41, v40;
	_ =	sdelay $0x1  }
0x280: {  	[tilespmem:v43+s22+$0x0] =	vst.idx.msk $0xffff, v40  }
0x281: {  	v40 =	vld.idx.msk [tilespmem:v44+s14+$0x0], $0xffff  }
0x282: {  	s18 =	sadd.s32 $0x4, s13;
	v41 =	vld.idx.msk [tilespmem:v42+s17+$0x0], $0xffff  }
0x283: {  	v43 =	vadd.s32 s18, v0  }
0x284: {  	v44 =	vshll.u32 v43, $0x7  }
0x285: {  	v43 =	vand.u32 $0x3F, v43;
	v44 =	vand.u32 $0x1F80, v44  }
0x286: {  	v43 =	vor.u32 v26, v43;
	v44 =	vor.u32 v27, v44;
	_ =	sdelay $0x1  }
0x287: {  	v40 =	vmul.f32 v41, v40;
	_ =	sdelay $0x1  }
0x288: {  	[tilespmem:v42+s22+$0x0] =	vst.idx.msk $0xffff, v40  }
0x289: {  	v40 =	vld.idx.msk [tilespmem:v43+s14+$0x0], $0xffff  }
0x28a: {  	s18 =	sadd.s32 $0x5, s13;
	v41 =	vld.idx.msk [tilespmem:v44+s17+$0x0], $0xffff  }
0x28b: {  	v42 =	vadd.s32 s18, v0  }
0x28c: {  	v43 =	vshll.u32 v42, $0x7  }
0x28d: {  	v42 =	vand.u32 $0x3F, v42;
	v43 =	vand.u32 $0x1F80, v43  }
0x28e: {  	v42 =	vor.u32 v26, v42;
	v43 =	vor.u32 v27, v43;
	_ =	sdelay $0x1  }
0x28f: {  	v40 =	vmul.f32 v41, v40;
	_ =	sdelay $0x1  }
0x290: {  	[tilespmem:v44+s22+$0x0] =	vst.idx.msk $0xffff, v40  }
0x291: {  	v40 =	vld.idx.msk [tilespmem:v42+s14+$0x0], $0xffff  }
0x292: {  	s18 =	sadd.s32 $0x6, s13;
	v41 =	vld.idx.msk [tilespmem:v43+s17+$0x0], $0xffff  }
0x293: {  	v42 =	vadd.s32 s18, v0  }
0x294: {  	v44 =	vshll.u32 v42, $0x7  }
0x295: {  	v42 =	vand.u32 $0x3F, v42;
	v44 =	vand.u32 $0x1F80, v44  }
0x296: {  	v42 =	vor.u32 v26, v42;
	v44 =	vor.u32 v27, v44;
	_ =	sdelay $0x1  }
0x297: {  	v40 =	vmul.f32 v41, v40;
	_ =	sdelay $0x1  }
0x298: {  	[tilespmem:v43+s22+$0x0] =	vst.idx.msk $0xffff, v40  }
0x299: {  	v41 =	vld.idx.msk [tilespmem:v42+s14+$0x0], $0xffff  }
0x29a: {  	s13 =	sadd.s32 $0x7, s13;
	v42 =	vld.idx.msk [tilespmem:v44+s17+$0x0], $0xffff  }
0x29b: {  	v40 =	vadd.s32 s13, v0  }
0x29c: {  	v43 =	vshll.u32 v40, $0x7  }
0x29d: {  	v40 =	vand.u32 $0x3F, v40;
	v43 =	vand.u32 $0x1F80, v43  }
0x29e: {  	v45 =	vor.u32 v26, v40;
	v40 =	vor.u32 v27, v43;
	_ =	sdelay $0x1  }
.Ltmp6:
0x29f: {  	v41 =	vmul.f32 v42, v41;
	(pc) =	sbr.rel @p1 .LBB2_11-.Ltmp6, $4  }
0x2a0: {  	_ = 	snop  }
0x2a1: {  	[tilespmem:v44+s22+$0x0] =	vst.idx.msk $0xffff, v41  }
0x2a2: {  	v41 =	vld.idx.msk [tilespmem:v45+s14+$0x0], $0xffff  }
0x2a3: {  	v42 =	vld.idx.msk [tilespmem:v40+s17+$0x0], $0xffff  }
0x2a4: {  	_ =	sdelay $0x1  }
0x2a5: {  	v22 =	vor.u32 v14, v22  }
0x2a6: {  	v43 =	vor.u32 v15, v23  }
0x2a7: {  	v23 =	vmul.f32 v42, v41;
	_ =	sdelay $0x1  }
0x2a8: {  	[tilespmem:v40+s22+$0x0] =	vst.idx.msk $0xffff, v23  }
0x2a9: {  	v40 =	vld.idx.msk [tilespmem:v22+s14+$0x0], $0xffff  }
0x2aa: {  	v63 =	vld.idx.msk [tilespmem:v43+s17+$0x0], $0xffff;
	_ =	sdelay $0x1  }
0x2ab: {  	v22 =	vor.u32 $0x1000, v2  }
0x2ac: {  	v23 =	vor.u32 $0x40, v0;
	v24 =	vor.u32 v22, v24  }
0x2ad: {  	v25 =	vor.u32 v23, v25  }
0x2ae: {  	v40 =	vmul.f32 v63, v40;
	_ =	sdelay $0x1  }
0x2af: {  	[tilespmem:v43+s22+$0x0] =	vst.idx.msk $0xffff, v40  }
0x2b0: {  	v24 =	vld.idx.msk [tilespmem:v24+s14+$0x0], $0xffff  }
0x2b1: {  	v40 =	vld.idx.msk [tilespmem:v25+s17+$0x0], $0xffff;
	_ =	sdelay $0x2  }
0x2b2: {  	v28 =	vor.u32 v22, v28  }
0x2b3: {  	v29 =	vor.u32 v23, v29  }
0x2b4: {  	v24 =	vmul.f32 v40, v24;
	_ =	sdelay $0x1  }
0x2b5: {  	[tilespmem:v25+s22+$0x0] =	vst.idx.msk $0xffff, v24  }
0x2b6: {  	v24 =	vld.idx.msk [tilespmem:v28+s14+$0x0], $0xffff  }
0x2b7: {  	v25 =	vld.idx.msk [tilespmem:v29+s17+$0x0], $0xffff;
	_ =	sdelay $0x2  }
0x2b8: {  	v28 =	vor.u32 v22, v30  }
0x2b9: {  	v30 =	vor.u32 v23, v31  }
0x2ba: {  	v24 =	vmul.f32 v25, v24;
	_ =	sdelay $0x1  }
0x2bb: {  	[tilespmem:v29+s22+$0x0] =	vst.idx.msk $0xffff, v24  }
0x2bc: {  	v24 =	vld.idx.msk [tilespmem:v28+s14+$0x0], $0xffff  }
0x2bd: {  	v25 =	vld.idx.msk [tilespmem:v30+s17+$0x0], $0xffff;
	_ =	sdelay $0x2  }
0x2be: {  	v28 =	vor.u32 v22, v32  }
0x2bf: {  	v29 =	vor.u32 v23, v33  }
0x2c0: {  	v24 =	vmul.f32 v25, v24;
	_ =	sdelay $0x1  }
0x2c1: {  	[tilespmem:v30+s22+$0x0] =	vst.idx.msk $0xffff, v24  }
0x2c2: {  	v24 =	vld.idx.msk [tilespmem:v28+s14+$0x0], $0xffff  }
0x2c3: {  	v25 =	vld.idx.msk [tilespmem:v29+s17+$0x0], $0xffff;
	_ =	sdelay $0x2  }
0x2c4: {  	v28 =	vor.u32 v22, v34  }
0x2c5: {  	v30 =	vor.u32 v23, v35  }
0x2c6: {  	v24 =	vmul.f32 v25, v24;
	_ =	sdelay $0x1  }
0x2c7: {  	[tilespmem:v29+s22+$0x0] =	vst.idx.msk $0xffff, v24  }
0x2c8: {  	v24 =	vld.idx.msk [tilespmem:v28+s14+$0x0], $0xffff  }
0x2c9: {  	v25 =	vld.idx.msk [tilespmem:v30+s17+$0x0], $0xffff;
	_ =	sdelay $0x2  }
0x2ca: {  	v28 =	vor.u32 v22, v36  }
0x2cb: {  	v29 =	vor.u32 v23, v37  }
0x2cc: {  	v24 =	vmul.f32 v25, v24;
	_ =	sdelay $0x1  }
0x2cd: {  	[tilespmem:v30+s22+$0x0] =	vst.idx.msk $0xffff, v24  }
0x2ce: {  	v24 =	vld.idx.msk [tilespmem:v28+s14+$0x0], $0xffff  }
0x2cf: {  	v25 =	vld.idx.msk [tilespmem:v29+s17+$0x0], $0xffff;
	_ =	sdelay $0x2  }
0x2d0: {  	v30 =	vor.u32 v22, v38  }
0x2d1: {  	v28 =	vor.u32 v23, v39  }
0x2d2: {  	v24 =	vmul.f32 v25, v24;
	_ =	sdelay $0x1  }
0x2d3: {  	[tilespmem:v29+s22+$0x0] =	vst.idx.msk $0xffff, v24  }
0x2d4: {  	v29 =	vld.idx.msk [tilespmem:v30+s14+$0x0], $0xffff  }
0x2d5: {  	s0 =	simm.s32 $0x8;
	v30 =	vld.idx.msk [tilespmem:v28+s17+$0x0], $0xffff  }
.LBB2_13:
0x2d6: {  	p1 =	slt.u32 s0, $0x38;
	s13 =	smov.u32 s0;
	s0 =	sadd.s32 $0x8, s0  }
0x2d7: {  	v24 =	vadd.s32 s13, v0  }
0x2d8: {  	v25 =	vand.u32 $0x38, v24;
	v24 =	vshll.u32 v24, $0x7  }
0x2d9: {  	v25 =	vor.u32 v14, v25;
	v24 =	vand.u32 $0x1C00, v24  }
0x2da: {  	v24 =	vor.u32 v15, v24  }
0x2db: {  	v29 =	vmul.f32 v30, v29;
	_ =	sdelay $0x1  }
0x2dc: {  	[tilespmem:v28+s22+$0x0] =	vst.idx.msk $0xffff, v29  }
0x2dd: {  	v25 =	vld.idx.msk [tilespmem:v25+s14+$0x0], $0xffff  }
0x2de: {  	s18 =	sadd.s32 $0x1, s13;
	v28 =	vld.idx.msk [tilespmem:v24+s17+$0x0], $0xffff  }
0x2df: {  	v29 =	vadd.s32 s18, v0  }
0x2e0: {  	v30 =	vand.u32 $0x3F, v29;
	v29 =	vshll.u32 v29, $0x7  }
0x2e1: {  	v29 =	vand.u32 $0x1F80, v29  }
0x2e2: {  	v30 =	vor.u32 v22, v30;
	v29 =	vor.u32 v23, v29;
	_ =	sdelay $0x1  }
0x2e3: {  	v25 =	vmul.f32 v28, v25;
	_ =	sdelay $0x1  }
0x2e4: {  	[tilespmem:v24+s22+$0x0] =	vst.idx.msk $0xffff, v25  }
0x2e5: {  	v24 =	vld.idx.msk [tilespmem:v30+s14+$0x0], $0xffff  }
0x2e6: {  	s18 =	sadd.s32 $0x2, s13;
	v25 =	vld.idx.msk [tilespmem:v29+s17+$0x0], $0xffff  }
0x2e7: {  	v28 =	vadd.s32 s18, v0  }
0x2e8: {  	v30 =	vand.u32 $0x3F, v28;
	v28 =	vshll.u32 v28, $0x7  }
0x2e9: {  	v30 =	vor.u32 v22, v30;
	v28 =	vand.u32 $0x1F80, v28  }
0x2ea: {  	v28 =	vor.u32 v23, v28;
	_ =	sdelay $0x1  }
0x2eb: {  	v24 =	vmul.f32 v25, v24;
	_ =	sdelay $0x1  }
0x2ec: {  	[tilespmem:v29+s22+$0x0] =	vst.idx.msk $0xffff, v24  }
0x2ed: {  	v24 =	vld.idx.msk [tilespmem:v30+s14+$0x0], $0xffff  }
0x2ee: {  	s18 =	sadd.s32 $0x3, s13;
	v25 =	vld.idx.msk [tilespmem:v28+s17+$0x0], $0xffff  }
0x2ef: {  	v29 =	vadd.s32 s18, v0  }
0x2f0: {  	v30 =	vand.u32 $0x3F, v29;
	v29 =	vshll.u32 v29, $0x7  }
0x2f1: {  	v30 =	vor.u32 v22, v30;
	v29 =	vand.u32 $0x1F80, v29  }
0x2f2: {  	v29 =	vor.u32 v23, v29;
	_ =	sdelay $0x1  }
0x2f3: {  	v24 =	vmul.f32 v25, v24;
	_ =	sdelay $0x1  }
0x2f4: {  	[tilespmem:v28+s22+$0x0] =	vst.idx.msk $0xffff, v24  }
0x2f5: {  	v24 =	vld.idx.msk [tilespmem:v30+s14+$0x0], $0xffff  }
0x2f6: {  	s18 =	sadd.s32 $0x4, s13;
	v25 =	vld.idx.msk [tilespmem:v29+s17+$0x0], $0xffff  }
0x2f7: {  	v28 =	vadd.s32 s18, v0  }
0x2f8: {  	v30 =	vshll.u32 v28, $0x7  }
0x2f9: {  	v28 =	vand.u32 $0x3F, v28;
	v30 =	vand.u32 $0x1F80, v30  }
0x2fa: {  	v28 =	vor.u32 v22, v28;
	v30 =	vor.u32 v23, v30;
	_ =	sdelay $0x1  }
0x2fb: {  	v24 =	vmul.f32 v25, v24;
	_ =	sdelay $0x1  }
0x2fc: {  	[tilespmem:v29+s22+$0x0] =	vst.idx.msk $0xffff, v24  }
0x2fd: {  	v24 =	vld.idx.msk [tilespmem:v28+s14+$0x0], $0xffff  }
0x2fe: {  	s18 =	sadd.s32 $0x5, s13;
	v25 =	vld.idx.msk [tilespmem:v30+s17+$0x0], $0xffff  }
0x2ff: {  	v28 =	vadd.s32 s18, v0  }
0x300: {  	v29 =	vshll.u32 v28, $0x7  }
0x301: {  	v28 =	vand.u32 $0x3F, v28;
	v29 =	vand.u32 $0x1F80, v29  }
0x302: {  	v28 =	vor.u32 v22, v28;
	v29 =	vor.u32 v23, v29;
	_ =	sdelay $0x1  }
0x303: {  	v24 =	vmul.f32 v25, v24;
	_ =	sdelay $0x1  }
0x304: {  	[tilespmem:v30+s22+$0x0] =	vst.idx.msk $0xffff, v24  }
0x305: {  	v24 =	vld.idx.msk [tilespmem:v28+s14+$0x0], $0xffff  }
0x306: {  	s18 =	sadd.s32 $0x6, s13;
	v25 =	vld.idx.msk [tilespmem:v29+s17+$0x0], $0xffff  }
0x307: {  	v28 =	vadd.s32 s18, v0  }
0x308: {  	v30 =	vshll.u32 v28, $0x7  }
0x309: {  	v28 =	vand.u32 $0x3F, v28;
	v30 =	vand.u32 $0x1F80, v30  }
0x30a: {  	v28 =	vor.u32 v22, v28;
	v30 =	vor.u32 v23, v30;
	_ =	sdelay $0x1  }
0x30b: {  	v24 =	vmul.f32 v25, v24;
	_ =	sdelay $0x1  }
0x30c: {  	[tilespmem:v29+s22+$0x0] =	vst.idx.msk $0xffff, v24  }
0x30d: {  	v24 =	vld.idx.msk [tilespmem:v28+s14+$0x0], $0xffff  }
0x30e: {  	s13 =	sadd.s32 $0x7, s13;
	v25 =	vld.idx.msk [tilespmem:v30+s17+$0x0], $0xffff  }
0x30f: {  	v28 =	vadd.s32 s13, v0  }
0x310: {  	v29 =	vshll.u32 v28, $0x7  }
0x311: {  	v28 =	vand.u32 $0x3F, v28;
	v29 =	vand.u32 $0x1F80, v29  }
0x312: {  	v31 =	vor.u32 v22, v28;
	v28 =	vor.u32 v23, v29;
	_ =	sdelay $0x1  }
.Ltmp7:
0x313: {  	v24 =	vmul.f32 v25, v24;
	(pc) =	sbr.rel @p1 .LBB2_13-.Ltmp7, $4  }
0x314: {  	_ = 	snop  }
0x315: {  	[tilespmem:v30+s22+$0x0] =	vst.idx.msk $0xffff, v24  }
0x316: {  	v29 =	vld.idx.msk [tilespmem:v31+s14+$0x0], $0xffff  }
0x317: {  	v30 =	vld.idx.msk [tilespmem:v28+s17+$0x0], $0xffff  }
0x318: {  	s0 =	simm.s32 $0x0  }
0x319: {  	v25 =	vadd.s32 s0, v0  }
0x31a: {  	v24 =	vand.u32 $0x38, v25;
	v25 =	vshll.u32 v25, $0x7  }
0x31b: {  	v31 =	vor.u32 v16, v24;
	v25 =	vand.u32 $0x1C00, v25  }
0x31c: {  	v32 =	vor.u32 v17, v25  }
0x31d: {  	v29 =	vmul.f32 v30, v29;
	_ =	sdelay $0x1  }
0x31e: {  	[tilespmem:v28+s22+$0x0] =	vst.idx.msk $0xffff, v29  }
0x31f: {  	v33 =	vld.idx.msk [tilespmem:v31+s14+$0x0], $0xffff  }
0x320: {  	s18 =	simm.s32 $0x1;
	v34 =	vld.idx.msk [tilespmem:v32+s17+$0x0], $0xffff  }
0x321: {  	v28 =	vadd.s32 s18, v0  }
0x322: {  	v30 =	vand.u32 $0x3F, v28;
	v29 =	vshll.u32 v28, $0x7;
	v28 =	vor.u32 $0x1400, v2  }
0x323: {  	v31 =	vand.u32 $0x1F80, v29;
	v29 =	vor.u32 $0x50, v0;
	v35 =	vor.u32 v28, v30  }
0x324: {  	v36 =	vor.u32 v29, v31  }
0x325: {  	v33 =	vmul.f32 v34, v33;
	_ =	sdelay $0x1  }
0x326: {  	[tilespmem:v32+s22+$0x0] =	vst.idx.msk $0xffff, v33  }
0x327: {  	v48 =	vld.idx.msk [tilespmem:v35+s14+$0x0], $0xffff  }
0x328: {  	s13 =	simm.s32 $0x2;
	v49 =	vld.idx.msk [tilespmem:v36+s17+$0x0], $0xffff  }
0x329: {  	v50 =	vadd.s32 s13, v0  }
0x32a: {  	v32 =	vand.u32 $0x3F, v50;
	v33 =	vshll.u32 v50, $0x7  }
0x32b: {  	v37 =	vor.u32 v28, v32;
	v33 =	vand.u32 $0x1F80, v33  }
0x32c: {  	v38 =	vor.u32 v29, v33  }
0x32d: {  	v34 =	vmul.f32 v49, v48;
	_ =	sdelay $0x1  }
0x32e: {  	[tilespmem:v36+s22+$0x0] =	vst.idx.msk $0xffff, v34  }
0x32f: {  	v36 =	vld.idx.msk [tilespmem:v37+s14+$0x0], $0xffff  }
0x330: {  	s18 =	simm.s32 $0x3;
	v51 =	vld.idx.msk [tilespmem:v38+s17+$0x0], $0xffff  }
0x331: {  	v52 =	vadd.s32 s18, v0  }
0x332: {  	v35 =	vshll.u32 v52, $0x7;
	v34 =	vand.u32 $0x3F, v52  }
0x333: {  	v35 =	vand.u32 $0x1F80, v35;
	v39 =	vor.u32 v28, v34  }
0x334: {  	v40 =	vor.u32 v29, v35  }
0x335: {  	v36 =	vmul.f32 v51, v36;
	_ =	sdelay $0x1  }
0x336: {  	[tilespmem:v38+s22+$0x0] =	vst.idx.msk $0xffff, v36  }
0x337: {  	v38 =	vld.idx.msk [tilespmem:v39+s14+$0x0], $0xffff  }
0x338: {  	s13 =	simm.s32 $0x4;
	v53 =	vld.idx.msk [tilespmem:v40+s17+$0x0], $0xffff  }
0x339: {  	v54 =	vadd.s32 s13, v0  }
0x33a: {  	v55 =	vshll.u32 v54, $0x7;
	v36 =	vand.u32 $0x3F, v54  }
0x33b: {  	v37 =	vand.u32 $0x1F80, v55;
	v41 =	vor.u32 v28, v36  }
0x33c: {  	v42 =	vor.u32 v29, v37  }
0x33d: {  	v38 =	vmul.f32 v53, v38;
	_ =	sdelay $0x1  }
0x33e: {  	[tilespmem:v40+s22+$0x0] =	vst.idx.msk $0xffff, v38  }
0x33f: {  	v40 =	vld.idx.msk [tilespmem:v41+s14+$0x0], $0xffff  }
0x340: {  	s18 =	simm.s32 $0x5;
	v56 =	vld.idx.msk [tilespmem:v42+s17+$0x0], $0xffff  }
0x341: {  	v57 =	vadd.s32 s18, v0  }
0x342: {  	v58 =	vshll.u32 v57, $0x7;
	v38 =	vand.u32 $0x3F, v57  }
0x343: {  	v39 =	vand.u32 $0x1F80, v58;
	v43 =	vor.u32 v28, v38  }
0x344: {  	v44 =	vor.u32 v29, v39  }
0x345: {  	v40 =	vmul.f32 v56, v40;
	_ =	sdelay $0x1  }
0x346: {  	[tilespmem:v42+s22+$0x0] =	vst.idx.msk $0xffff, v40  }
0x347: {  	v42 =	vld.idx.msk [tilespmem:v43+s14+$0x0], $0xffff  }
0x348: {  	s13 =	simm.s32 $0x6;
	v59 =	vld.idx.msk [tilespmem:v44+s17+$0x0], $0xffff  }
0x349: {  	v60 =	vadd.s32 s13, v0  }
0x34a: {  	v61 =	vshll.u32 v60, $0x7;
	v40 =	vand.u32 $0x3F, v60  }
0x34b: {  	v41 =	vand.u32 $0x1F80, v61;
	v45 =	vor.u32 v28, v40  }
0x34c: {  	v46 =	vor.u32 v29, v41  }
0x34d: {  	v42 =	vmul.f32 v59, v42;
	_ =	sdelay $0x1  }
0x34e: {  	[tilespmem:v44+s22+$0x0] =	vst.idx.msk $0xffff, v42  }
0x34f: {  	v45 =	vld.idx.msk [tilespmem:v45+s14+$0x0], $0xffff  }
0x350: {  	s18 =	simm.s32 $0x7;
	v47 =	vld.idx.msk [tilespmem:v46+s17+$0x0], $0xffff  }
0x351: {  	v62 =	vadd.s32 s18, v0  }
0x352: {  	v63 =	vshll.u32 v62, $0x7;
	v42 =	vand.u32 $0x3F, v62  }
0x353: {  	v43 =	vand.u32 $0x1F80, v63;
	v48 =	vor.u32 v28, v42  }
0x354: {  	v44 =	vor.u32 v29, v43  }
0x355: {  	v45 =	vmul.f32 v47, v45;
	_ =	sdelay $0x1  }
0x356: {  	[tilespmem:v46+s22+$0x0] =	vst.idx.msk $0xffff, v45  }
0x357: {  	v45 =	vld.idx.msk [tilespmem:v48+s14+$0x0], $0xffff  }
0x358: {  	s0 =	simm.s32 $0x8;
	v46 =	vld.idx.msk [tilespmem:v44+s17+$0x0], $0xffff  }
.LBB2_15:
0x359: {  	p1 =	slt.u32 s0, $0x38;
	s13 =	smov.u32 s0;
	s0 =	sadd.s32 $0x8, s0  }
0x35a: {  	v47 =	vadd.s32 s13, v0  }
0x35b: {  	v48 =	vand.u32 $0x38, v47;
	v47 =	vshll.u32 v47, $0x7  }
0x35c: {  	v48 =	vor.u32 v16, v48;
	v47 =	vand.u32 $0x1C00, v47  }
0x35d: {  	v47 =	vor.u32 v17, v47  }
0x35e: {  	v45 =	vmul.f32 v46, v45;
	_ =	sdelay $0x1  }
0x35f: {  	[tilespmem:v44+s22+$0x0] =	vst.idx.msk $0xffff, v45  }
0x360: {  	v44 =	vld.idx.msk [tilespmem:v48+s14+$0x0], $0xffff  }
0x361: {  	s18 =	sadd.s32 $0x1, s13;
	v45 =	vld.idx.msk [tilespmem:v47+s17+$0x0], $0xffff  }
0x362: {  	v46 =	vadd.s32 s18, v0  }
0x363: {  	v48 =	vand.u32 $0x3F, v46;
	v46 =	vshll.u32 v46, $0x7  }
0x364: {  	v46 =	vand.u32 $0x1F80, v46  }
0x365: {  	v48 =	vor.u32 v28, v48;
	v46 =	vor.u32 v29, v46;
	_ =	sdelay $0x1  }
0x366: {  	v44 =	vmul.f32 v45, v44;
	_ =	sdelay $0x1  }
0x367: {  	[tilespmem:v47+s22+$0x0] =	vst.idx.msk $0xffff, v44  }
0x368: {  	v44 =	vld.idx.msk [tilespmem:v48+s14+$0x0], $0xffff  }
0x369: {  	s18 =	sadd.s32 $0x2, s13;
	v45 =	vld.idx.msk [tilespmem:v46+s17+$0x0], $0xffff  }
0x36a: {  	v47 =	vadd.s32 s18, v0  }
0x36b: {  	v48 =	vand.u32 $0x3F, v47;
	v47 =	vshll.u32 v47, $0x7  }
0x36c: {  	v48 =	vor.u32 v28, v48;
	v47 =	vand.u32 $0x1F80, v47  }
0x36d: {  	v47 =	vor.u32 v29, v47;
	_ =	sdelay $0x1  }
0x36e: {  	v44 =	vmul.f32 v45, v44;
	_ =	sdelay $0x1  }
0x36f: {  	[tilespmem:v46+s22+$0x0] =	vst.idx.msk $0xffff, v44  }
0x370: {  	v44 =	vld.idx.msk [tilespmem:v48+s14+$0x0], $0xffff  }
0x371: {  	s18 =	sadd.s32 $0x3, s13;
	v45 =	vld.idx.msk [tilespmem:v47+s17+$0x0], $0xffff  }
0x372: {  	v46 =	vadd.s32 s18, v0  }
0x373: {  	v48 =	vand.u32 $0x3F, v46;
	v46 =	vshll.u32 v46, $0x7  }
0x374: {  	v48 =	vor.u32 v28, v48;
	v46 =	vand.u32 $0x1F80, v46  }
0x375: {  	v46 =	vor.u32 v29, v46;
	_ =	sdelay $0x1  }
0x376: {  	v44 =	vmul.f32 v45, v44;
	_ =	sdelay $0x1  }
0x377: {  	[tilespmem:v47+s22+$0x0] =	vst.idx.msk $0xffff, v44  }
0x378: {  	v44 =	vld.idx.msk [tilespmem:v48+s14+$0x0], $0xffff  }
0x379: {  	s18 =	sadd.s32 $0x4, s13;
	v45 =	vld.idx.msk [tilespmem:v46+s17+$0x0], $0xffff  }
0x37a: {  	v47 =	vadd.s32 s18, v0  }
0x37b: {  	v48 =	vshll.u32 v47, $0x7  }
0x37c: {  	v47 =	vand.u32 $0x3F, v47;
	v48 =	vand.u32 $0x1F80, v48  }
0x37d: {  	v47 =	vor.u32 v28, v47;
	v48 =	vor.u32 v29, v48;
	_ =	sdelay $0x1  }
0x37e: {  	v44 =	vmul.f32 v45, v44;
	_ =	sdelay $0x1  }
0x37f: {  	[tilespmem:v46+s22+$0x0] =	vst.idx.msk $0xffff, v44  }
0x380: {  	v44 =	vld.idx.msk [tilespmem:v47+s14+$0x0], $0xffff  }
0x381: {  	s18 =	sadd.s32 $0x5, s13;
	v45 =	vld.idx.msk [tilespmem:v48+s17+$0x0], $0xffff  }
0x382: {  	v46 =	vadd.s32 s18, v0  }
0x383: {  	v47 =	vshll.u32 v46, $0x7  }
0x384: {  	v46 =	vand.u32 $0x3F, v46;
	v47 =	vand.u32 $0x1F80, v47  }
0x385: {  	v46 =	vor.u32 v28, v46;
	v47 =	vor.u32 v29, v47;
	_ =	sdelay $0x1  }
0x386: {  	v44 =	vmul.f32 v45, v44;
	_ =	sdelay $0x1  }
0x387: {  	[tilespmem:v48+s22+$0x0] =	vst.idx.msk $0xffff, v44  }
0x388: {  	v44 =	vld.idx.msk [tilespmem:v46+s14+$0x0], $0xffff  }
0x389: {  	s18 =	sadd.s32 $0x6, s13;
	v45 =	vld.idx.msk [tilespmem:v47+s17+$0x0], $0xffff  }
0x38a: {  	v46 =	vadd.s32 s18, v0  }
0x38b: {  	v48 =	vshll.u32 v46, $0x7  }
0x38c: {  	v46 =	vand.u32 $0x3F, v46;
	v48 =	vand.u32 $0x1F80, v48  }
0x38d: {  	v46 =	vor.u32 v28, v46;
	v48 =	vor.u32 v29, v48;
	_ =	sdelay $0x1  }
0x38e: {  	v44 =	vmul.f32 v45, v44;
	_ =	sdelay $0x1  }
0x38f: {  	[tilespmem:v47+s22+$0x0] =	vst.idx.msk $0xffff, v44  }
0x390: {  	v45 =	vld.idx.msk [tilespmem:v46+s14+$0x0], $0xffff  }
0x391: {  	s13 =	sadd.s32 $0x7, s13;
	v46 =	vld.idx.msk [tilespmem:v48+s17+$0x0], $0xffff  }
0x392: {  	v44 =	vadd.s32 s13, v0  }
0x393: {  	v47 =	vshll.u32 v44, $0x7  }
0x394: {  	v44 =	vand.u32 $0x3F, v44;
	v47 =	vand.u32 $0x1F80, v47  }
0x395: {  	v49 =	vor.u32 v28, v44;
	v44 =	vor.u32 v29, v47;
	_ =	sdelay $0x1  }
.Ltmp8:
0x396: {  	v45 =	vmul.f32 v46, v45;
	(pc) =	sbr.rel @p1 .LBB2_15-.Ltmp8, $4  }
0x397: {  	_ = 	snop  }
0x398: {  	[tilespmem:v48+s22+$0x0] =	vst.idx.msk $0xffff, v45  }
0x399: {  	v45 =	vld.idx.msk [tilespmem:v49+s14+$0x0], $0xffff  }
0x39a: {  	v46 =	vld.idx.msk [tilespmem:v44+s17+$0x0], $0xffff  }
0x39b: {  	_ =	sdelay $0x1  }
0x39c: {  	v24 =	vor.u32 v18, v24  }
0x39d: {  	v47 =	vor.u32 v19, v25  }
0x39e: {  	v25 =	vmul.f32 v46, v45;
	_ =	sdelay $0x1  }
0x39f: {  	[tilespmem:v44+s22+$0x0] =	vst.idx.msk $0xffff, v25  }
0x3a0: {  	v44 =	vld.idx.msk [tilespmem:v24+s14+$0x0], $0xffff  }
0x3a1: {  	v53 =	vld.idx.msk [tilespmem:v47+s17+$0x0], $0xffff;
	_ =	sdelay $0x1  }
0x3a2: {  	v24 =	vor.u32 $0x1800, v2  }
0x3a3: {  	v25 =	vor.u32 $0x60, v0;
	v30 =	vor.u32 v24, v30  }
0x3a4: {  	v31 =	vor.u32 v25, v31  }
0x3a5: {  	v44 =	vmul.f32 v53, v44;
	_ =	sdelay $0x1  }
0x3a6: {  	[tilespmem:v47+s22+$0x0] =	vst.idx.msk $0xffff, v44  }
0x3a7: {  	v30 =	vld.idx.msk [tilespmem:v30+s14+$0x0], $0xffff  }
0x3a8: {  	v44 =	vld.idx.msk [tilespmem:v31+s17+$0x0], $0xffff;
	_ =	sdelay $0x2  }
0x3a9: {  	v32 =	vor.u32 v24, v32  }
0x3aa: {  	v33 =	vor.u32 v25, v33  }
0x3ab: {  	v30 =	vmul.f32 v44, v30;
	_ =	sdelay $0x1  }
0x3ac: {  	[tilespmem:v31+s22+$0x0] =	vst.idx.msk $0xffff, v30  }
0x3ad: {  	v30 =	vld.idx.msk [tilespmem:v32+s14+$0x0], $0xffff  }
0x3ae: {  	v31 =	vld.idx.msk [tilespmem:v33+s17+$0x0], $0xffff;
	_ =	sdelay $0x2  }
0x3af: {  	v54 =	vor.u32 v24, v34  }
0x3b0: {  	v55 =	vor.u32 v25, v35  }
0x3b1: {  	v30 =	vmul.f32 v31, v30;
	_ =	sdelay $0x1  }
0x3b2: {  	[tilespmem:v33+s22+$0x0] =	vst.idx.msk $0xffff, v30  }
0x3b3: {  	v30 =	vld.idx.msk [tilespmem:v54+s14+$0x0], $0xffff  }
0x3b4: {  	v31 =	vld.idx.msk [tilespmem:v55+s17+$0x0], $0xffff;
	_ =	sdelay $0x2  }
0x3b5: {  	v56 =	vor.u32 v24, v36  }
0x3b6: {  	v57 =	vor.u32 v25, v37  }
0x3b7: {  	v30 =	vmul.f32 v31, v30;
	_ =	sdelay $0x1  }
0x3b8: {  	[tilespmem:v55+s22+$0x0] =	vst.idx.msk $0xffff, v30  }
0x3b9: {  	v30 =	vld.idx.msk [tilespmem:v56+s14+$0x0], $0xffff  }
0x3ba: {  	v31 =	vld.idx.msk [tilespmem:v57+s17+$0x0], $0xffff;
	_ =	sdelay $0x2  }
0x3bb: {  	v58 =	vor.u32 v24, v38  }
0x3bc: {  	v59 =	vor.u32 v25, v39  }
0x3bd: {  	v30 =	vmul.f32 v31, v30;
	_ =	sdelay $0x1  }
0x3be: {  	[tilespmem:v57+s22+$0x0] =	vst.idx.msk $0xffff, v30  }
0x3bf: {  	v30 =	vld.idx.msk [tilespmem:v58+s14+$0x0], $0xffff  }
0x3c0: {  	v31 =	vld.idx.msk [tilespmem:v59+s17+$0x0], $0xffff;
	_ =	sdelay $0x2  }
0x3c1: {  	v60 =	vor.u32 v24, v40  }
0x3c2: {  	v61 =	vor.u32 v25, v41  }
0x3c3: {  	v30 =	vmul.f32 v31, v30;
	_ =	sdelay $0x1  }
0x3c4: {  	[tilespmem:v59+s22+$0x0] =	vst.idx.msk $0xffff, v30  }
0x3c5: {  	v31 =	vld.idx.msk [tilespmem:v60+s14+$0x0], $0xffff  }
0x3c6: {  	v62 =	vld.idx.msk [tilespmem:v61+s17+$0x0], $0xffff;
	_ =	sdelay $0x2  }
0x3c7: {  	v63 =	vor.u32 v24, v42  }
0x3c8: {  	v30 =	vor.u32 v25, v43  }
0x3c9: {  	v31 =	vmul.f32 v62, v31;
	_ =	sdelay $0x1  }
0x3ca: {  	[tilespmem:v61+s22+$0x0] =	vst.idx.msk $0xffff, v31  }
0x3cb: {  	v31 =	vld.idx.msk [tilespmem:v63+s14+$0x0], $0xffff  }
0x3cc: {  	s0 =	simm.s32 $0x8;
	v32 =	vld.idx.msk [tilespmem:v30+s17+$0x0], $0xffff  }
.LBB2_17:
0x3cd: {  	p1 =	slt.u32 s0, $0x38;
	s13 =	smov.u32 s0;
	s0 =	sadd.s32 $0x8, s0  }
0x3ce: {  	v33 =	vadd.s32 s13, v0  }
0x3cf: {  	v34 =	vand.u32 $0x38, v33;
	v33 =	vshll.u32 v33, $0x7  }
0x3d0: {  	v34 =	vor.u32 v18, v34;
	v33 =	vand.u32 $0x1C00, v33  }
0x3d1: {  	v33 =	vor.u32 v19, v33  }
0x3d2: {  	v31 =	vmul.f32 v32, v31;
	_ =	sdelay $0x1  }
0x3d3: {  	[tilespmem:v30+s22+$0x0] =	vst.idx.msk $0xffff, v31  }
0x3d4: {  	v30 =	vld.idx.msk [tilespmem:v34+s14+$0x0], $0xffff  }
0x3d5: {  	s18 =	sadd.s32 $0x1, s13;
	v31 =	vld.idx.msk [tilespmem:v33+s17+$0x0], $0xffff  }
0x3d6: {  	v32 =	vadd.s32 s18, v0  }
0x3d7: {  	v34 =	vand.u32 $0x3F, v32;
	v32 =	vshll.u32 v32, $0x7  }
0x3d8: {  	v32 =	vand.u32 $0x1F80, v32  }
0x3d9: {  	v34 =	vor.u32 v24, v34;
	v32 =	vor.u32 v25, v32;
	_ =	sdelay $0x1  }
0x3da: {  	v30 =	vmul.f32 v31, v30;
	_ =	sdelay $0x1  }
0x3db: {  	[tilespmem:v33+s22+$0x0] =	vst.idx.msk $0xffff, v30  }
0x3dc: {  	v30 =	vld.idx.msk [tilespmem:v34+s14+$0x0], $0xffff  }
0x3dd: {  	s18 =	sadd.s32 $0x2, s13;
	v31 =	vld.idx.msk [tilespmem:v32+s17+$0x0], $0xffff  }
0x3de: {  	v33 =	vadd.s32 s18, v0  }
0x3df: {  	v34 =	vand.u32 $0x3F, v33;
	v33 =	vshll.u32 v33, $0x7  }
0x3e0: {  	v34 =	vor.u32 v24, v34;
	v33 =	vand.u32 $0x1F80, v33  }
0x3e1: {  	v33 =	vor.u32 v25, v33;
	_ =	sdelay $0x1  }
0x3e2: {  	v30 =	vmul.f32 v31, v30;
	_ =	sdelay $0x1  }
0x3e3: {  	[tilespmem:v32+s22+$0x0] =	vst.idx.msk $0xffff, v30  }
0x3e4: {  	v30 =	vld.idx.msk [tilespmem:v34+s14+$0x0], $0xffff  }
0x3e5: {  	s18 =	sadd.s32 $0x3, s13;
	v31 =	vld.idx.msk [tilespmem:v33+s17+$0x0], $0xffff  }
0x3e6: {  	v32 =	vadd.s32 s18, v0  }
0x3e7: {  	v34 =	vand.u32 $0x3F, v32;
	v32 =	vshll.u32 v32, $0x7  }
0x3e8: {  	v34 =	vor.u32 v24, v34;
	v32 =	vand.u32 $0x1F80, v32  }
0x3e9: {  	v32 =	vor.u32 v25, v32;
	_ =	sdelay $0x1  }
0x3ea: {  	v30 =	vmul.f32 v31, v30;
	_ =	sdelay $0x1  }
0x3eb: {  	[tilespmem:v33+s22+$0x0] =	vst.idx.msk $0xffff, v30  }
0x3ec: {  	v30 =	vld.idx.msk [tilespmem:v34+s14+$0x0], $0xffff  }
0x3ed: {  	s18 =	sadd.s32 $0x4, s13;
	v31 =	vld.idx.msk [tilespmem:v32+s17+$0x0], $0xffff  }
0x3ee: {  	v33 =	vadd.s32 s18, v0  }
0x3ef: {  	v34 =	vshll.u32 v33, $0x7  }
0x3f0: {  	v33 =	vand.u32 $0x3F, v33;
	v34 =	vand.u32 $0x1F80, v34  }
0x3f1: {  	v33 =	vor.u32 v24, v33;
	v34 =	vor.u32 v25, v34;
	_ =	sdelay $0x1  }
0x3f2: {  	v30 =	vmul.f32 v31, v30;
	_ =	sdelay $0x1  }
0x3f3: {  	[tilespmem:v32+s22+$0x0] =	vst.idx.msk $0xffff, v30  }
0x3f4: {  	v30 =	vld.idx.msk [tilespmem:v33+s14+$0x0], $0xffff  }
0x3f5: {  	s18 =	sadd.s32 $0x5, s13;
	v31 =	vld.idx.msk [tilespmem:v34+s17+$0x0], $0xffff  }
0x3f6: {  	v32 =	vadd.s32 s18, v0  }
0x3f7: {  	v33 =	vshll.u32 v32, $0x7  }
0x3f8: {  	v32 =	vand.u32 $0x3F, v32;
	v33 =	vand.u32 $0x1F80, v33  }
0x3f9: {  	v32 =	vor.u32 v24, v32;
	v33 =	vor.u32 v25, v33;
	_ =	sdelay $0x1  }
0x3fa: {  	v30 =	vmul.f32 v31, v30;
	_ =	sdelay $0x1  }
0x3fb: {  	[tilespmem:v34+s22+$0x0] =	vst.idx.msk $0xffff, v30  }
0x3fc: {  	v30 =	vld.idx.msk [tilespmem:v32+s14+$0x0], $0xffff  }
0x3fd: {  	s18 =	sadd.s32 $0x6, s13;
	v31 =	vld.idx.msk [tilespmem:v33+s17+$0x0], $0xffff  }
0x3fe: {  	v32 =	vadd.s32 s18, v0  }
0x3ff: {  	v34 =	vshll.u32 v32, $0x7  }
0x400: {  	v32 =	vand.u32 $0x3F, v32;
	v34 =	vand.u32 $0x1F80, v34  }
0x401: {  	v32 =	vor.u32 v24, v32;
	v34 =	vor.u32 v25, v34;
	_ =	sdelay $0x1  }
0x402: {  	v30 =	vmul.f32 v31, v30;
	_ =	sdelay $0x1  }
0x403: {  	[tilespmem:v33+s22+$0x0] =	vst.idx.msk $0xffff, v30  }
0x404: {  	v31 =	vld.idx.msk [tilespmem:v32+s14+$0x0], $0xffff  }
0x405: {  	s13 =	sadd.s32 $0x7, s13;
	v32 =	vld.idx.msk [tilespmem:v34+s17+$0x0], $0xffff  }
0x406: {  	v30 =	vadd.s32 s13, v0  }
0x407: {  	v33 =	vshll.u32 v30, $0x7  }
0x408: {  	v30 =	vand.u32 $0x3F, v30;
	v33 =	vand.u32 $0x1F80, v33  }
0x409: {  	v35 =	vor.u32 v24, v30;
	v30 =	vor.u32 v25, v33;
	_ =	sdelay $0x1  }
.Ltmp9:
0x40a: {  	v31 =	vmul.f32 v32, v31;
	(pc) =	sbr.rel @p1 .LBB2_17-.Ltmp9, $4  }
0x40b: {  	_ = 	snop  }
0x40c: {  	[tilespmem:v34+s22+$0x0] =	vst.idx.msk $0xffff, v31  }
0x40d: {  	v31 =	vld.idx.msk [tilespmem:v35+s14+$0x0], $0xffff  }
0x40e: {  	v32 =	vld.idx.msk [tilespmem:v30+s17+$0x0], $0xffff  }
0x40f: {  	s0 =	simm.s32 $0x0  }
0x410: {  	v33 =	vadd.s32 s0, v0  }
0x411: {  	v34 =	vand.u32 $0x38, v33;
	v33 =	vshll.u32 v33, $0x7  }
0x412: {  	v34 =	vor.u32 v20, v34;
	v33 =	vand.u32 $0x1C00, v33  }
0x413: {  	v33 =	vor.u32 v21, v33  }
0x414: {  	v31 =	vmul.f32 v32, v31;
	_ =	sdelay $0x1  }
0x415: {  	[tilespmem:v30+s22+$0x0] =	vst.idx.msk $0xffff, v31  }
0x416: {  	v44 =	vld.idx.msk [tilespmem:v34+s14+$0x0], $0xffff  }
0x417: {  	s18 =	simm.s32 $0x1;
	v45 =	vld.idx.msk [tilespmem:v33+s17+$0x0], $0xffff  }
0x418: {  	v30 =	vadd.s32 s18, v0  }
0x419: {  	v35 =	vand.u32 $0x3F, v30;
	v31 =	vshll.u32 v30, $0x7;
	v30 =	vor.u32 $0x1C00, v2  }
0x41a: {  	v36 =	vand.u32 $0x1F80, v31;
	v31 =	vor.u32 $0x70, v0;
	v35 =	vor.u32 v30, v35  }
0x41b: {  	v36 =	vor.u32 v31, v36  }
0x41c: {  	v32 =	vmul.f32 v45, v44;
	_ =	sdelay $0x1  }
0x41d: {  	[tilespmem:v33+s22+$0x0] =	vst.idx.msk $0xffff, v32  }
0x41e: {  	v32 =	vld.idx.msk [tilespmem:v35+s14+$0x0], $0xffff  }
0x41f: {  	s13 =	simm.s32 $0x2;
	v33 =	vld.idx.msk [tilespmem:v36+s17+$0x0], $0xffff  }
0x420: {  	v46 =	vadd.s32 s13, v0  }
0x421: {  	v47 =	vand.u32 $0x3F, v46;
	v34 =	vshll.u32 v46, $0x7  }
0x422: {  	v34 =	vand.u32 $0x1F80, v34;
	v35 =	vor.u32 v30, v47  }
0x423: {  	v34 =	vor.u32 v31, v34  }
0x424: {  	v32 =	vmul.f32 v33, v32;
	_ =	sdelay $0x1  }
0x425: {  	[tilespmem:v36+s22+$0x0] =	vst.idx.msk $0xffff, v32  }
0x426: {  	v32 =	vld.idx.msk [tilespmem:v35+s14+$0x0], $0xffff  }
0x427: {  	s18 =	simm.s32 $0x3;
	v48 =	vld.idx.msk [tilespmem:v34+s17+$0x0], $0xffff  }
0x428: {  	v49 =	vadd.s32 s18, v0  }
0x429: {  	v50 =	vand.u32 $0x3F, v49;
	v35 =	vshll.u32 v49, $0x7  }
0x42a: {  	v36 =	vor.u32 v30, v50;
	v35 =	vand.u32 $0x1F80, v35  }
0x42b: {  	v35 =	vor.u32 v31, v35  }
0x42c: {  	v32 =	vmul.f32 v48, v32;
	_ =	sdelay $0x1  }
0x42d: {  	[tilespmem:v34+s22+$0x0] =	vst.idx.msk $0xffff, v32  }
0x42e: {  	v32 =	vld.idx.msk [tilespmem:v36+s14+$0x0], $0xffff  }
0x42f: {  	s13 =	simm.s32 $0x4;
	v51 =	vld.idx.msk [tilespmem:v35+s17+$0x0], $0xffff  }
0x430: {  	v52 =	vadd.s32 s13, v0  }
0x431: {  	v53 =	vshll.u32 v52, $0x7;
	v34 =	vand.u32 $0x3F, v52  }
0x432: {  	v36 =	vand.u32 $0x1F80, v53;
	v34 =	vor.u32 v30, v34  }
0x433: {  	v36 =	vor.u32 v31, v36  }
0x434: {  	v32 =	vmul.f32 v51, v32;
	_ =	sdelay $0x1  }
0x435: {  	[tilespmem:v35+s22+$0x0] =	vst.idx.msk $0xffff, v32  }
0x436: {  	v32 =	vld.idx.msk [tilespmem:v34+s14+$0x0], $0xffff  }
0x437: {  	s18 =	simm.s32 $0x5;
	v54 =	vld.idx.msk [tilespmem:v36+s17+$0x0], $0xffff  }
0x438: {  	v55 =	vadd.s32 s18, v0  }
0x439: {  	v56 =	vshll.u32 v55, $0x7;
	v34 =	vand.u32 $0x3F, v55  }
0x43a: {  	v35 =	vand.u32 $0x1F80, v56;
	v34 =	vor.u32 v30, v34  }
0x43b: {  	v35 =	vor.u32 v31, v35  }
0x43c: {  	v32 =	vmul.f32 v54, v32;
	_ =	sdelay $0x1  }
0x43d: {  	[tilespmem:v36+s22+$0x0] =	vst.idx.msk $0xffff, v32  }
0x43e: {  	v32 =	vld.idx.msk [tilespmem:v34+s14+$0x0], $0xffff  }
0x43f: {  	s13 =	simm.s32 $0x6;
	v57 =	vld.idx.msk [tilespmem:v35+s17+$0x0], $0xffff  }
0x440: {  	v58 =	vadd.s32 s13, v0  }
0x441: {  	v59 =	vshll.u32 v58, $0x7;
	v34 =	vand.u32 $0x3F, v58  }
0x442: {  	v36 =	vand.u32 $0x1F80, v59;
	v34 =	vor.u32 v30, v34  }
0x443: {  	v36 =	vor.u32 v31, v36  }
0x444: {  	v32 =	vmul.f32 v57, v32;
	_ =	sdelay $0x1  }
0x445: {  	[tilespmem:v35+s22+$0x0] =	vst.idx.msk $0xffff, v32  }
0x446: {  	v60 =	vld.idx.msk [tilespmem:v34+s14+$0x0], $0xffff  }
0x447: {  	s18 =	simm.s32 $0x7;
	v61 =	vld.idx.msk [tilespmem:v36+s17+$0x0], $0xffff  }
0x448: {  	v62 =	vadd.s32 s18, v0  }
0x449: {  	v63 =	vshll.u32 v62, $0x7;
	v32 =	vand.u32 $0x3F, v62  }
0x44a: {  	v35 =	vand.u32 $0x1F80, v63;
	v37 =	vor.u32 v30, v32  }
0x44b: {  	v32 =	vor.u32 v31, v35  }
0x44c: {  	v33 =	vmul.f32 v61, v60;
	_ =	sdelay $0x1  }
0x44d: {  	[tilespmem:v36+s22+$0x0] =	vst.idx.msk $0xffff, v33  }
0x44e: {  	v33 =	vld.idx.msk [tilespmem:v37+s14+$0x0], $0xffff  }
0x44f: {  	s0 =	simm.s32 $0x8;
	v34 =	vld.idx.msk [tilespmem:v32+s17+$0x0], $0xffff  }
.LBB2_19:
0x450: {  	p1 =	slt.u32 s0, $0x38;
	s13 =	smov.u32 s0;
	s0 =	sadd.s32 $0x8, s0  }
0x451: {  	v35 =	vadd.s32 s13, v0  }
0x452: {  	v36 =	vand.u32 $0x38, v35;
	v35 =	vshll.u32 v35, $0x7  }
0x453: {  	v36 =	vor.u32 v20, v36;
	v35 =	vand.u32 $0x1C00, v35  }
0x454: {  	v35 =	vor.u32 v21, v35  }
0x455: {  	v33 =	vmul.f32 v34, v33;
	_ =	sdelay $0x1  }
0x456: {  	[tilespmem:v32+s22+$0x0] =	vst.idx.msk $0xffff, v33  }
0x457: {  	v32 =	vld.idx.msk [tilespmem:v36+s14+$0x0], $0xffff  }
0x458: {  	s18 =	sadd.s32 $0x1, s13;
	v33 =	vld.idx.msk [tilespmem:v35+s17+$0x0], $0xffff  }
0x459: {  	v34 =	vadd.s32 s18, v0  }
0x45a: {  	v36 =	vand.u32 $0x3F, v34;
	v34 =	vshll.u32 v34, $0x7  }
0x45b: {  	v34 =	vand.u32 $0x1F80, v34  }
0x45c: {  	v36 =	vor.u32 v30, v36;
	v34 =	vor.u32 v31, v34;
	_ =	sdelay $0x1  }
0x45d: {  	v32 =	vmul.f32 v33, v32;
	_ =	sdelay $0x1  }
0x45e: {  	[tilespmem:v35+s22+$0x0] =	vst.idx.msk $0xffff, v32  }
0x45f: {  	v32 =	vld.idx.msk [tilespmem:v36+s14+$0x0], $0xffff  }
0x460: {  	s18 =	sadd.s32 $0x2, s13;
	v33 =	vld.idx.msk [tilespmem:v34+s17+$0x0], $0xffff  }
0x461: {  	v35 =	vadd.s32 s18, v0  }
0x462: {  	v36 =	vand.u32 $0x3F, v35;
	v35 =	vshll.u32 v35, $0x7  }
0x463: {  	v36 =	vor.u32 v30, v36;
	v35 =	vand.u32 $0x1F80, v35  }
0x464: {  	v35 =	vor.u32 v31, v35;
	_ =	sdelay $0x1  }
0x465: {  	v32 =	vmul.f32 v33, v32;
	_ =	sdelay $0x1  }
0x466: {  	[tilespmem:v34+s22+$0x0] =	vst.idx.msk $0xffff, v32  }
0x467: {  	v32 =	vld.idx.msk [tilespmem:v36+s14+$0x0], $0xffff  }
0x468: {  	s18 =	sadd.s32 $0x3, s13;
	v33 =	vld.idx.msk [tilespmem:v35+s17+$0x0], $0xffff  }
0x469: {  	v34 =	vadd.s32 s18, v0  }
0x46a: {  	v36 =	vand.u32 $0x3F, v34;
	v34 =	vshll.u32 v34, $0x7  }
0x46b: {  	v36 =	vor.u32 v30, v36;
	v34 =	vand.u32 $0x1F80, v34  }
0x46c: {  	v34 =	vor.u32 v31, v34;
	_ =	sdelay $0x1  }
0x46d: {  	v32 =	vmul.f32 v33, v32;
	_ =	sdelay $0x1  }
0x46e: {  	[tilespmem:v35+s22+$0x0] =	vst.idx.msk $0xffff, v32  }
0x46f: {  	v32 =	vld.idx.msk [tilespmem:v36+s14+$0x0], $0xffff  }
0x470: {  	s18 =	sadd.s32 $0x4, s13;
	v33 =	vld.idx.msk [tilespmem:v34+s17+$0x0], $0xffff  }
0x471: {  	v35 =	vadd.s32 s18, v0  }
0x472: {  	v36 =	vshll.u32 v35, $0x7  }
0x473: {  	v35 =	vand.u32 $0x3F, v35;
	v36 =	vand.u32 $0x1F80, v36  }
0x474: {  	v35 =	vor.u32 v30, v35;
	v36 =	vor.u32 v31, v36;
	_ =	sdelay $0x1  }
0x475: {  	v32 =	vmul.f32 v33, v32;
	_ =	sdelay $0x1  }
0x476: {  	[tilespmem:v34+s22+$0x0] =	vst.idx.msk $0xffff, v32  }
0x477: {  	v32 =	vld.idx.msk [tilespmem:v35+s14+$0x0], $0xffff  }
0x478: {  	s18 =	sadd.s32 $0x5, s13;
	v33 =	vld.idx.msk [tilespmem:v36+s17+$0x0], $0xffff  }
0x479: {  	v34 =	vadd.s32 s18, v0  }
0x47a: {  	v35 =	vshll.u32 v34, $0x7  }
0x47b: {  	v34 =	vand.u32 $0x3F, v34;
	v35 =	vand.u32 $0x1F80, v35  }
0x47c: {  	v34 =	vor.u32 v30, v34;
	v35 =	vor.u32 v31, v35;
	_ =	sdelay $0x1  }
0x47d: {  	v32 =	vmul.f32 v33, v32;
	_ =	sdelay $0x1  }
0x47e: {  	[tilespmem:v36+s22+$0x0] =	vst.idx.msk $0xffff, v32  }
0x47f: {  	v32 =	vld.idx.msk [tilespmem:v34+s14+$0x0], $0xffff  }
0x480: {  	s18 =	sadd.s32 $0x6, s13;
	v33 =	vld.idx.msk [tilespmem:v35+s17+$0x0], $0xffff  }
0x481: {  	v34 =	vadd.s32 s18, v0  }
0x482: {  	v36 =	vshll.u32 v34, $0x7  }
0x483: {  	v34 =	vand.u32 $0x3F, v34;
	v36 =	vand.u32 $0x1F80, v36  }
0x484: {  	v34 =	vor.u32 v30, v34;
	v36 =	vor.u32 v31, v36;
	_ =	sdelay $0x1  }
0x485: {  	v32 =	vmul.f32 v33, v32;
	_ =	sdelay $0x1  }
0x486: {  	[tilespmem:v35+s22+$0x0] =	vst.idx.msk $0xffff, v32  }
0x487: {  	v33 =	vld.idx.msk [tilespmem:v34+s14+$0x0], $0xffff  }
0x488: {  	s13 =	sadd.s32 $0x7, s13;
	v34 =	vld.idx.msk [tilespmem:v36+s17+$0x0], $0xffff  }
0x489: {  	v32 =	vadd.s32 s13, v0  }
0x48a: {  	v35 =	vshll.u32 v32, $0x7  }
0x48b: {  	v32 =	vand.u32 $0x3F, v32;
	v35 =	vand.u32 $0x1F80, v35  }
0x48c: {  	v37 =	vor.u32 v30, v32;
	v32 =	vor.u32 v31, v35;
	_ =	sdelay $0x1  }
.Ltmp10:
0x48d: {  	v33 =	vmul.f32 v34, v33;
	(pc) =	sbr.rel @p1 .LBB2_19-.Ltmp10, $4  }
0x48e: {  	_ = 	snop  }
0x48f: {  	[tilespmem:v36+s22+$0x0] =	vst.idx.msk $0xffff, v33  }
0x490: {  	v33 =	vld.idx.msk [tilespmem:v37+s14+$0x0], $0xffff  }
0x491: {  	v34 =	vld.idx.msk [tilespmem:v32+s17+$0x0], $0xffff  }
0x492: {  	_ =	sdelay $0x2  }
0x493: {  	s0 =	sshll.u32 s2, $0x7  }
0x494: {  	s18 =	sshll.u32 s2, $0xA;
	s0 =	sand.u32 $0xF00, s0;
	v33 =	vmul.f32 v34, v33  }
0x495: {  	s2 =	sand.u32 $0xFFF8000, s18;
	s0 =	sadd.s32 s3, s0  }
0x496: {  	p1 =	seq.s32 s30, $0x18;
	s0 =	sadd.s32 s2, s0;
	[tilespmem:v32+s22+$0x0] =	vst.idx.msk $0xffff, v33  }
0x497: {  	[hbm4b:s0+s15] =	stream.strided.scatter [tilespmem:s22], [sflag:$0x3], $0x2000, s16, s15, $0x38;
	[tilespmem:$0xF200] =	vst v63  }
0x498: {  	s0 =	sadd.s32 @!p1 $0x2, s31  }
0x499: {  	s2 =	sshll.u32 @!p1 s0, $0x7  }
0x49a: {  	s13 =	simm.s32 @!p1 $0x80;
	s2 =	sand.u32 @!p1 $0x3FFFFF80, s2  }
0x49b: {  	s18 =	simm.s32 @!p1 $0x3200;
	s0 =	sadd.s32 @!p1 s7, s0;
	s2 =	sadd.s32 @!p1 $0x1900, s2  }
0x49c: {  	[tilespmem:s18], [sflag:$0x1] =	stream.indirect.gather @!p1 [hbm4b:s5+s13], $0x40, s2, s13, $0xb8;
	[tilespmem:$0xF200] =	vst v63  }
0x49d: {  	s2 =	sshll.u32 @!p1 s0, $0x7  }
0x49e: {  	s0 =	sshll.u32 @!p1 s0, $0xA;
	s2 =	sand.u32 @!p1 $0xF00, s2  }
0x49f: {  	s13 =	simm.s32 @!p1 $0x8000;
	s0 =	sand.u32 @!p1 $0xFFF8000, s0;
	s2 =	sadd.s32 @!p1 s1, s2  }
0x4a0: {  	s18 =	simm.s32 @!p1 $0x7200;
	s0 =	sadd.s32 @!p1 s0, s2;
	s2 =	simm.s32 @!p1 $0x400  }
0x4a1: {  	[tilespmem:s18], [sflag:$0x1] =	stream.strided.gather @!p1 [hbm4b:s0+s2], $0x2000, s13, s2, $0x38;
	[tilespmem:$0xF200] =	vst v63  }
0x4a2: {  	_ =	swait.ge [sflag:s23], $0x2000  }
0x4a3: {  	s2 =	simm.s32 $0x0;
	[sflag:s23] =	ssyncset.done $0x0  }
0x4a4: {  	v50 =	vadd.s32 s2, v0;
	[sflag:s23] =	ssyncadd.s32 $0xFFFFE000  }
0x4a5: {  	v32 =	vand.u32 $0x38, v50;
	v33 =	vshll.u32 v50, $0x7;
	_ =	swait.ge [sflag:s23], $0x2000  }
0x4a6: {  	v51 =	vor.u32 v1, v32;
	v33 =	vand.u32 $0x1C00, v33;
	[sflag:s23] =	ssyncset.done $0x0  }
0x4a7: {  	s0 =	simm.s32 @!p0 $0x4;
	v36 =	vor.u32 v3, v33;
	[sflag:s23] =	ssyncadd.s32 $0xFFFFE000  }
0x4a8: {  	_ =	swait.ge @!p0 [sflag:s0], $0x2000  }
0x4a9: {  	[sflag:s0] =	ssyncset.done @!p0 $0x0  }
0x4aa: {  	[sflag:s0] =	ssyncadd.s32 @!p0 $0xFFFFE000  }
0x4ab: {  	v37 =	vld.idx.msk [tilespmem:v51+s19+$0x0], $0xffff  }
0x4ac: {  	s13 =	simm.s32 $0x1;
	v38 =	vld.idx.msk [tilespmem:v36+s20+$0x0], $0xffff  }
0x4ad: {  	v35 =	vadd.s32 s13, v0  }
0x4ae: {  	v34 =	vand.u32 $0x3F, v35;
	v35 =	vshll.u32 v35, $0x7  }
0x4af: {  	v35 =	vand.u32 $0x1F80, v35;
	v39 =	vor.u32 v2, v34  }
0x4b0: {  	v40 =	vor.u32 v0, v35  }
0x4b1: {  	v37 =	vmul.f32 v38, v37;
	_ =	sdelay $0x1  }
0x4b2: {  	[tilespmem:v36+s24+$0x0] =	vst.idx.msk $0xffff, v37  }
0x4b3: {  	v52 =	vld.idx.msk [tilespmem:v39+s19+$0x0], $0xffff  }
0x4b4: {  	s18 =	simm.s32 $0x2;
	v53 =	vld.idx.msk [tilespmem:v40+s20+$0x0], $0xffff  }
0x4b5: {  	v54 =	vadd.s32 s18, v0  }
0x4b6: {  	v36 =	vand.u32 $0x3F, v54;
	v37 =	vshll.u32 v54, $0x7  }
0x4b7: {  	v37 =	vand.u32 $0x1F80, v37;
	v41 =	vor.u32 v2, v36  }
0x4b8: {  	v42 =	vor.u32 v0, v37  }
0x4b9: {  	v38 =	vmul.f32 v53, v52;
	_ =	sdelay $0x1  }
0x4ba: {  	[tilespmem:v40+s24+$0x0] =	vst.idx.msk $0xffff, v38  }
0x4bb: {  	v40 =	vld.idx.msk [tilespmem:v41+s19+$0x0], $0xffff  }
0x4bc: {  	s2 =	simm.s32 $0x3;
	v55 =	vld.idx.msk [tilespmem:v42+s20+$0x0], $0xffff  }
0x4bd: {  	v56 =	vadd.s32 s2, v0  }
0x4be: {  	v39 =	vshll.u32 v56, $0x7;
	v38 =	vand.u32 $0x3F, v56  }
0x4bf: {  	v39 =	vand.u32 $0x1F80, v39;
	v43 =	vor.u32 v2, v38  }
0x4c0: {  	v44 =	vor.u32 v0, v39  }
0x4c1: {  	v40 =	vmul.f32 v55, v40;
	_ =	sdelay $0x1  }
0x4c2: {  	[tilespmem:v42+s24+$0x0] =	vst.idx.msk $0xffff, v40  }
0x4c3: {  	v42 =	vld.idx.msk [tilespmem:v43+s19+$0x0], $0xffff  }
0x4c4: {  	s13 =	simm.s32 $0x4;
	v57 =	vld.idx.msk [tilespmem:v44+s20+$0x0], $0xffff  }
0x4c5: {  	v58 =	vadd.s32 s13, v0  }
0x4c6: {  	v41 =	vshll.u32 v58, $0x7;
	v40 =	vand.u32 $0x3F, v58  }
0x4c7: {  	v41 =	vand.u32 $0x1F80, v41;
	v45 =	vor.u32 v2, v40  }
0x4c8: {  	v46 =	vor.u32 v0, v41  }
0x4c9: {  	v42 =	vmul.f32 v57, v42;
	_ =	sdelay $0x1  }
0x4ca: {  	[tilespmem:v44+s24+$0x0] =	vst.idx.msk $0xffff, v42  }
0x4cb: {  	v44 =	vld.idx.msk [tilespmem:v45+s19+$0x0], $0xffff  }
0x4cc: {  	s18 =	simm.s32 $0x5;
	v59 =	vld.idx.msk [tilespmem:v46+s20+$0x0], $0xffff  }
0x4cd: {  	v60 =	vadd.s32 s18, v0  }
0x4ce: {  	v43 =	vshll.u32 v60, $0x7;
	v42 =	vand.u32 $0x3F, v60  }
0x4cf: {  	v43 =	vand.u32 $0x1F80, v43;
	v47 =	vor.u32 v2, v42  }
0x4d0: {  	v48 =	vor.u32 v0, v43  }
0x4d1: {  	v44 =	vmul.f32 v59, v44;
	_ =	sdelay $0x1  }
0x4d2: {  	[tilespmem:v46+s24+$0x0] =	vst.idx.msk $0xffff, v44  }
0x4d3: {  	v46 =	vld.idx.msk [tilespmem:v47+s19+$0x0], $0xffff  }
0x4d4: {  	s2 =	simm.s32 $0x6;
	v61 =	vld.idx.msk [tilespmem:v48+s20+$0x0], $0xffff  }
0x4d5: {  	v62 =	vadd.s32 s2, v0  }
0x4d6: {  	v45 =	vshll.u32 v62, $0x7;
	v44 =	vand.u32 $0x3F, v62  }
0x4d7: {  	v45 =	vand.u32 $0x1F80, v45;
	v49 =	vor.u32 v2, v44  }
0x4d8: {  	v50 =	vor.u32 v0, v45  }
0x4d9: {  	v46 =	vmul.f32 v61, v46;
	_ =	sdelay $0x1  }
0x4da: {  	[tilespmem:v48+s24+$0x0] =	vst.idx.msk $0xffff, v46  }
0x4db: {  	v49 =	vld.idx.msk [tilespmem:v49+s19+$0x0], $0xffff  }
0x4dc: {  	s13 =	simm.s32 $0x7;
	v51 =	vld.idx.msk [tilespmem:v50+s20+$0x0], $0xffff  }
0x4dd: {  	v63 =	vadd.s32 s13, v0  }
0x4de: {  	v47 =	vshll.u32 v63, $0x7;
	v46 =	vand.u32 $0x3F, v63  }
0x4df: {  	v47 =	vand.u32 $0x1F80, v47;
	v52 =	vor.u32 v2, v46  }
0x4e0: {  	v48 =	vor.u32 v0, v47  }
0x4e1: {  	v49 =	vmul.f32 v51, v49;
	_ =	sdelay $0x1  }
0x4e2: {  	[tilespmem:v50+s24+$0x0] =	vst.idx.msk $0xffff, v49  }
0x4e3: {  	s18 =	sadd.s32 s31, s7;
	v49 =	vld.idx.msk [tilespmem:v52+s19+$0x0], $0xffff  }
0x4e4: {  	s2 =	sadd.s32 $0x1, s18;
	s0 =	simm.s32 $0x8;
	v50 =	vld.idx.msk [tilespmem:v48+s20+$0x0], $0xffff  }
.LBB2_21:
0x4e5: {  	p0 =	slt.u32 s0, $0x38;
	s13 =	smov.u32 s0;
	s0 =	sadd.s32 $0x8, s0  }
0x4e6: {  	v51 =	vadd.s32 s13, v0  }
0x4e7: {  	v52 =	vand.u32 $0x38, v51;
	v51 =	vshll.u32 v51, $0x7  }
0x4e8: {  	v52 =	vor.u32 v1, v52;
	v51 =	vand.u32 $0x1C00, v51  }
0x4e9: {  	v51 =	vor.u32 v3, v51  }
0x4ea: {  	v49 =	vmul.f32 v50, v49;
	_ =	sdelay $0x1  }
0x4eb: {  	[tilespmem:v48+s24+$0x0] =	vst.idx.msk $0xffff, v49  }
0x4ec: {  	v48 =	vld.idx.msk [tilespmem:v52+s19+$0x0], $0xffff  }
0x4ed: {  	s18 =	sadd.s32 $0x1, s13;
	v49 =	vld.idx.msk [tilespmem:v51+s20+$0x0], $0xffff  }
0x4ee: {  	v50 =	vadd.s32 s18, v0  }
0x4ef: {  	v52 =	vand.u32 $0x3F, v50;
	v50 =	vshll.u32 v50, $0x7  }
0x4f0: {  	v50 =	vand.u32 $0x1F80, v50  }
0x4f1: {  	v52 =	vor.u32 v2, v52;
	v50 =	vor.u32 v0, v50;
	_ =	sdelay $0x1  }
0x4f2: {  	v48 =	vmul.f32 v49, v48;
	_ =	sdelay $0x1  }
0x4f3: {  	[tilespmem:v51+s24+$0x0] =	vst.idx.msk $0xffff, v48  }
0x4f4: {  	v48 =	vld.idx.msk [tilespmem:v52+s19+$0x0], $0xffff  }
0x4f5: {  	s18 =	sadd.s32 $0x2, s13;
	v49 =	vld.idx.msk [tilespmem:v50+s20+$0x0], $0xffff  }
0x4f6: {  	v51 =	vadd.s32 s18, v0  }
0x4f7: {  	v52 =	vand.u32 $0x3F, v51;
	v51 =	vshll.u32 v51, $0x7  }
0x4f8: {  	v51 =	vand.u32 $0x1F80, v51  }
0x4f9: {  	v52 =	vor.u32 v2, v52;
	v51 =	vor.u32 v0, v51;
	_ =	sdelay $0x1  }
0x4fa: {  	v48 =	vmul.f32 v49, v48;
	_ =	sdelay $0x1  }
0x4fb: {  	[tilespmem:v50+s24+$0x0] =	vst.idx.msk $0xffff, v48  }
0x4fc: {  	v48 =	vld.idx.msk [tilespmem:v52+s19+$0x0], $0xffff  }
0x4fd: {  	s18 =	sadd.s32 $0x3, s13;
	v49 =	vld.idx.msk [tilespmem:v51+s20+$0x0], $0xffff  }
0x4fe: {  	v50 =	vadd.s32 s18, v0  }
0x4ff: {  	v52 =	vand.u32 $0x3F, v50;
	v50 =	vshll.u32 v50, $0x7  }
0x500: {  	v50 =	vand.u32 $0x1F80, v50  }
0x501: {  	v52 =	vor.u32 v2, v52;
	v50 =	vor.u32 v0, v50;
	_ =	sdelay $0x1  }
0x502: {  	v48 =	vmul.f32 v49, v48;
	_ =	sdelay $0x1  }
0x503: {  	[tilespmem:v51+s24+$0x0] =	vst.idx.msk $0xffff, v48  }
0x504: {  	v48 =	vld.idx.msk [tilespmem:v52+s19+$0x0], $0xffff  }
0x505: {  	s18 =	sadd.s32 $0x4, s13;
	v49 =	vld.idx.msk [tilespmem:v50+s20+$0x0], $0xffff  }
0x506: {  	v51 =	vadd.s32 s18, v0  }
0x507: {  	v52 =	vand.u32 $0x3F, v51;
	v51 =	vshll.u32 v51, $0x7  }
0x508: {  	v51 =	vand.u32 $0x1F80, v51  }
0x509: {  	v52 =	vor.u32 v2, v52;
	v51 =	vor.u32 v0, v51;
	_ =	sdelay $0x1  }
0x50a: {  	v48 =	vmul.f32 v49, v48;
	_ =	sdelay $0x1  }
0x50b: {  	[tilespmem:v50+s24+$0x0] =	vst.idx.msk $0xffff, v48  }
0x50c: {  	v48 =	vld.idx.msk [tilespmem:v52+s19+$0x0], $0xffff  }
0x50d: {  	s18 =	sadd.s32 $0x5, s13;
	v49 =	vld.idx.msk [tilespmem:v51+s20+$0x0], $0xffff  }
0x50e: {  	v50 =	vadd.s32 s18, v0  }
0x50f: {  	v52 =	vand.u32 $0x3F, v50;
	v50 =	vshll.u32 v50, $0x7  }
0x510: {  	v50 =	vand.u32 $0x1F80, v50  }
0x511: {  	v52 =	vor.u32 v2, v52;
	v50 =	vor.u32 v0, v50;
	_ =	sdelay $0x1  }
0x512: {  	v48 =	vmul.f32 v49, v48;
	_ =	sdelay $0x1  }
0x513: {  	[tilespmem:v51+s24+$0x0] =	vst.idx.msk $0xffff, v48  }
0x514: {  	v48 =	vld.idx.msk [tilespmem:v52+s19+$0x0], $0xffff  }
0x515: {  	s18 =	sadd.s32 $0x6, s13;
	v49 =	vld.idx.msk [tilespmem:v50+s20+$0x0], $0xffff  }
0x516: {  	v51 =	vadd.s32 s18, v0  }
0x517: {  	v52 =	vand.u32 $0x3F, v51;
	v51 =	vshll.u32 v51, $0x7  }
0x518: {  	v51 =	vand.u32 $0x1F80, v51  }
0x519: {  	v52 =	vor.u32 v2, v52;
	v51 =	vor.u32 v0, v51;
	_ =	sdelay $0x1  }
0x51a: {  	v48 =	vmul.f32 v49, v48;
	_ =	sdelay $0x1  }
0x51b: {  	[tilespmem:v50+s24+$0x0] =	vst.idx.msk $0xffff, v48  }
0x51c: {  	v49 =	vld.idx.msk [tilespmem:v52+s19+$0x0], $0xffff  }
0x51d: {  	s13 =	sadd.s32 $0x7, s13;
	v50 =	vld.idx.msk [tilespmem:v51+s20+$0x0], $0xffff  }
0x51e: {  	v48 =	vadd.s32 s13, v0  }
0x51f: {  	v52 =	vand.u32 $0x3F, v48;
	v48 =	vshll.u32 v48, $0x7  }
0x520: {  	v48 =	vand.u32 $0x1F80, v48  }
0x521: {  	v52 =	vor.u32 v2, v52;
	v48 =	vor.u32 v0, v48;
	_ =	sdelay $0x1  }
.Ltmp11:
0x522: {  	v49 =	vmul.f32 v50, v49;
	(pc) =	sbr.rel @p0 .LBB2_21-.Ltmp11, $4  }
0x523: {  	_ = 	snop  }
0x524: {  	[tilespmem:v51+s24+$0x0] =	vst.idx.msk $0xffff, v49  }
0x525: {  	v49 =	vld.idx.msk [tilespmem:v52+s19+$0x0], $0xffff  }
0x526: {  	v50 =	vld.idx.msk [tilespmem:v48+s20+$0x0], $0xffff  }
0x527: {  	_ =	sdelay $0x1  }
0x528: {  	v32 =	vor.u32 v4, v32  }
0x529: {  	v33 =	vor.u32 v5, v33  }
0x52a: {  	v49 =	vmul.f32 v50, v49;
	_ =	sdelay $0x1  }
0x52b: {  	[tilespmem:v48+s24+$0x0] =	vst.idx.msk $0xffff, v49  }
0x52c: {  	v32 =	vld.idx.msk [tilespmem:v32+s19+$0x0], $0xffff  }
0x52d: {  	v48 =	vld.idx.msk [tilespmem:v33+s20+$0x0], $0xffff;
	_ =	sdelay $0x2  }
0x52e: {  	v34 =	vor.u32 v6, v34  }
0x52f: {  	v35 =	vor.u32 v7, v35  }
0x530: {  	v32 =	vmul.f32 v48, v32;
	_ =	sdelay $0x1  }
0x531: {  	[tilespmem:v33+s24+$0x0] =	vst.idx.msk $0xffff, v32  }
0x532: {  	v32 =	vld.idx.msk [tilespmem:v34+s19+$0x0], $0xffff  }
0x533: {  	v33 =	vld.idx.msk [tilespmem:v35+s20+$0x0], $0xffff;
	_ =	sdelay $0x2  }
0x534: {  	v48 =	vor.u32 v6, v36  }
0x535: {  	v49 =	vor.u32 v7, v37  }
0x536: {  	v32 =	vmul.f32 v33, v32;
	_ =	sdelay $0x1  }
0x537: {  	[tilespmem:v35+s24+$0x0] =	vst.idx.msk $0xffff, v32  }
0x538: {  	v32 =	vld.idx.msk [tilespmem:v48+s19+$0x0], $0xffff  }
0x539: {  	v50 =	vld.idx.msk [tilespmem:v49+s20+$0x0], $0xffff;
	_ =	sdelay $0x2  }
0x53a: {  	v51 =	vor.u32 v6, v38  }
0x53b: {  	v52 =	vor.u32 v7, v39  }
0x53c: {  	v32 =	vmul.f32 v50, v32;
	_ =	sdelay $0x1  }
0x53d: {  	[tilespmem:v49+s24+$0x0] =	vst.idx.msk $0xffff, v32  }
0x53e: {  	v32 =	vld.idx.msk [tilespmem:v51+s19+$0x0], $0xffff  }
0x53f: {  	v53 =	vld.idx.msk [tilespmem:v52+s20+$0x0], $0xffff;
	_ =	sdelay $0x2  }
0x540: {  	v54 =	vor.u32 v6, v40  }
0x541: {  	v55 =	vor.u32 v7, v41  }
0x542: {  	v32 =	vmul.f32 v53, v32;
	_ =	sdelay $0x1  }
0x543: {  	[tilespmem:v52+s24+$0x0] =	vst.idx.msk $0xffff, v32  }
0x544: {  	v32 =	vld.idx.msk [tilespmem:v54+s19+$0x0], $0xffff  }
0x545: {  	v56 =	vld.idx.msk [tilespmem:v55+s20+$0x0], $0xffff;
	_ =	sdelay $0x2  }
0x546: {  	v57 =	vor.u32 v6, v42  }
0x547: {  	v58 =	vor.u32 v7, v43  }
0x548: {  	v32 =	vmul.f32 v56, v32;
	_ =	sdelay $0x1  }
0x549: {  	[tilespmem:v55+s24+$0x0] =	vst.idx.msk $0xffff, v32  }
0x54a: {  	v32 =	vld.idx.msk [tilespmem:v57+s19+$0x0], $0xffff  }
0x54b: {  	v59 =	vld.idx.msk [tilespmem:v58+s20+$0x0], $0xffff;
	_ =	sdelay $0x2  }
0x54c: {  	v60 =	vor.u32 v6, v44  }
0x54d: {  	v61 =	vor.u32 v7, v45  }
0x54e: {  	v32 =	vmul.f32 v59, v32;
	_ =	sdelay $0x1  }
0x54f: {  	[tilespmem:v58+s24+$0x0] =	vst.idx.msk $0xffff, v32  }
0x550: {  	v32 =	vld.idx.msk [tilespmem:v60+s19+$0x0], $0xffff  }
0x551: {  	v62 =	vld.idx.msk [tilespmem:v61+s20+$0x0], $0xffff;
	_ =	sdelay $0x2  }
0x552: {  	v63 =	vor.u32 v6, v46  }
0x553: {  	v34 =	vor.u32 v7, v47  }
0x554: {  	v32 =	vmul.f32 v62, v32;
	_ =	sdelay $0x1  }
0x555: {  	[tilespmem:v61+s24+$0x0] =	vst.idx.msk $0xffff, v32  }
0x556: {  	v35 =	vld.idx.msk [tilespmem:v63+s19+$0x0], $0xffff  }
0x557: {  	s0 =	simm.s32 $0x8;
	v36 =	vld.idx.msk [tilespmem:v34+s20+$0x0], $0xffff  }
.LBB2_23:
0x558: {  	p0 =	slt.u32 s0, $0x38;
	s13 =	smov.u32 s0;
	s0 =	sadd.s32 $0x8, s0  }
0x559: {  	v32 =	vadd.s32 s13, v0  }
0x55a: {  	v33 =	vand.u32 $0x38, v32;
	v32 =	vshll.u32 v32, $0x7  }
0x55b: {  	v33 =	vor.u32 v4, v33;
	v32 =	vand.u32 $0x1C00, v32  }
0x55c: {  	v32 =	vor.u32 v5, v32  }
0x55d: {  	v35 =	vmul.f32 v36, v35;
	_ =	sdelay $0x1  }
0x55e: {  	[tilespmem:v34+s24+$0x0] =	vst.idx.msk $0xffff, v35  }
0x55f: {  	v33 =	vld.idx.msk [tilespmem:v33+s19+$0x0], $0xffff  }
0x560: {  	s18 =	sadd.s32 $0x1, s13;
	v34 =	vld.idx.msk [tilespmem:v32+s20+$0x0], $0xffff  }
0x561: {  	v35 =	vadd.s32 s18, v0  }
0x562: {  	v36 =	vand.u32 $0x3F, v35;
	v35 =	vshll.u32 v35, $0x7  }
0x563: {  	v35 =	vand.u32 $0x1F80, v35  }
0x564: {  	v36 =	vor.u32 v6, v36;
	v35 =	vor.u32 v7, v35;
	_ =	sdelay $0x1  }
0x565: {  	v33 =	vmul.f32 v34, v33;
	_ =	sdelay $0x1  }
0x566: {  	[tilespmem:v32+s24+$0x0] =	vst.idx.msk $0xffff, v33  }
0x567: {  	v32 =	vld.idx.msk [tilespmem:v36+s19+$0x0], $0xffff  }
0x568: {  	s18 =	sadd.s32 $0x2, s13;
	v33 =	vld.idx.msk [tilespmem:v35+s20+$0x0], $0xffff  }
0x569: {  	v34 =	vadd.s32 s18, v0  }
0x56a: {  	v36 =	vand.u32 $0x3F, v34;
	v34 =	vshll.u32 v34, $0x7  }
0x56b: {  	v34 =	vand.u32 $0x1F80, v34  }
0x56c: {  	v36 =	vor.u32 v6, v36;
	v34 =	vor.u32 v7, v34;
	_ =	sdelay $0x1  }
0x56d: {  	v32 =	vmul.f32 v33, v32;
	_ =	sdelay $0x1  }
0x56e: {  	[tilespmem:v35+s24+$0x0] =	vst.idx.msk $0xffff, v32  }
0x56f: {  	v32 =	vld.idx.msk [tilespmem:v36+s19+$0x0], $0xffff  }
0x570: {  	s18 =	sadd.s32 $0x3, s13;
	v33 =	vld.idx.msk [tilespmem:v34+s20+$0x0], $0xffff  }
0x571: {  	v35 =	vadd.s32 s18, v0  }
0x572: {  	v36 =	vand.u32 $0x3F, v35;
	v35 =	vshll.u32 v35, $0x7  }
0x573: {  	v35 =	vand.u32 $0x1F80, v35  }
0x574: {  	v36 =	vor.u32 v6, v36;
	v35 =	vor.u32 v7, v35;
	_ =	sdelay $0x1  }
0x575: {  	v32 =	vmul.f32 v33, v32;
	_ =	sdelay $0x1  }
0x576: {  	[tilespmem:v34+s24+$0x0] =	vst.idx.msk $0xffff, v32  }
0x577: {  	v32 =	vld.idx.msk [tilespmem:v36+s19+$0x0], $0xffff  }
0x578: {  	s18 =	sadd.s32 $0x4, s13;
	v33 =	vld.idx.msk [tilespmem:v35+s20+$0x0], $0xffff  }
0x579: {  	v34 =	vadd.s32 s18, v0  }
0x57a: {  	v36 =	vand.u32 $0x3F, v34;
	v34 =	vshll.u32 v34, $0x7  }
0x57b: {  	v34 =	vand.u32 $0x1F80, v34  }
0x57c: {  	v36 =	vor.u32 v6, v36;
	v34 =	vor.u32 v7, v34;
	_ =	sdelay $0x1  }
0x57d: {  	v32 =	vmul.f32 v33, v32;
	_ =	sdelay $0x1  }
0x57e: {  	[tilespmem:v35+s24+$0x0] =	vst.idx.msk $0xffff, v32  }
0x57f: {  	v32 =	vld.idx.msk [tilespmem:v36+s19+$0x0], $0xffff  }
0x580: {  	s18 =	sadd.s32 $0x5, s13;
	v33 =	vld.idx.msk [tilespmem:v34+s20+$0x0], $0xffff  }
0x581: {  	v35 =	vadd.s32 s18, v0  }
0x582: {  	v36 =	vand.u32 $0x3F, v35;
	v35 =	vshll.u32 v35, $0x7  }
0x583: {  	v35 =	vand.u32 $0x1F80, v35  }
0x584: {  	v36 =	vor.u32 v6, v36;
	v35 =	vor.u32 v7, v35;
	_ =	sdelay $0x1  }
0x585: {  	v32 =	vmul.f32 v33, v32;
	_ =	sdelay $0x1  }
0x586: {  	[tilespmem:v34+s24+$0x0] =	vst.idx.msk $0xffff, v32  }
0x587: {  	v32 =	vld.idx.msk [tilespmem:v36+s19+$0x0], $0xffff  }
0x588: {  	s18 =	sadd.s32 $0x6, s13;
	v33 =	vld.idx.msk [tilespmem:v35+s20+$0x0], $0xffff  }
0x589: {  	v34 =	vadd.s32 s18, v0  }
0x58a: {  	v36 =	vand.u32 $0x3F, v34;
	v34 =	vshll.u32 v34, $0x7  }
0x58b: {  	v34 =	vand.u32 $0x1F80, v34  }
0x58c: {  	v36 =	vor.u32 v6, v36;
	v37 =	vor.u32 v7, v34;
	_ =	sdelay $0x1  }
0x58d: {  	v32 =	vmul.f32 v33, v32;
	_ =	sdelay $0x1  }
0x58e: {  	[tilespmem:v35+s24+$0x0] =	vst.idx.msk $0xffff, v32  }
0x58f: {  	v32 =	vld.idx.msk [tilespmem:v36+s19+$0x0], $0xffff  }
0x590: {  	s13 =	sadd.s32 $0x7, s13;
	v33 =	vld.idx.msk [tilespmem:v37+s20+$0x0], $0xffff  }
0x591: {  	v34 =	vadd.s32 s13, v0  }
0x592: {  	v35 =	vand.u32 $0x3F, v34;
	v34 =	vshll.u32 v34, $0x7  }
0x593: {  	v34 =	vand.u32 $0x1F80, v34  }
0x594: {  	v35 =	vor.u32 v6, v35;
	v34 =	vor.u32 v7, v34;
	_ =	sdelay $0x1  }
.Ltmp12:
0x595: {  	v32 =	vmul.f32 v33, v32;
	(pc) =	sbr.rel @p0 .LBB2_23-.Ltmp12, $4  }
0x596: {  	_ = 	snop  }
0x597: {  	[tilespmem:v37+s24+$0x0] =	vst.idx.msk $0xffff, v32  }
0x598: {  	v35 =	vld.idx.msk [tilespmem:v35+s19+$0x0], $0xffff  }
0x599: {  	v36 =	vld.idx.msk [tilespmem:v34+s20+$0x0], $0xffff  }
0x59a: {  	s0 =	simm.s32 $0x0  }
0x59b: {  	v33 =	vadd.s32 s0, v0  }
0x59c: {  	v32 =	vand.u32 $0x38, v33;
	v33 =	vshll.u32 v33, $0x7  }
0x59d: {  	v37 =	vor.u32 v8, v32;
	v33 =	vand.u32 $0x1C00, v33  }
0x59e: {  	v38 =	vor.u32 v9, v33  }
0x59f: {  	v35 =	vmul.f32 v36, v35;
	_ =	sdelay $0x1  }
0x5a0: {  	[tilespmem:v34+s24+$0x0] =	vst.idx.msk $0xffff, v35  }
0x5a1: {  	v50 =	vld.idx.msk [tilespmem:v37+s19+$0x0], $0xffff  }
0x5a2: {  	s18 =	simm.s32 $0x1;
	v51 =	vld.idx.msk [tilespmem:v38+s20+$0x0], $0xffff  }
0x5a3: {  	v52 =	vadd.s32 s18, v0  }
0x5a4: {  	v34 =	vand.u32 $0x3F, v52;
	v35 =	vshll.u32 v52, $0x7  }
0x5a5: {  	v35 =	vand.u32 $0x1F80, v35;
	v39 =	vor.u32 v10, v34  }
0x5a6: {  	v40 =	vor.u32 v11, v35  }
0x5a7: {  	v36 =	vmul.f32 v51, v50;
	_ =	sdelay $0x1  }
0x5a8: {  	[tilespmem:v38+s24+$0x0] =	vst.idx.msk $0xffff, v36  }
0x5a9: {  	v38 =	vld.idx.msk [tilespmem:v39+s19+$0x0], $0xffff  }
0x5aa: {  	s13 =	simm.s32 $0x2;
	v53 =	vld.idx.msk [tilespmem:v40+s20+$0x0], $0xffff  }
0x5ab: {  	v54 =	vadd.s32 s13, v0  }
0x5ac: {  	v37 =	vshll.u32 v54, $0x7;
	v36 =	vand.u32 $0x3F, v54  }
0x5ad: {  	v37 =	vand.u32 $0x1F80, v37;
	v41 =	vor.u32 v10, v36  }
0x5ae: {  	v42 =	vor.u32 v11, v37  }
0x5af: {  	v38 =	vmul.f32 v53, v38;
	_ =	sdelay $0x1  }
0x5b0: {  	[tilespmem:v40+s24+$0x0] =	vst.idx.msk $0xffff, v38  }
0x5b1: {  	v40 =	vld.idx.msk [tilespmem:v41+s19+$0x0], $0xffff  }
0x5b2: {  	s18 =	simm.s32 $0x3;
	v55 =	vld.idx.msk [tilespmem:v42+s20+$0x0], $0xffff  }
0x5b3: {  	v56 =	vadd.s32 s18, v0  }
0x5b4: {  	v39 =	vshll.u32 v56, $0x7;
	v38 =	vand.u32 $0x3F, v56  }
0x5b5: {  	v39 =	vand.u32 $0x1F80, v39;
	v43 =	vor.u32 v10, v38  }
0x5b6: {  	v44 =	vor.u32 v11, v39  }
0x5b7: {  	v40 =	vmul.f32 v55, v40;
	_ =	sdelay $0x1  }
0x5b8: {  	[tilespmem:v42+s24+$0x0] =	vst.idx.msk $0xffff, v40  }
0x5b9: {  	v42 =	vld.idx.msk [tilespmem:v43+s19+$0x0], $0xffff  }
0x5ba: {  	s13 =	simm.s32 $0x4;
	v57 =	vld.idx.msk [tilespmem:v44+s20+$0x0], $0xffff  }
0x5bb: {  	v58 =	vadd.s32 s13, v0  }
0x5bc: {  	v41 =	vshll.u32 v58, $0x7;
	v40 =	vand.u32 $0x3F, v58  }
0x5bd: {  	v41 =	vand.u32 $0x1F80, v41;
	v45 =	vor.u32 v10, v40  }
0x5be: {  	v46 =	vor.u32 v11, v41  }
0x5bf: {  	v42 =	vmul.f32 v57, v42;
	_ =	sdelay $0x1  }
0x5c0: {  	[tilespmem:v44+s24+$0x0] =	vst.idx.msk $0xffff, v42  }
0x5c1: {  	v44 =	vld.idx.msk [tilespmem:v45+s19+$0x0], $0xffff  }
0x5c2: {  	s18 =	simm.s32 $0x5;
	v59 =	vld.idx.msk [tilespmem:v46+s20+$0x0], $0xffff  }
0x5c3: {  	v60 =	vadd.s32 s18, v0  }
0x5c4: {  	v43 =	vshll.u32 v60, $0x7;
	v42 =	vand.u32 $0x3F, v60  }
0x5c5: {  	v43 =	vand.u32 $0x1F80, v43;
	v47 =	vor.u32 v10, v42  }
0x5c6: {  	v48 =	vor.u32 v11, v43  }
0x5c7: {  	v44 =	vmul.f32 v59, v44;
	_ =	sdelay $0x1  }
0x5c8: {  	[tilespmem:v46+s24+$0x0] =	vst.idx.msk $0xffff, v44  }
0x5c9: {  	v46 =	vld.idx.msk [tilespmem:v47+s19+$0x0], $0xffff  }
0x5ca: {  	s13 =	simm.s32 $0x6;
	v61 =	vld.idx.msk [tilespmem:v48+s20+$0x0], $0xffff  }
0x5cb: {  	v62 =	vadd.s32 s13, v0  }
0x5cc: {  	v45 =	vshll.u32 v62, $0x7;
	v44 =	vand.u32 $0x3F, v62  }
0x5cd: {  	v45 =	vand.u32 $0x1F80, v45;
	v49 =	vor.u32 v10, v44  }
0x5ce: {  	v50 =	vor.u32 v11, v45  }
0x5cf: {  	v46 =	vmul.f32 v61, v46;
	_ =	sdelay $0x1  }
0x5d0: {  	[tilespmem:v48+s24+$0x0] =	vst.idx.msk $0xffff, v46  }
0x5d1: {  	v49 =	vld.idx.msk [tilespmem:v49+s19+$0x0], $0xffff  }
0x5d2: {  	s18 =	simm.s32 $0x7;
	v51 =	vld.idx.msk [tilespmem:v50+s20+$0x0], $0xffff  }
0x5d3: {  	v63 =	vadd.s32 s18, v0  }
0x5d4: {  	v47 =	vshll.u32 v63, $0x7;
	v46 =	vand.u32 $0x3F, v63  }
0x5d5: {  	v47 =	vand.u32 $0x1F80, v47;
	v52 =	vor.u32 v10, v46  }
0x5d6: {  	v48 =	vor.u32 v11, v47  }
0x5d7: {  	v49 =	vmul.f32 v51, v49;
	_ =	sdelay $0x1  }
0x5d8: {  	[tilespmem:v50+s24+$0x0] =	vst.idx.msk $0xffff, v49  }
0x5d9: {  	v49 =	vld.idx.msk [tilespmem:v52+s19+$0x0], $0xffff  }
0x5da: {  	s0 =	simm.s32 $0x8;
	v50 =	vld.idx.msk [tilespmem:v48+s20+$0x0], $0xffff  }
.LBB2_25:
0x5db: {  	p0 =	slt.u32 s0, $0x38;
	s13 =	smov.u32 s0;
	s0 =	sadd.s32 $0x8, s0  }
0x5dc: {  	v51 =	vadd.s32 s13, v0  }
0x5dd: {  	v52 =	vand.u32 $0x38, v51;
	v51 =	vshll.u32 v51, $0x7  }
0x5de: {  	v52 =	vor.u32 v8, v52;
	v51 =	vand.u32 $0x1C00, v51  }
0x5df: {  	v51 =	vor.u32 v9, v51  }
0x5e0: {  	v49 =	vmul.f32 v50, v49;
	_ =	sdelay $0x1  }
0x5e1: {  	[tilespmem:v48+s24+$0x0] =	vst.idx.msk $0xffff, v49  }
0x5e2: {  	v48 =	vld.idx.msk [tilespmem:v52+s19+$0x0], $0xffff  }
0x5e3: {  	s18 =	sadd.s32 $0x1, s13;
	v49 =	vld.idx.msk [tilespmem:v51+s20+$0x0], $0xffff  }
0x5e4: {  	v50 =	vadd.s32 s18, v0  }
0x5e5: {  	v52 =	vand.u32 $0x3F, v50;
	v50 =	vshll.u32 v50, $0x7  }
0x5e6: {  	v50 =	vand.u32 $0x1F80, v50  }
0x5e7: {  	v52 =	vor.u32 v10, v52;
	v50 =	vor.u32 v11, v50;
	_ =	sdelay $0x1  }
0x5e8: {  	v48 =	vmul.f32 v49, v48;
	_ =	sdelay $0x1  }
0x5e9: {  	[tilespmem:v51+s24+$0x0] =	vst.idx.msk $0xffff, v48  }
0x5ea: {  	v48 =	vld.idx.msk [tilespmem:v52+s19+$0x0], $0xffff  }
0x5eb: {  	s18 =	sadd.s32 $0x2, s13;
	v49 =	vld.idx.msk [tilespmem:v50+s20+$0x0], $0xffff  }
0x5ec: {  	v51 =	vadd.s32 s18, v0  }
0x5ed: {  	v52 =	vand.u32 $0x3F, v51;
	v51 =	vshll.u32 v51, $0x7  }
0x5ee: {  	v51 =	vand.u32 $0x1F80, v51  }
0x5ef: {  	v52 =	vor.u32 v10, v52;
	v51 =	vor.u32 v11, v51;
	_ =	sdelay $0x1  }
0x5f0: {  	v48 =	vmul.f32 v49, v48;
	_ =	sdelay $0x1  }
0x5f1: {  	[tilespmem:v50+s24+$0x0] =	vst.idx.msk $0xffff, v48  }
0x5f2: {  	v48 =	vld.idx.msk [tilespmem:v52+s19+$0x0], $0xffff  }
0x5f3: {  	s18 =	sadd.s32 $0x3, s13;
	v49 =	vld.idx.msk [tilespmem:v51+s20+$0x0], $0xffff  }
0x5f4: {  	v50 =	vadd.s32 s18, v0  }
0x5f5: {  	v52 =	vand.u32 $0x3F, v50;
	v50 =	vshll.u32 v50, $0x7  }
0x5f6: {  	v50 =	vand.u32 $0x1F80, v50  }
0x5f7: {  	v52 =	vor.u32 v10, v52;
	v50 =	vor.u32 v11, v50;
	_ =	sdelay $0x1  }
0x5f8: {  	v48 =	vmul.f32 v49, v48;
	_ =	sdelay $0x1  }
0x5f9: {  	[tilespmem:v51+s24+$0x0] =	vst.idx.msk $0xffff, v48  }
0x5fa: {  	v48 =	vld.idx.msk [tilespmem:v52+s19+$0x0], $0xffff  }
0x5fb: {  	s18 =	sadd.s32 $0x4, s13;
	v49 =	vld.idx.msk [tilespmem:v50+s20+$0x0], $0xffff  }
0x5fc: {  	v51 =	vadd.s32 s18, v0  }
0x5fd: {  	v52 =	vand.u32 $0x3F, v51;
	v51 =	vshll.u32 v51, $0x7  }
0x5fe: {  	v51 =	vand.u32 $0x1F80, v51  }
0x5ff: {  	v52 =	vor.u32 v10, v52;
	v51 =	vor.u32 v11, v51;
	_ =	sdelay $0x1  }
0x600: {  	v48 =	vmul.f32 v49, v48;
	_ =	sdelay $0x1  }
0x601: {  	[tilespmem:v50+s24+$0x0] =	vst.idx.msk $0xffff, v48  }
0x602: {  	v48 =	vld.idx.msk [tilespmem:v52+s19+$0x0], $0xffff  }
0x603: {  	s18 =	sadd.s32 $0x5, s13;
	v49 =	vld.idx.msk [tilespmem:v51+s20+$0x0], $0xffff  }
0x604: {  	v50 =	vadd.s32 s18, v0  }
0x605: {  	v52 =	vand.u32 $0x3F, v50;
	v50 =	vshll.u32 v50, $0x7  }
0x606: {  	v50 =	vand.u32 $0x1F80, v50  }
0x607: {  	v52 =	vor.u32 v10, v52;
	v50 =	vor.u32 v11, v50;
	_ =	sdelay $0x1  }
0x608: {  	v48 =	vmul.f32 v49, v48;
	_ =	sdelay $0x1  }
0x609: {  	[tilespmem:v51+s24+$0x0] =	vst.idx.msk $0xffff, v48  }
0x60a: {  	v48 =	vld.idx.msk [tilespmem:v52+s19+$0x0], $0xffff  }
0x60b: {  	s18 =	sadd.s32 $0x6, s13;
	v49 =	vld.idx.msk [tilespmem:v50+s20+$0x0], $0xffff  }
0x60c: {  	v51 =	vadd.s32 s18, v0  }
0x60d: {  	v52 =	vand.u32 $0x3F, v51;
	v51 =	vshll.u32 v51, $0x7  }
0x60e: {  	v51 =	vand.u32 $0x1F80, v51  }
0x60f: {  	v52 =	vor.u32 v10, v52;
	v51 =	vor.u32 v11, v51;
	_ =	sdelay $0x1  }
0x610: {  	v48 =	vmul.f32 v49, v48;
	_ =	sdelay $0x1  }
0x611: {  	[tilespmem:v50+s24+$0x0] =	vst.idx.msk $0xffff, v48  }
0x612: {  	v49 =	vld.idx.msk [tilespmem:v52+s19+$0x0], $0xffff  }
0x613: {  	s13 =	sadd.s32 $0x7, s13;
	v50 =	vld.idx.msk [tilespmem:v51+s20+$0x0], $0xffff  }
0x614: {  	v48 =	vadd.s32 s13, v0  }
0x615: {  	v52 =	vand.u32 $0x3F, v48;
	v48 =	vshll.u32 v48, $0x7  }
0x616: {  	v48 =	vand.u32 $0x1F80, v48  }
0x617: {  	v52 =	vor.u32 v10, v52;
	v48 =	vor.u32 v11, v48;
	_ =	sdelay $0x1  }
.Ltmp13:
0x618: {  	v49 =	vmul.f32 v50, v49;
	(pc) =	sbr.rel @p0 .LBB2_25-.Ltmp13, $4  }
0x619: {  	_ = 	snop  }
0x61a: {  	[tilespmem:v51+s24+$0x0] =	vst.idx.msk $0xffff, v49  }
0x61b: {  	v49 =	vld.idx.msk [tilespmem:v52+s19+$0x0], $0xffff  }
0x61c: {  	v50 =	vld.idx.msk [tilespmem:v48+s20+$0x0], $0xffff  }
0x61d: {  	_ =	sdelay $0x1  }
0x61e: {  	v32 =	vor.u32 v12, v32  }
0x61f: {  	v33 =	vor.u32 v13, v33  }
0x620: {  	v49 =	vmul.f32 v50, v49;
	_ =	sdelay $0x1  }
0x621: {  	[tilespmem:v48+s24+$0x0] =	vst.idx.msk $0xffff, v49  }
0x622: {  	v32 =	vld.idx.msk [tilespmem:v32+s19+$0x0], $0xffff  }
0x623: {  	v48 =	vld.idx.msk [tilespmem:v33+s20+$0x0], $0xffff;
	_ =	sdelay $0x2  }
0x624: {  	v34 =	vor.u32 v26, v34  }
0x625: {  	v35 =	vor.u32 v27, v35  }
0x626: {  	v32 =	vmul.f32 v48, v32;
	_ =	sdelay $0x1  }
0x627: {  	[tilespmem:v33+s24+$0x0] =	vst.idx.msk $0xffff, v32  }
0x628: {  	v32 =	vld.idx.msk [tilespmem:v34+s19+$0x0], $0xffff  }
0x629: {  	v33 =	vld.idx.msk [tilespmem:v35+s20+$0x0], $0xffff;
	_ =	sdelay $0x2  }
0x62a: {  	v63 =	vor.u32 v26, v36  }
0x62b: {  	v48 =	vor.u32 v27, v37  }
0x62c: {  	v32 =	vmul.f32 v33, v32;
	_ =	sdelay $0x1  }
0x62d: {  	[tilespmem:v35+s24+$0x0] =	vst.idx.msk $0xffff, v32  }
0x62e: {  	v32 =	vld.idx.msk [tilespmem:v63+s19+$0x0], $0xffff  }
0x62f: {  	v49 =	vld.idx.msk [tilespmem:v48+s20+$0x0], $0xffff;
	_ =	sdelay $0x2  }
0x630: {  	v50 =	vor.u32 v26, v38  }
0x631: {  	v51 =	vor.u32 v27, v39  }
0x632: {  	v32 =	vmul.f32 v49, v32;
	_ =	sdelay $0x1  }
0x633: {  	[tilespmem:v48+s24+$0x0] =	vst.idx.msk $0xffff, v32  }
0x634: {  	v32 =	vld.idx.msk [tilespmem:v50+s19+$0x0], $0xffff  }
0x635: {  	v52 =	vld.idx.msk [tilespmem:v51+s20+$0x0], $0xffff;
	_ =	sdelay $0x2  }
0x636: {  	v53 =	vor.u32 v26, v40  }
0x637: {  	v54 =	vor.u32 v27, v41  }
0x638: {  	v32 =	vmul.f32 v52, v32;
	_ =	sdelay $0x1  }
0x639: {  	[tilespmem:v51+s24+$0x0] =	vst.idx.msk $0xffff, v32  }
0x63a: {  	v32 =	vld.idx.msk [tilespmem:v53+s19+$0x0], $0xffff  }
0x63b: {  	v55 =	vld.idx.msk [tilespmem:v54+s20+$0x0], $0xffff;
	_ =	sdelay $0x2  }
0x63c: {  	v56 =	vor.u32 v26, v42  }
0x63d: {  	v57 =	vor.u32 v27, v43  }
0x63e: {  	v32 =	vmul.f32 v55, v32;
	_ =	sdelay $0x1  }
0x63f: {  	[tilespmem:v54+s24+$0x0] =	vst.idx.msk $0xffff, v32  }
0x640: {  	v32 =	vld.idx.msk [tilespmem:v56+s19+$0x0], $0xffff  }
0x641: {  	v58 =	vld.idx.msk [tilespmem:v57+s20+$0x0], $0xffff;
	_ =	sdelay $0x2  }
0x642: {  	v59 =	vor.u32 v26, v44  }
0x643: {  	v60 =	vor.u32 v27, v45  }
0x644: {  	v32 =	vmul.f32 v58, v32;
	_ =	sdelay $0x1  }
0x645: {  	[tilespmem:v57+s24+$0x0] =	vst.idx.msk $0xffff, v32  }
0x646: {  	v61 =	vld.idx.msk [tilespmem:v59+s19+$0x0], $0xffff  }
0x647: {  	v62 =	vld.idx.msk [tilespmem:v60+s20+$0x0], $0xffff;
	_ =	sdelay $0x2  }
0x648: {  	v63 =	vor.u32 v26, v46  }
0x649: {  	v32 =	vor.u32 v27, v47  }
0x64a: {  	v33 =	vmul.f32 v62, v61;
	_ =	sdelay $0x1  }
0x64b: {  	[tilespmem:v60+s24+$0x0] =	vst.idx.msk $0xffff, v33  }
0x64c: {  	v33 =	vld.idx.msk [tilespmem:v63+s19+$0x0], $0xffff  }
0x64d: {  	s0 =	simm.s32 $0x8;
	v34 =	vld.idx.msk [tilespmem:v32+s20+$0x0], $0xffff  }
.LBB2_27:
0x64e: {  	p0 =	slt.u32 s0, $0x38;
	s13 =	smov.u32 s0;
	s0 =	sadd.s32 $0x8, s0  }
0x64f: {  	v35 =	vadd.s32 s13, v0  }
0x650: {  	v36 =	vand.u32 $0x38, v35;
	v35 =	vshll.u32 v35, $0x7  }
0x651: {  	v36 =	vor.u32 v12, v36;
	v35 =	vand.u32 $0x1C00, v35  }
0x652: {  	v35 =	vor.u32 v13, v35  }
0x653: {  	v33 =	vmul.f32 v34, v33;
	_ =	sdelay $0x1  }
0x654: {  	[tilespmem:v32+s24+$0x0] =	vst.idx.msk $0xffff, v33  }
0x655: {  	v32 =	vld.idx.msk [tilespmem:v36+s19+$0x0], $0xffff  }
0x656: {  	s18 =	sadd.s32 $0x1, s13;
	v33 =	vld.idx.msk [tilespmem:v35+s20+$0x0], $0xffff  }
0x657: {  	v34 =	vadd.s32 s18, v0  }
0x658: {  	v36 =	vand.u32 $0x3F, v34;
	v34 =	vshll.u32 v34, $0x7  }
0x659: {  	v34 =	vand.u32 $0x1F80, v34  }
0x65a: {  	v36 =	vor.u32 v26, v36;
	v34 =	vor.u32 v27, v34;
	_ =	sdelay $0x1  }
0x65b: {  	v32 =	vmul.f32 v33, v32;
	_ =	sdelay $0x1  }
0x65c: {  	[tilespmem:v35+s24+$0x0] =	vst.idx.msk $0xffff, v32  }
0x65d: {  	v32 =	vld.idx.msk [tilespmem:v36+s19+$0x0], $0xffff  }
0x65e: {  	s18 =	sadd.s32 $0x2, s13;
	v33 =	vld.idx.msk [tilespmem:v34+s20+$0x0], $0xffff  }
0x65f: {  	v35 =	vadd.s32 s18, v0  }
0x660: {  	v36 =	vand.u32 $0x3F, v35;
	v35 =	vshll.u32 v35, $0x7  }
0x661: {  	v35 =	vand.u32 $0x1F80, v35  }
0x662: {  	v36 =	vor.u32 v26, v36;
	v35 =	vor.u32 v27, v35;
	_ =	sdelay $0x1  }
0x663: {  	v32 =	vmul.f32 v33, v32;
	_ =	sdelay $0x1  }
0x664: {  	[tilespmem:v34+s24+$0x0] =	vst.idx.msk $0xffff, v32  }
0x665: {  	v32 =	vld.idx.msk [tilespmem:v36+s19+$0x0], $0xffff  }
0x666: {  	s18 =	sadd.s32 $0x3, s13;
	v33 =	vld.idx.msk [tilespmem:v35+s20+$0x0], $0xffff  }
0x667: {  	v34 =	vadd.s32 s18, v0  }
0x668: {  	v36 =	vand.u32 $0x3F, v34;
	v34 =	vshll.u32 v34, $0x7  }
0x669: {  	v34 =	vand.u32 $0x1F80, v34  }
0x66a: {  	v36 =	vor.u32 v26, v36;
	v34 =	vor.u32 v27, v34;
	_ =	sdelay $0x1  }
0x66b: {  	v32 =	vmul.f32 v33, v32;
	_ =	sdelay $0x1  }
0x66c: {  	[tilespmem:v35+s24+$0x0] =	vst.idx.msk $0xffff, v32  }
0x66d: {  	v32 =	vld.idx.msk [tilespmem:v36+s19+$0x0], $0xffff  }
0x66e: {  	s18 =	sadd.s32 $0x4, s13;
	v33 =	vld.idx.msk [tilespmem:v34+s20+$0x0], $0xffff  }
0x66f: {  	v35 =	vadd.s32 s18, v0  }
0x670: {  	v36 =	vand.u32 $0x3F, v35;
	v35 =	vshll.u32 v35, $0x7  }
0x671: {  	v35 =	vand.u32 $0x1F80, v35  }
0x672: {  	v36 =	vor.u32 v26, v36;
	v35 =	vor.u32 v27, v35;
	_ =	sdelay $0x1  }
0x673: {  	v32 =	vmul.f32 v33, v32;
	_ =	sdelay $0x1  }
0x674: {  	[tilespmem:v34+s24+$0x0] =	vst.idx.msk $0xffff, v32  }
0x675: {  	v32 =	vld.idx.msk [tilespmem:v36+s19+$0x0], $0xffff  }
0x676: {  	s18 =	sadd.s32 $0x5, s13;
	v33 =	vld.idx.msk [tilespmem:v35+s20+$0x0], $0xffff  }
0x677: {  	v34 =	vadd.s32 s18, v0  }
0x678: {  	v36 =	vand.u32 $0x3F, v34;
	v34 =	vshll.u32 v34, $0x7  }
0x679: {  	v34 =	vand.u32 $0x1F80, v34  }
0x67a: {  	v36 =	vor.u32 v26, v36;
	v34 =	vor.u32 v27, v34;
	_ =	sdelay $0x1  }
0x67b: {  	v32 =	vmul.f32 v33, v32;
	_ =	sdelay $0x1  }
0x67c: {  	[tilespmem:v35+s24+$0x0] =	vst.idx.msk $0xffff, v32  }
0x67d: {  	v32 =	vld.idx.msk [tilespmem:v36+s19+$0x0], $0xffff  }
0x67e: {  	s18 =	sadd.s32 $0x6, s13;
	v33 =	vld.idx.msk [tilespmem:v34+s20+$0x0], $0xffff  }
0x67f: {  	v35 =	vadd.s32 s18, v0  }
0x680: {  	v36 =	vand.u32 $0x3F, v35;
	v35 =	vshll.u32 v35, $0x7  }
0x681: {  	v35 =	vand.u32 $0x1F80, v35  }
0x682: {  	v36 =	vor.u32 v26, v36;
	v35 =	vor.u32 v27, v35;
	_ =	sdelay $0x1  }
0x683: {  	v32 =	vmul.f32 v33, v32;
	_ =	sdelay $0x1  }
0x684: {  	[tilespmem:v34+s24+$0x0] =	vst.idx.msk $0xffff, v32  }
0x685: {  	v33 =	vld.idx.msk [tilespmem:v36+s19+$0x0], $0xffff  }
0x686: {  	s13 =	sadd.s32 $0x7, s13;
	v34 =	vld.idx.msk [tilespmem:v35+s20+$0x0], $0xffff  }
0x687: {  	v32 =	vadd.s32 s13, v0  }
0x688: {  	v36 =	vand.u32 $0x3F, v32;
	v32 =	vshll.u32 v32, $0x7  }
0x689: {  	v32 =	vand.u32 $0x1F80, v32  }
0x68a: {  	v36 =	vor.u32 v26, v36;
	v32 =	vor.u32 v27, v32;
	_ =	sdelay $0x1  }
.Ltmp14:
0x68b: {  	v33 =	vmul.f32 v34, v33;
	(pc) =	sbr.rel @p0 .LBB2_27-.Ltmp14, $4  }
0x68c: {  	_ = 	snop  }
0x68d: {  	[tilespmem:v35+s24+$0x0] =	vst.idx.msk $0xffff, v33  }
0x68e: {  	v33 =	vld.idx.msk [tilespmem:v36+s19+$0x0], $0xffff  }
0x68f: {  	v34 =	vld.idx.msk [tilespmem:v32+s20+$0x0], $0xffff  }
0x690: {  	s0 =	simm.s32 $0x0  }
0x691: {  	v27 =	vadd.s32 s0, v0  }
0x692: {  	v26 =	vand.u32 $0x38, v27;
	v27 =	vshll.u32 v27, $0x7  }
0x693: {  	v35 =	vor.u32 v14, v26;
	v27 =	vand.u32 $0x1C00, v27  }
0x694: {  	v36 =	vor.u32 v15, v27  }
0x695: {  	v33 =	vmul.f32 v34, v33;
	_ =	sdelay $0x1  }
0x696: {  	[tilespmem:v32+s24+$0x0] =	vst.idx.msk $0xffff, v33  }
0x697: {  	v50 =	vld.idx.msk [tilespmem:v35+s19+$0x0], $0xffff  }
0x698: {  	s18 =	simm.s32 $0x1;
	v51 =	vld.idx.msk [tilespmem:v36+s20+$0x0], $0xffff  }
0x699: {  	v52 =	vadd.s32 s18, v0  }
0x69a: {  	v32 =	vand.u32 $0x3F, v52;
	v33 =	vshll.u32 v52, $0x7  }
0x69b: {  	v33 =	vand.u32 $0x1F80, v33;
	v37 =	vor.u32 v22, v32  }
0x69c: {  	v38 =	vor.u32 v23, v33  }
0x69d: {  	v34 =	vmul.f32 v51, v50;
	_ =	sdelay $0x1  }
0x69e: {  	[tilespmem:v36+s24+$0x0] =	vst.idx.msk $0xffff, v34  }
0x69f: {  	v36 =	vld.idx.msk [tilespmem:v37+s19+$0x0], $0xffff  }
0x6a0: {  	s13 =	simm.s32 $0x2;
	v53 =	vld.idx.msk [tilespmem:v38+s20+$0x0], $0xffff  }
0x6a1: {  	v54 =	vadd.s32 s13, v0  }
0x6a2: {  	v35 =	vshll.u32 v54, $0x7;
	v34 =	vand.u32 $0x3F, v54  }
0x6a3: {  	v35 =	vand.u32 $0x1F80, v35;
	v39 =	vor.u32 v22, v34  }
0x6a4: {  	v40 =	vor.u32 v23, v35  }
0x6a5: {  	v36 =	vmul.f32 v53, v36;
	_ =	sdelay $0x1  }
0x6a6: {  	[tilespmem:v38+s24+$0x0] =	vst.idx.msk $0xffff, v36  }
0x6a7: {  	v38 =	vld.idx.msk [tilespmem:v39+s19+$0x0], $0xffff  }
0x6a8: {  	s18 =	simm.s32 $0x3;
	v55 =	vld.idx.msk [tilespmem:v40+s20+$0x0], $0xffff  }
0x6a9: {  	v56 =	vadd.s32 s18, v0  }
0x6aa: {  	v37 =	vshll.u32 v56, $0x7;
	v36 =	vand.u32 $0x3F, v56  }
0x6ab: {  	v37 =	vand.u32 $0x1F80, v37;
	v41 =	vor.u32 v22, v36  }
0x6ac: {  	v42 =	vor.u32 v23, v37  }
0x6ad: {  	v38 =	vmul.f32 v55, v38;
	_ =	sdelay $0x1  }
0x6ae: {  	[tilespmem:v40+s24+$0x0] =	vst.idx.msk $0xffff, v38  }
0x6af: {  	v40 =	vld.idx.msk [tilespmem:v41+s19+$0x0], $0xffff  }
0x6b0: {  	s13 =	simm.s32 $0x4;
	v57 =	vld.idx.msk [tilespmem:v42+s20+$0x0], $0xffff  }
0x6b1: {  	v58 =	vadd.s32 s13, v0  }
0x6b2: {  	v39 =	vshll.u32 v58, $0x7;
	v38 =	vand.u32 $0x3F, v58  }
0x6b3: {  	v39 =	vand.u32 $0x1F80, v39;
	v43 =	vor.u32 v22, v38  }
0x6b4: {  	v44 =	vor.u32 v23, v39  }
0x6b5: {  	v40 =	vmul.f32 v57, v40;
	_ =	sdelay $0x1  }
0x6b6: {  	[tilespmem:v42+s24+$0x0] =	vst.idx.msk $0xffff, v40  }
0x6b7: {  	v42 =	vld.idx.msk [tilespmem:v43+s19+$0x0], $0xffff  }
0x6b8: {  	s18 =	simm.s32 $0x5;
	v59 =	vld.idx.msk [tilespmem:v44+s20+$0x0], $0xffff  }
0x6b9: {  	v60 =	vadd.s32 s18, v0  }
0x6ba: {  	v41 =	vshll.u32 v60, $0x7;
	v40 =	vand.u32 $0x3F, v60  }
0x6bb: {  	v41 =	vand.u32 $0x1F80, v41;
	v45 =	vor.u32 v22, v40  }
0x6bc: {  	v46 =	vor.u32 v23, v41  }
0x6bd: {  	v42 =	vmul.f32 v59, v42;
	_ =	sdelay $0x1  }
0x6be: {  	[tilespmem:v44+s24+$0x0] =	vst.idx.msk $0xffff, v42  }
0x6bf: {  	v44 =	vld.idx.msk [tilespmem:v45+s19+$0x0], $0xffff  }
0x6c0: {  	s13 =	simm.s32 $0x6;
	v61 =	vld.idx.msk [tilespmem:v46+s20+$0x0], $0xffff  }
0x6c1: {  	v62 =	vadd.s32 s13, v0  }
0x6c2: {  	v43 =	vshll.u32 v62, $0x7;
	v42 =	vand.u32 $0x3F, v62  }
0x6c3: {  	v43 =	vand.u32 $0x1F80, v43;
	v47 =	vor.u32 v22, v42  }
0x6c4: {  	v48 =	vor.u32 v23, v43  }
0x6c5: {  	v44 =	vmul.f32 v61, v44;
	_ =	sdelay $0x1  }
0x6c6: {  	[tilespmem:v46+s24+$0x0] =	vst.idx.msk $0xffff, v44  }
0x6c7: {  	v47 =	vld.idx.msk [tilespmem:v47+s19+$0x0], $0xffff  }
0x6c8: {  	s18 =	simm.s32 $0x7;
	v49 =	vld.idx.msk [tilespmem:v48+s20+$0x0], $0xffff  }
0x6c9: {  	v63 =	vadd.s32 s18, v0  }
0x6ca: {  	v45 =	vshll.u32 v63, $0x7;
	v44 =	vand.u32 $0x3F, v63  }
0x6cb: {  	v45 =	vand.u32 $0x1F80, v45;
	v50 =	vor.u32 v22, v44  }
0x6cc: {  	v46 =	vor.u32 v23, v45  }
0x6cd: {  	v47 =	vmul.f32 v49, v47;
	_ =	sdelay $0x1  }
0x6ce: {  	[tilespmem:v48+s24+$0x0] =	vst.idx.msk $0xffff, v47  }
0x6cf: {  	v47 =	vld.idx.msk [tilespmem:v50+s19+$0x0], $0xffff  }
0x6d0: {  	s0 =	simm.s32 $0x8;
	v48 =	vld.idx.msk [tilespmem:v46+s20+$0x0], $0xffff  }
.LBB2_29:
0x6d1: {  	p0 =	slt.u32 s0, $0x38;
	s13 =	smov.u32 s0;
	s0 =	sadd.s32 $0x8, s0  }
0x6d2: {  	v49 =	vadd.s32 s13, v0  }
0x6d3: {  	v50 =	vand.u32 $0x38, v49;
	v49 =	vshll.u32 v49, $0x7  }
0x6d4: {  	v50 =	vor.u32 v14, v50;
	v49 =	vand.u32 $0x1C00, v49  }
0x6d5: {  	v49 =	vor.u32 v15, v49  }
0x6d6: {  	v47 =	vmul.f32 v48, v47;
	_ =	sdelay $0x1  }
0x6d7: {  	[tilespmem:v46+s24+$0x0] =	vst.idx.msk $0xffff, v47  }
0x6d8: {  	v46 =	vld.idx.msk [tilespmem:v50+s19+$0x0], $0xffff  }
0x6d9: {  	s18 =	sadd.s32 $0x1, s13;
	v47 =	vld.idx.msk [tilespmem:v49+s20+$0x0], $0xffff  }
0x6da: {  	v48 =	vadd.s32 s18, v0  }
0x6db: {  	v50 =	vand.u32 $0x3F, v48;
	v48 =	vshll.u32 v48, $0x7  }
0x6dc: {  	v48 =	vand.u32 $0x1F80, v48  }
0x6dd: {  	v50 =	vor.u32 v22, v50;
	v48 =	vor.u32 v23, v48;
	_ =	sdelay $0x1  }
0x6de: {  	v46 =	vmul.f32 v47, v46;
	_ =	sdelay $0x1  }
0x6df: {  	[tilespmem:v49+s24+$0x0] =	vst.idx.msk $0xffff, v46  }
0x6e0: {  	v46 =	vld.idx.msk [tilespmem:v50+s19+$0x0], $0xffff  }
0x6e1: {  	s18 =	sadd.s32 $0x2, s13;
	v47 =	vld.idx.msk [tilespmem:v48+s20+$0x0], $0xffff  }
0x6e2: {  	v49 =	vadd.s32 s18, v0  }
0x6e3: {  	v50 =	vand.u32 $0x3F, v49;
	v49 =	vshll.u32 v49, $0x7  }
0x6e4: {  	v49 =	vand.u32 $0x1F80, v49  }
0x6e5: {  	v50 =	vor.u32 v22, v50;
	v49 =	vor.u32 v23, v49;
	_ =	sdelay $0x1  }
0x6e6: {  	v46 =	vmul.f32 v47, v46;
	_ =	sdelay $0x1  }
0x6e7: {  	[tilespmem:v48+s24+$0x0] =	vst.idx.msk $0xffff, v46  }
0x6e8: {  	v46 =	vld.idx.msk [tilespmem:v50+s19+$0x0], $0xffff  }
0x6e9: {  	s18 =	sadd.s32 $0x3, s13;
	v47 =	vld.idx.msk [tilespmem:v49+s20+$0x0], $0xffff  }
0x6ea: {  	v48 =	vadd.s32 s18, v0  }
0x6eb: {  	v50 =	vand.u32 $0x3F, v48;
	v48 =	vshll.u32 v48, $0x7  }
0x6ec: {  	v48 =	vand.u32 $0x1F80, v48  }
0x6ed: {  	v50 =	vor.u32 v22, v50;
	v48 =	vor.u32 v23, v48;
	_ =	sdelay $0x1  }
0x6ee: {  	v46 =	vmul.f32 v47, v46;
	_ =	sdelay $0x1  }
0x6ef: {  	[tilespmem:v49+s24+$0x0] =	vst.idx.msk $0xffff, v46  }
0x6f0: {  	v46 =	vld.idx.msk [tilespmem:v50+s19+$0x0], $0xffff  }
0x6f1: {  	s18 =	sadd.s32 $0x4, s13;
	v47 =	vld.idx.msk [tilespmem:v48+s20+$0x0], $0xffff  }
0x6f2: {  	v49 =	vadd.s32 s18, v0  }
0x6f3: {  	v50 =	vand.u32 $0x3F, v49;
	v49 =	vshll.u32 v49, $0x7  }
0x6f4: {  	v49 =	vand.u32 $0x1F80, v49  }
0x6f5: {  	v50 =	vor.u32 v22, v50;
	v49 =	vor.u32 v23, v49;
	_ =	sdelay $0x1  }
0x6f6: {  	v46 =	vmul.f32 v47, v46;
	_ =	sdelay $0x1  }
0x6f7: {  	[tilespmem:v48+s24+$0x0] =	vst.idx.msk $0xffff, v46  }
0x6f8: {  	v46 =	vld.idx.msk [tilespmem:v50+s19+$0x0], $0xffff  }
0x6f9: {  	s18 =	sadd.s32 $0x5, s13;
	v47 =	vld.idx.msk [tilespmem:v49+s20+$0x0], $0xffff  }
0x6fa: {  	v48 =	vadd.s32 s18, v0  }
0x6fb: {  	v50 =	vand.u32 $0x3F, v48;
	v48 =	vshll.u32 v48, $0x7  }
0x6fc: {  	v48 =	vand.u32 $0x1F80, v48  }
0x6fd: {  	v50 =	vor.u32 v22, v50;
	v48 =	vor.u32 v23, v48;
	_ =	sdelay $0x1  }
0x6fe: {  	v46 =	vmul.f32 v47, v46;
	_ =	sdelay $0x1  }
0x6ff: {  	[tilespmem:v49+s24+$0x0] =	vst.idx.msk $0xffff, v46  }
0x700: {  	v46 =	vld.idx.msk [tilespmem:v50+s19+$0x0], $0xffff  }
0x701: {  	s18 =	sadd.s32 $0x6, s13;
	v47 =	vld.idx.msk [tilespmem:v48+s20+$0x0], $0xffff  }
0x702: {  	v49 =	vadd.s32 s18, v0  }
0x703: {  	v50 =	vand.u32 $0x3F, v49;
	v49 =	vshll.u32 v49, $0x7  }
0x704: {  	v49 =	vand.u32 $0x1F80, v49  }
0x705: {  	v50 =	vor.u32 v22, v50;
	v49 =	vor.u32 v23, v49;
	_ =	sdelay $0x1  }
0x706: {  	v46 =	vmul.f32 v47, v46;
	_ =	sdelay $0x1  }
0x707: {  	[tilespmem:v48+s24+$0x0] =	vst.idx.msk $0xffff, v46  }
0x708: {  	v47 =	vld.idx.msk [tilespmem:v50+s19+$0x0], $0xffff  }
0x709: {  	s13 =	sadd.s32 $0x7, s13;
	v48 =	vld.idx.msk [tilespmem:v49+s20+$0x0], $0xffff  }
0x70a: {  	v46 =	vadd.s32 s13, v0  }
0x70b: {  	v50 =	vand.u32 $0x3F, v46;
	v46 =	vshll.u32 v46, $0x7  }
0x70c: {  	v46 =	vand.u32 $0x1F80, v46  }
0x70d: {  	v50 =	vor.u32 v22, v50;
	v46 =	vor.u32 v23, v46;
	_ =	sdelay $0x1  }
.Ltmp15:
0x70e: {  	v47 =	vmul.f32 v48, v47;
	(pc) =	sbr.rel @p0 .LBB2_29-.Ltmp15, $4  }
0x70f: {  	_ = 	snop  }
0x710: {  	[tilespmem:v49+s24+$0x0] =	vst.idx.msk $0xffff, v47  }
0x711: {  	v47 =	vld.idx.msk [tilespmem:v50+s19+$0x0], $0xffff  }
0x712: {  	v48 =	vld.idx.msk [tilespmem:v46+s20+$0x0], $0xffff  }
0x713: {  	_ =	sdelay $0x1  }
0x714: {  	v22 =	vor.u32 v16, v26  }
0x715: {  	v23 =	vor.u32 v17, v27  }
0x716: {  	v26 =	vmul.f32 v48, v47;
	_ =	sdelay $0x1  }
0x717: {  	[tilespmem:v46+s24+$0x0] =	vst.idx.msk $0xffff, v26  }
0x718: {  	v22 =	vld.idx.msk [tilespmem:v22+s19+$0x0], $0xffff  }
0x719: {  	v26 =	vld.idx.msk [tilespmem:v23+s20+$0x0], $0xffff;
	_ =	sdelay $0x2  }
0x71a: {  	v27 =	vor.u32 v28, v32  }
0x71b: {  	v60 =	vor.u32 v29, v33  }
0x71c: {  	v22 =	vmul.f32 v26, v22;
	_ =	sdelay $0x1  }
0x71d: {  	[tilespmem:v23+s24+$0x0] =	vst.idx.msk $0xffff, v22  }
0x71e: {  	v22 =	vld.idx.msk [tilespmem:v27+s19+$0x0], $0xffff  }
0x71f: {  	v23 =	vld.idx.msk [tilespmem:v60+s20+$0x0], $0xffff;
	_ =	sdelay $0x2  }
0x720: {  	v26 =	vor.u32 v28, v34  }
0x721: {  	v27 =	vor.u32 v29, v35  }
0x722: {  	v22 =	vmul.f32 v23, v22;
	_ =	sdelay $0x1  }
0x723: {  	[tilespmem:v60+s24+$0x0] =	vst.idx.msk $0xffff, v22  }
0x724: {  	v22 =	vld.idx.msk [tilespmem:v26+s19+$0x0], $0xffff  }
0x725: {  	v23 =	vld.idx.msk [tilespmem:v27+s20+$0x0], $0xffff;
	_ =	sdelay $0x2  }
0x726: {  	v26 =	vor.u32 v28, v36  }
0x727: {  	v61 =	vor.u32 v29, v37  }
0x728: {  	v22 =	vmul.f32 v23, v22;
	_ =	sdelay $0x1  }
0x729: {  	[tilespmem:v27+s24+$0x0] =	vst.idx.msk $0xffff, v22  }
0x72a: {  	v22 =	vld.idx.msk [tilespmem:v26+s19+$0x0], $0xffff  }
0x72b: {  	v23 =	vld.idx.msk [tilespmem:v61+s20+$0x0], $0xffff;
	_ =	sdelay $0x2  }
0x72c: {  	v26 =	vor.u32 v28, v38  }
0x72d: {  	v27 =	vor.u32 v29, v39  }
0x72e: {  	v22 =	vmul.f32 v23, v22;
	_ =	sdelay $0x1  }
0x72f: {  	[tilespmem:v61+s24+$0x0] =	vst.idx.msk $0xffff, v22  }
0x730: {  	v22 =	vld.idx.msk [tilespmem:v26+s19+$0x0], $0xffff  }
0x731: {  	v23 =	vld.idx.msk [tilespmem:v27+s20+$0x0], $0xffff;
	_ =	sdelay $0x2  }
0x732: {  	v26 =	vor.u32 v28, v40  }
0x733: {  	v62 =	vor.u32 v29, v41  }
0x734: {  	v22 =	vmul.f32 v23, v22;
	_ =	sdelay $0x1  }
0x735: {  	[tilespmem:v27+s24+$0x0] =	vst.idx.msk $0xffff, v22  }
0x736: {  	v22 =	vld.idx.msk [tilespmem:v26+s19+$0x0], $0xffff  }
0x737: {  	v23 =	vld.idx.msk [tilespmem:v62+s20+$0x0], $0xffff;
	_ =	sdelay $0x2  }
0x738: {  	v26 =	vor.u32 v28, v42  }
0x739: {  	v27 =	vor.u32 v29, v43  }
0x73a: {  	v22 =	vmul.f32 v23, v22;
	_ =	sdelay $0x1  }
0x73b: {  	[tilespmem:v62+s24+$0x0] =	vst.idx.msk $0xffff, v22  }
0x73c: {  	v22 =	vld.idx.msk [tilespmem:v26+s19+$0x0], $0xffff  }
0x73d: {  	v23 =	vld.idx.msk [tilespmem:v27+s20+$0x0], $0xffff;
	_ =	sdelay $0x2  }
0x73e: {  	v63 =	vor.u32 v28, v44  }
0x73f: {  	v26 =	vor.u32 v29, v45  }
0x740: {  	v22 =	vmul.f32 v23, v22;
	_ =	sdelay $0x1  }
0x741: {  	[tilespmem:v27+s24+$0x0] =	vst.idx.msk $0xffff, v22  }
0x742: {  	v27 =	vld.idx.msk [tilespmem:v63+s19+$0x0], $0xffff  }
0x743: {  	s0 =	simm.s32 $0x8;
	v32 =	vld.idx.msk [tilespmem:v26+s20+$0x0], $0xffff  }
.LBB2_31:
0x744: {  	p0 =	slt.u32 s0, $0x38;
	s13 =	smov.u32 s0;
	s0 =	sadd.s32 $0x8, s0  }
0x745: {  	v22 =	vadd.s32 s13, v0  }
0x746: {  	v23 =	vand.u32 $0x38, v22;
	v22 =	vshll.u32 v22, $0x7  }
0x747: {  	v23 =	vor.u32 v16, v23;
	v22 =	vand.u32 $0x1C00, v22  }
0x748: {  	v22 =	vor.u32 v17, v22  }
0x749: {  	v27 =	vmul.f32 v32, v27;
	_ =	sdelay $0x1  }
0x74a: {  	[tilespmem:v26+s24+$0x0] =	vst.idx.msk $0xffff, v27  }
0x74b: {  	v23 =	vld.idx.msk [tilespmem:v23+s19+$0x0], $0xffff  }
0x74c: {  	s18 =	sadd.s32 $0x1, s13;
	v26 =	vld.idx.msk [tilespmem:v22+s20+$0x0], $0xffff  }
0x74d: {  	v27 =	vadd.s32 s18, v0  }
0x74e: {  	v32 =	vand.u32 $0x3F, v27;
	v27 =	vshll.u32 v27, $0x7  }
0x74f: {  	v27 =	vand.u32 $0x1F80, v27  }
0x750: {  	v32 =	vor.u32 v28, v32;
	v27 =	vor.u32 v29, v27;
	_ =	sdelay $0x1  }
0x751: {  	v23 =	vmul.f32 v26, v23;
	_ =	sdelay $0x1  }
0x752: {  	[tilespmem:v22+s24+$0x0] =	vst.idx.msk $0xffff, v23  }
0x753: {  	v22 =	vld.idx.msk [tilespmem:v32+s19+$0x0], $0xffff  }
0x754: {  	s18 =	sadd.s32 $0x2, s13;
	v23 =	vld.idx.msk [tilespmem:v27+s20+$0x0], $0xffff  }
0x755: {  	v26 =	vadd.s32 s18, v0  }
0x756: {  	v32 =	vand.u32 $0x3F, v26;
	v26 =	vshll.u32 v26, $0x7  }
0x757: {  	v26 =	vand.u32 $0x1F80, v26  }
0x758: {  	v32 =	vor.u32 v28, v32;
	v26 =	vor.u32 v29, v26;
	_ =	sdelay $0x1  }
0x759: {  	v22 =	vmul.f32 v23, v22;
	_ =	sdelay $0x1  }
0x75a: {  	[tilespmem:v27+s24+$0x0] =	vst.idx.msk $0xffff, v22  }
0x75b: {  	v22 =	vld.idx.msk [tilespmem:v32+s19+$0x0], $0xffff  }
0x75c: {  	s18 =	sadd.s32 $0x3, s13;
	v23 =	vld.idx.msk [tilespmem:v26+s20+$0x0], $0xffff  }
0x75d: {  	v27 =	vadd.s32 s18, v0  }
0x75e: {  	v32 =	vand.u32 $0x3F, v27;
	v27 =	vshll.u32 v27, $0x7  }
0x75f: {  	v27 =	vand.u32 $0x1F80, v27  }
0x760: {  	v32 =	vor.u32 v28, v32;
	v27 =	vor.u32 v29, v27;
	_ =	sdelay $0x1  }
0x761: {  	v22 =	vmul.f32 v23, v22;
	_ =	sdelay $0x1  }
0x762: {  	[tilespmem:v26+s24+$0x0] =	vst.idx.msk $0xffff, v22  }
0x763: {  	v22 =	vld.idx.msk [tilespmem:v32+s19+$0x0], $0xffff  }
0x764: {  	s18 =	sadd.s32 $0x4, s13;
	v23 =	vld.idx.msk [tilespmem:v27+s20+$0x0], $0xffff  }
0x765: {  	v26 =	vadd.s32 s18, v0  }
0x766: {  	v32 =	vand.u32 $0x3F, v26;
	v26 =	vshll.u32 v26, $0x7  }
0x767: {  	v26 =	vand.u32 $0x1F80, v26  }
0x768: {  	v32 =	vor.u32 v28, v32;
	v26 =	vor.u32 v29, v26;
	_ =	sdelay $0x1  }
0x769: {  	v22 =	vmul.f32 v23, v22;
	_ =	sdelay $0x1  }
0x76a: {  	[tilespmem:v27+s24+$0x0] =	vst.idx.msk $0xffff, v22  }
0x76b: {  	v22 =	vld.idx.msk [tilespmem:v32+s19+$0x0], $0xffff  }
0x76c: {  	s18 =	sadd.s32 $0x5, s13;
	v23 =	vld.idx.msk [tilespmem:v26+s20+$0x0], $0xffff  }
0x76d: {  	v27 =	vadd.s32 s18, v0  }
0x76e: {  	v32 =	vand.u32 $0x3F, v27;
	v27 =	vshll.u32 v27, $0x7  }
0x76f: {  	v27 =	vand.u32 $0x1F80, v27  }
0x770: {  	v32 =	vor.u32 v28, v32;
	v27 =	vor.u32 v29, v27;
	_ =	sdelay $0x1  }
0x771: {  	v22 =	vmul.f32 v23, v22;
	_ =	sdelay $0x1  }
0x772: {  	[tilespmem:v26+s24+$0x0] =	vst.idx.msk $0xffff, v22  }
0x773: {  	v22 =	vld.idx.msk [tilespmem:v32+s19+$0x0], $0xffff  }
0x774: {  	s18 =	sadd.s32 $0x6, s13;
	v23 =	vld.idx.msk [tilespmem:v27+s20+$0x0], $0xffff  }
0x775: {  	v26 =	vadd.s32 s18, v0  }
0x776: {  	v32 =	vand.u32 $0x3F, v26;
	v26 =	vshll.u32 v26, $0x7  }
0x777: {  	v26 =	vand.u32 $0x1F80, v26  }
0x778: {  	v32 =	vor.u32 v28, v32;
	v33 =	vor.u32 v29, v26;
	_ =	sdelay $0x1  }
0x779: {  	v22 =	vmul.f32 v23, v22;
	_ =	sdelay $0x1  }
0x77a: {  	[tilespmem:v27+s24+$0x0] =	vst.idx.msk $0xffff, v22  }
0x77b: {  	v22 =	vld.idx.msk [tilespmem:v32+s19+$0x0], $0xffff  }
0x77c: {  	s13 =	sadd.s32 $0x7, s13;
	v23 =	vld.idx.msk [tilespmem:v33+s20+$0x0], $0xffff  }
0x77d: {  	v26 =	vadd.s32 s13, v0  }
0x77e: {  	v27 =	vand.u32 $0x3F, v26;
	v26 =	vshll.u32 v26, $0x7  }
0x77f: {  	v26 =	vand.u32 $0x1F80, v26  }
0x780: {  	v27 =	vor.u32 v28, v27;
	v26 =	vor.u32 v29, v26;
	_ =	sdelay $0x1  }
.Ltmp16:
0x781: {  	v22 =	vmul.f32 v23, v22;
	(pc) =	sbr.rel @p0 .LBB2_31-.Ltmp16, $4  }
0x782: {  	_ = 	snop  }
0x783: {  	[tilespmem:v33+s24+$0x0] =	vst.idx.msk $0xffff, v22  }
0x784: {  	v27 =	vld.idx.msk [tilespmem:v27+s19+$0x0], $0xffff  }
0x785: {  	v32 =	vld.idx.msk [tilespmem:v26+s20+$0x0], $0xffff  }
0x786: {  	s0 =	simm.s32 $0x0  }
0x787: {  	v23 =	vadd.s32 s0, v0  }
0x788: {  	v22 =	vand.u32 $0x38, v23;
	v23 =	vshll.u32 v23, $0x7  }
0x789: {  	v28 =	vor.u32 v18, v22;
	v23 =	vand.u32 $0x1C00, v23  }
0x78a: {  	v29 =	vor.u32 v19, v23  }
0x78b: {  	v27 =	vmul.f32 v32, v27;
	_ =	sdelay $0x1  }
0x78c: {  	[tilespmem:v26+s24+$0x0] =	vst.idx.msk $0xffff, v27  }
0x78d: {  	v28 =	vld.idx.msk [tilespmem:v28+s19+$0x0], $0xffff  }
0x78e: {  	s18 =	simm.s32 $0x1;
	v52 =	vld.idx.msk [tilespmem:v29+s20+$0x0], $0xffff  }
0x78f: {  	v27 =	vadd.s32 s18, v0  }
0x790: {  	v26 =	vand.u32 $0x3F, v27;
	v27 =	vshll.u32 v27, $0x7  }
0x791: {  	v27 =	vand.u32 $0x1F80, v27;
	v33 =	vor.u32 v24, v26  }
0x792: {  	v34 =	vor.u32 v25, v27  }
0x793: {  	v28 =	vmul.f32 v52, v28;
	_ =	sdelay $0x1  }
0x794: {  	[tilespmem:v29+s24+$0x0] =	vst.idx.msk $0xffff, v28  }
0x795: {  	v53 =	vld.idx.msk [tilespmem:v33+s19+$0x0], $0xffff  }
0x796: {  	s13 =	simm.s32 $0x2;
	v54 =	vld.idx.msk [tilespmem:v34+s20+$0x0], $0xffff  }
0x797: {  	v29 =	vadd.s32 s13, v0  }
0x798: {  	v28 =	vand.u32 $0x3F, v29;
	v29 =	vshll.u32 v29, $0x7  }
0x799: {  	v29 =	vand.u32 $0x1F80, v29;
	v35 =	vor.u32 v24, v28  }
0x79a: {  	v36 =	vor.u32 v25, v29  }
0x79b: {  	v32 =	vmul.f32 v54, v53;
	_ =	sdelay $0x1  }
0x79c: {  	[tilespmem:v34+s24+$0x0] =	vst.idx.msk $0xffff, v32  }
0x79d: {  	v34 =	vld.idx.msk [tilespmem:v35+s19+$0x0], $0xffff  }
0x79e: {  	s18 =	simm.s32 $0x3;
	v55 =	vld.idx.msk [tilespmem:v36+s20+$0x0], $0xffff  }
0x79f: {  	v56 =	vadd.s32 s18, v0  }
0x7a0: {  	v33 =	vshll.u32 v56, $0x7;
	v32 =	vand.u32 $0x3F, v56  }
0x7a1: {  	v33 =	vand.u32 $0x1F80, v33;
	v37 =	vor.u32 v24, v32  }
0x7a2: {  	v38 =	vor.u32 v25, v33  }
0x7a3: {  	v34 =	vmul.f32 v55, v34;
	_ =	sdelay $0x1  }
0x7a4: {  	[tilespmem:v36+s24+$0x0] =	vst.idx.msk $0xffff, v34  }
0x7a5: {  	v36 =	vld.idx.msk [tilespmem:v37+s19+$0x0], $0xffff  }
0x7a6: {  	s13 =	simm.s32 $0x4;
	v57 =	vld.idx.msk [tilespmem:v38+s20+$0x0], $0xffff  }
0x7a7: {  	v58 =	vadd.s32 s13, v0  }
0x7a8: {  	v35 =	vshll.u32 v58, $0x7;
	v34 =	vand.u32 $0x3F, v58  }
0x7a9: {  	v35 =	vand.u32 $0x1F80, v35;
	v39 =	vor.u32 v24, v34  }
0x7aa: {  	v40 =	vor.u32 v25, v35  }
0x7ab: {  	v36 =	vmul.f32 v57, v36;
	_ =	sdelay $0x1  }
0x7ac: {  	[tilespmem:v38+s24+$0x0] =	vst.idx.msk $0xffff, v36  }
0x7ad: {  	v38 =	vld.idx.msk [tilespmem:v39+s19+$0x0], $0xffff  }
0x7ae: {  	s18 =	simm.s32 $0x5;
	v59 =	vld.idx.msk [tilespmem:v40+s20+$0x0], $0xffff  }
0x7af: {  	v60 =	vadd.s32 s18, v0  }
0x7b0: {  	v37 =	vshll.u32 v60, $0x7;
	v36 =	vand.u32 $0x3F, v60  }
0x7b1: {  	v37 =	vand.u32 $0x1F80, v37;
	v41 =	vor.u32 v24, v36  }
0x7b2: {  	v42 =	vor.u32 v25, v37  }
0x7b3: {  	v38 =	vmul.f32 v59, v38;
	_ =	sdelay $0x1  }
0x7b4: {  	[tilespmem:v40+s24+$0x0] =	vst.idx.msk $0xffff, v38  }
0x7b5: {  	v40 =	vld.idx.msk [tilespmem:v41+s19+$0x0], $0xffff  }
0x7b6: {  	s13 =	simm.s32 $0x6;
	v61 =	vld.idx.msk [tilespmem:v42+s20+$0x0], $0xffff  }
0x7b7: {  	v62 =	vadd.s32 s13, v0  }
0x7b8: {  	v39 =	vshll.u32 v62, $0x7;
	v38 =	vand.u32 $0x3F, v62  }
0x7b9: {  	v39 =	vand.u32 $0x1F80, v39;
	v43 =	vor.u32 v24, v38  }
0x7ba: {  	v44 =	vor.u32 v25, v39  }
0x7bb: {  	v40 =	vmul.f32 v61, v40;
	_ =	sdelay $0x1  }
0x7bc: {  	[tilespmem:v42+s24+$0x0] =	vst.idx.msk $0xffff, v40  }
0x7bd: {  	v43 =	vld.idx.msk [tilespmem:v43+s19+$0x0], $0xffff  }
0x7be: {  	s18 =	simm.s32 $0x7;
	v45 =	vld.idx.msk [tilespmem:v44+s20+$0x0], $0xffff  }
0x7bf: {  	v63 =	vadd.s32 s18, v0  }
0x7c0: {  	v41 =	vshll.u32 v63, $0x7;
	v40 =	vand.u32 $0x3F, v63  }
0x7c1: {  	v41 =	vand.u32 $0x1F80, v41;
	v46 =	vor.u32 v24, v40  }
0x7c2: {  	v42 =	vor.u32 v25, v41  }
0x7c3: {  	v43 =	vmul.f32 v45, v43;
	_ =	sdelay $0x1  }
0x7c4: {  	[tilespmem:v44+s24+$0x0] =	vst.idx.msk $0xffff, v43  }
0x7c5: {  	v43 =	vld.idx.msk [tilespmem:v46+s19+$0x0], $0xffff  }
0x7c6: {  	s0 =	simm.s32 $0x8;
	v44 =	vld.idx.msk [tilespmem:v42+s20+$0x0], $0xffff  }
.LBB2_33:
0x7c7: {  	p0 =	slt.u32 s0, $0x38;
	s13 =	smov.u32 s0;
	s0 =	sadd.s32 $0x8, s0  }
0x7c8: {  	v45 =	vadd.s32 s13, v0  }
0x7c9: {  	v46 =	vand.u32 $0x38, v45;
	v45 =	vshll.u32 v45, $0x7  }
0x7ca: {  	v46 =	vor.u32 v18, v46;
	v45 =	vand.u32 $0x1C00, v45  }
0x7cb: {  	v45 =	vor.u32 v19, v45  }
0x7cc: {  	v43 =	vmul.f32 v44, v43;
	_ =	sdelay $0x1  }
0x7cd: {  	[tilespmem:v42+s24+$0x0] =	vst.idx.msk $0xffff, v43  }
0x7ce: {  	v42 =	vld.idx.msk [tilespmem:v46+s19+$0x0], $0xffff  }
0x7cf: {  	s18 =	sadd.s32 $0x1, s13;
	v43 =	vld.idx.msk [tilespmem:v45+s20+$0x0], $0xffff  }
0x7d0: {  	v44 =	vadd.s32 s18, v0  }
0x7d1: {  	v46 =	vand.u32 $0x3F, v44;
	v44 =	vshll.u32 v44, $0x7  }
0x7d2: {  	v44 =	vand.u32 $0x1F80, v44  }
0x7d3: {  	v46 =	vor.u32 v24, v46;
	v44 =	vor.u32 v25, v44;
	_ =	sdelay $0x1  }
0x7d4: {  	v42 =	vmul.f32 v43, v42;
	_ =	sdelay $0x1  }
0x7d5: {  	[tilespmem:v45+s24+$0x0] =	vst.idx.msk $0xffff, v42  }
0x7d6: {  	v42 =	vld.idx.msk [tilespmem:v46+s19+$0x0], $0xffff  }
0x7d7: {  	s18 =	sadd.s32 $0x2, s13;
	v43 =	vld.idx.msk [tilespmem:v44+s20+$0x0], $0xffff  }
0x7d8: {  	v45 =	vadd.s32 s18, v0  }
0x7d9: {  	v46 =	vand.u32 $0x3F, v45;
	v45 =	vshll.u32 v45, $0x7  }
0x7da: {  	v45 =	vand.u32 $0x1F80, v45  }
0x7db: {  	v46 =	vor.u32 v24, v46;
	v45 =	vor.u32 v25, v45;
	_ =	sdelay $0x1  }
0x7dc: {  	v42 =	vmul.f32 v43, v42;
	_ =	sdelay $0x1  }
0x7dd: {  	[tilespmem:v44+s24+$0x0] =	vst.idx.msk $0xffff, v42  }
0x7de: {  	v42 =	vld.idx.msk [tilespmem:v46+s19+$0x0], $0xffff  }
0x7df: {  	s18 =	sadd.s32 $0x3, s13;
	v43 =	vld.idx.msk [tilespmem:v45+s20+$0x0], $0xffff  }
0x7e0: {  	v44 =	vadd.s32 s18, v0  }
0x7e1: {  	v46 =	vand.u32 $0x3F, v44;
	v44 =	vshll.u32 v44, $0x7  }
0x7e2: {  	v44 =	vand.u32 $0x1F80, v44  }
0x7e3: {  	v46 =	vor.u32 v24, v46;
	v44 =	vor.u32 v25, v44;
	_ =	sdelay $0x1  }
0x7e4: {  	v42 =	vmul.f32 v43, v42;
	_ =	sdelay $0x1  }
0x7e5: {  	[tilespmem:v45+s24+$0x0] =	vst.idx.msk $0xffff, v42  }
0x7e6: {  	v42 =	vld.idx.msk [tilespmem:v46+s19+$0x0], $0xffff  }
0x7e7: {  	s18 =	sadd.s32 $0x4, s13;
	v43 =	vld.idx.msk [tilespmem:v44+s20+$0x0], $0xffff  }
0x7e8: {  	v45 =	vadd.s32 s18, v0  }
0x7e9: {  	v46 =	vand.u32 $0x3F, v45;
	v45 =	vshll.u32 v45, $0x7  }
0x7ea: {  	v45 =	vand.u32 $0x1F80, v45  }
0x7eb: {  	v46 =	vor.u32 v24, v46;
	v45 =	vor.u32 v25, v45;
	_ =	sdelay $0x1  }
0x7ec: {  	v42 =	vmul.f32 v43, v42;
	_ =	sdelay $0x1  }
0x7ed: {  	[tilespmem:v44+s24+$0x0] =	vst.idx.msk $0xffff, v42  }
0x7ee: {  	v42 =	vld.idx.msk [tilespmem:v46+s19+$0x0], $0xffff  }
0x7ef: {  	s18 =	sadd.s32 $0x5, s13;
	v43 =	vld.idx.msk [tilespmem:v45+s20+$0x0], $0xffff  }
0x7f0: {  	v44 =	vadd.s32 s18, v0  }
0x7f1: {  	v46 =	vand.u32 $0x3F, v44;
	v44 =	vshll.u32 v44, $0x7  }
0x7f2: {  	v44 =	vand.u32 $0x1F80, v44  }
0x7f3: {  	v46 =	vor.u32 v24, v46;
	v44 =	vor.u32 v25, v44;
	_ =	sdelay $0x1  }
0x7f4: {  	v42 =	vmul.f32 v43, v42;
	_ =	sdelay $0x1  }
0x7f5: {  	[tilespmem:v45+s24+$0x0] =	vst.idx.msk $0xffff, v42  }
0x7f6: {  	v42 =	vld.idx.msk [tilespmem:v46+s19+$0x0], $0xffff  }
0x7f7: {  	s18 =	sadd.s32 $0x6, s13;
	v43 =	vld.idx.msk [tilespmem:v44+s20+$0x0], $0xffff  }
0x7f8: {  	v45 =	vadd.s32 s18, v0  }
0x7f9: {  	v46 =	vand.u32 $0x3F, v45;
	v45 =	vshll.u32 v45, $0x7  }
0x7fa: {  	v45 =	vand.u32 $0x1F80, v45  }
0x7fb: {  	v46 =	vor.u32 v24, v46;
	v45 =	vor.u32 v25, v45;
	_ =	sdelay $0x1  }
0x7fc: {  	v42 =	vmul.f32 v43, v42;
	_ =	sdelay $0x1  }
0x7fd: {  	[tilespmem:v44+s24+$0x0] =	vst.idx.msk $0xffff, v42  }
0x7fe: {  	v43 =	vld.idx.msk [tilespmem:v46+s19+$0x0], $0xffff  }
0x7ff: {  	s13 =	sadd.s32 $0x7, s13;
	v44 =	vld.idx.msk [tilespmem:v45+s20+$0x0], $0xffff  }
0x800: {  	v42 =	vadd.s32 s13, v0  }
0x801: {  	v46 =	vand.u32 $0x3F, v42;
	v42 =	vshll.u32 v42, $0x7  }
0x802: {  	v42 =	vand.u32 $0x1F80, v42  }
0x803: {  	v46 =	vor.u32 v24, v46;
	v42 =	vor.u32 v25, v42;
	_ =	sdelay $0x1  }
.Ltmp17:
0x804: {  	v43 =	vmul.f32 v44, v43;
	(pc) =	sbr.rel @p0 .LBB2_33-.Ltmp17, $4  }
0x805: {  	_ = 	snop  }
0x806: {  	[tilespmem:v45+s24+$0x0] =	vst.idx.msk $0xffff, v43  }
0x807: {  	v43 =	vld.idx.msk [tilespmem:v46+s19+$0x0], $0xffff  }
0x808: {  	v44 =	vld.idx.msk [tilespmem:v42+s20+$0x0], $0xffff  }
0x809: {  	_ =	sdelay $0x1  }
0x80a: {  	v22 =	vor.u32 v20, v22  }
0x80b: {  	v23 =	vor.u32 v21, v23  }
0x80c: {  	v24 =	vmul.f32 v44, v43;
	_ =	sdelay $0x1  }
0x80d: {  	[tilespmem:v42+s24+$0x0] =	vst.idx.msk $0xffff, v24  }
0x80e: {  	v22 =	vld.idx.msk [tilespmem:v22+s19+$0x0], $0xffff  }
0x80f: {  	v24 =	vld.idx.msk [tilespmem:v23+s20+$0x0], $0xffff;
	_ =	sdelay $0x2  }
0x810: {  	v25 =	vor.u32 v30, v26  }
0x811: {  	v26 =	vor.u32 v31, v27  }
0x812: {  	v22 =	vmul.f32 v24, v22;
	_ =	sdelay $0x1  }
0x813: {  	[tilespmem:v23+s24+$0x0] =	vst.idx.msk $0xffff, v22  }
0x814: {  	v22 =	vld.idx.msk [tilespmem:v25+s19+$0x0], $0xffff  }
0x815: {  	v23 =	vld.idx.msk [tilespmem:v26+s20+$0x0], $0xffff;
	_ =	sdelay $0x2  }
0x816: {  	v24 =	vor.u32 v30, v28  }
0x817: {  	v25 =	vor.u32 v31, v29  }
0x818: {  	v22 =	vmul.f32 v23, v22;
	_ =	sdelay $0x1  }
0x819: {  	[tilespmem:v26+s24+$0x0] =	vst.idx.msk $0xffff, v22  }
0x81a: {  	v22 =	vld.idx.msk [tilespmem:v24+s19+$0x0], $0xffff  }
0x81b: {  	v23 =	vld.idx.msk [tilespmem:v25+s20+$0x0], $0xffff;
	_ =	sdelay $0x2  }
0x81c: {  	v24 =	vor.u32 v30, v32  }
0x81d: {  	v26 =	vor.u32 v31, v33  }
0x81e: {  	v22 =	vmul.f32 v23, v22;
	_ =	sdelay $0x1  }
0x81f: {  	[tilespmem:v25+s24+$0x0] =	vst.idx.msk $0xffff, v22  }
0x820: {  	v22 =	vld.idx.msk [tilespmem:v24+s19+$0x0], $0xffff  }
0x821: {  	v23 =	vld.idx.msk [tilespmem:v26+s20+$0x0], $0xffff;
	_ =	sdelay $0x2  }
0x822: {  	v24 =	vor.u32 v30, v34  }
0x823: {  	v25 =	vor.u32 v31, v35  }
0x824: {  	v22 =	vmul.f32 v23, v22;
	_ =	sdelay $0x1  }
0x825: {  	[tilespmem:v26+s24+$0x0] =	vst.idx.msk $0xffff, v22  }
0x826: {  	v22 =	vld.idx.msk [tilespmem:v24+s19+$0x0], $0xffff  }
0x827: {  	v23 =	vld.idx.msk [tilespmem:v25+s20+$0x0], $0xffff;
	_ =	sdelay $0x2  }
0x828: {  	v24 =	vor.u32 v30, v36  }
0x829: {  	v26 =	vor.u32 v31, v37  }
0x82a: {  	v22 =	vmul.f32 v23, v22;
	_ =	sdelay $0x1  }
0x82b: {  	[tilespmem:v25+s24+$0x0] =	vst.idx.msk $0xffff, v22  }
0x82c: {  	v22 =	vld.idx.msk [tilespmem:v24+s19+$0x0], $0xffff  }
0x82d: {  	v23 =	vld.idx.msk [tilespmem:v26+s20+$0x0], $0xffff;
	_ =	sdelay $0x2  }
0x82e: {  	v24 =	vor.u32 v30, v38  }
0x82f: {  	v25 =	vor.u32 v31, v39  }
0x830: {  	v22 =	vmul.f32 v23, v22;
	_ =	sdelay $0x1  }
0x831: {  	[tilespmem:v26+s24+$0x0] =	vst.idx.msk $0xffff, v22  }
0x832: {  	v23 =	vld.idx.msk [tilespmem:v24+s19+$0x0], $0xffff  }
0x833: {  	v24 =	vld.idx.msk [tilespmem:v25+s20+$0x0], $0xffff;
	_ =	sdelay $0x2  }
0x834: {  	v26 =	vor.u32 v30, v40  }
0x835: {  	v22 =	vor.u32 v31, v41  }
0x836: {  	v23 =	vmul.f32 v24, v23;
	_ =	sdelay $0x1  }
0x837: {  	[tilespmem:v25+s24+$0x0] =	vst.idx.msk $0xffff, v23  }
0x838: {  	v23 =	vld.idx.msk [tilespmem:v26+s19+$0x0], $0xffff  }
0x839: {  	s0 =	simm.s32 $0x8;
	v24 =	vld.idx.msk [tilespmem:v22+s20+$0x0], $0xffff  }
.LBB2_35:
0x83a: {  	p0 =	slt.u32 s0, $0x38;
	s13 =	smov.u32 s0;
	s0 =	sadd.s32 $0x8, s0  }
0x83b: {  	v25 =	vadd.s32 s13, v0  }
0x83c: {  	v26 =	vand.u32 $0x38, v25;
	v25 =	vshll.u32 v25, $0x7  }
0x83d: {  	v26 =	vor.u32 v20, v26;
	v25 =	vand.u32 $0x1C00, v25  }
0x83e: {  	v25 =	vor.u32 v21, v25  }
0x83f: {  	v23 =	vmul.f32 v24, v23;
	_ =	sdelay $0x1  }
0x840: {  	[tilespmem:v22+s24+$0x0] =	vst.idx.msk $0xffff, v23  }
0x841: {  	v22 =	vld.idx.msk [tilespmem:v26+s19+$0x0], $0xffff  }
0x842: {  	s18 =	sadd.s32 $0x1, s13;
	v23 =	vld.idx.msk [tilespmem:v25+s20+$0x0], $0xffff  }
0x843: {  	v24 =	vadd.s32 s18, v0  }
0x844: {  	v26 =	vand.u32 $0x3F, v24;
	v24 =	vshll.u32 v24, $0x7  }
0x845: {  	v24 =	vand.u32 $0x1F80, v24  }
0x846: {  	v26 =	vor.u32 v30, v26;
	v24 =	vor.u32 v31, v24;
	_ =	sdelay $0x1  }
0x847: {  	v22 =	vmul.f32 v23, v22;
	_ =	sdelay $0x1  }
0x848: {  	[tilespmem:v25+s24+$0x0] =	vst.idx.msk $0xffff, v22  }
0x849: {  	v22 =	vld.idx.msk [tilespmem:v26+s19+$0x0], $0xffff  }
0x84a: {  	s18 =	sadd.s32 $0x2, s13;
	v23 =	vld.idx.msk [tilespmem:v24+s20+$0x0], $0xffff  }
0x84b: {  	v25 =	vadd.s32 s18, v0  }
0x84c: {  	v26 =	vand.u32 $0x3F, v25;
	v25 =	vshll.u32 v25, $0x7  }
0x84d: {  	v25 =	vand.u32 $0x1F80, v25  }
0x84e: {  	v26 =	vor.u32 v30, v26;
	v25 =	vor.u32 v31, v25;
	_ =	sdelay $0x1  }
0x84f: {  	v22 =	vmul.f32 v23, v22;
	_ =	sdelay $0x1  }
0x850: {  	[tilespmem:v24+s24+$0x0] =	vst.idx.msk $0xffff, v22  }
0x851: {  	v22 =	vld.idx.msk [tilespmem:v26+s19+$0x0], $0xffff  }
0x852: {  	s18 =	sadd.s32 $0x3, s13;
	v23 =	vld.idx.msk [tilespmem:v25+s20+$0x0], $0xffff  }
0x853: {  	v24 =	vadd.s32 s18, v0  }
0x854: {  	v26 =	vand.u32 $0x3F, v24;
	v24 =	vshll.u32 v24, $0x7  }
0x855: {  	v24 =	vand.u32 $0x1F80, v24  }
0x856: {  	v26 =	vor.u32 v30, v26;
	v24 =	vor.u32 v31, v24;
	_ =	sdelay $0x1  }
0x857: {  	v22 =	vmul.f32 v23, v22;
	_ =	sdelay $0x1  }
0x858: {  	[tilespmem:v25+s24+$0x0] =	vst.idx.msk $0xffff, v22  }
0x859: {  	v22 =	vld.idx.msk [tilespmem:v26+s19+$0x0], $0xffff  }
0x85a: {  	s18 =	sadd.s32 $0x4, s13;
	v23 =	vld.idx.msk [tilespmem:v24+s20+$0x0], $0xffff  }
0x85b: {  	v25 =	vadd.s32 s18, v0  }
0x85c: {  	v26 =	vand.u32 $0x3F, v25;
	v25 =	vshll.u32 v25, $0x7  }
0x85d: {  	v25 =	vand.u32 $0x1F80, v25  }
0x85e: {  	v26 =	vor.u32 v30, v26;
	v25 =	vor.u32 v31, v25;
	_ =	sdelay $0x1  }
0x85f: {  	v22 =	vmul.f32 v23, v22;
	_ =	sdelay $0x1  }
0x860: {  	[tilespmem:v24+s24+$0x0] =	vst.idx.msk $0xffff, v22  }
0x861: {  	v22 =	vld.idx.msk [tilespmem:v26+s19+$0x0], $0xffff  }
0x862: {  	s18 =	sadd.s32 $0x5, s13;
	v23 =	vld.idx.msk [tilespmem:v25+s20+$0x0], $0xffff  }
0x863: {  	v24 =	vadd.s32 s18, v0  }
0x864: {  	v26 =	vand.u32 $0x3F, v24;
	v24 =	vshll.u32 v24, $0x7  }
0x865: {  	v24 =	vand.u32 $0x1F80, v24  }
0x866: {  	v26 =	vor.u32 v30, v26;
	v24 =	vor.u32 v31, v24;
	_ =	sdelay $0x1  }
0x867: {  	v22 =	vmul.f32 v23, v22;
	_ =	sdelay $0x1  }
0x868: {  	[tilespmem:v25+s24+$0x0] =	vst.idx.msk $0xffff, v22  }
0x869: {  	v22 =	vld.idx.msk [tilespmem:v26+s19+$0x0], $0xffff  }
0x86a: {  	s18 =	sadd.s32 $0x6, s13;
	v23 =	vld.idx.msk [tilespmem:v24+s20+$0x0], $0xffff  }
0x86b: {  	v25 =	vadd.s32 s18, v0  }
0x86c: {  	v26 =	vand.u32 $0x3F, v25;
	v25 =	vshll.u32 v25, $0x7  }
0x86d: {  	v25 =	vand.u32 $0x1F80, v25  }
0x86e: {  	v26 =	vor.u32 v30, v26;
	v25 =	vor.u32 v31, v25;
	_ =	sdelay $0x1  }
0x86f: {  	v22 =	vmul.f32 v23, v22;
	_ =	sdelay $0x1  }
0x870: {  	[tilespmem:v24+s24+$0x0] =	vst.idx.msk $0xffff, v22  }
0x871: {  	v23 =	vld.idx.msk [tilespmem:v26+s19+$0x0], $0xffff  }
0x872: {  	s13 =	sadd.s32 $0x7, s13;
	v24 =	vld.idx.msk [tilespmem:v25+s20+$0x0], $0xffff  }
0x873: {  	v22 =	vadd.s32 s13, v0  }
0x874: {  	v26 =	vand.u32 $0x3F, v22;
	v22 =	vshll.u32 v22, $0x7  }
0x875: {  	v22 =	vand.u32 $0x1F80, v22  }
0x876: {  	v26 =	vor.u32 v30, v26;
	v22 =	vor.u32 v31, v22;
	_ =	sdelay $0x1  }
.Ltmp18:
0x877: {  	v23 =	vmul.f32 v24, v23;
	(pc) =	sbr.rel @p0 .LBB2_35-.Ltmp18, $4  }
0x878: {  	_ = 	snop  }
0x879: {  	[tilespmem:v25+s24+$0x0] =	vst.idx.msk $0xffff, v23  }
0x87a: {  	v23 =	vld.idx.msk [tilespmem:v26+s19+$0x0], $0xffff  }
0x87b: {  	v24 =	vld.idx.msk [tilespmem:v22+s20+$0x0], $0xffff  }
0x87c: {  	_ =	sdelay $0x2  }
.Ltmp19:
0x87d: {  	s0 =	sshll.u32 s2, $0x7;
	(pc) =	sbr.rel @p1 .LBB2_38-.Ltmp19, $4  }
0x87e: {  	s18 =	sshll.u32 s2, $0xA;
	s0 =	sand.u32 $0xF80, s0;
	v23 =	vmul.f32 v24, v23  }
0x87f: {  	s2 =	sand.u32 $0xFFF8000, s18;
	s0 =	sadd.s32 s3, s0  }
0x880: {  	s0 =	sadd.s32 s2, s0;
	[tilespmem:v22+s24+$0x0] =	vst.idx.msk $0xffff, v23  }
0x881: {  	[hbm4b:s0+s15] =	stream.strided.scatter [tilespmem:s24], [sflag:$0x4], $0x2000, s16, s15, $0x38;
	[tilespmem:$0xF200] =	vst v63  }
0x882: {  	s0 =	sadd.s32 $0x3, s31  }
0x883: {  	s2 =	sshll.u32 s0, $0x7  }
0x884: {  	s2 =	sand.u32 $0x3FFFFF80, s2  }
0x885: {  	s0 =	sadd.s32 s7, s0;
	s2 =	sadd.s32 $0x1900, s2  }
0x886: {  	[tilespmem:s19], [sflag:$0x2] =	stream.indirect.gather [hbm4b:s5+s12], $0x40, s2, s12, $0xb8;
	[tilespmem:$0xF200] =	vst v63  }
.Ltmp20:
0x887: {  	s31 =	sshll.u32 s0, $0x7;
	(pc) =	sbr.rel .LBB2_4-.Ltmp20, $4  }
0x888: {  	s0 =	sshll.u32 s0, $0xA;
	s2 =	sand.u32 $0xF80, s31  }
0x889: {  	s0 =	sand.u32 $0xFFF8000, s0;
	s2 =	sadd.s32 s1, s2  }
0x88a: {  	s30 =	sadd.s32 $0x1, s30;
	s0 =	sadd.s32 s0, s2  }
0x88b: {  	[tilespmem:s20], [sflag:$0x2] =	stream.strided.gather [hbm4b:s0+s15], $0x2000, s16, s15, $0x38;
	[tilespmem:$0xF200] =	vst v63  }
.LBB2_39:
0x88c: {  	_ =	sfence.sel $0x180000  }
0x88d: {  	[bflag:$0x0] =	sbarrier.arrive $0xFFFF  }
0x88e: {  	_ =	strace $0x90000047  }
0x88f: {  	s0 =	stileid.u32;
	[bflag:$0x2] =	sbarrier.arrive $0xFFFF  }
0x890: {  	p0 =	sne.s32 s0, $0x0;
	s0 =	rddreg [dreg:$0x3]  }
0x891: {  	s0 =	sadd.s32 @!p0 $0x100000, s0  }
0x892: {  	[sflag:s0] =	ssyncadd.tile.s32 @!p0 $0x1;
	_ =	shalt  }
.Lfunc_end2:
_tile_overlayer_lowered:
.L_overlay_start_2:
0x893: {  	(tag) =	ssettag $0x2  }
0x894: {  	s0 =	rddreg [dreg:$0x0];
	s2 =	stileid.u32  }
0x895: {  	s1 =	rddreg [dreg:$0x1];
	p0 =	sne.s32 s2, $0x0  }
0x896: {  	s3 =	rddreg [dreg:$0x2];
	[bflag:$0x3] =	sbarrier.arrive $0xFFFF;
	s2 =	simm.s32 @!p0 $0x1C05  }
0x897: {  	[timem:s3], [sflag:s2] =	dma.local @!p0 [hbm:s0], s1  }
0x898: {  	s0 =	simm.s32 @!p0 $0x5  }
0x899: {  	_ =	swait.ge @!p0 [sflag:s0], s1  }
0x89a: {  	s1 =	ssub.s32 @!p0 $0x0, s1;
	[sflag:s0] =	ssyncset.done @!p0 $0x0  }
0x89b: {  	[sflag:s0] =	ssyncadd.s32 @!p0 s1  }
0x89c: {  	[bflag:$0x3] =	sbarrier.arrive $0xFFFF  }
0x89d: {  	_ =	shalt  }

</sc_bundles>
